<compile_context>
chip_gen: v7x
topology: tpu7x:2x2x1
jax: 0.10.2.dev20260603
libtpu: 0.0.44.dev20260713+nightly
codegen_flags: <defaults>
</compile_context>

<pallas_src>
import functools

import jax
import jax.numpy as jnp
from jax import lax
from jax.experimental import pallas as pl
from jax.experimental.pallas import tpu as pltpu
from jax.experimental.pallas import tpu_sc as plsc

_N = 10000
_E = 320000
_ALPHA = 0.8
_BN_EPS = 0.001
_PYG_BN_EPS = 1e-05


_BLK = 2000
_GRID = _N // _BLK

def _full_spec(arr):
  nd = arr.ndim
  return pl.BlockSpec(arr.shape, lambda i, _nd=nd: (0,) * _nd)


def _row_spec(cols):
  return pl.BlockSpec((_BLK, cols), lambda i: (i, 0))


def _elu(x):
  return jnp.where(x > 0, x, jnp.exp(x) - 1.0)


def _sigmoid(x):
  return 1.0 / (1.0 + jnp.exp(-x))


def _bn(x, g, b, eps):
  return x / jnp.sqrt(1.0 + eps) * g[None, :] + b[None, :]


def _tc1_body(x_ref, We0_ref, be0_ref, ge0_ref, bbe0_ref,
              We1_ref, be1_ref, ge1_ref, bbe1_ref,
              Wk_ref, bk_ref, Wq_ref, bq_ref, Wv_ref, bv_ref,
              Ws_ref, bs_ref,
              f_ref, k_ref, qv_ref, s_ref):
  x = x_ref[...]
  h = _elu(_bn(x @ We0_ref[...] + be0_ref[...][None, :],
               ge0_ref[...], bbe0_ref[...], _BN_EPS))
  f = _elu(_bn(h @ We1_ref[...] + be1_ref[...][None, :],
               ge1_ref[...], bbe1_ref[...], _BN_EPS))
  f_ref[...] = f
  k_ref[...] = f @ Wk_ref[...] + bk_ref[...][None, :]
  qv_ref[:, :64] = f @ Wq_ref[...] + bq_ref[...][None, :]
  qv_ref[:, 64:] = f @ Wv_ref[...] + bv_ref[...][None, :]
  s_ref[...] = f @ Ws_ref[...] + bs_ref[...][None, :]


def _tc2_body(a0_ref, a1_ref, s1_ref, gc_ref, bc_ref,
              Wkm_ref, bkm_ref, Wkl_ref, bkl_ref,
              Wqm_ref, bqm_ref, Wql_ref, bql_ref,
              Wvm_ref, bvm_ref, Wvl_ref, bvl_ref,
              Wsm_ref, bsm_ref, Wsl_ref, bsl_ref,
              k_ref, qv_ref, s_ref):
  c1 = a0_ref[...] + a1_ref[...] + s1_ref[...]
  c1 = jnp.maximum(_bn(c1, gc_ref[...], bc_ref[...], _PYG_BN_EPS), 0.0)
  k_ref[:, :8] = c1 @ Wkm_ref[...] + bkm_ref[...][None, :]
  k_ref[:, 8:] = c1 @ Wkl_ref[...] + bkl_ref[...][None, :]
  qv_ref[:, :8] = c1 @ Wqm_ref[...] + bqm_ref[...][None, :]
  qv_ref[:, 8:16] = c1 @ Wql_ref[...] + bql_ref[...][None, :]
  qv_ref[:, 16:24] = c1 @ Wvm_ref[...] + bvm_ref[...][None, :]
  qv_ref[:, 24:] = c1 @ Wvl_ref[...] + bvl_ref[...][None, :]
  s_ref[:, :8] = c1 @ Wsm_ref[...] + bsm_ref[...][None, :]
  s_ref[:, 8:] = c1 @ Wsl_ref[...] + bsl_ref[...][None, :]


def _tc3_body(f_ref, a0_ref, a1_ref, s2_ref,
              Wd0_ref, bd0_ref, gd0_ref, bbd0_ref,
              Wd1_ref, bd1_ref, gd1_ref, bbd1_ref,
              Wd2_ref, bd2_ref, gd2_ref, bbd2_ref,
              cl_ref,
              z_ref, mu_ref, lv_ref, de_ref, q_ref):
  t = a0_ref[...] + a1_ref[...] + s2_ref[...]
  mu = t[:, :8]
  lv = t[:, 8:]
  mu_ref[...] = mu
  lv_ref[...] = lv
  z = jnp.concatenate([f_ref[...], mu], axis=1)
  z_ref[...] = z
  d = _elu(_bn(z @ Wd0_ref[...] + bd0_ref[...][None, :],
               gd0_ref[...], bbd0_ref[...], _BN_EPS))
  d = _elu(_bn(d @ Wd1_ref[...] + bd1_ref[...][None, :],
               gd1_ref[...], bbd1_ref[...], _BN_EPS))
  de_ref[...] = _sigmoid(_bn(d @ Wd2_ref[...] + bd2_ref[...][None, :],
                             gd2_ref[...], bbd2_ref[...], _BN_EPS))
  cl = cl_ref[...]
  zn2 = jnp.sum(z * z, axis=1, keepdims=True)
  cn2 = jnp.sum(cl * cl, axis=1)[None, :]
  cross = jax.lax.dot_general(z, cl, (((1,), (1,)), ((), ())))
  dist2 = zn2 - 2.0 * cross + cn2
  base = 1.0 + dist2 / _ALPHA + 1e-08
  qq = jnp.exp((-(_ALPHA + 1.0) / 2.0) * jnp.log(base))
  q_ref[...] = qq / jnp.sum(qq, axis=1, keepdims=True)



_NC = 2
_NS = 16
_NW = _NC * _NS
_B = 128
_CHUNKS = _E // _B
_BASE = _CHUNKS // _NW
_EXTRA = _CHUNKS - _BASE * _NW
_NP = 10240
_RPT = _NP // _NS
_ZR = 128


@functools.lru_cache(maxsize=None)
def _make_edge_kernel(F, FQV):
  mesh = plsc.VectorSubcoreMesh(core_axis_name="c", subcore_axis_name="s",
                                num_cores=_NC, num_subcores=_NS)
  nf = F // 16

  @functools.partial(
      pl.kernel,
      out_type=jax.ShapeDtypeStruct((_NC * _NP, F), jnp.float32),
      mesh=mesh,
      compiler_params=pltpu.CompilerParams(use_tc_tiling_on_sc=False),
      scratch_types=[
          pltpu.VMEM((_BASE, _B), jnp.int32),
          pltpu.VMEM((_BASE, _B), jnp.int32),
          pltpu.VMEM((_B, F), jnp.float32),
          pltpu.VMEM((_B, F), jnp.float32),
          pltpu.VMEM((_B, FQV), jnp.float32),
          pltpu.VMEM((_B, FQV), jnp.float32),
          pltpu.VMEM((_B, F), jnp.float32),
          pltpu.VMEM((_ZR, F), jnp.float32),
          pltpu.VMEM_SHARED((_NP, F), jnp.float32),
          pltpu.SemaphoreType.DMA,
          pltpu.SemaphoreType.DMA,
      ],
  )
  def edge_kernel(k_hbm, qv_hbm, src_hbm, dst_hbm, out_hbm,
                  srcall, dstall, krows0, krows1, qvrows0, qvrows1,
                  msg, zbuf, acc, sem0, sem1):
    cid = lax.axis_index("c")
    sid = lax.axis_index("s")
    w = cid * _NS + sid
    kbufs = (krows0, krows1)
    qbufs = (qvrows0, qvrows1)
    sems = (sem0, sem1)

    def zrow(j, carry):
      for f0 in range(nf):
        zbuf[j, pl.ds(f0 * 16, 16)] = jnp.zeros((16,), jnp.float32)
      return carry

    lax.fori_loop(0, _ZR, zrow, 0)
    for t in range(_RPT // _ZR):
      pltpu.sync_copy(zbuf, acc.at[pl.ds(sid * _RPT + t * _ZR, _ZR)])
    plsc.subcore_barrier()

    pltpu.sync_copy(src_hbm.at[pl.ds(w * _BASE, _BASE)], srcall)
    pltpu.sync_copy(dst_hbm.at[pl.ds(w * _BASE, _BASE)], dstall)

    def start_gathers(j, b):
      pltpu.async_copy(k_hbm.at[dstall.at[j]], kbufs[b], sems[b])
      pltpu.async_copy(qv_hbm.at[srcall.at[j]], qbufs[b], sems[b])

    def wait_gathers(j, b):
      pltpu.make_async_copy(k_hbm.at[dstall.at[j]], kbufs[b], sems[b]).wait()
      pltpu.make_async_copy(qv_hbm.at[srcall.at[j]], qbufs[b], sems[b]).wait()

    def compute_scatter(j, b):
      kb = kbufs[b]
      qb = qbufs[b]

      @plsc.parallel_loop(0, _B, unroll=8)
      def row(r):
        for f0 in range(nf):
          kv = kb[r, pl.ds(f0 * 16, 16)]
          qv = qb[r, pl.ds(f0 * 16, 16)]
          vv = qb[r, pl.ds(F + f0 * 16, 16)]
          gate = 1.0 / (1.0 + jnp.exp(-(kv + qv)))
          msg[r, pl.ds(f0 * 16, 16)] = gate * vv

      pltpu.sync_copy(msg, acc.at[dstall.at[j]], add=True)

    start_gathers(0, 0)

    def body(j2, carry):
      for b in range(2):
        j = 2 * j2 + b

        @pl.when(j + 1 < _BASE)
        def _():
          start_gathers(j + 1, 1 - b)

        wait_gathers(j, b)
        compute_scatter(j, b)
      return carry

    lax.fori_loop(0, _BASE // 2, body, 0)

    @pl.when(w < _EXTRA)
    def _():
      pltpu.sync_copy(src_hbm.at[pl.ds(_NW * _BASE + w, 1)],
                      srcall.at[pl.ds(0, 1)])
      pltpu.sync_copy(dst_hbm.at[pl.ds(_NW * _BASE + w, 1)],
                      dstall.at[pl.ds(0, 1)])
      start_gathers(0, 0)
      wait_gathers(0, 0)
      compute_scatter(0, 0)

    plsc.subcore_barrier()
    pltpu.sync_copy(acc.at[pl.ds(sid * _RPT, _RPT)],
                    out_hbm.at[pl.ds(cid * _NP + sid * _RPT, _RPT)])

  return edge_kernel



def kernel(x, adj, We0, be0, ge0, bbe0, We1, be1, ge1, bbe1,
           Wk1, bk1, Wq1, bq1, Wv1, bv1, Ws1, bs1, gc1, bc1,
           Wkm, bkm, Wqm, bqm, Wvm, bvm, Wsm, bsm,
           Wkl, bkl, Wql, bql, Wvl, bvl, Wsl, bsl,
           Wd0, bd0, gd0, bbd0, Wd1, bd1, gd1, bbd1,
           Wd2, bd2, gd2, bbd2, cluster):
  src2d = adj[0].reshape(_CHUNKS, _B)
  dst2d = adj[1].reshape(_CHUNKS, _B)

  feat_x, k1, qv1, s1 = pl.pallas_call(
      _tc1_body,
      grid=(_GRID,),
      in_specs=[_row_spec(128)] + [_full_spec(a) for a in
                (We0, be0, ge0, bbe0, We1, be1, ge1, bbe1,
                 Wk1, bk1, Wq1, bq1, Wv1, bv1, Ws1, bs1)],
      out_specs=[_row_spec(20), _row_spec(64), _row_spec(128), _row_spec(64)],
      out_shape=[
          jax.ShapeDtypeStruct((_N, 20), jnp.float32),
          jax.ShapeDtypeStruct((_N, 64), jnp.float32),
          jax.ShapeDtypeStruct((_N, 128), jnp.float32),
          jax.ShapeDtypeStruct((_N, 64), jnp.float32),
      ],
  )(x, We0, be0, ge0, bbe0, We1, be1, ge1, bbe1, Wk1, bk1, Wq1, bq1, Wv1, bv1, Ws1, bs1)

  agg1 = _make_edge_kernel(64, 128)(k1, qv1, src2d, dst2d)

  k2, qv2, s2 = pl.pallas_call(
      _tc2_body,
      grid=(_GRID,),
      in_specs=[_row_spec(64), _row_spec(64), _row_spec(64)] +
               [_full_spec(a) for a in (gc1, bc1, Wkm, bkm, Wkl, bkl,
                                        Wqm, bqm, Wql, bql, Wvm, bvm,
                                        Wvl, bvl, Wsm, bsm, Wsl, bsl)],
      out_specs=[_row_spec(16), _row_spec(32), _row_spec(16)],
      out_shape=[
          jax.ShapeDtypeStruct((_N, 16), jnp.float32),
          jax.ShapeDtypeStruct((_N, 32), jnp.float32),
          jax.ShapeDtypeStruct((_N, 16), jnp.float32),
      ],
  )(agg1[:_N], agg1[_NP:_NP + _N], s1, gc1, bc1, Wkm, bkm, Wkl, bkl, Wqm, bqm, Wql, bql, Wvm, bvm, Wvl, bvl, Wsm, bsm, Wsl, bsl)

  agg2 = _make_edge_kernel(16, 32)(k2, qv2, src2d, dst2d)

  z, mu, logvar, de_feat, q = pl.pallas_call(
      _tc3_body,
      grid=(_GRID,),
      in_specs=[_row_spec(20), _row_spec(16), _row_spec(16), _row_spec(16)] +
               [_full_spec(a) for a in (Wd0, bd0, gd0, bbd0, Wd1, bd1,
                                        gd1, bbd1, Wd2, bd2, gd2, bbd2,
                                        cluster)],
      out_specs=[_row_spec(28), _row_spec(8), _row_spec(8), _row_spec(128),
                 _row_spec(15)],
      out_shape=[
          jax.ShapeDtypeStruct((_N, 28), jnp.float32),
          jax.ShapeDtypeStruct((_N, 8), jnp.float32),
          jax.ShapeDtypeStruct((_N, 8), jnp.float32),
          jax.ShapeDtypeStruct((_N, 128), jnp.float32),
          jax.ShapeDtypeStruct((_N, 15), jnp.float32),
      ],
  )(feat_x, agg2[:_N], agg2[_NP:_NP + _N], s2, Wd0, bd0, gd0, bbd0,
    Wd1, bd1, gd1, bbd1, Wd2, bd2, gd2, bbd2, cluster)

  return (z, mu, logvar, de_feat, q, feat_x, mu)

# --- scband reference (transcript-rebuilt; emitter-appended) ---
"""Pipeline reference for scband-efnst-model-25958782337692 (READ-ONLY COPY).

The authoritative reference and input builder live on the scoring server;
editing this copy changes nothing except your own understanding.
"""

import jax, jax.numpy as jnp
import numpy as np

N = 10000
E = 320000
D_IN = 128
ALPHA = 0.8
BN_EPS = 0.001
PYG_BN_EPS = 1e-05


def _lin(key, fin, fout):
    k1, k2 = jax.random.split(key)
    W = jax.random.normal(k1, (fin, fout), jnp.float32) * (1.0 / np.sqrt(fin))
    b = jax.random.normal(k2, (fout,), jnp.float32) * 0.01
    return W, b


def _bn_params(key, f):
    k1, k2 = jax.random.split(key)
    g = 1.0 + 0.1 * jax.random.normal(k1, (f,), jnp.float32)
    b = 0.1 * jax.random.normal(k2, (f,), jnp.float32)
    return g, b


def _bn(x, g, b, eps):
    # eval-mode BatchNorm1d with running_mean=0, running_var=1 (init stats)
    return x / jnp.sqrt(1.0 + eps) * g + b


def _resgated(x, src, dst, Wk, bk, Wq, bq, Wv, bv, Ws, bs):
    # PyG ResGatedGraphConv: out_i = lin_skip(x_i) + sum_j sigmoid(k_i + q_j) * v_j
    k = x @ Wk + bk
    q = x @ Wq + bq
    v = x @ Wv + bv
    msg = jax.nn.sigmoid(k[dst] + q[src]) * v[src]
    agg = jax.ops.segment_sum(msg, dst, num_segments=x.shape[0])
    return agg + x @ Ws + bs


def setup_inputs(seed=0):
    key = jax.random.key(seed)
    ks = jax.random.split(key, 24)
    p = {}
    p["x"] = jax.random.normal(ks[0], (N, D_IN), jnp.float32)
    p["adj"] = jax.random.randint(ks[1], (2, E), 0, N, dtype=jnp.int32)
    p["We0"], p["be0"] = _lin(ks[2], D_IN, 50)
    p["ge0"], p["bbe0"] = _bn_params(ks[3], 50)
    p["We1"], p["be1"] = _lin(ks[4], 50, 20)
    p["ge1"], p["bbe1"] = _bn_params(ks[5], 20)
    p["Wk1"], p["bk1"] = _lin(ks[6], 20, 64)
    p["Wq1"], p["bq1"] = _lin(ks[7], 20, 64)
    p["Wv1"], p["bv1"] = _lin(ks[8], 20, 64)
    p["Ws1"], p["bs1"] = _lin(ks[9], 20, 64)
    p["gc1"], p["bc1"] = _bn_params(ks[10], 64)
    p["Wkm"], p["bkm"] = _lin(ks[11], 64, 8)
    p["Wqm"], p["bqm"] = _lin(ks[12], 64, 8)
    p["Wvm"], p["bvm"] = _lin(ks[13], 64, 8)
    p["Wsm"], p["bsm"] = _lin(ks[14], 64, 8)
    p["Wkl"], p["bkl"] = _lin(ks[15], 64, 8)
    p["Wql"], p["bql"] = _lin(ks[16], 64, 8)
    p["Wvl"], p["bvl"] = _lin(ks[17], 64, 8)
    p["Wsl"], p["bsl"] = _lin(ks[18], 64, 8)
    p["Wd0"], p["bd0"] = _lin(ks[19], 28, 50)
    p["gd0"], p["bbd0"] = _bn_params(ks[20], 50)
    p["Wd1"], p["bd1"] = _lin(ks[21], 50, 60)
    p["gd1"], p["bbd1"] = _bn_params(ks[22], 60)
    p["Wd2"], p["bd2"] = _lin(ks[23], 60, D_IN)
    kk = jax.random.split(jax.random.fold_in(key, 77), 2)
    p["gd2"], p["bbd2"] = _bn_params(kk[0], D_IN)
    p["cluster"] = jax.random.normal(kk[1], (15, 28), jnp.float32) * 0.2
    return p


def _forward(p, src, dst):
    x = p["x"]
    h = jax.nn.elu(_bn(x @ p["We0"] + p["be0"], p["ge0"], p["bbe0"], BN_EPS))
    feat_x = jax.nn.elu(_bn(h @ p["We1"] + p["be1"], p["ge1"], p["bbe1"], BN_EPS))
    c1 = _resgated(feat_x, src, dst, p["Wk1"], p["bk1"], p["Wq1"], p["bq1"], p["Wv1"], p["bv1"], p["Ws1"], p["bs1"])
    c1 = jax.nn.relu(_bn(c1, p["gc1"], p["bc1"], PYG_BN_EPS))
    mu = _resgated(c1, src, dst, p["Wkm"], p["bkm"], p["Wqm"], p["bqm"], p["Wvm"], p["bvm"], p["Wsm"], p["bsm"])
    logvar = _resgated(c1, src, dst, p["Wkl"], p["bkl"], p["Wql"], p["bql"], p["Wvl"], p["bvl"], p["Wsl"], p["bsl"])
    gnn_z = mu  # eval-mode reparameterize returns mu
    z = jnp.concatenate([feat_x, gnn_z], axis=1)
    d = jax.nn.elu(_bn(z @ p["Wd0"] + p["bd0"], p["gd0"], p["bbd0"], BN_EPS))
    d = jax.nn.elu(_bn(d @ p["Wd1"] + p["bd1"], p["gd1"], p["bbd1"], BN_EPS))
    de_feat = jax.nn.sigmoid(_bn(d @ p["Wd2"] + p["bd2"], p["gd2"], p["bbd2"], BN_EPS))
    diff = z[:, None, :] - p["cluster"][None, :, :]
    q = 1.0 / (1.0 + jnp.sum(diff ** 2, axis=2) / ALPHA + 1e-08)
    q = q ** ((ALPHA + 1.0) / 2.0)
    q = q / jnp.sum(q, axis=1, keepdims=True)
    return (z, mu, logvar, de_feat, q, feat_x, gnn_z)


def reference(x, adj, We0, be0, ge0, bbe0, We1, be1, ge1, bbe1,
              Wk1, bk1, Wq1, bq1, Wv1, bv1, Ws1, bs1, gc1, bc1,
              Wkm, bkm, Wqm, bqm, Wvm, bvm, Wsm, bsm,
              Wkl, bkl, Wql, bql, Wvl, bvl, Wsl, bsl,
              Wd0, bd0, gd0, bbd0, Wd1, bd1, gd1, bbd1,
              Wd2, bd2, gd2, bbd2, cluster):
    inp = dict(locals())
    edge_index = inp["adj"]
    src = edge_index[0]
    dst = edge_index[1]
    return _forward(inp, src, dst)

if __name__ == "__main__":
    import jax
    _d = setup_inputs()
    print(jax.jit(kernel)(*tuple(_d.values())))

</pallas_src>

<mosaic_0001>
#map = affine_map<(d0, d1) -> (0, 0)>
module attributes {stable_mosaic.version = 14 : i64} {
  func.func @edge_kernel(%arg0: i32, %arg1: i32, %arg2: memref<10000x64xf32, #tpu.memory_space<hbm>>, %arg3: memref<10000x128xf32, #tpu.memory_space<hbm>>, %arg4: memref<2500x128xi32, #tpu.memory_space<hbm>>, %arg5: memref<2500x128xi32, #tpu.memory_space<hbm>>, %arg6: memref<20480x64xf32, #tpu.memory_space<hbm>>, %arg7: memref<78x128xi32, #tpu.memory_space<vmem>>, %arg8: memref<78x128xi32, #tpu.memory_space<vmem>>, %arg9: memref<128x64xf32, #tpu.memory_space<vmem>>, %arg10: memref<128x64xf32, #tpu.memory_space<vmem>>, %arg11: memref<128x128xf32, #tpu.memory_space<vmem>>, %arg12: memref<128x128xf32, #tpu.memory_space<vmem>>, %arg13: memref<128x64xf32, #tpu.memory_space<vmem>>, %arg14: memref<128x64xf32, #tpu.memory_space<vmem>>, %arg15: memref<10240x64xf32, #tpu.memory_space<vmem_shared>>, %arg16: memref<!tpu.dma_semaphore, #tpu.memory_space<semaphore_mem>>, %arg17: memref<!tpu.dma_semaphore, #tpu.memory_space<semaphore_mem>>) attributes {dimension_semantics = [#tpu.dimension_semantics<core_parallel>, #tpu.dimension_semantics<subcore_parallel>], iteration_bounds = array<i64: 2, 16>, scalar_prefetch = 0 : i64, scratch_operands = 11 : i64, tpu.core_type = #tpu.core_type<sc_vector_subcore>, window_params = [{transform_indices = #map}, {transform_indices = #map}, {transform_indices = #map}, {transform_indices = #map}, {transform_indices = #map}]} {
    %mul3A = arith.constant 16 : i32
    %mul3A_0 = arith.muli %arg0, %mul3A : i32
    %add3A = arith.addi %mul3A_0, %arg1 : i32
    %scan3A = arith.constant 0 : i32
    %scan3A_1 = arith.constant 0 : i32
    %scan3A_2 = arith.constant 128 : i32
    %scan3A_3 = arith.addi %scan3A_1, %scan3A_2 : i32
    %scan3A_4 = arith.constant 1 : i32
    scf.for %scan3A_59 = %scan3A_1 to %scan3A_3 step %scan3A_4  : i32 {
      %broadcast_in_dim3A = arith.constant 0.000000e+00 : f32
      %broadcast_in_dim3A_60 = vector.broadcast %broadcast_in_dim3A : f32 to vector<16xf32>
      %swap3A = arith.index_cast %scan3A_59 : i32 to index
      %swap3A_61 = arith.constant 0 : index
      %swap3A_62 = tpu.vector_load %arg14[%swap3A, %swap3A_61] {strides = array<i32>} : memref<128x64xf32, #tpu.memory_space<vmem>>, vector<1x16xf32>,
      %swap3A_63 = vector.shape_cast %swap3A_62 : vector<1x16xf32> to vector<16xf32>
      %swap3A_64 = vector.shape_cast %broadcast_in_dim3A_60 : vector<16xf32> to vector<1x16xf32>
      tpu.vector_store %arg14[%swap3A, %swap3A_61], %swap3A_64 {strides = array<i32>} : memref<128x64xf32, #tpu.memory_space<vmem>>, vector<1x16xf32>,
      %broadcast_in_dim3A_65 = arith.constant 0.000000e+00 : f32
      %broadcast_in_dim3A_66 = vector.broadcast %broadcast_in_dim3A_65 : f32 to vector<16xf32>
      %swap3A_67 = arith.index_cast %scan3A_59 : i32 to index
      %swap3A_68 = arith.constant 16 : index
      %swap3A_69 = tpu.vector_load %arg14[%swap3A_67, %swap3A_68] {strides = array<i32>} : memref<128x64xf32, #tpu.memory_space<vmem>>, vector<1x16xf32>,
      %swap3A_70 = vector.shape_cast %swap3A_69 : vector<1x16xf32> to vector<16xf32>
      %swap3A_71 = vector.shape_cast %broadcast_in_dim3A_66 : vector<16xf32> to vector<1x16xf32>
      tpu.vector_store %arg14[%swap3A_67, %swap3A_68], %swap3A_71 {strides = array<i32>} : memref<128x64xf32, #tpu.memory_space<vmem>>, vector<1x16xf32>,
      %broadcast_in_dim3A_72 = arith.constant 0.000000e+00 : f32
      %broadcast_in_dim3A_73 = vector.broadcast %broadcast_in_dim3A_72 : f32 to vector<16xf32>
      %swap3A_74 = arith.index_cast %scan3A_59 : i32 to index
      %swap3A_75 = arith.constant 32 : index
      %swap3A_76 = tpu.vector_load %arg14[%swap3A_74, %swap3A_75] {strides = array<i32>} : memref<128x64xf32, #tpu.memory_space<vmem>>, vector<1x16xf32>,
      %swap3A_77 = vector.shape_cast %swap3A_76 : vector<1x16xf32> to vector<16xf32>
      %swap3A_78 = vector.shape_cast %broadcast_in_dim3A_73 : vector<16xf32> to vector<1x16xf32>
      tpu.vector_store %arg14[%swap3A_74, %swap3A_75], %swap3A_78 {strides = array<i32>} : memref<128x64xf32, #tpu.memory_space<vmem>>, vector<1x16xf32>,
      %broadcast_in_dim3A_79 = arith.constant 0.000000e+00 : f32
      %broadcast_in_dim3A_80 = vector.broadcast %broadcast_in_dim3A_79 : f32 to vector<16xf32>
      %swap3A_81 = arith.index_cast %scan3A_59 : i32 to index
      %swap3A_82 = arith.constant 48 : index
      %swap3A_83 = tpu.vector_load %arg14[%swap3A_81, %swap3A_82] {strides = array<i32>} : memref<128x64xf32, #tpu.memory_space<vmem>>, vector<1x16xf32>,
      %swap3A_84 = vector.shape_cast %swap3A_83 : vector<1x16xf32> to vector<16xf32>
      %swap3A_85 = vector.shape_cast %broadcast_in_dim3A_80 : vector<16xf32> to vector<1x16xf32>
      tpu.vector_store %arg14[%swap3A_81, %swap3A_82], %swap3A_85 {strides = array<i32>} : memref<128x64xf32, #tpu.memory_space<vmem>>, vector<1x16xf32>,
    }
    %scan3A_5 = arith.constant 128 : i32
    %mul3A_6 = arith.constant 640 : i32
    %mul3A_7 = arith.muli %arg1, %mul3A_6 : i32
    %add3A_8 = arith.constant 0 : i32
    %add3A_9 = arith.addi %mul3A_7, %add3A_8 : i32
    "tpu.region"() ({
      %run_scoped3A = tpu.sem_alloc : memref<!tpu.dma_semaphore, #tpu.memory_space<semaphore_mem>>
      %dma_start3A_59 = arith.constant 0 : i32
      %dma_start3A_60 = tpu.memref_slice %arg15[%add3A_9, %dma_start3A_59] : memref<10240x64xf32, #tpu.memory_space<vmem_shared>> -> memref<128x64xf32, #tpu.memory_space<vmem_shared>>
      %dma_start3A_61 = arith.constant 0 : i32
      %dma_start3A_62 = tpu.memref_slice %arg15[%add3A_9, %dma_start3A_61] : memref<10240x64xf32, #tpu.memory_space<vmem_shared>> -> memref<128x64xf32, #tpu.memory_space<vmem_shared>>
      tpu.enqueue_dma source(%arg14 : memref<128x64xf32, #tpu.memory_space<vmem>>) target(%dma_start3A_62 : memref<128x64xf32, #tpu.memory_space<vmem_shared>>) target_semaphore(%run_scoped3A : memref<!tpu.dma_semaphore, #tpu.memory_space<semaphore_mem>>)
      %dma_wait3A = arith.constant 0 : i32
      %dma_wait3A_63 = tpu.memref_slice %arg15[%add3A_9, %dma_wait3A] : memref<10240x64xf32, #tpu.memory_space<vmem_shared>> -> memref<128x64xf32, #tpu.memory_space<vmem_shared>>
      %dma_wait3A_64 = arith.constant 0 : i32
      %dma_wait3A_65 = tpu.memref_slice %arg15[%add3A_9, %dma_wait3A_64] : memref<10240x64xf32, #tpu.memory_space<vmem_shared>> -> memref<128x64xf32, #tpu.memory_space<vmem_shared>>
      tpu.wait_dma2 semaphore(%run_scoped3A : memref<!tpu.dma_semaphore, #tpu.memory_space<semaphore_mem>>) src(%arg14 : memref<128x64xf32, #tpu.memory_space<vmem>>) dst(%dma_wait3A_65 : memref<128x64xf32, #tpu.memory_space<vmem_shared>>)
      tpu.yield
    }) : () -> ()
    %mul3A_10 = arith.constant 640 : i32
    %mul3A_11 = arith.muli %arg1, %mul3A_10 : i32
    %add3A_12 = arith.constant 128 : i32
    %add3A_13 = arith.addi %mul3A_11, %add3A_12 : i32
    "tpu.region"() ({
      %run_scoped3A = tpu.sem_alloc : memref<!tpu.dma_semaphore, #tpu.memory_space<semaphore_mem>>
      %dma_start3A_59 = arith.constant 0 : i32
      %dma_start3A_60 = tpu.memref_slice %arg15[%add3A_13, %dma_start3A_59] : memref<10240x64xf32, #tpu.memory_space<vmem_shared>> -> memref<128x64xf32, #tpu.memory_space<vmem_shared>>
      %dma_start3A_61 = arith.constant 0 : i32
      %dma_start3A_62 = tpu.memref_slice %arg15[%add3A_13, %dma_start3A_61] : memref<10240x64xf32, #tpu.memory_space<vmem_shared>> -> memref<128x64xf32, #tpu.memory_space<vmem_shared>>
      tpu.enqueue_dma source(%arg14 : memref<128x64xf32, #tpu.memory_space<vmem>>) target(%dma_start3A_62 : memref<128x64xf32, #tpu.memory_space<vmem_shared>>) target_semaphore(%run_scoped3A : memref<!tpu.dma_semaphore, #tpu.memory_space<semaphore_mem>>)
      %dma_wait3A = arith.constant 0 : i32
      %dma_wait3A_63 = tpu.memref_slice %arg15[%add3A_13, %dma_wait3A] : memref<10240x64xf32, #tpu.memory_space<vmem_shared>> -> memref<128x64xf32, #tpu.memory_space<vmem_shared>>
      %dma_wait3A_64 = arith.constant 0 : i32
      %dma_wait3A_65 = tpu.memref_slice %arg15[%add3A_13, %dma_wait3A_64] : memref<10240x64xf32, #tpu.memory_space<vmem_shared>> -> memref<128x64xf32, #tpu.memory_space<vmem_shared>>
      tpu.wait_dma2 semaphore(%run_scoped3A : memref<!tpu.dma_semaphore, #tpu.memory_space<semaphore_mem>>) src(%arg14 : memref<128x64xf32, #tpu.memory_space<vmem>>) dst(%dma_wait3A_65 : memref<128x64xf32, #tpu.memory_space<vmem_shared>>)
      tpu.yield
    }) : () -> ()
    %mul3A_14 = arith.constant 640 : i32
    %mul3A_15 = arith.muli %arg1, %mul3A_14 : i32
    %add3A_16 = arith.constant 256 : i32
    %add3A_17 = arith.addi %mul3A_15, %add3A_16 : i32
    "tpu.region"() ({
      %run_scoped3A = tpu.sem_alloc : memref<!tpu.dma_semaphore, #tpu.memory_space<semaphore_mem>>
      %dma_start3A_59 = arith.constant 0 : i32
      %dma_start3A_60 = tpu.memref_slice %arg15[%add3A_17, %dma_start3A_59] : memref<10240x64xf32, #tpu.memory_space<vmem_shared>> -> memref<128x64xf32, #tpu.memory_space<vmem_shared>>
      %dma_start3A_61 = arith.constant 0 : i32
      %dma_start3A_62 = tpu.memref_slice %arg15[%add3A_17, %dma_start3A_61] : memref<10240x64xf32, #tpu.memory_space<vmem_shared>> -> memref<128x64xf32, #tpu.memory_space<vmem_shared>>
      tpu.enqueue_dma source(%arg14 : memref<128x64xf32, #tpu.memory_space<vmem>>) target(%dma_start3A_62 : memref<128x64xf32, #tpu.memory_space<vmem_shared>>) target_semaphore(%run_scoped3A : memref<!tpu.dma_semaphore, #tpu.memory_space<semaphore_mem>>)
      %dma_wait3A = arith.constant 0 : i32
      %dma_wait3A_63 = tpu.memref_slice %arg15[%add3A_17, %dma_wait3A] : memref<10240x64xf32, #tpu.memory_space<vmem_shared>> -> memref<128x64xf32, #tpu.memory_space<vmem_shared>>
      %dma_wait3A_64 = arith.constant 0 : i32
      %dma_wait3A_65 = tpu.memref_slice %arg15[%add3A_17, %dma_wait3A_64] : memref<10240x64xf32, #tpu.memory_space<vmem_shared>> -> memref<128x64xf32, #tpu.memory_space<vmem_shared>>
      tpu.wait_dma2 semaphore(%run_scoped3A : memref<!tpu.dma_semaphore, #tpu.memory_space<semaphore_mem>>) src(%arg14 : memref<128x64xf32, #tpu.memory_space<vmem>>) dst(%dma_wait3A_65 : memref<128x64xf32, #tpu.memory_space<vmem_shared>>)
      tpu.yield
    }) : () -> ()
    %mul3A_18 = arith.constant 640 : i32
    %mul3A_19 = arith.muli %arg1, %mul3A_18 : i32
    %add3A_20 = arith.constant 384 : i32
    %add3A_21 = arith.addi %mul3A_19, %add3A_20 : i32
    "tpu.region"() ({
      %run_scoped3A = tpu.sem_alloc : memref<!tpu.dma_semaphore, #tpu.memory_space<semaphore_mem>>
      %dma_start3A_59 = arith.constant 0 : i32
      %dma_start3A_60 = tpu.memref_slice %arg15[%add3A_21, %dma_start3A_59] : memref<10240x64xf32, #tpu.memory_space<vmem_shared>> -> memref<128x64xf32, #tpu.memory_space<vmem_shared>>
      %dma_start3A_61 = arith.constant 0 : i32
      %dma_start3A_62 = tpu.memref_slice %arg15[%add3A_21, %dma_start3A_61] : memref<10240x64xf32, #tpu.memory_space<vmem_shared>> -> memref<128x64xf32, #tpu.memory_space<vmem_shared>>
      tpu.enqueue_dma source(%arg14 : memref<128x64xf32, #tpu.memory_space<vmem>>) target(%dma_start3A_62 : memref<128x64xf32, #tpu.memory_space<vmem_shared>>) target_semaphore(%run_scoped3A : memref<!tpu.dma_semaphore, #tpu.memory_space<semaphore_mem>>)
      %dma_wait3A = arith.constant 0 : i32
      %dma_wait3A_63 = tpu.memref_slice %arg15[%add3A_21, %dma_wait3A] : memref<10240x64xf32, #tpu.memory_space<vmem_shared>> -> memref<128x64xf32, #tpu.memory_space<vmem_shared>>
      %dma_wait3A_64 = arith.constant 0 : i32
      %dma_wait3A_65 = tpu.memref_slice %arg15[%add3A_21, %dma_wait3A_64] : memref<10240x64xf32, #tpu.memory_space<vmem_shared>> -> memref<128x64xf32, #tpu.memory_space<vmem_shared>>
      tpu.wait_dma2 semaphore(%run_scoped3A : memref<!tpu.dma_semaphore, #tpu.memory_space<semaphore_mem>>) src(%arg14 : memref<128x64xf32, #tpu.memory_space<vmem>>) dst(%dma_wait3A_65 : memref<128x64xf32, #tpu.memory_space<vmem_shared>>)
      tpu.yield
    }) : () -> ()
    %mul3A_22 = arith.constant 640 : i32
    %mul3A_23 = arith.muli %arg1, %mul3A_22 : i32
    %add3A_24 = arith.constant 512 : i32
    %add3A_25 = arith.addi %mul3A_23, %add3A_24 : i32
    "tpu.region"() ({
      %run_scoped3A = tpu.sem_alloc : memref<!tpu.dma_semaphore, #tpu.memory_space<semaphore_mem>>
      %dma_start3A_59 = arith.constant 0 : i32
      %dma_start3A_60 = tpu.memref_slice %arg15[%add3A_25, %dma_start3A_59] : memref<10240x64xf32, #tpu.memory_space<vmem_shared>> -> memref<128x64xf32, #tpu.memory_space<vmem_shared>>
      %dma_start3A_61 = arith.constant 0 : i32
      %dma_start3A_62 = tpu.memref_slice %arg15[%add3A_25, %dma_start3A_61] : memref<10240x64xf32, #tpu.memory_space<vmem_shared>> -> memref<128x64xf32, #tpu.memory_space<vmem_shared>>
      tpu.enqueue_dma source(%arg14 : memref<128x64xf32, #tpu.memory_space<vmem>>) target(%dma_start3A_62 : memref<128x64xf32, #tpu.memory_space<vmem_shared>>) target_semaphore(%run_scoped3A : memref<!tpu.dma_semaphore, #tpu.memory_space<semaphore_mem>>)
      %dma_wait3A = arith.constant 0 : i32
      %dma_wait3A_63 = tpu.memref_slice %arg15[%add3A_25, %dma_wait3A] : memref<10240x64xf32, #tpu.memory_space<vmem_shared>> -> memref<128x64xf32, #tpu.memory_space<vmem_shared>>
      %dma_wait3A_64 = arith.constant 0 : i32
      %dma_wait3A_65 = tpu.memref_slice %arg15[%add3A_25, %dma_wait3A_64] : memref<10240x64xf32, #tpu.memory_space<vmem_shared>> -> memref<128x64xf32, #tpu.memory_space<vmem_shared>>
      tpu.wait_dma2 semaphore(%run_scoped3A : memref<!tpu.dma_semaphore, #tpu.memory_space<semaphore_mem>>) src(%arg14 : memref<128x64xf32, #tpu.memory_space<vmem>>) dst(%dma_wait3A_65 : memref<128x64xf32, #tpu.memory_space<vmem_shared>>)
      tpu.yield
    }) : () -> ()
    %barrier3A = arith.constant 0 : index
    tpu.barrier barrier_id(%barrier3A)
    %mul3A_26 = arith.constant 78 : i32
    %mul3A_27 = arith.muli %add3A, %mul3A_26 : i32
    "tpu.region"() ({
      %run_scoped3A = tpu.sem_alloc : memref<!tpu.dma_semaphore, #tpu.memory_space<semaphore_mem>>
      %dma_start3A_59 = arith.constant 0 : i32
      %dma_start3A_60 = tpu.memref_slice %arg4[%mul3A_27, %dma_start3A_59] : memref<2500x128xi32, #tpu.memory_space<hbm>> -> memref<78x128xi32, #tpu.memory_space<hbm>>
      %dma_start3A_61 = arith.constant 0 : i32
      %dma_start3A_62 = tpu.memref_slice %arg4[%mul3A_27, %dma_start3A_61] : memref<2500x128xi32, #tpu.memory_space<hbm>> -> memref<78x128xi32, #tpu.memory_space<hbm>>
      tpu.enqueue_dma source(%dma_start3A_62 : memref<78x128xi32, #tpu.memory_space<hbm>>) target(%arg7 : memref<78x128xi32, #tpu.memory_space<vmem>>) target_semaphore(%run_scoped3A : memref<!tpu.dma_semaphore, #tpu.memory_space<semaphore_mem>>)
      %dma_wait3A = arith.constant 0 : i32
      %dma_wait3A_63 = tpu.memref_slice %arg4[%mul3A_27, %dma_wait3A] : memref<2500x128xi32, #tpu.memory_space<hbm>> -> memref<78x128xi32, #tpu.memory_space<hbm>>
      %dma_wait3A_64 = arith.constant 0 : i32
      %dma_wait3A_65 = tpu.memref_slice %arg4[%mul3A_27, %dma_wait3A_64] : memref<2500x128xi32, #tpu.memory_space<hbm>> -> memref<78x128xi32, #tpu.memory_space<hbm>>
      tpu.wait_dma2 semaphore(%run_scoped3A : memref<!tpu.dma_semaphore, #tpu.memory_space<semaphore_mem>>) src(%dma_wait3A_65 : memref<78x128xi32, #tpu.memory_space<hbm>>) dst(%arg7 : memref<78x128xi32, #tpu.memory_space<vmem>>)
      tpu.yield
    }) : () -> ()
    %mul3A_28 = arith.constant 78 : i32
    %mul3A_29 = arith.muli %add3A, %mul3A_28 : i32
    "tpu.region"() ({
      %run_scoped3A = tpu.sem_alloc : memref<!tpu.dma_semaphore, #tpu.memory_space<semaphore_mem>>
      %dma_start3A_59 = arith.constant 0 : i32
      %dma_start3A_60 = tpu.memref_slice %arg5[%mul3A_29, %dma_start3A_59] : memref<2500x128xi32, #tpu.memory_space<hbm>> -> memref<78x128xi32, #tpu.memory_space<hbm>>
      %dma_start3A_61 = arith.constant 0 : i32
      %dma_start3A_62 = tpu.memref_slice %arg5[%mul3A_29, %dma_start3A_61] : memref<2500x128xi32, #tpu.memory_space<hbm>> -> memref<78x128xi32, #tpu.memory_space<hbm>>
      tpu.enqueue_dma source(%dma_start3A_62 : memref<78x128xi32, #tpu.memory_space<hbm>>) target(%arg8 : memref<78x128xi32, #tpu.memory_space<vmem>>) target_semaphore(%run_scoped3A : memref<!tpu.dma_semaphore, #tpu.memory_space<semaphore_mem>>)
      %dma_wait3A = arith.constant 0 : i32
      %dma_wait3A_63 = tpu.memref_slice %arg5[%mul3A_29, %dma_wait3A] : memref<2500x128xi32, #tpu.memory_space<hbm>> -> memref<78x128xi32, #tpu.memory_space<hbm>>
      %dma_wait3A_64 = arith.constant 0 : i32
      %dma_wait3A_65 = tpu.memref_slice %arg5[%mul3A_29, %dma_wait3A_64] : memref<2500x128xi32, #tpu.memory_space<hbm>> -> memref<78x128xi32, #tpu.memory_space<hbm>>
      tpu.wait_dma2 semaphore(%run_scoped3A : memref<!tpu.dma_semaphore, #tpu.memory_space<semaphore_mem>>) src(%dma_wait3A_65 : memref<78x128xi32, #tpu.memory_space<hbm>>) dst(%arg8 : memref<78x128xi32, #tpu.memory_space<vmem>>)
      tpu.yield
    }) : () -> ()
    %dma_start3A = arith.constant 0 : i32
    %dma_start3A_30 = arith.constant 0 : i32
    %dma_start3A_31 = tpu.memref_slice %arg8[%dma_start3A, %dma_start3A_30] : memref<78x128xi32, #tpu.memory_space<vmem>> -> memref<1x128xi32, #tpu.memory_space<vmem>>
    %dma_start3A_32 = tpu.memref_squeeze %dma_start3A_31 : memref<1x128xi32, #tpu.memory_space<vmem>> -> memref<128xi32, #tpu.memory_space<vmem>>
    %dma_start3A_33 = arith.constant 0 : i32
    %dma_start3A_34 = arith.constant 0 : i32
    %dma_start3A_35 = tpu.memref_slice %arg2[%dma_start3A_33, %dma_start3A_34] : memref<10000x64xf32, #tpu.memory_space<hbm>> -> memref<10000x64xf32, #tpu.memory_space<hbm>>
    tpu.enqueue_indirect_dma source(%dma_start3A_35 : memref<10000x64xf32, #tpu.memory_space<hbm>>) target(%arg9 : memref<128x64xf32, #tpu.memory_space<vmem>>) offsets(%dma_start3A_32 : memref<128xi32, #tpu.memory_space<vmem>>) semaphore(%arg16 : memref<!tpu.dma_semaphore, #tpu.memory_space<semaphore_mem>>)
    %dma_start3A_36 = arith.constant 0 : i32
    %dma_start3A_37 = arith.constant 0 : i32
    %dma_start3A_38 = tpu.memref_slice %arg7[%dma_start3A_36, %dma_start3A_37] : memref<78x128xi32, #tpu.memory_space<vmem>> -> memref<1x128xi32, #tpu.memory_space<vmem>>
    %dma_start3A_39 = tpu.memref_squeeze %dma_start3A_38 : memref<1x128xi32, #tpu.memory_space<vmem>> -> memref<128xi32, #tpu.memory_space<vmem>>
    %dma_start3A_40 = arith.constant 0 : i32
    %dma_start3A_41 = arith.constant 0 : i32
    %dma_start3A_42 = tpu.memref_slice %arg3[%dma_start3A_40, %dma_start3A_41] : memref<10000x128xf32, #tpu.memory_space<hbm>> -> memref<10000x128xf32, #tpu.memory_space<hbm>>
    tpu.enqueue_indirect_dma source(%dma_start3A_42 : memref<10000x128xf32, #tpu.memory_space<hbm>>) target(%arg11 : memref<128x128xf32, #tpu.memory_space<vmem>>) offsets(%dma_start3A_39 : memref<128xi32, #tpu.memory_space<vmem>>) semaphore(%arg16 : memref<!tpu.dma_semaphore, #tpu.memory_space<semaphore_mem>>)
    %scan3A_43 = arith.constant 0 : i32
    %scan3A_44 = arith.constant 0 : i32
    %scan3A_45 = arith.constant 39 : i32
    %scan3A_46 = arith.addi %scan3A_44, %scan3A_45 : i32
    %scan3A_47 = arith.constant 1 : i32
    scf.for %scan3A_59 = %scan3A_44 to %scan3A_46 step %scan3A_47  : i32 {
      %mul3A_60 = arith.constant 2 : i32
      %mul3A_61 = arith.muli %mul3A_60, %scan3A_59 : i32
      %add3A_62 = arith.constant 0 : i32
      %add3A_63 = arith.addi %mul3A_61, %add3A_62 : i32
      %add3A_64 = arith.constant 1 : i32
      %add3A_65 = arith.addi %add3A_63, %add3A_64 : i32
      %lt3A_66 = arith.constant 78 : i32
      %lt3A_67 = arith.cmpi slt, %add3A_65, %lt3A_66 : i32
      %convert_element_type3A_68 = arith.extui %lt3A_67 : i1 to i32
      %cond3A_69 = arith.constant 0 : i32
      %cond3A_70 = arith.cmpi ne, %convert_element_type3A_68, %cond3A_69 : i32
      scf.if %cond3A_70 {
        %add3A_110 = arith.constant 1 : i32
        %add3A_111 = arith.addi %add3A_63, %add3A_110 : i32
        %dma_start3A_112 = arith.constant 0 : i32
        %dma_start3A_113 = tpu.memref_slice %arg8[%add3A_111, %dma_start3A_112] : memref<78x128xi32, #tpu.memory_space<vmem>> -> memref<1x128xi32, #tpu.memory_space<vmem>>
        %dma_start3A_114 = tpu.memref_squeeze %dma_start3A_113 : memref<1x128xi32, #tpu.memory_space<vmem>> -> memref<128xi32, #tpu.memory_space<vmem>>
        %dma_start3A_115 = arith.constant 0 : i32
        %dma_start3A_116 = arith.constant 0 : i32
        %dma_start3A_117 = tpu.memref_slice %arg2[%dma_start3A_115, %dma_start3A_116] : memref<10000x64xf32, #tpu.memory_space<hbm>> -> memref<10000x64xf32, #tpu.memory_space<hbm>>
        tpu.enqueue_indirect_dma source(%dma_start3A_117 : memref<10000x64xf32, #tpu.memory_space<hbm>>) target(%arg10 : memref<128x64xf32, #tpu.memory_space<vmem>>) offsets(%dma_start3A_114 : memref<128xi32, #tpu.memory_space<vmem>>) semaphore(%arg17 : memref<!tpu.dma_semaphore, #tpu.memory_space<semaphore_mem>>)
        %dma_start3A_118 = arith.constant 0 : i32
        %dma_start3A_119 = tpu.memref_slice %arg7[%add3A_111, %dma_start3A_118] : memref<78x128xi32, #tpu.memory_space<vmem>> -> memref<1x128xi32, #tpu.memory_space<vmem>>
        %dma_start3A_120 = tpu.memref_squeeze %dma_start3A_119 : memref<1x128xi32, #tpu.memory_space<vmem>> -> memref<128xi32, #tpu.memory_space<vmem>>
        %dma_start3A_121 = arith.constant 0 : i32
        %dma_start3A_122 = arith.constant 0 : i32
        %dma_start3A_123 = tpu.memref_slice %arg3[%dma_start3A_121, %dma_start3A_122] : memref<10000x128xf32, #tpu.memory_space<hbm>> -> memref<10000x128xf32, #tpu.memory_space<hbm>>
        tpu.enqueue_indirect_dma source(%dma_start3A_123 : memref<10000x128xf32, #tpu.memory_space<hbm>>) target(%arg12 : memref<128x128xf32, #tpu.memory_space<vmem>>) offsets(%dma_start3A_120 : memref<128xi32, #tpu.memory_space<vmem>>) semaphore(%arg17 : memref<!tpu.dma_semaphore, #tpu.memory_space<semaphore_mem>>)
      } else {
      }
      %dma_wait3A = arith.constant 0 : i32
      %dma_wait3A_71 = tpu.memref_slice %arg8[%add3A_63, %dma_wait3A] : memref<78x128xi32, #tpu.memory_space<vmem>> -> memref<1x128xi32, #tpu.memory_space<vmem>>
      %dma_wait3A_72 = tpu.memref_squeeze %dma_wait3A_71 : memref<1x128xi32, #tpu.memory_space<vmem>> -> memref<128xi32, #tpu.memory_space<vmem>>
      %dma_wait3A_73 = arith.constant 0 : i32
      %dma_wait3A_74 = arith.constant 0 : i32
      %dma_wait3A_75 = tpu.memref_slice %arg2[%dma_wait3A_73, %dma_wait3A_74] : memref<10000x64xf32, #tpu.memory_space<hbm>> -> memref<10000x64xf32, #tpu.memory_space<hbm>>
      tpu.wait_indirect_dma semaphore(%arg16 : memref<!tpu.dma_semaphore, #tpu.memory_space<semaphore_mem>>) src(%dma_wait3A_75 : memref<10000x64xf32, #tpu.memory_space<hbm>>) dst(%arg9 : memref<128x64xf32, #tpu.memory_space<vmem>>)
      %dma_wait3A_76 = arith.constant 0 : i32
      %dma_wait3A_77 = tpu.memref_slice %arg7[%add3A_63, %dma_wait3A_76] : memref<78x128xi32, #tpu.memory_space<vmem>> -> memref<1x128xi32, #tpu.memory_space<vmem>>
      %dma_wait3A_78 = tpu.memref_squeeze %dma_wait3A_77 : memref<1x128xi32, #tpu.memory_space<vmem>> -> memref<128xi32, #tpu.memory_space<vmem>>
      %dma_wait3A_79 = arith.constant 0 : i32
      %dma_wait3A_80 = arith.constant 0 : i32
      %dma_wait3A_81 = tpu.memref_slice %arg3[%dma_wait3A_79, %dma_wait3A_80] : memref<10000x128xf32, #tpu.memory_space<hbm>> -> memref<10000x128xf32, #tpu.memory_space<hbm>>
      tpu.wait_indirect_dma semaphore(%arg16 : memref<!tpu.dma_semaphore, #tpu.memory_space<semaphore_mem>>) src(%dma_wait3A_81 : memref<10000x128xf32, #tpu.memory_space<hbm>>) dst(%arg11 : memref<128x128xf32, #tpu.memory_space<vmem>>)
      %parallel_loop3A = arith.constant 0 : i32
      %parallel_loop3A_82 = arith.constant 128 : i32
      %parallel_loop3A_83 = arith.constant 1 : i32
      scf.for %parallel_loop3A_110 = %parallel_loop3A to %parallel_loop3A_82 step %parallel_loop3A_83  : i32 {
        %parallel_loop3A_111 = arith.index_cast %parallel_loop3A_110 : i32 to index
        %parallel_loop3A_112 = arith.constant 0 : index
        %parallel_loop3A_113 = tpu.vector_load %arg9[%parallel_loop3A_111, %parallel_loop3A_112] {strides = array<i32>} : memref<128x64xf32, #tpu.memory_space<vmem>>, vector<1x16xf32>,
        %parallel_loop3A_114 = vector.shape_cast %parallel_loop3A_113 : vector<1x16xf32> to vector<16xf32>
        %parallel_loop3A_115 = arith.index_cast %parallel_loop3A_110 : i32 to index
        %parallel_loop3A_116 = arith.constant 0 : index
        %parallel_loop3A_117 = tpu.vector_load %arg11[%parallel_loop3A_115, %parallel_loop3A_116] {strides = array<i32>} : memref<128x128xf32, #tpu.memory_space<vmem>>, vector<1x16xf32>,
        %parallel_loop3A_118 = vector.shape_cast %parallel_loop3A_117 : vector<1x16xf32> to vector<16xf32>
        %parallel_loop3A_119 = arith.index_cast %parallel_loop3A_110 : i32 to index
        %parallel_loop3A_120 = arith.constant 64 : index
        %parallel_loop3A_121 = tpu.vector_load %arg11[%parallel_loop3A_119, %parallel_loop3A_120] {strides = array<i32>} : memref<128x128xf32, #tpu.memory_space<vmem>>, vector<1x16xf32>,
        %parallel_loop3A_122 = vector.shape_cast %parallel_loop3A_121 : vector<1x16xf32> to vector<16xf32>
        %parallel_loop3A_123 = arith.addf %parallel_loop3A_114, %parallel_loop3A_118 : vector<16xf32>
        %parallel_loop3A_124 = arith.constant 0.000000e+00 : f32
        %parallel_loop3A_125 = vector.broadcast %parallel_loop3A_124 : f32 to vector<16xf32>
        %parallel_loop3A_126 = arith.subf %parallel_loop3A_125, %parallel_loop3A_123 : vector<16xf32>
        %parallel_loop3A_127 = math.exp %parallel_loop3A_126 : vector<16xf32>
        %parallel_loop3A_128 = arith.constant 1.000000e+00 : f32
        %parallel_loop3A_129 = vector.broadcast %parallel_loop3A_128 : f32 to vector<16xf32>
        %parallel_loop3A_130 = arith.addf %parallel_loop3A_129, %parallel_loop3A_127 : vector<16xf32>
        %parallel_loop3A_131 = arith.constant 1.000000e+00 : f32
        %parallel_loop3A_132 = vector.broadcast %parallel_loop3A_131 : f32 to vector<16xf32>
        %parallel_loop3A_133 = arith.divf %parallel_loop3A_132, %parallel_loop3A_130 : vector<16xf32>
        %parallel_loop3A_134 = arith.mulf %parallel_loop3A_133, %parallel_loop3A_122 : vector<16xf32>
        %parallel_loop3A_135 = arith.index_cast %parallel_loop3A_110 : i32 to index
        %parallel_loop3A_136 = arith.constant 0 : index
        %parallel_loop3A_137 = tpu.vector_load %arg13[%parallel_loop3A_135, %parallel_loop3A_136] {strides = array<i32>} : memref<128x64xf32, #tpu.memory_space<vmem>>, vector<1x16xf32>,
        %parallel_loop3A_138 = vector.shape_cast %parallel_loop3A_137 : vector<1x16xf32> to vector<16xf32>
        %parallel_loop3A_139 = vector.shape_cast %parallel_loop3A_134 : vector<16xf32> to vector<1x16xf32>
        tpu.vector_store %arg13[%parallel_loop3A_135, %parallel_loop3A_136], %parallel_loop3A_139 {strides = array<i32>} : memref<128x64xf32, #tpu.memory_space<vmem>>, vector<1x16xf32>,
        %parallel_loop3A_140 = arith.index_cast %parallel_loop3A_110 : i32 to index
        %parallel_loop3A_141 = arith.constant 16 : index
        %parallel_loop3A_142 = tpu.vector_load %arg9[%parallel_loop3A_140, %parallel_loop3A_141] {strides = array<i32>} : memref<128x64xf32, #tpu.memory_space<vmem>>, vector<1x16xf32>,
        %parallel_loop3A_143 = vector.shape_cast %parallel_loop3A_142 : vector<1x16xf32> to vector<16xf32>
        %parallel_loop3A_144 = arith.index_cast %parallel_loop3A_110 : i32 to index
        %parallel_loop3A_145 = arith.constant 16 : index
        %parallel_loop3A_146 = tpu.vector_load %arg11[%parallel_loop3A_144, %parallel_loop3A_145] {strides = array<i32>} : memref<128x128xf32, #tpu.memory_space<vmem>>, vector<1x16xf32>,
        %parallel_loop3A_147 = vector.shape_cast %parallel_loop3A_146 : vector<1x16xf32> to vector<16xf32>
        %parallel_loop3A_148 = arith.index_cast %parallel_loop3A_110 : i32 to index
        %parallel_loop3A_149 = arith.constant 80 : index
        %parallel_loop3A_150 = tpu.vector_load %arg11[%parallel_loop3A_148, %parallel_loop3A_149] {strides = array<i32>} : memref<128x128xf32, #tpu.memory_space<vmem>>, vector<1x16xf32>,
        %parallel_loop3A_151 = vector.shape_cast %parallel_loop3A_150 : vector<1x16xf32> to vector<16xf32>
        %parallel_loop3A_152 = arith.addf %parallel_loop3A_143, %parallel_loop3A_147 : vector<16xf32>
        %parallel_loop3A_153 = arith.constant 0.000000e+00 : f32
        %parallel_loop3A_154 = vector.broadcast %parallel_loop3A_153 : f32 to vector<16xf32>
        %parallel_loop3A_155 = arith.subf %parallel_loop3A_154, %parallel_loop3A_152 : vector<16xf32>
        %parallel_loop3A_156 = math.exp %parallel_loop3A_155 : vector<16xf32>
        %parallel_loop3A_157 = arith.constant 1.000000e+00 : f32
        %parallel_loop3A_158 = vector.broadcast %parallel_loop3A_157 : f32 to vector<16xf32>
        %parallel_loop3A_159 = arith.addf %parallel_loop3A_158, %parallel_loop3A_156 : vector<16xf32>
        %parallel_loop3A_160 = arith.constant 1.000000e+00 : f32
        %parallel_loop3A_161 = vector.broadcast %parallel_loop3A_160 : f32 to vector<16xf32>
        %parallel_loop3A_162 = arith.divf %parallel_loop3A_161, %parallel_loop3A_159 : vector<16xf32>
        %parallel_loop3A_163 = arith.mulf %parallel_loop3A_162, %parallel_loop3A_151 : vector<16xf32>
        %parallel_loop3A_164 = arith.index_cast %parallel_loop3A_110 : i32 to index
        %parallel_loop3A_165 = arith.constant 16 : index
        %parallel_loop3A_166 = tpu.vector_load %arg13[%parallel_loop3A_164, %parallel_loop3A_165] {strides = array<i32>} : memref<128x64xf32, #tpu.memory_space<vmem>>, vector<1x16xf32>,
        %parallel_loop3A_167 = vector.shape_cast %parallel_loop3A_166 : vector<1x16xf32> to vector<16xf32>
        %parallel_loop3A_168 = vector.shape_cast %parallel_loop3A_163 : vector<16xf32> to vector<1x16xf32>
        tpu.vector_store %arg13[%parallel_loop3A_164, %parallel_loop3A_165], %parallel_loop3A_168 {strides = array<i32>} : memref<128x64xf32, #tpu.memory_space<vmem>>, vector<1x16xf32>,
        %parallel_loop3A_169 = arith.index_cast %parallel_loop3A_110 : i32 to index
        %parallel_loop3A_170 = arith.constant 32 : index
        %parallel_loop3A_171 = tpu.vector_load %arg9[%parallel_loop3A_169, %parallel_loop3A_170] {strides = array<i32>} : memref<128x64xf32, #tpu.memory_space<vmem>>, vector<1x16xf32>,
        %parallel_loop3A_172 = vector.shape_cast %parallel_loop3A_171 : vector<1x16xf32> to vector<16xf32>
        %parallel_loop3A_173 = arith.index_cast %parallel_loop3A_110 : i32 to index
        %parallel_loop3A_174 = arith.constant 32 : index
        %parallel_loop3A_175 = tpu.vector_load %arg11[%parallel_loop3A_173, %parallel_loop3A_174] {strides = array<i32>} : memref<128x128xf32, #tpu.memory_space<vmem>>, vector<1x16xf32>,
        %parallel_loop3A_176 = vector.shape_cast %parallel_loop3A_175 : vector<1x16xf32> to vector<16xf32>
        %parallel_loop3A_177 = arith.index_cast %parallel_loop3A_110 : i32 to index
        %parallel_loop3A_178 = arith.constant 96 : index
        %parallel_loop3A_179 = tpu.vector_load %arg11[%parallel_loop3A_177, %parallel_loop3A_178] {strides = array<i32>} : memref<128x128xf32, #tpu.memory_space<vmem>>, vector<1x16xf32>,
        %parallel_loop3A_180 = vector.shape_cast %parallel_loop3A_179 : vector<1x16xf32> to vector<16xf32>
        %parallel_loop3A_181 = arith.addf %parallel_loop3A_172, %parallel_loop3A_176 : vector<16xf32>
        %parallel_loop3A_182 = arith.constant 0.000000e+00 : f32
        %parallel_loop3A_183 = vector.broadcast %parallel_loop3A_182 : f32 to vector<16xf32>
        %parallel_loop3A_184 = arith.subf %parallel_loop3A_183, %parallel_loop3A_181 : vector<16xf32>
        %parallel_loop3A_185 = math.exp %parallel_loop3A_184 : vector<16xf32>
        %parallel_loop3A_186 = arith.constant 1.000000e+00 : f32
        %parallel_loop3A_187 = vector.broadcast %parallel_loop3A_186 : f32 to vector<16xf32>
        %parallel_loop3A_188 = arith.addf %parallel_loop3A_187, %parallel_loop3A_185 : vector<16xf32>
        %parallel_loop3A_189 = arith.constant 1.000000e+00 : f32
        %parallel_loop3A_190 = vector.broadcast %parallel_loop3A_189 : f32 to vector<16xf32>
        %parallel_loop3A_191 = arith.divf %parallel_loop3A_190, %parallel_loop3A_188 : vector<16xf32>
        %parallel_loop3A_192 = arith.mulf %parallel_loop3A_191, %parallel_loop3A_180 : vector<16xf32>
        %parallel_loop3A_193 = arith.index_cast %parallel_loop3A_110 : i32 to index
        %parallel_loop3A_194 = arith.constant 32 : index
        %parallel_loop3A_195 = tpu.vector_load %arg13[%parallel_loop3A_193, %parallel_loop3A_194] {strides = array<i32>} : memref<128x64xf32, #tpu.memory_space<vmem>>, vector<1x16xf32>,
        %parallel_loop3A_196 = vector.shape_cast %parallel_loop3A_195 : vector<1x16xf32> to vector<16xf32>
        %parallel_loop3A_197 = vector.shape_cast %parallel_loop3A_192 : vector<16xf32> to vector<1x16xf32>
        tpu.vector_store %arg13[%parallel_loop3A_193, %parallel_loop3A_194], %parallel_loop3A_197 {strides = array<i32>} : memref<128x64xf32, #tpu.memory_space<vmem>>, vector<1x16xf32>,
        %parallel_loop3A_198 = arith.index_cast %parallel_loop3A_110 : i32 to index
        %parallel_loop3A_199 = arith.constant 48 : index
        %parallel_loop3A_200 = tpu.vector_load %arg9[%parallel_loop3A_198, %parallel_loop3A_199] {strides = array<i32>} : memref<128x64xf32, #tpu.memory_space<vmem>>, vector<1x16xf32>,
        %parallel_loop3A_201 = vector.shape_cast %parallel_loop3A_200 : vector<1x16xf32> to vector<16xf32>
        %parallel_loop3A_202 = arith.index_cast %parallel_loop3A_110 : i32 to index
        %parallel_loop3A_203 = arith.constant 48 : index
        %parallel_loop3A_204 = tpu.vector_load %arg11[%parallel_loop3A_202, %parallel_loop3A_203] {strides = array<i32>} : memref<128x128xf32, #tpu.memory_space<vmem>>, vector<1x16xf32>,
        %parallel_loop3A_205 = vector.shape_cast %parallel_loop3A_204 : vector<1x16xf32> to vector<16xf32>
        %parallel_loop3A_206 = arith.index_cast %parallel_loop3A_110 : i32 to index
        %parallel_loop3A_207 = arith.constant 112 : index
        %parallel_loop3A_208 = tpu.vector_load %arg11[%parallel_loop3A_206, %parallel_loop3A_207] {strides = array<i32>} : memref<128x128xf32, #tpu.memory_space<vmem>>, vector<1x16xf32>,
        %parallel_loop3A_209 = vector.shape_cast %parallel_loop3A_208 : vector<1x16xf32> to vector<16xf32>
        %parallel_loop3A_210 = arith.addf %parallel_loop3A_201, %parallel_loop3A_205 : vector<16xf32>
        %parallel_loop3A_211 = arith.constant 0.000000e+00 : f32
        %parallel_loop3A_212 = vector.broadcast %parallel_loop3A_211 : f32 to vector<16xf32>
        %parallel_loop3A_213 = arith.subf %parallel_loop3A_212, %parallel_loop3A_210 : vector<16xf32>
        %parallel_loop3A_214 = math.exp %parallel_loop3A_213 : vector<16xf32>
        %parallel_loop3A_215 = arith.constant 1.000000e+00 : f32
        %parallel_loop3A_216 = vector.broadcast %parallel_loop3A_215 : f32 to vector<16xf32>
        %parallel_loop3A_217 = arith.addf %parallel_loop3A_216, %parallel_loop3A_214 : vector<16xf32>
        %parallel_loop3A_218 = arith.constant 1.000000e+00 : f32
        %parallel_loop3A_219 = vector.broadcast %parallel_loop3A_218 : f32 to vector<16xf32>
        %parallel_loop3A_220 = arith.divf %parallel_loop3A_219, %parallel_loop3A_217 : vector<16xf32>
        %parallel_loop3A_221 = arith.mulf %parallel_loop3A_220, %parallel_loop3A_209 : vector<16xf32>
        %parallel_loop3A_222 = arith.index_cast %parallel_loop3A_110 : i32 to index
        %parallel_loop3A_223 = arith.constant 48 : index
        %parallel_loop3A_224 = tpu.vector_load %arg13[%parallel_loop3A_222, %parallel_loop3A_223] {strides = array<i32>} : memref<128x64xf32, #tpu.memory_space<vmem>>, vector<1x16xf32>,
        %parallel_loop3A_225 = vector.shape_cast %parallel_loop3A_224 : vector<1x16xf32> to vector<16xf32>
        %parallel_loop3A_226 = vector.shape_cast %parallel_loop3A_221 : vector<16xf32> to vector<1x16xf32>
        tpu.vector_store %arg13[%parallel_loop3A_222, %parallel_loop3A_223], %parallel_loop3A_226 {strides = array<i32>} : memref<128x64xf32, #tpu.memory_space<vmem>>, vector<1x16xf32>,
      } {sc.loop_unroll_factor = 8 : i64, sc.parallel_access}
      "tpu.region"() ({
        %run_scoped3A = tpu.sem_alloc : memref<!tpu.dma_semaphore, #tpu.memory_space<semaphore_mem>>
        %dma_start3A_110 = arith.constant 0 : i32
        %dma_start3A_111 = tpu.memref_slice %arg8[%add3A_63, %dma_start3A_110] : memref<78x128xi32, #tpu.memory_space<vmem>> -> memref<1x128xi32, #tpu.memory_space<vmem>>
        %dma_start3A_112 = tpu.memref_squeeze %dma_start3A_111 : memref<1x128xi32, #tpu.memory_space<vmem>> -> memref<128xi32, #tpu.memory_space<vmem>>
        %dma_start3A_113 = arith.constant 0 : i32
        %dma_start3A_114 = arith.constant 0 : i32
        %dma_start3A_115 = tpu.memref_slice %arg15[%dma_start3A_113, %dma_start3A_114] : memref<10240x64xf32, #tpu.memory_space<vmem_shared>> -> memref<10240x64xf32, #tpu.memory_space<vmem_shared>>
        tpu.enqueue_indirect_dma source(%arg13 : memref<128x64xf32, #tpu.memory_space<vmem>>) target(%dma_start3A_115 : memref<10240x64xf32, #tpu.memory_space<vmem_shared>>) offsets(%dma_start3A_112 : memref<128xi32, #tpu.memory_space<vmem>>) semaphore(%run_scoped3A : memref<!tpu.dma_semaphore, #tpu.memory_space<semaphore_mem>>) {add = true}
        %dma_wait3A_116 = arith.constant 0 : i32
        %dma_wait3A_117 = tpu.memref_slice %arg8[%add3A_63, %dma_wait3A_116] : memref<78x128xi32, #tpu.memory_space<vmem>> -> memref<1x128xi32, #tpu.memory_space<vmem>>
        %dma_wait3A_118 = tpu.memref_squeeze %dma_wait3A_117 : memref<1x128xi32, #tpu.memory_space<vmem>> -> memref<128xi32, #tpu.memory_space<vmem>>
        %dma_wait3A_119 = arith.constant 0 : i32
        %dma_wait3A_120 = arith.constant 0 : i32
        %dma_wait3A_121 = tpu.memref_slice %arg15[%dma_wait3A_119, %dma_wait3A_120] : memref<10240x64xf32, #tpu.memory_space<vmem_shared>> -> memref<10240x64xf32, #tpu.memory_space<vmem_shared>>
        tpu.wait_indirect_dma semaphore(%run_scoped3A : memref<!tpu.dma_semaphore, #tpu.memory_space<semaphore_mem>>) src(%arg13 : memref<128x64xf32, #tpu.memory_space<vmem>>) dst(%dma_wait3A_121 : memref<10240x64xf32, #tpu.memory_space<vmem_shared>>)
        tpu.yield
      }) : () -> ()
      %mul3A_84 = arith.constant 2 : i32
      %mul3A_85 = arith.muli %mul3A_84, %scan3A_59 : i32
      %add3A_86 = arith.constant 1 : i32
      %add3A_87 = arith.addi %mul3A_85, %add3A_86 : i32
      %add3A_88 = arith.constant 1 : i32
      %add3A_89 = arith.addi %add3A_87, %add3A_88 : i32
      %lt3A_90 = arith.constant 78 : i32
      %lt3A_91 = arith.cmpi slt, %add3A_89, %lt3A_90 : i32
      %convert_element_type3A_92 = arith.extui %lt3A_91 : i1 to i32
      %cond3A_93 = arith.constant 0 : i32
      %cond3A_94 = arith.cmpi ne, %convert_element_type3A_92, %cond3A_93 : i32
      scf.if %cond3A_94 {
        %add3A_110 = arith.constant 1 : i32
        %add3A_111 = arith.addi %add3A_87, %add3A_110 : i32
        %dma_start3A_112 = arith.constant 0 : i32
        %dma_start3A_113 = tpu.memref_slice %arg8[%add3A_111, %dma_start3A_112] : memref<78x128xi32, #tpu.memory_space<vmem>> -> memref<1x128xi32, #tpu.memory_space<vmem>>
        %dma_start3A_114 = tpu.memref_squeeze %dma_start3A_113 : memref<1x128xi32, #tpu.memory_space<vmem>> -> memref<128xi32, #tpu.memory_space<vmem>>
        %dma_start3A_115 = arith.constant 0 : i32
        %dma_start3A_116 = arith.constant 0 : i32
        %dma_start3A_117 = tpu.memref_slice %arg2[%dma_start3A_115, %dma_start3A_116] : memref<10000x64xf32, #tpu.memory_space<hbm>> -> memref<10000x64xf32, #tpu.memory_space<hbm>>
        tpu.enqueue_indirect_dma source(%dma_start3A_117 : memref<10000x64xf32, #tpu.memory_space<hbm>>) target(%arg9 : memref<128x64xf32, #tpu.memory_space<vmem>>) offsets(%dma_start3A_114 : memref<128xi32, #tpu.memory_space<vmem>>) semaphore(%arg16 : memref<!tpu.dma_semaphore, #tpu.memory_space<semaphore_mem>>)
        %dma_start3A_118 = arith.constant 0 : i32
        %dma_start3A_119 = tpu.memref_slice %arg7[%add3A_111, %dma_start3A_118] : memref<78x128xi32, #tpu.memory_space<vmem>> -> memref<1x128xi32, #tpu.memory_space<vmem>>
        %dma_start3A_120 = tpu.memref_squeeze %dma_start3A_119 : memref<1x128xi32, #tpu.memory_space<vmem>> -> memref<128xi32, #tpu.memory_space<vmem>>
        %dma_start3A_121 = arith.constant 0 : i32
        %dma_start3A_122 = arith.constant 0 : i32
        %dma_start3A_123 = tpu.memref_slice %arg3[%dma_start3A_121, %dma_start3A_122] : memref<10000x128xf32, #tpu.memory_space<hbm>> -> memref<10000x128xf32, #tpu.memory_space<hbm>>
        tpu.enqueue_indirect_dma source(%dma_start3A_123 : memref<10000x128xf32, #tpu.memory_space<hbm>>) target(%arg11 : memref<128x128xf32, #tpu.memory_space<vmem>>) offsets(%dma_start3A_120 : memref<128xi32, #tpu.memory_space<vmem>>) semaphore(%arg16 : memref<!tpu.dma_semaphore, #tpu.memory_space<semaphore_mem>>)
      } else {
      }
      %dma_wait3A_95 = arith.constant 0 : i32
      %dma_wait3A_96 = tpu.memref_slice %arg8[%add3A_87, %dma_wait3A_95] : memref<78x128xi32, #tpu.memory_space<vmem>> -> memref<1x128xi32, #tpu.memory_space<vmem>>
      %dma_wait3A_97 = tpu.memref_squeeze %dma_wait3A_96 : memref<1x128xi32, #tpu.memory_space<vmem>> -> memref<128xi32, #tpu.memory_space<vmem>>
      %dma_wait3A_98 = arith.constant 0 : i32
      %dma_wait3A_99 = arith.constant 0 : i32
      %dma_wait3A_100 = tpu.memref_slice %arg2[%dma_wait3A_98, %dma_wait3A_99] : memref<10000x64xf32, #tpu.memory_space<hbm>> -> memref<10000x64xf32, #tpu.memory_space<hbm>>
      tpu.wait_indirect_dma semaphore(%arg17 : memref<!tpu.dma_semaphore, #tpu.memory_space<semaphore_mem>>) src(%dma_wait3A_100 : memref<10000x64xf32, #tpu.memory_space<hbm>>) dst(%arg10 : memref<128x64xf32, #tpu.memory_space<vmem>>)
      %dma_wait3A_101 = arith.constant 0 : i32
      %dma_wait3A_102 = tpu.memref_slice %arg7[%add3A_87, %dma_wait3A_101] : memref<78x128xi32, #tpu.memory_space<vmem>> -> memref<1x128xi32, #tpu.memory_space<vmem>>
      %dma_wait3A_103 = tpu.memref_squeeze %dma_wait3A_102 : memref<1x128xi32, #tpu.memory_space<vmem>> -> memref<128xi32, #tpu.memory_space<vmem>>
      %dma_wait3A_104 = arith.constant 0 : i32
      %dma_wait3A_105 = arith.constant 0 : i32
      %dma_wait3A_106 = tpu.memref_slice %arg3[%dma_wait3A_104, %dma_wait3A_105] : memref<10000x128xf32, #tpu.memory_space<hbm>> -> memref<10000x128xf32, #tpu.memory_space<hbm>>
      tpu.wait_indirect_dma semaphore(%arg17 : memref<!tpu.dma_semaphore, #tpu.memory_space<semaphore_mem>>) src(%dma_wait3A_106 : memref<10000x128xf32, #tpu.memory_space<hbm>>) dst(%arg12 : memref<128x128xf32, #tpu.memory_space<vmem>>)
      %parallel_loop3A_107 = arith.constant 0 : i32
      %parallel_loop3A_108 = arith.constant 128 : i32
      %parallel_loop3A_109 = arith.constant 1 : i32
      scf.for %parallel_loop3A_110 = %parallel_loop3A_107 to %parallel_loop3A_108 step %parallel_loop3A_109  : i32 {
        %parallel_loop3A_111 = arith.index_cast %parallel_loop3A_110 : i32 to index
        %parallel_loop3A_112 = arith.constant 0 : index
        %parallel_loop3A_113 = tpu.vector_load %arg10[%parallel_loop3A_111, %parallel_loop3A_112] {strides = array<i32>} : memref<128x64xf32, #tpu.memory_space<vmem>>, vector<1x16xf32>,
        %parallel_loop3A_114 = vector.shape_cast %parallel_loop3A_113 : vector<1x16xf32> to vector<16xf32>
        %parallel_loop3A_115 = arith.index_cast %parallel_loop3A_110 : i32 to index
        %parallel_loop3A_116 = arith.constant 0 : index
        %parallel_loop3A_117 = tpu.vector_load %arg12[%parallel_loop3A_115, %parallel_loop3A_116] {strides = array<i32>} : memref<128x128xf32, #tpu.memory_space<vmem>>, vector<1x16xf32>,
        %parallel_loop3A_118 = vector.shape_cast %parallel_loop3A_117 : vector<1x16xf32> to vector<16xf32>
        %parallel_loop3A_119 = arith.index_cast %parallel_loop3A_110 : i32 to index
        %parallel_loop3A_120 = arith.constant 64 : index
        %parallel_loop3A_121 = tpu.vector_load %arg12[%parallel_loop3A_119, %parallel_loop3A_120] {strides = array<i32>} : memref<128x128xf32, #tpu.memory_space<vmem>>, vector<1x16xf32>,
        %parallel_loop3A_122 = vector.shape_cast %parallel_loop3A_121 : vector<1x16xf32> to vector<16xf32>
        %parallel_loop3A_123 = arith.addf %parallel_loop3A_114, %parallel_loop3A_118 : vector<16xf32>
        %parallel_loop3A_124 = arith.constant 0.000000e+00 : f32
        %parallel_loop3A_125 = vector.broadcast %parallel_loop3A_124 : f32 to vector<16xf32>
        %parallel_loop3A_126 = arith.subf %parallel_loop3A_125, %parallel_loop3A_123 : vector<16xf32>
        %parallel_loop3A_127 = math.exp %parallel_loop3A_126 : vector<16xf32>
        %parallel_loop3A_128 = arith.constant 1.000000e+00 : f32
        %parallel_loop3A_129 = vector.broadcast %parallel_loop3A_128 : f32 to vector<16xf32>
        %parallel_loop3A_130 = arith.addf %parallel_loop3A_129, %parallel_loop3A_127 : vector<16xf32>
        %parallel_loop3A_131 = arith.constant 1.000000e+00 : f32
        %parallel_loop3A_132 = vector.broadcast %parallel_loop3A_131 : f32 to vector<16xf32>
        %parallel_loop3A_133 = arith.divf %parallel_loop3A_132, %parallel_loop3A_130 : vector<16xf32>
        %parallel_loop3A_134 = arith.mulf %parallel_loop3A_133, %parallel_loop3A_122 : vector<16xf32>
        %parallel_loop3A_135 = arith.index_cast %parallel_loop3A_110 : i32 to index
        %parallel_loop3A_136 = arith.constant 0 : index
        %parallel_loop3A_137 = tpu.vector_load %arg13[%parallel_loop3A_135, %parallel_loop3A_136] {strides = array<i32>} : memref<128x64xf32, #tpu.memory_space<vmem>>, vector<1x16xf32>,
        %parallel_loop3A_138 = vector.shape_cast %parallel_loop3A_137 : vector<1x16xf32> to vector<16xf32>
        %parallel_loop3A_139 = vector.shape_cast %parallel_loop3A_134 : vector<16xf32> to vector<1x16xf32>
        tpu.vector_store %arg13[%parallel_loop3A_135, %parallel_loop3A_136], %parallel_loop3A_139 {strides = array<i32>} : memref<128x64xf32, #tpu.memory_space<vmem>>, vector<1x16xf32>,
        %parallel_loop3A_140 = arith.index_cast %parallel_loop3A_110 : i32 to index
        %parallel_loop3A_141 = arith.constant 16 : index
        %parallel_loop3A_142 = tpu.vector_load %arg10[%parallel_loop3A_140, %parallel_loop3A_141] {strides = array<i32>} : memref<128x64xf32, #tpu.memory_space<vmem>>, vector<1x16xf32>,
        %parallel_loop3A_143 = vector.shape_cast %parallel_loop3A_142 : vector<1x16xf32> to vector<16xf32>
        %parallel_loop3A_144 = arith.index_cast %parallel_loop3A_110 : i32 to index
        %parallel_loop3A_145 = arith.constant 16 : index
        %parallel_loop3A_146 = tpu.vector_load %arg12[%parallel_loop3A_144, %parallel_loop3A_145] {strides = array<i32>} : memref<128x128xf32, #tpu.memory_space<vmem>>, vector<1x16xf32>,
        %parallel_loop3A_147 = vector.shape_cast %parallel_loop3A_146 : vector<1x16xf32> to vector<16xf32>
        %parallel_loop3A_148 = arith.index_cast %parallel_loop3A_110 : i32 to index
        %parallel_loop3A_149 = arith.constant 80 : index
        %parallel_loop3A_150 = tpu.vector_load %arg12[%parallel_loop3A_148, %parallel_loop3A_149] {strides = array<i32>} : memref<128x128xf32, #tpu.memory_space<vmem>>, vector<1x16xf32>,
        %parallel_loop3A_151 = vector.shape_cast %parallel_loop3A_150 : vector<1x16xf32> to vector<16xf32>
        %parallel_loop3A_152 = arith.addf %parallel_loop3A_143, %parallel_loop3A_147 : vector<16xf32>
        %parallel_loop3A_153 = arith.constant 0.000000e+00 : f32
        %parallel_loop3A_154 = vector.broadcast %parallel_loop3A_153 : f32 to vector<16xf32>
        %parallel_loop3A_155 = arith.subf %parallel_loop3A_154, %parallel_loop3A_152 : vector<16xf32>
        %parallel_loop3A_156 = math.exp %parallel_loop3A_155 : vector<16xf32>
        %parallel_loop3A_157 = arith.constant 1.000000e+00 : f32
        %parallel_loop3A_158 = vector.broadcast %parallel_loop3A_157 : f32 to vector<16xf32>
        %parallel_loop3A_159 = arith.addf %parallel_loop3A_158, %parallel_loop3A_156 : vector<16xf32>
        %parallel_loop3A_160 = arith.constant 1.000000e+00 : f32
        %parallel_loop3A_161 = vector.broadcast %parallel_loop3A_160 : f32 to vector<16xf32>
        %parallel_loop3A_162 = arith.divf %parallel_loop3A_161, %parallel_loop3A_159 : vector<16xf32>
        %parallel_loop3A_163 = arith.mulf %parallel_loop3A_162, %parallel_loop3A_151 : vector<16xf32>
        %parallel_loop3A_164 = arith.index_cast %parallel_loop3A_110 : i32 to index
        %parallel_loop3A_165 = arith.constant 16 : index
        %parallel_loop3A_166 = tpu.vector_load %arg13[%parallel_loop3A_164, %parallel_loop3A_165] {strides = array<i32>} : memref<128x64xf32, #tpu.memory_space<vmem>>, vector<1x16xf32>,
        %parallel_loop3A_167 = vector.shape_cast %parallel_loop3A_166 : vector<1x16xf32> to vector<16xf32>
        %parallel_loop3A_168 = vector.shape_cast %parallel_loop3A_163 : vector<16xf32> to vector<1x16xf32>
        tpu.vector_store %arg13[%parallel_loop3A_164, %parallel_loop3A_165], %parallel_loop3A_168 {strides = array<i32>} : memref<128x64xf32, #tpu.memory_space<vmem>>, vector<1x16xf32>,
        %parallel_loop3A_169 = arith.index_cast %parallel_loop3A_110 : i32 to index
        %parallel_loop3A_170 = arith.constant 32 : index
        %parallel_loop3A_171 = tpu.vector_load %arg10[%parallel_loop3A_169, %parallel_loop3A_170] {strides = array<i32>} : memref<128x64xf32, #tpu.memory_space<vmem>>, vector<1x16xf32>,
        %parallel_loop3A_172 = vector.shape_cast %parallel_loop3A_171 : vector<1x16xf32> to vector<16xf32>
        %parallel_loop3A_173 = arith.index_cast %parallel_loop3A_110 : i32 to index
        %parallel_loop3A_174 = arith.constant 32 : index
        %parallel_loop3A_175 = tpu.vector_load %arg12[%parallel_loop3A_173, %parallel_loop3A_174] {strides = array<i32>} : memref<128x128xf32, #tpu.memory_space<vmem>>, vector<1x16xf32>,
        %parallel_loop3A_176 = vector.shape_cast %parallel_loop3A_175 : vector<1x16xf32> to vector<16xf32>
        %parallel_loop3A_177 = arith.index_cast %parallel_loop3A_110 : i32 to index
        %parallel_loop3A_178 = arith.constant 96 : index
        %parallel_loop3A_179 = tpu.vector_load %arg12[%parallel_loop3A_177, %parallel_loop3A_178] {strides = array<i32>} : memref<128x128xf32, #tpu.memory_space<vmem>>, vector<1x16xf32>,
        %parallel_loop3A_180 = vector.shape_cast %parallel_loop3A_179 : vector<1x16xf32> to vector<16xf32>
        %parallel_loop3A_181 = arith.addf %parallel_loop3A_172, %parallel_loop3A_176 : vector<16xf32>
        %parallel_loop3A_182 = arith.constant 0.000000e+00 : f32
        %parallel_loop3A_183 = vector.broadcast %parallel_loop3A_182 : f32 to vector<16xf32>
        %parallel_loop3A_184 = arith.subf %parallel_loop3A_183, %parallel_loop3A_181 : vector<16xf32>
        %parallel_loop3A_185 = math.exp %parallel_loop3A_184 : vector<16xf32>
        %parallel_loop3A_186 = arith.constant 1.000000e+00 : f32
        %parallel_loop3A_187 = vector.broadcast %parallel_loop3A_186 : f32 to vector<16xf32>
        %parallel_loop3A_188 = arith.addf %parallel_loop3A_187, %parallel_loop3A_185 : vector<16xf32>
        %parallel_loop3A_189 = arith.constant 1.000000e+00 : f32
        %parallel_loop3A_190 = vector.broadcast %parallel_loop3A_189 : f32 to vector<16xf32>
        %parallel_loop3A_191 = arith.divf %parallel_loop3A_190, %parallel_loop3A_188 : vector<16xf32>
        %parallel_loop3A_192 = arith.mulf %parallel_loop3A_191, %parallel_loop3A_180 : vector<16xf32>
        %parallel_loop3A_193 = arith.index_cast %parallel_loop3A_110 : i32 to index
        %parallel_loop3A_194 = arith.constant 32 : index
        %parallel_loop3A_195 = tpu.vector_load %arg13[%parallel_loop3A_193, %parallel_loop3A_194] {strides = array<i32>} : memref<128x64xf32, #tpu.memory_space<vmem>>, vector<1x16xf32>,
        %parallel_loop3A_196 = vector.shape_cast %parallel_loop3A_195 : vector<1x16xf32> to vector<16xf32>
        %parallel_loop3A_197 = vector.shape_cast %parallel_loop3A_192 : vector<16xf32> to vector<1x16xf32>
        tpu.vector_store %arg13[%parallel_loop3A_193, %parallel_loop3A_194], %parallel_loop3A_197 {strides = array<i32>} : memref<128x64xf32, #tpu.memory_space<vmem>>, vector<1x16xf32>,
        %parallel_loop3A_198 = arith.index_cast %parallel_loop3A_110 : i32 to index
        %parallel_loop3A_199 = arith.constant 48 : index
        %parallel_loop3A_200 = tpu.vector_load %arg10[%parallel_loop3A_198, %parallel_loop3A_199] {strides = array<i32>} : memref<128x64xf32, #tpu.memory_space<vmem>>, vector<1x16xf32>,
        %parallel_loop3A_201 = vector.shape_cast %parallel_loop3A_200 : vector<1x16xf32> to vector<16xf32>
        %parallel_loop3A_202 = arith.index_cast %parallel_loop3A_110 : i32 to index
        %parallel_loop3A_203 = arith.constant 48 : index
        %parallel_loop3A_204 = tpu.vector_load %arg12[%parallel_loop3A_202, %parallel_loop3A_203] {strides = array<i32>} : memref<128x128xf32, #tpu.memory_space<vmem>>, vector<1x16xf32>,
        %parallel_loop3A_205 = vector.shape_cast %parallel_loop3A_204 : vector<1x16xf32> to vector<16xf32>
        %parallel_loop3A_206 = arith.index_cast %parallel_loop3A_110 : i32 to index
        %parallel_loop3A_207 = arith.constant 112 : index
        %parallel_loop3A_208 = tpu.vector_load %arg12[%parallel_loop3A_206, %parallel_loop3A_207] {strides = array<i32>} : memref<128x128xf32, #tpu.memory_space<vmem>>, vector<1x16xf32>,
        %parallel_loop3A_209 = vector.shape_cast %parallel_loop3A_208 : vector<1x16xf32> to vector<16xf32>
        %parallel_loop3A_210 = arith.addf %parallel_loop3A_201, %parallel_loop3A_205 : vector<16xf32>
        %parallel_loop3A_211 = arith.constant 0.000000e+00 : f32
        %parallel_loop3A_212 = vector.broadcast %parallel_loop3A_211 : f32 to vector<16xf32>
        %parallel_loop3A_213 = arith.subf %parallel_loop3A_212, %parallel_loop3A_210 : vector<16xf32>
        %parallel_loop3A_214 = math.exp %parallel_loop3A_213 : vector<16xf32>
        %parallel_loop3A_215 = arith.constant 1.000000e+00 : f32
        %parallel_loop3A_216 = vector.broadcast %parallel_loop3A_215 : f32 to vector<16xf32>
        %parallel_loop3A_217 = arith.addf %parallel_loop3A_216, %parallel_loop3A_214 : vector<16xf32>
        %parallel_loop3A_218 = arith.constant 1.000000e+00 : f32
        %parallel_loop3A_219 = vector.broadcast %parallel_loop3A_218 : f32 to vector<16xf32>
        %parallel_loop3A_220 = arith.divf %parallel_loop3A_219, %parallel_loop3A_217 : vector<16xf32>
        %parallel_loop3A_221 = arith.mulf %parallel_loop3A_220, %parallel_loop3A_209 : vector<16xf32>
        %parallel_loop3A_222 = arith.index_cast %parallel_loop3A_110 : i32 to index
        %parallel_loop3A_223 = arith.constant 48 : index
        %parallel_loop3A_224 = tpu.vector_load %arg13[%parallel_loop3A_222, %parallel_loop3A_223] {strides = array<i32>} : memref<128x64xf32, #tpu.memory_space<vmem>>, vector<1x16xf32>,
        %parallel_loop3A_225 = vector.shape_cast %parallel_loop3A_224 : vector<1x16xf32> to vector<16xf32>
        %parallel_loop3A_226 = vector.shape_cast %parallel_loop3A_221 : vector<16xf32> to vector<1x16xf32>
        tpu.vector_store %arg13[%parallel_loop3A_222, %parallel_loop3A_223], %parallel_loop3A_226 {strides = array<i32>} : memref<128x64xf32, #tpu.memory_space<vmem>>, vector<1x16xf32>,
      } {sc.loop_unroll_factor = 8 : i64, sc.parallel_access}
      "tpu.region"() ({
        %run_scoped3A = tpu.sem_alloc : memref<!tpu.dma_semaphore, #tpu.memory_space<semaphore_mem>>
        %dma_start3A_110 = arith.constant 0 : i32
        %dma_start3A_111 = tpu.memref_slice %arg8[%add3A_87, %dma_start3A_110] : memref<78x128xi32, #tpu.memory_space<vmem>> -> memref<1x128xi32, #tpu.memory_space<vmem>>
        %dma_start3A_112 = tpu.memref_squeeze %dma_start3A_111 : memref<1x128xi32, #tpu.memory_space<vmem>> -> memref<128xi32, #tpu.memory_space<vmem>>
        %dma_start3A_113 = arith.constant 0 : i32
        %dma_start3A_114 = arith.constant 0 : i32
        %dma_start3A_115 = tpu.memref_slice %arg15[%dma_start3A_113, %dma_start3A_114] : memref<10240x64xf32, #tpu.memory_space<vmem_shared>> -> memref<10240x64xf32, #tpu.memory_space<vmem_shared>>
        tpu.enqueue_indirect_dma source(%arg13 : memref<128x64xf32, #tpu.memory_space<vmem>>) target(%dma_start3A_115 : memref<10240x64xf32, #tpu.memory_space<vmem_shared>>) offsets(%dma_start3A_112 : memref<128xi32, #tpu.memory_space<vmem>>) semaphore(%run_scoped3A : memref<!tpu.dma_semaphore, #tpu.memory_space<semaphore_mem>>) {add = true}
        %dma_wait3A_116 = arith.constant 0 : i32
        %dma_wait3A_117 = tpu.memref_slice %arg8[%add3A_87, %dma_wait3A_116] : memref<78x128xi32, #tpu.memory_space<vmem>> -> memref<1x128xi32, #tpu.memory_space<vmem>>
        %dma_wait3A_118 = tpu.memref_squeeze %dma_wait3A_117 : memref<1x128xi32, #tpu.memory_space<vmem>> -> memref<128xi32, #tpu.memory_space<vmem>>
        %dma_wait3A_119 = arith.constant 0 : i32
        %dma_wait3A_120 = arith.constant 0 : i32
        %dma_wait3A_121 = tpu.memref_slice %arg15[%dma_wait3A_119, %dma_wait3A_120] : memref<10240x64xf32, #tpu.memory_space<vmem_shared>> -> memref<10240x64xf32, #tpu.memory_space<vmem_shared>>
        tpu.wait_indirect_dma semaphore(%run_scoped3A : memref<!tpu.dma_semaphore, #tpu.memory_space<semaphore_mem>>) src(%arg13 : memref<128x64xf32, #tpu.memory_space<vmem>>) dst(%dma_wait3A_121 : memref<10240x64xf32, #tpu.memory_space<vmem_shared>>)
        tpu.yield
      }) : () -> ()
    }
    %scan3A_48 = arith.constant 39 : i32
    %lt3A = arith.constant 4 : i32
    %lt3A_49 = arith.cmpi slt, %add3A, %lt3A : i32
    %convert_element_type3A = arith.extui %lt3A_49 : i1 to i32
    %cond3A = arith.constant 0 : i32
    %cond3A_50 = arith.cmpi ne, %convert_element_type3A, %cond3A : i32
    scf.if %cond3A_50 {
      %add3A_59 = arith.constant 2496 : i32
      %add3A_60 = arith.addi %add3A_59, %add3A : i32
      "tpu.region"() ({
        %run_scoped3A_92 = tpu.sem_alloc : memref<!tpu.dma_semaphore, #tpu.memory_space<semaphore_mem>>
        %dma_start3A_93 = arith.constant 0 : i32
        %dma_start3A_94 = arith.constant 0 : i32
        %dma_start3A_95 = tpu.memref_slice %arg7[%dma_start3A_93, %dma_start3A_94] : memref<78x128xi32, #tpu.memory_space<vmem>> -> memref<1x128xi32, #tpu.memory_space<vmem>>
        %dma_start3A_96 = arith.constant 0 : i32
        %dma_start3A_97 = tpu.memref_slice %arg4[%add3A_60, %dma_start3A_96] : memref<2500x128xi32, #tpu.memory_space<hbm>> -> memref<1x128xi32, #tpu.memory_space<hbm>>
        %dma_start3A_98 = arith.constant 0 : i32
        %dma_start3A_99 = arith.constant 0 : i32
        %dma_start3A_100 = tpu.memref_slice %arg7[%dma_start3A_98, %dma_start3A_99] : memref<78x128xi32, #tpu.memory_space<vmem>> -> memref<1x128xi32, #tpu.memory_space<vmem>>
        %dma_start3A_101 = arith.constant 0 : i32
        %dma_start3A_102 = tpu.memref_slice %arg4[%add3A_60, %dma_start3A_101] : memref<2500x128xi32, #tpu.memory_space<hbm>> -> memref<1x128xi32, #tpu.memory_space<hbm>>
        tpu.enqueue_dma source(%dma_start3A_102 : memref<1x128xi32, #tpu.memory_space<hbm>>) target(%dma_start3A_100 : memref<1x128xi32, #tpu.memory_space<vmem>>) target_semaphore(%run_scoped3A_92 : memref<!tpu.dma_semaphore, #tpu.memory_space<semaphore_mem>>)
        %dma_wait3A_103 = arith.constant 0 : i32
        %dma_wait3A_104 = arith.constant 0 : i32
        %dma_wait3A_105 = tpu.memref_slice %arg7[%dma_wait3A_103, %dma_wait3A_104] : memref<78x128xi32, #tpu.memory_space<vmem>> -> memref<1x128xi32, #tpu.memory_space<vmem>>
        %dma_wait3A_106 = arith.constant 0 : i32
        %dma_wait3A_107 = tpu.memref_slice %arg4[%add3A_60, %dma_wait3A_106] : memref<2500x128xi32, #tpu.memory_space<hbm>> -> memref<1x128xi32, #tpu.memory_space<hbm>>
        %dma_wait3A_108 = arith.constant 0 : i32
        %dma_wait3A_109 = arith.constant 0 : i32
        %dma_wait3A_110 = tpu.memref_slice %arg7[%dma_wait3A_108, %dma_wait3A_109] : memref<78x128xi32, #tpu.memory_space<vmem>> -> memref<1x128xi32, #tpu.memory_space<vmem>>
        %dma_wait3A_111 = arith.constant 0 : i32
        %dma_wait3A_112 = tpu.memref_slice %arg4[%add3A_60, %dma_wait3A_111] : memref<2500x128xi32, #tpu.memory_space<hbm>> -> memref<1x128xi32, #tpu.memory_space<hbm>>
        tpu.wait_dma2 semaphore(%run_scoped3A_92 : memref<!tpu.dma_semaphore, #tpu.memory_space<semaphore_mem>>) src(%dma_wait3A_112 : memref<1x128xi32, #tpu.memory_space<hbm>>) dst(%dma_wait3A_110 : memref<1x128xi32, #tpu.memory_space<vmem>>)
        tpu.yield
      }) : () -> ()
      %add3A_61 = arith.constant 2496 : i32
      %add3A_62 = arith.addi %add3A_61, %add3A : i32
      "tpu.region"() ({
        %run_scoped3A_92 = tpu.sem_alloc : memref<!tpu.dma_semaphore, #tpu.memory_space<semaphore_mem>>
        %dma_start3A_93 = arith.constant 0 : i32
        %dma_start3A_94 = arith.constant 0 : i32
        %dma_start3A_95 = tpu.memref_slice %arg8[%dma_start3A_93, %dma_start3A_94] : memref<78x128xi32, #tpu.memory_space<vmem>> -> memref<1x128xi32, #tpu.memory_space<vmem>>
        %dma_start3A_96 = arith.constant 0 : i32
        %dma_start3A_97 = tpu.memref_slice %arg5[%add3A_62, %dma_start3A_96] : memref<2500x128xi32, #tpu.memory_space<hbm>> -> memref<1x128xi32, #tpu.memory_space<hbm>>
        %dma_start3A_98 = arith.constant 0 : i32
        %dma_start3A_99 = arith.constant 0 : i32
        %dma_start3A_100 = tpu.memref_slice %arg8[%dma_start3A_98, %dma_start3A_99] : memref<78x128xi32, #tpu.memory_space<vmem>> -> memref<1x128xi32, #tpu.memory_space<vmem>>
        %dma_start3A_101 = arith.constant 0 : i32
        %dma_start3A_102 = tpu.memref_slice %arg5[%add3A_62, %dma_start3A_101] : memref<2500x128xi32, #tpu.memory_space<hbm>> -> memref<1x128xi32, #tpu.memory_space<hbm>>
        tpu.enqueue_dma source(%dma_start3A_102 : memref<1x128xi32, #tpu.memory_space<hbm>>) target(%dma_start3A_100 : memref<1x128xi32, #tpu.memory_space<vmem>>) target_semaphore(%run_scoped3A_92 : memref<!tpu.dma_semaphore, #tpu.memory_space<semaphore_mem>>)
        %dma_wait3A_103 = arith.constant 0 : i32
        %dma_wait3A_104 = arith.constant 0 : i32
        %dma_wait3A_105 = tpu.memref_slice %arg8[%dma_wait3A_103, %dma_wait3A_104] : memref<78x128xi32, #tpu.memory_space<vmem>> -> memref<1x128xi32, #tpu.memory_space<vmem>>
        %dma_wait3A_106 = arith.constant 0 : i32
        %dma_wait3A_107 = tpu.memref_slice %arg5[%add3A_62, %dma_wait3A_106] : memref<2500x128xi32, #tpu.memory_space<hbm>> -> memref<1x128xi32, #tpu.memory_space<hbm>>
        %dma_wait3A_108 = arith.constant 0 : i32
        %dma_wait3A_109 = arith.constant 0 : i32
        %dma_wait3A_110 = tpu.memref_slice %arg8[%dma_wait3A_108, %dma_wait3A_109] : memref<78x128xi32, #tpu.memory_space<vmem>> -> memref<1x128xi32, #tpu.memory_space<vmem>>
        %dma_wait3A_111 = arith.constant 0 : i32
        %dma_wait3A_112 = tpu.memref_slice %arg5[%add3A_62, %dma_wait3A_111] : memref<2500x128xi32, #tpu.memory_space<hbm>> -> memref<1x128xi32, #tpu.memory_space<hbm>>
        tpu.wait_dma2 semaphore(%run_scoped3A_92 : memref<!tpu.dma_semaphore, #tpu.memory_space<semaphore_mem>>) src(%dma_wait3A_112 : memref<1x128xi32, #tpu.memory_space<hbm>>) dst(%dma_wait3A_110 : memref<1x128xi32, #tpu.memory_space<vmem>>)
        tpu.yield
      }) : () -> ()
      %dma_start3A_63 = arith.constant 0 : i32
      %dma_start3A_64 = arith.constant 0 : i32
      %dma_start3A_65 = tpu.memref_slice %arg8[%dma_start3A_63, %dma_start3A_64] : memref<78x128xi32, #tpu.memory_space<vmem>> -> memref<1x128xi32, #tpu.memory_space<vmem>>
      %dma_start3A_66 = tpu.memref_squeeze %dma_start3A_65 : memref<1x128xi32, #tpu.memory_space<vmem>> -> memref<128xi32, #tpu.memory_space<vmem>>
      %dma_start3A_67 = arith.constant 0 : i32
      %dma_start3A_68 = arith.constant 0 : i32
      %dma_start3A_69 = tpu.memref_slice %arg2[%dma_start3A_67, %dma_start3A_68] : memref<10000x64xf32, #tpu.memory_space<hbm>> -> memref<10000x64xf32, #tpu.memory_space<hbm>>
      tpu.enqueue_indirect_dma source(%dma_start3A_69 : memref<10000x64xf32, #tpu.memory_space<hbm>>) target(%arg9 : memref<128x64xf32, #tpu.memory_space<vmem>>) offsets(%dma_start3A_66 : memref<128xi32, #tpu.memory_space<vmem>>) semaphore(%arg16 : memref<!tpu.dma_semaphore, #tpu.memory_space<semaphore_mem>>)
      %dma_start3A_70 = arith.constant 0 : i32
      %dma_start3A_71 = arith.constant 0 : i32
      %dma_start3A_72 = tpu.memref_slice %arg7[%dma_start3A_70, %dma_start3A_71] : memref<78x128xi32, #tpu.memory_space<vmem>> -> memref<1x128xi32, #tpu.memory_space<vmem>>
      %dma_start3A_73 = tpu.memref_squeeze %dma_start3A_72 : memref<1x128xi32, #tpu.memory_space<vmem>> -> memref<128xi32, #tpu.memory_space<vmem>>
      %dma_start3A_74 = arith.constant 0 : i32
      %dma_start3A_75 = arith.constant 0 : i32
      %dma_start3A_76 = tpu.memref_slice %arg3[%dma_start3A_74, %dma_start3A_75] : memref<10000x128xf32, #tpu.memory_space<hbm>> -> memref<10000x128xf32, #tpu.memory_space<hbm>>
      tpu.enqueue_indirect_dma source(%dma_start3A_76 : memref<10000x128xf32, #tpu.memory_space<hbm>>) target(%arg11 : memref<128x128xf32, #tpu.memory_space<vmem>>) offsets(%dma_start3A_73 : memref<128xi32, #tpu.memory_space<vmem>>) semaphore(%arg16 : memref<!tpu.dma_semaphore, #tpu.memory_space<semaphore_mem>>)
      %dma_wait3A = arith.constant 0 : i32
      %dma_wait3A_77 = arith.constant 0 : i32
      %dma_wait3A_78 = tpu.memref_slice %arg8[%dma_wait3A, %dma_wait3A_77] : memref<78x128xi32, #tpu.memory_space<vmem>> -> memref<1x128xi32, #tpu.memory_space<vmem>>
      %dma_wait3A_79 = tpu.memref_squeeze %dma_wait3A_78 : memref<1x128xi32, #tpu.memory_space<vmem>> -> memref<128xi32, #tpu.memory_space<vmem>>
      %dma_wait3A_80 = arith.constant 0 : i32
      %dma_wait3A_81 = arith.constant 0 : i32
      %dma_wait3A_82 = tpu.memref_slice %arg2[%dma_wait3A_80, %dma_wait3A_81] : memref<10000x64xf32, #tpu.memory_space<hbm>> -> memref<10000x64xf32, #tpu.memory_space<hbm>>
      tpu.wait_indirect_dma semaphore(%arg16 : memref<!tpu.dma_semaphore, #tpu.memory_space<semaphore_mem>>) src(%dma_wait3A_82 : memref<10000x64xf32, #tpu.memory_space<hbm>>) dst(%arg9 : memref<128x64xf32, #tpu.memory_space<vmem>>)
      %dma_wait3A_83 = arith.constant 0 : i32
      %dma_wait3A_84 = arith.constant 0 : i32
      %dma_wait3A_85 = tpu.memref_slice %arg7[%dma_wait3A_83, %dma_wait3A_84] : memref<78x128xi32, #tpu.memory_space<vmem>> -> memref<1x128xi32, #tpu.memory_space<vmem>>
      %dma_wait3A_86 = tpu.memref_squeeze %dma_wait3A_85 : memref<1x128xi32, #tpu.memory_space<vmem>> -> memref<128xi32, #tpu.memory_space<vmem>>
      %dma_wait3A_87 = arith.constant 0 : i32
      %dma_wait3A_88 = arith.constant 0 : i32
      %dma_wait3A_89 = tpu.memref_slice %arg3[%dma_wait3A_87, %dma_wait3A_88] : memref<10000x128xf32, #tpu.memory_space<hbm>> -> memref<10000x128xf32, #tpu.memory_space<hbm>>
      tpu.wait_indirect_dma semaphore(%arg16 : memref<!tpu.dma_semaphore, #tpu.memory_space<semaphore_mem>>) src(%dma_wait3A_89 : memref<10000x128xf32, #tpu.memory_space<hbm>>) dst(%arg11 : memref<128x128xf32, #tpu.memory_space<vmem>>)
      %parallel_loop3A = arith.constant 0 : i32
      %parallel_loop3A_90 = arith.constant 128 : i32
      %parallel_loop3A_91 = arith.constant 1 : i32
      scf.for %parallel_loop3A_92 = %parallel_loop3A to %parallel_loop3A_90 step %parallel_loop3A_91  : i32 {
        %parallel_loop3A_93 = arith.index_cast %parallel_loop3A_92 : i32 to index
        %parallel_loop3A_94 = arith.constant 0 : index
        %parallel_loop3A_95 = tpu.vector_load %arg9[%parallel_loop3A_93, %parallel_loop3A_94] {strides = array<i32>} : memref<128x64xf32, #tpu.memory_space<vmem>>, vector<1x16xf32>,
        %parallel_loop3A_96 = vector.shape_cast %parallel_loop3A_95 : vector<1x16xf32> to vector<16xf32>
        %parallel_loop3A_97 = arith.index_cast %parallel_loop3A_92 : i32 to index
        %parallel_loop3A_98 = arith.constant 0 : index
        %parallel_loop3A_99 = tpu.vector_load %arg11[%parallel_loop3A_97, %parallel_loop3A_98] {strides = array<i32>} : memref<128x128xf32, #tpu.memory_space<vmem>>, vector<1x16xf32>,
        %parallel_loop3A_100 = vector.shape_cast %parallel_loop3A_99 : vector<1x16xf32> to vector<16xf32>
        %parallel_loop3A_101 = arith.index_cast %parallel_loop3A_92 : i32 to index
        %parallel_loop3A_102 = arith.constant 64 : index
        %parallel_loop3A_103 = tpu.vector_load %arg11[%parallel_loop3A_101, %parallel_loop3A_102] {strides = array<i32>} : memref<128x128xf32, #tpu.memory_space<vmem>>, vector<1x16xf32>,
        %parallel_loop3A_104 = vector.shape_cast %parallel_loop3A_103 : vector<1x16xf32> to vector<16xf32>
        %parallel_loop3A_105 = arith.addf %parallel_loop3A_96, %parallel_loop3A_100 : vector<16xf32>
        %parallel_loop3A_106 = arith.constant 0.000000e+00 : f32
        %parallel_loop3A_107 = vector.broadcast %parallel_loop3A_106 : f32 to vector<16xf32>
        %parallel_loop3A_108 = arith.subf %parallel_loop3A_107, %parallel_loop3A_105 : vector<16xf32>
        %parallel_loop3A_109 = math.exp %parallel_loop3A_108 : vector<16xf32>
        %parallel_loop3A_110 = arith.constant 1.000000e+00 : f32
        %parallel_loop3A_111 = vector.broadcast %parallel_loop3A_110 : f32 to vector<16xf32>
        %parallel_loop3A_112 = arith.addf %parallel_loop3A_111, %parallel_loop3A_109 : vector<16xf32>
        %parallel_loop3A_113 = arith.constant 1.000000e+00 : f32
        %parallel_loop3A_114 = vector.broadcast %parallel_loop3A_113 : f32 to vector<16xf32>
        %parallel_loop3A_115 = arith.divf %parallel_loop3A_114, %parallel_loop3A_112 : vector<16xf32>
        %parallel_loop3A_116 = arith.mulf %parallel_loop3A_115, %parallel_loop3A_104 : vector<16xf32>
        %parallel_loop3A_117 = arith.index_cast %parallel_loop3A_92 : i32 to index
        %parallel_loop3A_118 = arith.constant 0 : index
        %parallel_loop3A_119 = tpu.vector_load %arg13[%parallel_loop3A_117, %parallel_loop3A_118] {strides = array<i32>} : memref<128x64xf32, #tpu.memory_space<vmem>>, vector<1x16xf32>,
        %parallel_loop3A_120 = vector.shape_cast %parallel_loop3A_119 : vector<1x16xf32> to vector<16xf32>
        %parallel_loop3A_121 = vector.shape_cast %parallel_loop3A_116 : vector<16xf32> to vector<1x16xf32>
        tpu.vector_store %arg13[%parallel_loop3A_117, %parallel_loop3A_118], %parallel_loop3A_121 {strides = array<i32>} : memref<128x64xf32, #tpu.memory_space<vmem>>, vector<1x16xf32>,
        %parallel_loop3A_122 = arith.index_cast %parallel_loop3A_92 : i32 to index
        %parallel_loop3A_123 = arith.constant 16 : index
        %parallel_loop3A_124 = tpu.vector_load %arg9[%parallel_loop3A_122, %parallel_loop3A_123] {strides = array<i32>} : memref<128x64xf32, #tpu.memory_space<vmem>>, vector<1x16xf32>,
        %parallel_loop3A_125 = vector.shape_cast %parallel_loop3A_124 : vector<1x16xf32> to vector<16xf32>
        %parallel_loop3A_126 = arith.index_cast %parallel_loop3A_92 : i32 to index
        %parallel_loop3A_127 = arith.constant 16 : index
        %parallel_loop3A_128 = tpu.vector_load %arg11[%parallel_loop3A_126, %parallel_loop3A_127] {strides = array<i32>} : memref<128x128xf32, #tpu.memory_space<vmem>>, vector<1x16xf32>,
        %parallel_loop3A_129 = vector.shape_cast %parallel_loop3A_128 : vector<1x16xf32> to vector<16xf32>
        %parallel_loop3A_130 = arith.index_cast %parallel_loop3A_92 : i32 to index
        %parallel_loop3A_131 = arith.constant 80 : index
        %parallel_loop3A_132 = tpu.vector_load %arg11[%parallel_loop3A_130, %parallel_loop3A_131] {strides = array<i32>} : memref<128x128xf32, #tpu.memory_space<vmem>>, vector<1x16xf32>,
        %parallel_loop3A_133 = vector.shape_cast %parallel_loop3A_132 : vector<1x16xf32> to vector<16xf32>
        %parallel_loop3A_134 = arith.addf %parallel_loop3A_125, %parallel_loop3A_129 : vector<16xf32>
        %parallel_loop3A_135 = arith.constant 0.000000e+00 : f32
        %parallel_loop3A_136 = vector.broadcast %parallel_loop3A_135 : f32 to vector<16xf32>
        %parallel_loop3A_137 = arith.subf %parallel_loop3A_136, %parallel_loop3A_134 : vector<16xf32>
        %parallel_loop3A_138 = math.exp %parallel_loop3A_137 : vector<16xf32>
        %parallel_loop3A_139 = arith.constant 1.000000e+00 : f32
        %parallel_loop3A_140 = vector.broadcast %parallel_loop3A_139 : f32 to vector<16xf32>
        %parallel_loop3A_141 = arith.addf %parallel_loop3A_140, %parallel_loop3A_138 : vector<16xf32>
        %parallel_loop3A_142 = arith.constant 1.000000e+00 : f32
        %parallel_loop3A_143 = vector.broadcast %parallel_loop3A_142 : f32 to vector<16xf32>
        %parallel_loop3A_144 = arith.divf %parallel_loop3A_143, %parallel_loop3A_141 : vector<16xf32>
        %parallel_loop3A_145 = arith.mulf %parallel_loop3A_144, %parallel_loop3A_133 : vector<16xf32>
        %parallel_loop3A_146 = arith.index_cast %parallel_loop3A_92 : i32 to index
        %parallel_loop3A_147 = arith.constant 16 : index
        %parallel_loop3A_148 = tpu.vector_load %arg13[%parallel_loop3A_146, %parallel_loop3A_147] {strides = array<i32>} : memref<128x64xf32, #tpu.memory_space<vmem>>, vector<1x16xf32>,
        %parallel_loop3A_149 = vector.shape_cast %parallel_loop3A_148 : vector<1x16xf32> to vector<16xf32>
        %parallel_loop3A_150 = vector.shape_cast %parallel_loop3A_145 : vector<16xf32> to vector<1x16xf32>
        tpu.vector_store %arg13[%parallel_loop3A_146, %parallel_loop3A_147], %parallel_loop3A_150 {strides = array<i32>} : memref<128x64xf32, #tpu.memory_space<vmem>>, vector<1x16xf32>,
        %parallel_loop3A_151 = arith.index_cast %parallel_loop3A_92 : i32 to index
        %parallel_loop3A_152 = arith.constant 32 : index
        %parallel_loop3A_153 = tpu.vector_load %arg9[%parallel_loop3A_151, %parallel_loop3A_152] {strides = array<i32>} : memref<128x64xf32, #tpu.memory_space<vmem>>, vector<1x16xf32>,
        %parallel_loop3A_154 = vector.shape_cast %parallel_loop3A_153 : vector<1x16xf32> to vector<16xf32>
        %parallel_loop3A_155 = arith.index_cast %parallel_loop3A_92 : i32 to index
        %parallel_loop3A_156 = arith.constant 32 : index
        %parallel_loop3A_157 = tpu.vector_load %arg11[%parallel_loop3A_155, %parallel_loop3A_156] {strides = array<i32>} : memref<128x128xf32, #tpu.memory_space<vmem>>, vector<1x16xf32>,
        %parallel_loop3A_158 = vector.shape_cast %parallel_loop3A_157 : vector<1x16xf32> to vector<16xf32>
        %parallel_loop3A_159 = arith.index_cast %parallel_loop3A_92 : i32 to index
        %parallel_loop3A_160 = arith.constant 96 : index
        %parallel_loop3A_161 = tpu.vector_load %arg11[%parallel_loop3A_159, %parallel_loop3A_160] {strides = array<i32>} : memref<128x128xf32, #tpu.memory_space<vmem>>, vector<1x16xf32>,
        %parallel_loop3A_162 = vector.shape_cast %parallel_loop3A_161 : vector<1x16xf32> to vector<16xf32>
        %parallel_loop3A_163 = arith.addf %parallel_loop3A_154, %parallel_loop3A_158 : vector<16xf32>
        %parallel_loop3A_164 = arith.constant 0.000000e+00 : f32
        %parallel_loop3A_165 = vector.broadcast %parallel_loop3A_164 : f32 to vector<16xf32>
        %parallel_loop3A_166 = arith.subf %parallel_loop3A_165, %parallel_loop3A_163 : vector<16xf32>
        %parallel_loop3A_167 = math.exp %parallel_loop3A_166 : vector<16xf32>
        %parallel_loop3A_168 = arith.constant 1.000000e+00 : f32
        %parallel_loop3A_169 = vector.broadcast %parallel_loop3A_168 : f32 to vector<16xf32>
        %parallel_loop3A_170 = arith.addf %parallel_loop3A_169, %parallel_loop3A_167 : vector<16xf32>
        %parallel_loop3A_171 = arith.constant 1.000000e+00 : f32
        %parallel_loop3A_172 = vector.broadcast %parallel_loop3A_171 : f32 to vector<16xf32>
        %parallel_loop3A_173 = arith.divf %parallel_loop3A_172, %parallel_loop3A_170 : vector<16xf32>
        %parallel_loop3A_174 = arith.mulf %parallel_loop3A_173, %parallel_loop3A_162 : vector<16xf32>
        %parallel_loop3A_175 = arith.index_cast %parallel_loop3A_92 : i32 to index
        %parallel_loop3A_176 = arith.constant 32 : index
        %parallel_loop3A_177 = tpu.vector_load %arg13[%parallel_loop3A_175, %parallel_loop3A_176] {strides = array<i32>} : memref<128x64xf32, #tpu.memory_space<vmem>>, vector<1x16xf32>,
        %parallel_loop3A_178 = vector.shape_cast %parallel_loop3A_177 : vector<1x16xf32> to vector<16xf32>
        %parallel_loop3A_179 = vector.shape_cast %parallel_loop3A_174 : vector<16xf32> to vector<1x16xf32>
        tpu.vector_store %arg13[%parallel_loop3A_175, %parallel_loop3A_176], %parallel_loop3A_179 {strides = array<i32>} : memref<128x64xf32, #tpu.memory_space<vmem>>, vector<1x16xf32>,
        %parallel_loop3A_180 = arith.index_cast %parallel_loop3A_92 : i32 to index
        %parallel_loop3A_181 = arith.constant 48 : index
        %parallel_loop3A_182 = tpu.vector_load %arg9[%parallel_loop3A_180, %parallel_loop3A_181] {strides = array<i32>} : memref<128x64xf32, #tpu.memory_space<vmem>>, vector<1x16xf32>,
        %parallel_loop3A_183 = vector.shape_cast %parallel_loop3A_182 : vector<1x16xf32> to vector<16xf32>
        %parallel_loop3A_184 = arith.index_cast %parallel_loop3A_92 : i32 to index
        %parallel_loop3A_185 = arith.constant 48 : index
        %parallel_loop3A_186 = tpu.vector_load %arg11[%parallel_loop3A_184, %parallel_loop3A_185] {strides = array<i32>} : memref<128x128xf32, #tpu.memory_space<vmem>>, vector<1x16xf32>,
        %parallel_loop3A_187 = vector.shape_cast %parallel_loop3A_186 : vector<1x16xf32> to vector<16xf32>
        %parallel_loop3A_188 = arith.index_cast %parallel_loop3A_92 : i32 to index
        %parallel_loop3A_189 = arith.constant 112 : index
        %parallel_loop3A_190 = tpu.vector_load %arg11[%parallel_loop3A_188, %parallel_loop3A_189] {strides = array<i32>} : memref<128x128xf32, #tpu.memory_space<vmem>>, vector<1x16xf32>,
        %parallel_loop3A_191 = vector.shape_cast %parallel_loop3A_190 : vector<1x16xf32> to vector<16xf32>
        %parallel_loop3A_192 = arith.addf %parallel_loop3A_183, %parallel_loop3A_187 : vector<16xf32>
        %parallel_loop3A_193 = arith.constant 0.000000e+00 : f32
        %parallel_loop3A_194 = vector.broadcast %parallel_loop3A_193 : f32 to vector<16xf32>
        %parallel_loop3A_195 = arith.subf %parallel_loop3A_194, %parallel_loop3A_192 : vector<16xf32>
        %parallel_loop3A_196 = math.exp %parallel_loop3A_195 : vector<16xf32>
        %parallel_loop3A_197 = arith.constant 1.000000e+00 : f32
        %parallel_loop3A_198 = vector.broadcast %parallel_loop3A_197 : f32 to vector<16xf32>
        %parallel_loop3A_199 = arith.addf %parallel_loop3A_198, %parallel_loop3A_196 : vector<16xf32>
        %parallel_loop3A_200 = arith.constant 1.000000e+00 : f32
        %parallel_loop3A_201 = vector.broadcast %parallel_loop3A_200 : f32 to vector<16xf32>
        %parallel_loop3A_202 = arith.divf %parallel_loop3A_201, %parallel_loop3A_199 : vector<16xf32>
        %parallel_loop3A_203 = arith.mulf %parallel_loop3A_202, %parallel_loop3A_191 : vector<16xf32>
        %parallel_loop3A_204 = arith.index_cast %parallel_loop3A_92 : i32 to index
        %parallel_loop3A_205 = arith.constant 48 : index
        %parallel_loop3A_206 = tpu.vector_load %arg13[%parallel_loop3A_204, %parallel_loop3A_205] {strides = array<i32>} : memref<128x64xf32, #tpu.memory_space<vmem>>, vector<1x16xf32>,
        %parallel_loop3A_207 = vector.shape_cast %parallel_loop3A_206 : vector<1x16xf32> to vector<16xf32>
        %parallel_loop3A_208 = vector.shape_cast %parallel_loop3A_203 : vector<16xf32> to vector<1x16xf32>
        tpu.vector_store %arg13[%parallel_loop3A_204, %parallel_loop3A_205], %parallel_loop3A_208 {strides = array<i32>} : memref<128x64xf32, #tpu.memory_space<vmem>>, vector<1x16xf32>,
      } {sc.loop_unroll_factor = 8 : i64, sc.parallel_access}
      %run_scoped3A = arith.constant 0 : i32
      "tpu.region"() ({
        %run_scoped3A_92 = tpu.sem_alloc : memref<!tpu.dma_semaphore, #tpu.memory_space<semaphore_mem>>
        %dma_start3A_93 = arith.constant 0 : i32
        %dma_start3A_94 = tpu.memref_slice %arg8[%run_scoped3A, %dma_start3A_93] : memref<78x128xi32, #tpu.memory_space<vmem>> -> memref<1x128xi32, #tpu.memory_space<vmem>>
        %dma_start3A_95 = tpu.memref_squeeze %dma_start3A_94 : memref<1x128xi32, #tpu.memory_space<vmem>> -> memref<128xi32, #tpu.memory_space<vmem>>
        %dma_start3A_96 = arith.constant 0 : i32
        %dma_start3A_97 = arith.constant 0 : i32
        %dma_start3A_98 = tpu.memref_slice %arg15[%dma_start3A_96, %dma_start3A_97] : memref<10240x64xf32, #tpu.memory_space<vmem_shared>> -> memref<10240x64xf32, #tpu.memory_space<vmem_shared>>
        tpu.enqueue_indirect_dma source(%arg13 : memref<128x64xf32, #tpu.memory_space<vmem>>) target(%dma_start3A_98 : memref<10240x64xf32, #tpu.memory_space<vmem_shared>>) offsets(%dma_start3A_95 : memref<128xi32, #tpu.memory_space<vmem>>) semaphore(%run_scoped3A_92 : memref<!tpu.dma_semaphore, #tpu.memory_space<semaphore_mem>>) {add = true}
        %dma_wait3A_99 = arith.constant 0 : i32
        %dma_wait3A_100 = tpu.memref_slice %arg8[%run_scoped3A, %dma_wait3A_99] : memref<78x128xi32, #tpu.memory_space<vmem>> -> memref<1x128xi32, #tpu.memory_space<vmem>>
        %dma_wait3A_101 = tpu.memref_squeeze %dma_wait3A_100 : memref<1x128xi32, #tpu.memory_space<vmem>> -> memref<128xi32, #tpu.memory_space<vmem>>
        %dma_wait3A_102 = arith.constant 0 : i32
        %dma_wait3A_103 = arith.constant 0 : i32
        %dma_wait3A_104 = tpu.memref_slice %arg15[%dma_wait3A_102, %dma_wait3A_103] : memref<10240x64xf32, #tpu.memory_space<vmem_shared>> -> memref<10240x64xf32, #tpu.memory_space<vmem_shared>>
        tpu.wait_indirect_dma semaphore(%run_scoped3A_92 : memref<!tpu.dma_semaphore, #tpu.memory_space<semaphore_mem>>) src(%arg13 : memref<128x64xf32, #tpu.memory_space<vmem>>) dst(%dma_wait3A_104 : memref<10240x64xf32, #tpu.memory_space<vmem_shared>>)
        tpu.yield
      }) : () -> ()
    } else {
    }
    %barrier3A_51 = arith.constant 0 : index
    tpu.barrier barrier_id(%barrier3A_51)
    %mul3A_52 = arith.constant 640 : i32
    %mul3A_53 = arith.muli %arg1, %mul3A_52 : i32
    %mul3A_54 = arith.constant 10240 : i32
    %mul3A_55 = arith.muli %arg0, %mul3A_54 : i32
    %mul3A_56 = arith.constant 640 : i32
    %mul3A_57 = arith.muli %arg1, %mul3A_56 : i32
    %add3A_58 = arith.addi %mul3A_55, %mul3A_57 : i32
    "tpu.region"() ({
      %run_scoped3A = tpu.sem_alloc : memref<!tpu.dma_semaphore, #tpu.memory_space<semaphore_mem>>
      %dma_start3A_59 = arith.constant 0 : i32
      %dma_start3A_60 = tpu.memref_slice %arg6[%add3A_58, %dma_start3A_59] : memref<20480x64xf32, #tpu.memory_space<hbm>> -> memref<640x64xf32, #tpu.memory_space<hbm>>
      %dma_start3A_61 = arith.constant 0 : i32
      %dma_start3A_62 = tpu.memref_slice %arg15[%mul3A_53, %dma_start3A_61] : memref<10240x64xf32, #tpu.memory_space<vmem_shared>> -> memref<640x64xf32, #tpu.memory_space<vmem_shared>>
      tpu.enqueue_dma source(%dma_start3A_62 : memref<640x64xf32, #tpu.memory_space<vmem_shared>>) target(%dma_start3A_60 : memref<640x64xf32, #tpu.memory_space<hbm>>) target_semaphore(%run_scoped3A : memref<!tpu.dma_semaphore, #tpu.memory_space<semaphore_mem>>)
      %dma_wait3A = arith.constant 0 : i32
      %dma_wait3A_63 = tpu.memref_slice %arg6[%add3A_58, %dma_wait3A] : memref<20480x64xf32, #tpu.memory_space<hbm>> -> memref<640x64xf32, #tpu.memory_space<hbm>>
      %dma_wait3A_64 = arith.constant 0 : i32
      %dma_wait3A_65 = tpu.memref_slice %arg15[%mul3A_53, %dma_wait3A_64] : memref<10240x64xf32, #tpu.memory_space<vmem_shared>> -> memref<640x64xf32, #tpu.memory_space<vmem_shared>>
      tpu.wait_dma2 semaphore(%run_scoped3A : memref<!tpu.dma_semaphore, #tpu.memory_space<semaphore_mem>>) src(%dma_wait3A_65 : memref<640x64xf32, #tpu.memory_space<vmem_shared>>) dst(%dma_wait3A_63 : memref<640x64xf32, #tpu.memory_space<hbm>>)
      tpu.yield
    }) : () -> ()
    return
  }
}

#map = affine_map<(d0, d1) -> (0, 0)>
module attributes {stable_mosaic.version = 14 : i64} {
  func.func @edge_kernel(%arg0: i32, %arg1: i32, %arg2: memref<10000x16xf32, #tpu.memory_space<hbm>>, %arg3: memref<10000x32xf32, #tpu.memory_space<hbm>>, %arg4: memref<2500x128xi32, #tpu.memory_space<hbm>>, %arg5: memref<2500x128xi32, #tpu.memory_space<hbm>>, %arg6: memref<20480x16xf32, #tpu.memory_space<hbm>>, %arg7: memref<78x128xi32, #tpu.memory_space<vmem>>, %arg8: memref<78x128xi32, #tpu.memory_space<vmem>>, %arg9: memref<128x16xf32, #tpu.memory_space<vmem>>, %arg10: memref<128x16xf32, #tpu.memory_space<vmem>>, %arg11: memref<128x32xf32, #tpu.memory_space<vmem>>, %arg12: memref<128x32xf32, #tpu.memory_space<vmem>>, %arg13: memref<128x16xf32, #tpu.memory_space<vmem>>, %arg14: memref<128x16xf32, #tpu.memory_space<vmem>>, %arg15: memref<10240x16xf32, #tpu.memory_space<vmem_shared>>, %arg16: memref<!tpu.dma_semaphore, #tpu.memory_space<semaphore_mem>>, %arg17: memref<!tpu.dma_semaphore, #tpu.memory_space<semaphore_mem>>) attributes {dimension_semantics = [#tpu.dimension_semantics<core_parallel>, #tpu.dimension_semantics<subcore_parallel>], iteration_bounds = array<i64: 2, 16>, scalar_prefetch = 0 : i64, scratch_operands = 11 : i64, tpu.core_type = #tpu.core_type<sc_vector_subcore>, window_params = [{transform_indices = #map}, {transform_indices = #map}, {transform_indices = #map}, {transform_indices = #map}, {transform_indices = #map}]} {
    %mul3A = arith.constant 16 : i32
    %mul3A_0 = arith.muli %arg0, %mul3A : i32
    %add3A = arith.addi %mul3A_0, %arg1 : i32
    %scan3A = arith.constant 0 : i32
    %scan3A_1 = arith.constant 0 : i32
    %scan3A_2 = arith.constant 128 : i32
    %scan3A_3 = arith.addi %scan3A_1, %scan3A_2 : i32
    %scan3A_4 = arith.constant 1 : i32
    scf.for %scan3A_59 = %scan3A_1 to %scan3A_3 step %scan3A_4  : i32 {
      %broadcast_in_dim3A = arith.constant 0.000000e+00 : f32
      %broadcast_in_dim3A_60 = vector.broadcast %broadcast_in_dim3A : f32 to vector<16xf32>
      %swap3A = arith.index_cast %scan3A_59 : i32 to index
      %swap3A_61 = arith.constant 0 : index
      %swap3A_62 = tpu.vector_load %arg14[%swap3A, %swap3A_61] {strides = array<i32>} : memref<128x16xf32, #tpu.memory_space<vmem>>, vector<1x16xf32>,
      %swap3A_63 = vector.shape_cast %swap3A_62 : vector<1x16xf32> to vector<16xf32>
      %swap3A_64 = vector.shape_cast %broadcast_in_dim3A_60 : vector<16xf32> to vector<1x16xf32>
      tpu.vector_store %arg14[%swap3A, %swap3A_61], %swap3A_64 {strides = array<i32>} : memref<128x16xf32, #tpu.memory_space<vmem>>, vector<1x16xf32>,
    }
    %scan3A_5 = arith.constant 128 : i32
    %mul3A_6 = arith.constant 640 : i32
    %mul3A_7 = arith.muli %arg1, %mul3A_6 : i32
    %add3A_8 = arith.constant 0 : i32
    %add3A_9 = arith.addi %mul3A_7, %add3A_8 : i32
    "tpu.region"() ({
      %run_scoped3A = tpu.sem_alloc : memref<!tpu.dma_semaphore, #tpu.memory_space<semaphore_mem>>
      %dma_start3A_59 = arith.constant 0 : i32
      %dma_start3A_60 = tpu.memref_slice %arg15[%add3A_9, %dma_start3A_59] : memref<10240x16xf32, #tpu.memory_space<vmem_shared>> -> memref<128x16xf32, #tpu.memory_space<vmem_shared>>
      %dma_start3A_61 = arith.constant 0 : i32
      %dma_start3A_62 = tpu.memref_slice %arg15[%add3A_9, %dma_start3A_61] : memref<10240x16xf32, #tpu.memory_space<vmem_shared>> -> memref<128x16xf32, #tpu.memory_space<vmem_shared>>
      tpu.enqueue_dma source(%arg14 : memref<128x16xf32, #tpu.memory_space<vmem>>) target(%dma_start3A_62 : memref<128x16xf32, #tpu.memory_space<vmem_shared>>) target_semaphore(%run_scoped3A : memref<!tpu.dma_semaphore, #tpu.memory_space<semaphore_mem>>)
      %dma_wait3A = arith.constant 0 : i32
      %dma_wait3A_63 = tpu.memref_slice %arg15[%add3A_9, %dma_wait3A] : memref<10240x16xf32, #tpu.memory_space<vmem_shared>> -> memref<128x16xf32, #tpu.memory_space<vmem_shared>>
      %dma_wait3A_64 = arith.constant 0 : i32
      %dma_wait3A_65 = tpu.memref_slice %arg15[%add3A_9, %dma_wait3A_64] : memref<10240x16xf32, #tpu.memory_space<vmem_shared>> -> memref<128x16xf32, #tpu.memory_space<vmem_shared>>
      tpu.wait_dma2 semaphore(%run_scoped3A : memref<!tpu.dma_semaphore, #tpu.memory_space<semaphore_mem>>) src(%arg14 : memref<128x16xf32, #tpu.memory_space<vmem>>) dst(%dma_wait3A_65 : memref<128x16xf32, #tpu.memory_space<vmem_shared>>)
      tpu.yield
    }) : () -> ()
    %mul3A_10 = arith.constant 640 : i32
    %mul3A_11 = arith.muli %arg1, %mul3A_10 : i32
    %add3A_12 = arith.constant 128 : i32
    %add3A_13 = arith.addi %mul3A_11, %add3A_12 : i32
    "tpu.region"() ({
      %run_scoped3A = tpu.sem_alloc : memref<!tpu.dma_semaphore, #tpu.memory_space<semaphore_mem>>
      %dma_start3A_59 = arith.constant 0 : i32
      %dma_start3A_60 = tpu.memref_slice %arg15[%add3A_13, %dma_start3A_59] : memref<10240x16xf32, #tpu.memory_space<vmem_shared>> -> memref<128x16xf32, #tpu.memory_space<vmem_shared>>
      %dma_start3A_61 = arith.constant 0 : i32
      %dma_start3A_62 = tpu.memref_slice %arg15[%add3A_13, %dma_start3A_61] : memref<10240x16xf32, #tpu.memory_space<vmem_shared>> -> memref<128x16xf32, #tpu.memory_space<vmem_shared>>
      tpu.enqueue_dma source(%arg14 : memref<128x16xf32, #tpu.memory_space<vmem>>) target(%dma_start3A_62 : memref<128x16xf32, #tpu.memory_space<vmem_shared>>) target_semaphore(%run_scoped3A : memref<!tpu.dma_semaphore, #tpu.memory_space<semaphore_mem>>)
      %dma_wait3A = arith.constant 0 : i32
      %dma_wait3A_63 = tpu.memref_slice %arg15[%add3A_13, %dma_wait3A] : memref<10240x16xf32, #tpu.memory_space<vmem_shared>> -> memref<128x16xf32, #tpu.memory_space<vmem_shared>>
      %dma_wait3A_64 = arith.constant 0 : i32
      %dma_wait3A_65 = tpu.memref_slice %arg15[%add3A_13, %dma_wait3A_64] : memref<10240x16xf32, #tpu.memory_space<vmem_shared>> -> memref<128x16xf32, #tpu.memory_space<vmem_shared>>
      tpu.wait_dma2 semaphore(%run_scoped3A : memref<!tpu.dma_semaphore, #tpu.memory_space<semaphore_mem>>) src(%arg14 : memref<128x16xf32, #tpu.memory_space<vmem>>) dst(%dma_wait3A_65 : memref<128x16xf32, #tpu.memory_space<vmem_shared>>)
      tpu.yield
    }) : () -> ()
    %mul3A_14 = arith.constant 640 : i32
    %mul3A_15 = arith.muli %arg1, %mul3A_14 : i32
    %add3A_16 = arith.constant 256 : i32
    %add3A_17 = arith.addi %mul3A_15, %add3A_16 : i32
    "tpu.region"() ({
      %run_scoped3A = tpu.sem_alloc : memref<!tpu.dma_semaphore, #tpu.memory_space<semaphore_mem>>
      %dma_start3A_59 = arith.constant 0 : i32
      %dma_start3A_60 = tpu.memref_slice %arg15[%add3A_17, %dma_start3A_59] : memref<10240x16xf32, #tpu.memory_space<vmem_shared>> -> memref<128x16xf32, #tpu.memory_space<vmem_shared>>
      %dma_start3A_61 = arith.constant 0 : i32
      %dma_start3A_62 = tpu.memref_slice %arg15[%add3A_17, %dma_start3A_61] : memref<10240x16xf32, #tpu.memory_space<vmem_shared>> -> memref<128x16xf32, #tpu.memory_space<vmem_shared>>
      tpu.enqueue_dma source(%arg14 : memref<128x16xf32, #tpu.memory_space<vmem>>) target(%dma_start3A_62 : memref<128x16xf32, #tpu.memory_space<vmem_shared>>) target_semaphore(%run_scoped3A : memref<!tpu.dma_semaphore, #tpu.memory_space<semaphore_mem>>)
      %dma_wait3A = arith.constant 0 : i32
      %dma_wait3A_63 = tpu.memref_slice %arg15[%add3A_17, %dma_wait3A] : memref<10240x16xf32, #tpu.memory_space<vmem_shared>> -> memref<128x16xf32, #tpu.memory_space<vmem_shared>>
      %dma_wait3A_64 = arith.constant 0 : i32
      %dma_wait3A_65 = tpu.memref_slice %arg15[%add3A_17, %dma_wait3A_64] : memref<10240x16xf32, #tpu.memory_space<vmem_shared>> -> memref<128x16xf32, #tpu.memory_space<vmem_shared>>
      tpu.wait_dma2 semaphore(%run_scoped3A : memref<!tpu.dma_semaphore, #tpu.memory_space<semaphore_mem>>) src(%arg14 : memref<128x16xf32, #tpu.memory_space<vmem>>) dst(%dma_wait3A_65 : memref<128x16xf32, #tpu.memory_space<vmem_shared>>)
      tpu.yield
    }) : () -> ()
    %mul3A_18 = arith.constant 640 : i32
    %mul3A_19 = arith.muli %arg1, %mul3A_18 : i32
    %add3A_20 = arith.constant 384 : i32
    %add3A_21 = arith.addi %mul3A_19, %add3A_20 : i32
    "tpu.region"() ({
      %run_scoped3A = tpu.sem_alloc : memref<!tpu.dma_semaphore, #tpu.memory_space<semaphore_mem>>
      %dma_start3A_59 = arith.constant 0 : i32
      %dma_start3A_60 = tpu.memref_slice %arg15[%add3A_21, %dma_start3A_59] : memref<10240x16xf32, #tpu.memory_space<vmem_shared>> -> memref<128x16xf32, #tpu.memory_space<vmem_shared>>
      %dma_start3A_61 = arith.constant 0 : i32
      %dma_start3A_62 = tpu.memref_slice %arg15[%add3A_21, %dma_start3A_61] : memref<10240x16xf32, #tpu.memory_space<vmem_shared>> -> memref<128x16xf32, #tpu.memory_space<vmem_shared>>
      tpu.enqueue_dma source(%arg14 : memref<128x16xf32, #tpu.memory_space<vmem>>) target(%dma_start3A_62 : memref<128x16xf32, #tpu.memory_space<vmem_shared>>) target_semaphore(%run_scoped3A : memref<!tpu.dma_semaphore, #tpu.memory_space<semaphore_mem>>)
      %dma_wait3A = arith.constant 0 : i32
      %dma_wait3A_63 = tpu.memref_slice %arg15[%add3A_21, %dma_wait3A] : memref<10240x16xf32, #tpu.memory_space<vmem_shared>> -> memref<128x16xf32, #tpu.memory_space<vmem_shared>>
      %dma_wait3A_64 = arith.constant 0 : i32
      %dma_wait3A_65 = tpu.memref_slice %arg15[%add3A_21, %dma_wait3A_64] : memref<10240x16xf32, #tpu.memory_space<vmem_shared>> -> memref<128x16xf32, #tpu.memory_space<vmem_shared>>
      tpu.wait_dma2 semaphore(%run_scoped3A : memref<!tpu.dma_semaphore, #tpu.memory_space<semaphore_mem>>) src(%arg14 : memref<128x16xf32, #tpu.memory_space<vmem>>) dst(%dma_wait3A_65 : memref<128x16xf32, #tpu.memory_space<vmem_shared>>)
      tpu.yield
    }) : () -> ()
    %mul3A_22 = arith.constant 640 : i32
    %mul3A_23 = arith.muli %arg1, %mul3A_22 : i32
    %add3A_24 = arith.constant 512 : i32
    %add3A_25 = arith.addi %mul3A_23, %add3A_24 : i32
    "tpu.region"() ({
      %run_scoped3A = tpu.sem_alloc : memref<!tpu.dma_semaphore, #tpu.memory_space<semaphore_mem>>
      %dma_start3A_59 = arith.constant 0 : i32
      %dma_start3A_60 = tpu.memref_slice %arg15[%add3A_25, %dma_start3A_59] : memref<10240x16xf32, #tpu.memory_space<vmem_shared>> -> memref<128x16xf32, #tpu.memory_space<vmem_shared>>
      %dma_start3A_61 = arith.constant 0 : i32
      %dma_start3A_62 = tpu.memref_slice %arg15[%add3A_25, %dma_start3A_61] : memref<10240x16xf32, #tpu.memory_space<vmem_shared>> -> memref<128x16xf32, #tpu.memory_space<vmem_shared>>
      tpu.enqueue_dma source(%arg14 : memref<128x16xf32, #tpu.memory_space<vmem>>) target(%dma_start3A_62 : memref<128x16xf32, #tpu.memory_space<vmem_shared>>) target_semaphore(%run_scoped3A : memref<!tpu.dma_semaphore, #tpu.memory_space<semaphore_mem>>)
      %dma_wait3A = arith.constant 0 : i32
      %dma_wait3A_63 = tpu.memref_slice %arg15[%add3A_25, %dma_wait3A] : memref<10240x16xf32, #tpu.memory_space<vmem_shared>> -> memref<128x16xf32, #tpu.memory_space<vmem_shared>>
      %dma_wait3A_64 = arith.constant 0 : i32
      %dma_wait3A_65 = tpu.memref_slice %arg15[%add3A_25, %dma_wait3A_64] : memref<10240x16xf32, #tpu.memory_space<vmem_shared>> -> memref<128x16xf32, #tpu.memory_space<vmem_shared>>
      tpu.wait_dma2 semaphore(%run_scoped3A : memref<!tpu.dma_semaphore, #tpu.memory_space<semaphore_mem>>) src(%arg14 : memref<128x16xf32, #tpu.memory_space<vmem>>) dst(%dma_wait3A_65 : memref<128x16xf32, #tpu.memory_space<vmem_shared>>)
      tpu.yield
    }) : () -> ()
    %barrier3A = arith.constant 0 : index
    tpu.barrier barrier_id(%barrier3A)
    %mul3A_26 = arith.constant 78 : i32
    %mul3A_27 = arith.muli %add3A, %mul3A_26 : i32
    "tpu.region"() ({
      %run_scoped3A = tpu.sem_alloc : memref<!tpu.dma_semaphore, #tpu.memory_space<semaphore_mem>>
      %dma_start3A_59 = arith.constant 0 : i32
      %dma_start3A_60 = tpu.memref_slice %arg4[%mul3A_27, %dma_start3A_59] : memref<2500x128xi32, #tpu.memory_space<hbm>> -> memref<78x128xi32, #tpu.memory_space<hbm>>
      %dma_start3A_61 = arith.constant 0 : i32
      %dma_start3A_62 = tpu.memref_slice %arg4[%mul3A_27, %dma_start3A_61] : memref<2500x128xi32, #tpu.memory_space<hbm>> -> memref<78x128xi32, #tpu.memory_space<hbm>>
      tpu.enqueue_dma source(%dma_start3A_62 : memref<78x128xi32, #tpu.memory_space<hbm>>) target(%arg7 : memref<78x128xi32, #tpu.memory_space<vmem>>) target_semaphore(%run_scoped3A : memref<!tpu.dma_semaphore, #tpu.memory_space<semaphore_mem>>)
      %dma_wait3A = arith.constant 0 : i32
      %dma_wait3A_63 = tpu.memref_slice %arg4[%mul3A_27, %dma_wait3A] : memref<2500x128xi32, #tpu.memory_space<hbm>> -> memref<78x128xi32, #tpu.memory_space<hbm>>
      %dma_wait3A_64 = arith.constant 0 : i32
      %dma_wait3A_65 = tpu.memref_slice %arg4[%mul3A_27, %dma_wait3A_64] : memref<2500x128xi32, #tpu.memory_space<hbm>> -> memref<78x128xi32, #tpu.memory_space<hbm>>
      tpu.wait_dma2 semaphore(%run_scoped3A : memref<!tpu.dma_semaphore, #tpu.memory_space<semaphore_mem>>) src(%dma_wait3A_65 : memref<78x128xi32, #tpu.memory_space<hbm>>) dst(%arg7 : memref<78x128xi32, #tpu.memory_space<vmem>>)
      tpu.yield
    }) : () -> ()
    %mul3A_28 = arith.constant 78 : i32
    %mul3A_29 = arith.muli %add3A, %mul3A_28 : i32
    "tpu.region"() ({
      %run_scoped3A = tpu.sem_alloc : memref<!tpu.dma_semaphore, #tpu.memory_space<semaphore_mem>>
      %dma_start3A_59 = arith.constant 0 : i32
      %dma_start3A_60 = tpu.memref_slice %arg5[%mul3A_29, %dma_start3A_59] : memref<2500x128xi32, #tpu.memory_space<hbm>> -> memref<78x128xi32, #tpu.memory_space<hbm>>
      %dma_start3A_61 = arith.constant 0 : i32
      %dma_start3A_62 = tpu.memref_slice %arg5[%mul3A_29, %dma_start3A_61] : memref<2500x128xi32, #tpu.memory_space<hbm>> -> memref<78x128xi32, #tpu.memory_space<hbm>>
      tpu.enqueue_dma source(%dma_start3A_62 : memref<78x128xi32, #tpu.memory_space<hbm>>) target(%arg8 : memref<78x128xi32, #tpu.memory_space<vmem>>) target_semaphore(%run_scoped3A : memref<!tpu.dma_semaphore, #tpu.memory_space<semaphore_mem>>)
      %dma_wait3A = arith.constant 0 : i32
      %dma_wait3A_63 = tpu.memref_slice %arg5[%mul3A_29, %dma_wait3A] : memref<2500x128xi32, #tpu.memory_space<hbm>> -> memref<78x128xi32, #tpu.memory_space<hbm>>
      %dma_wait3A_64 = arith.constant 0 : i32
      %dma_wait3A_65 = tpu.memref_slice %arg5[%mul3A_29, %dma_wait3A_64] : memref<2500x128xi32, #tpu.memory_space<hbm>> -> memref<78x128xi32, #tpu.memory_space<hbm>>
      tpu.wait_dma2 semaphore(%run_scoped3A : memref<!tpu.dma_semaphore, #tpu.memory_space<semaphore_mem>>) src(%dma_wait3A_65 : memref<78x128xi32, #tpu.memory_space<hbm>>) dst(%arg8 : memref<78x128xi32, #tpu.memory_space<vmem>>)
      tpu.yield
    }) : () -> ()
    %dma_start3A = arith.constant 0 : i32
    %dma_start3A_30 = arith.constant 0 : i32
    %dma_start3A_31 = tpu.memref_slice %arg8[%dma_start3A, %dma_start3A_30] : memref<78x128xi32, #tpu.memory_space<vmem>> -> memref<1x128xi32, #tpu.memory_space<vmem>>
    %dma_start3A_32 = tpu.memref_squeeze %dma_start3A_31 : memref<1x128xi32, #tpu.memory_space<vmem>> -> memref<128xi32, #tpu.memory_space<vmem>>
    %dma_start3A_33 = arith.constant 0 : i32
    %dma_start3A_34 = arith.constant 0 : i32
    %dma_start3A_35 = tpu.memref_slice %arg2[%dma_start3A_33, %dma_start3A_34] : memref<10000x16xf32, #tpu.memory_space<hbm>> -> memref<10000x16xf32, #tpu.memory_space<hbm>>
    tpu.enqueue_indirect_dma source(%dma_start3A_35 : memref<10000x16xf32, #tpu.memory_space<hbm>>) target(%arg9 : memref<128x16xf32, #tpu.memory_space<vmem>>) offsets(%dma_start3A_32 : memref<128xi32, #tpu.memory_space<vmem>>) semaphore(%arg16 : memref<!tpu.dma_semaphore, #tpu.memory_space<semaphore_mem>>)
    %dma_start3A_36 = arith.constant 0 : i32
    %dma_start3A_37 = arith.constant 0 : i32
    %dma_start3A_38 = tpu.memref_slice %arg7[%dma_start3A_36, %dma_start3A_37] : memref<78x128xi32, #tpu.memory_space<vmem>> -> memref<1x128xi32, #tpu.memory_space<vmem>>
    %dma_start3A_39 = tpu.memref_squeeze %dma_start3A_38 : memref<1x128xi32, #tpu.memory_space<vmem>> -> memref<128xi32, #tpu.memory_space<vmem>>
    %dma_start3A_40 = arith.constant 0 : i32
    %dma_start3A_41 = arith.constant 0 : i32
    %dma_start3A_42 = tpu.memref_slice %arg3[%dma_start3A_40, %dma_start3A_41] : memref<10000x32xf32, #tpu.memory_space<hbm>> -> memref<10000x32xf32, #tpu.memory_space<hbm>>
    tpu.enqueue_indirect_dma source(%dma_start3A_42 : memref<10000x32xf32, #tpu.memory_space<hbm>>) target(%arg11 : memref<128x32xf32, #tpu.memory_space<vmem>>) offsets(%dma_start3A_39 : memref<128xi32, #tpu.memory_space<vmem>>) semaphore(%arg16 : memref<!tpu.dma_semaphore, #tpu.memory_space<semaphore_mem>>)
    %scan3A_43 = arith.constant 0 : i32
    %scan3A_44 = arith.constant 0 : i32
    %scan3A_45 = arith.constant 39 : i32
    %scan3A_46 = arith.addi %scan3A_44, %scan3A_45 : i32
    %scan3A_47 = arith.constant 1 : i32
    scf.for %scan3A_59 = %scan3A_44 to %scan3A_46 step %scan3A_47  : i32 {
      %mul3A_60 = arith.constant 2 : i32
      %mul3A_61 = arith.muli %mul3A_60, %scan3A_59 : i32
      %add3A_62 = arith.constant 0 : i32
      %add3A_63 = arith.addi %mul3A_61, %add3A_62 : i32
      %add3A_64 = arith.constant 1 : i32
      %add3A_65 = arith.addi %add3A_63, %add3A_64 : i32
      %lt3A_66 = arith.constant 78 : i32
      %lt3A_67 = arith.cmpi slt, %add3A_65, %lt3A_66 : i32
      %convert_element_type3A_68 = arith.extui %lt3A_67 : i1 to i32
      %cond3A_69 = arith.constant 0 : i32
      %cond3A_70 = arith.cmpi ne, %convert_element_type3A_68, %cond3A_69 : i32
      scf.if %cond3A_70 {
        %add3A_110 = arith.constant 1 : i32
        %add3A_111 = arith.addi %add3A_63, %add3A_110 : i32
        %dma_start3A_112 = arith.constant 0 : i32
        %dma_start3A_113 = tpu.memref_slice %arg8[%add3A_111, %dma_start3A_112] : memref<78x128xi32, #tpu.memory_space<vmem>> -> memref<1x128xi32, #tpu.memory_space<vmem>>
        %dma_start3A_114 = tpu.memref_squeeze %dma_start3A_113 : memref<1x128xi32, #tpu.memory_space<vmem>> -> memref<128xi32, #tpu.memory_space<vmem>>
        %dma_start3A_115 = arith.constant 0 : i32
        %dma_start3A_116 = arith.constant 0 : i32
        %dma_start3A_117 = tpu.memref_slice %arg2[%dma_start3A_115, %dma_start3A_116] : memref<10000x16xf32, #tpu.memory_space<hbm>> -> memref<10000x16xf32, #tpu.memory_space<hbm>>
        tpu.enqueue_indirect_dma source(%dma_start3A_117 : memref<10000x16xf32, #tpu.memory_space<hbm>>) target(%arg10 : memref<128x16xf32, #tpu.memory_space<vmem>>) offsets(%dma_start3A_114 : memref<128xi32, #tpu.memory_space<vmem>>) semaphore(%arg17 : memref<!tpu.dma_semaphore, #tpu.memory_space<semaphore_mem>>)
        %dma_start3A_118 = arith.constant 0 : i32
        %dma_start3A_119 = tpu.memref_slice %arg7[%add3A_111, %dma_start3A_118] : memref<78x128xi32, #tpu.memory_space<vmem>> -> memref<1x128xi32, #tpu.memory_space<vmem>>
        %dma_start3A_120 = tpu.memref_squeeze %dma_start3A_119 : memref<1x128xi32, #tpu.memory_space<vmem>> -> memref<128xi32, #tpu.memory_space<vmem>>
        %dma_start3A_121 = arith.constant 0 : i32
        %dma_start3A_122 = arith.constant 0 : i32
        %dma_start3A_123 = tpu.memref_slice %arg3[%dma_start3A_121, %dma_start3A_122] : memref<10000x32xf32, #tpu.memory_space<hbm>> -> memref<10000x32xf32, #tpu.memory_space<hbm>>
        tpu.enqueue_indirect_dma source(%dma_start3A_123 : memref<10000x32xf32, #tpu.memory_space<hbm>>) target(%arg12 : memref<128x32xf32, #tpu.memory_space<vmem>>) offsets(%dma_start3A_120 : memref<128xi32, #tpu.memory_space<vmem>>) semaphore(%arg17 : memref<!tpu.dma_semaphore, #tpu.memory_space<semaphore_mem>>)
      } else {
      }
      %dma_wait3A = arith.constant 0 : i32
      %dma_wait3A_71 = tpu.memref_slice %arg8[%add3A_63, %dma_wait3A] : memref<78x128xi32, #tpu.memory_space<vmem>> -> memref<1x128xi32, #tpu.memory_space<vmem>>
      %dma_wait3A_72 = tpu.memref_squeeze %dma_wait3A_71 : memref<1x128xi32, #tpu.memory_space<vmem>> -> memref<128xi32, #tpu.memory_space<vmem>>
      %dma_wait3A_73 = arith.constant 0 : i32
      %dma_wait3A_74 = arith.constant 0 : i32
      %dma_wait3A_75 = tpu.memref_slice %arg2[%dma_wait3A_73, %dma_wait3A_74] : memref<10000x16xf32, #tpu.memory_space<hbm>> -> memref<10000x16xf32, #tpu.memory_space<hbm>>
      tpu.wait_indirect_dma semaphore(%arg16 : memref<!tpu.dma_semaphore, #tpu.memory_space<semaphore_mem>>) src(%dma_wait3A_75 : memref<10000x16xf32, #tpu.memory_space<hbm>>) dst(%arg9 : memref<128x16xf32, #tpu.memory_space<vmem>>)
      %dma_wait3A_76 = arith.constant 0 : i32
      %dma_wait3A_77 = tpu.memref_slice %arg7[%add3A_63, %dma_wait3A_76] : memref<78x128xi32, #tpu.memory_space<vmem>> -> memref<1x128xi32, #tpu.memory_space<vmem>>
      %dma_wait3A_78 = tpu.memref_squeeze %dma_wait3A_77 : memref<1x128xi32, #tpu.memory_space<vmem>> -> memref<128xi32, #tpu.memory_space<vmem>>
      %dma_wait3A_79 = arith.constant 0 : i32
      %dma_wait3A_80 = arith.constant 0 : i32
      %dma_wait3A_81 = tpu.memref_slice %arg3[%dma_wait3A_79, %dma_wait3A_80] : memref<10000x32xf32, #tpu.memory_space<hbm>> -> memref<10000x32xf32, #tpu.memory_space<hbm>>
      tpu.wait_indirect_dma semaphore(%arg16 : memref<!tpu.dma_semaphore, #tpu.memory_space<semaphore_mem>>) src(%dma_wait3A_81 : memref<10000x32xf32, #tpu.memory_space<hbm>>) dst(%arg11 : memref<128x32xf32, #tpu.memory_space<vmem>>)
      %parallel_loop3A = arith.constant 0 : i32
      %parallel_loop3A_82 = arith.constant 128 : i32
      %parallel_loop3A_83 = arith.constant 1 : i32
      scf.for %parallel_loop3A_110 = %parallel_loop3A to %parallel_loop3A_82 step %parallel_loop3A_83  : i32 {
        %parallel_loop3A_111 = arith.index_cast %parallel_loop3A_110 : i32 to index
        %parallel_loop3A_112 = arith.constant 0 : index
        %parallel_loop3A_113 = tpu.vector_load %arg9[%parallel_loop3A_111, %parallel_loop3A_112] {strides = array<i32>} : memref<128x16xf32, #tpu.memory_space<vmem>>, vector<1x16xf32>,
        %parallel_loop3A_114 = vector.shape_cast %parallel_loop3A_113 : vector<1x16xf32> to vector<16xf32>
        %parallel_loop3A_115 = arith.index_cast %parallel_loop3A_110 : i32 to index
        %parallel_loop3A_116 = arith.constant 0 : index
        %parallel_loop3A_117 = tpu.vector_load %arg11[%parallel_loop3A_115, %parallel_loop3A_116] {strides = array<i32>} : memref<128x32xf32, #tpu.memory_space<vmem>>, vector<1x16xf32>,
        %parallel_loop3A_118 = vector.shape_cast %parallel_loop3A_117 : vector<1x16xf32> to vector<16xf32>
        %parallel_loop3A_119 = arith.index_cast %parallel_loop3A_110 : i32 to index
        %parallel_loop3A_120 = arith.constant 16 : index
        %parallel_loop3A_121 = tpu.vector_load %arg11[%parallel_loop3A_119, %parallel_loop3A_120] {strides = array<i32>} : memref<128x32xf32, #tpu.memory_space<vmem>>, vector<1x16xf32>,
        %parallel_loop3A_122 = vector.shape_cast %parallel_loop3A_121 : vector<1x16xf32> to vector<16xf32>
        %parallel_loop3A_123 = arith.addf %parallel_loop3A_114, %parallel_loop3A_118 : vector<16xf32>
        %parallel_loop3A_124 = arith.constant 0.000000e+00 : f32
        %parallel_loop3A_125 = vector.broadcast %parallel_loop3A_124 : f32 to vector<16xf32>
        %parallel_loop3A_126 = arith.subf %parallel_loop3A_125, %parallel_loop3A_123 : vector<16xf32>
        %parallel_loop3A_127 = math.exp %parallel_loop3A_126 : vector<16xf32>
        %parallel_loop3A_128 = arith.constant 1.000000e+00 : f32
        %parallel_loop3A_129 = vector.broadcast %parallel_loop3A_128 : f32 to vector<16xf32>
        %parallel_loop3A_130 = arith.addf %parallel_loop3A_129, %parallel_loop3A_127 : vector<16xf32>
        %parallel_loop3A_131 = arith.constant 1.000000e+00 : f32
        %parallel_loop3A_132 = vector.broadcast %parallel_loop3A_131 : f32 to vector<16xf32>
        %parallel_loop3A_133 = arith.divf %parallel_loop3A_132, %parallel_loop3A_130 : vector<16xf32>
        %parallel_loop3A_134 = arith.mulf %parallel_loop3A_133, %parallel_loop3A_122 : vector<16xf32>
        %parallel_loop3A_135 = arith.index_cast %parallel_loop3A_110 : i32 to index
        %parallel_loop3A_136 = arith.constant 0 : index
        %parallel_loop3A_137 = tpu.vector_load %arg13[%parallel_loop3A_135, %parallel_loop3A_136] {strides = array<i32>} : memref<128x16xf32, #tpu.memory_space<vmem>>, vector<1x16xf32>,
        %parallel_loop3A_138 = vector.shape_cast %parallel_loop3A_137 : vector<1x16xf32> to vector<16xf32>
        %parallel_loop3A_139 = vector.shape_cast %parallel_loop3A_134 : vector<16xf32> to vector<1x16xf32>
        tpu.vector_store %arg13[%parallel_loop3A_135, %parallel_loop3A_136], %parallel_loop3A_139 {strides = array<i32>} : memref<128x16xf32, #tpu.memory_space<vmem>>, vector<1x16xf32>,
      } {sc.loop_unroll_factor = 8 : i64, sc.parallel_access}
      "tpu.region"() ({
        %run_scoped3A = tpu.sem_alloc : memref<!tpu.dma_semaphore, #tpu.memory_space<semaphore_mem>>
        %dma_start3A_110 = arith.constant 0 : i32
        %dma_start3A_111 = tpu.memref_slice %arg8[%add3A_63, %dma_start3A_110] : memref<78x128xi32, #tpu.memory_space<vmem>> -> memref<1x128xi32, #tpu.memory_space<vmem>>
        %dma_start3A_112 = tpu.memref_squeeze %dma_start3A_111 : memref<1x128xi32, #tpu.memory_space<vmem>> -> memref<128xi32, #tpu.memory_space<vmem>>
        %dma_start3A_113 = arith.constant 0 : i32
        %dma_start3A_114 = arith.constant 0 : i32
        %dma_start3A_115 = tpu.memref_slice %arg15[%dma_start3A_113, %dma_start3A_114] : memref<10240x16xf32, #tpu.memory_space<vmem_shared>> -> memref<10240x16xf32, #tpu.memory_space<vmem_shared>>
        tpu.enqueue_indirect_dma source(%arg13 : memref<128x16xf32, #tpu.memory_space<vmem>>) target(%dma_start3A_115 : memref<10240x16xf32, #tpu.memory_space<vmem_shared>>) offsets(%dma_start3A_112 : memref<128xi32, #tpu.memory_space<vmem>>) semaphore(%run_scoped3A : memref<!tpu.dma_semaphore, #tpu.memory_space<semaphore_mem>>) {add = true}
        %dma_wait3A_116 = arith.constant 0 : i32
        %dma_wait3A_117 = tpu.memref_slice %arg8[%add3A_63, %dma_wait3A_116] : memref<78x128xi32, #tpu.memory_space<vmem>> -> memref<1x128xi32, #tpu.memory_space<vmem>>
        %dma_wait3A_118 = tpu.memref_squeeze %dma_wait3A_117 : memref<1x128xi32, #tpu.memory_space<vmem>> -> memref<128xi32, #tpu.memory_space<vmem>>
        %dma_wait3A_119 = arith.constant 0 : i32
        %dma_wait3A_120 = arith.constant 0 : i32
        %dma_wait3A_121 = tpu.memref_slice %arg15[%dma_wait3A_119, %dma_wait3A_120] : memref<10240x16xf32, #tpu.memory_space<vmem_shared>> -> memref<10240x16xf32, #tpu.memory_space<vmem_shared>>
        tpu.wait_indirect_dma semaphore(%run_scoped3A : memref<!tpu.dma_semaphore, #tpu.memory_space<semaphore_mem>>) src(%arg13 : memref<128x16xf32, #tpu.memory_space<vmem>>) dst(%dma_wait3A_121 : memref<10240x16xf32, #tpu.memory_space<vmem_shared>>)
        tpu.yield
      }) : () -> ()
      %mul3A_84 = arith.constant 2 : i32
      %mul3A_85 = arith.muli %mul3A_84, %scan3A_59 : i32
      %add3A_86 = arith.constant 1 : i32
      %add3A_87 = arith.addi %mul3A_85, %add3A_86 : i32
      %add3A_88 = arith.constant 1 : i32
      %add3A_89 = arith.addi %add3A_87, %add3A_88 : i32
      %lt3A_90 = arith.constant 78 : i32
      %lt3A_91 = arith.cmpi slt, %add3A_89, %lt3A_90 : i32
      %convert_element_type3A_92 = arith.extui %lt3A_91 : i1 to i32
      %cond3A_93 = arith.constant 0 : i32
      %cond3A_94 = arith.cmpi ne, %convert_element_type3A_92, %cond3A_93 : i32
      scf.if %cond3A_94 {
        %add3A_110 = arith.constant 1 : i32
        %add3A_111 = arith.addi %add3A_87, %add3A_110 : i32
        %dma_start3A_112 = arith.constant 0 : i32
        %dma_start3A_113 = tpu.memref_slice %arg8[%add3A_111, %dma_start3A_112] : memref<78x128xi32, #tpu.memory_space<vmem>> -> memref<1x128xi32, #tpu.memory_space<vmem>>
        %dma_start3A_114 = tpu.memref_squeeze %dma_start3A_113 : memref<1x128xi32, #tpu.memory_space<vmem>> -> memref<128xi32, #tpu.memory_space<vmem>>
        %dma_start3A_115 = arith.constant 0 : i32
        %dma_start3A_116 = arith.constant 0 : i32
        %dma_start3A_117 = tpu.memref_slice %arg2[%dma_start3A_115, %dma_start3A_116] : memref<10000x16xf32, #tpu.memory_space<hbm>> -> memref<10000x16xf32, #tpu.memory_space<hbm>>
        tpu.enqueue_indirect_dma source(%dma_start3A_117 : memref<10000x16xf32, #tpu.memory_space<hbm>>) target(%arg9 : memref<128x16xf32, #tpu.memory_space<vmem>>) offsets(%dma_start3A_114 : memref<128xi32, #tpu.memory_space<vmem>>) semaphore(%arg16 : memref<!tpu.dma_semaphore, #tpu.memory_space<semaphore_mem>>)
        %dma_start3A_118 = arith.constant 0 : i32
        %dma_start3A_119 = tpu.memref_slice %arg7[%add3A_111, %dma_start3A_118] : memref<78x128xi32, #tpu.memory_space<vmem>> -> memref<1x128xi32, #tpu.memory_space<vmem>>
        %dma_start3A_120 = tpu.memref_squeeze %dma_start3A_119 : memref<1x128xi32, #tpu.memory_space<vmem>> -> memref<128xi32, #tpu.memory_space<vmem>>
        %dma_start3A_121 = arith.constant 0 : i32
        %dma_start3A_122 = arith.constant 0 : i32
        %dma_start3A_123 = tpu.memref_slice %arg3[%dma_start3A_121, %dma_start3A_122] : memref<10000x32xf32, #tpu.memory_space<hbm>> -> memref<10000x32xf32, #tpu.memory_space<hbm>>
        tpu.enqueue_indirect_dma source(%dma_start3A_123 : memref<10000x32xf32, #tpu.memory_space<hbm>>) target(%arg11 : memref<128x32xf32, #tpu.memory_space<vmem>>) offsets(%dma_start3A_120 : memref<128xi32, #tpu.memory_space<vmem>>) semaphore(%arg16 : memref<!tpu.dma_semaphore, #tpu.memory_space<semaphore_mem>>)
      } else {
      }
      %dma_wait3A_95 = arith.constant 0 : i32
      %dma_wait3A_96 = tpu.memref_slice %arg8[%add3A_87, %dma_wait3A_95] : memref<78x128xi32, #tpu.memory_space<vmem>> -> memref<1x128xi32, #tpu.memory_space<vmem>>
      %dma_wait3A_97 = tpu.memref_squeeze %dma_wait3A_96 : memref<1x128xi32, #tpu.memory_space<vmem>> -> memref<128xi32, #tpu.memory_space<vmem>>
      %dma_wait3A_98 = arith.constant 0 : i32
      %dma_wait3A_99 = arith.constant 0 : i32
      %dma_wait3A_100 = tpu.memref_slice %arg2[%dma_wait3A_98, %dma_wait3A_99] : memref<10000x16xf32, #tpu.memory_space<hbm>> -> memref<10000x16xf32, #tpu.memory_space<hbm>>
      tpu.wait_indirect_dma semaphore(%arg17 : memref<!tpu.dma_semaphore, #tpu.memory_space<semaphore_mem>>) src(%dma_wait3A_100 : memref<10000x16xf32, #tpu.memory_space<hbm>>) dst(%arg10 : memref<128x16xf32, #tpu.memory_space<vmem>>)
      %dma_wait3A_101 = arith.constant 0 : i32
      %dma_wait3A_102 = tpu.memref_slice %arg7[%add3A_87, %dma_wait3A_101] : memref<78x128xi32, #tpu.memory_space<vmem>> -> memref<1x128xi32, #tpu.memory_space<vmem>>
      %dma_wait3A_103 = tpu.memref_squeeze %dma_wait3A_102 : memref<1x128xi32, #tpu.memory_space<vmem>> -> memref<128xi32, #tpu.memory_space<vmem>>
      %dma_wait3A_104 = arith.constant 0 : i32
      %dma_wait3A_105 = arith.constant 0 : i32
      %dma_wait3A_106 = tpu.memref_slice %arg3[%dma_wait3A_104, %dma_wait3A_105] : memref<10000x32xf32, #tpu.memory_space<hbm>> -> memref<10000x32xf32, #tpu.memory_space<hbm>>
      tpu.wait_indirect_dma semaphore(%arg17 : memref<!tpu.dma_semaphore, #tpu.memory_space<semaphore_mem>>) src(%dma_wait3A_106 : memref<10000x32xf32, #tpu.memory_space<hbm>>) dst(%arg12 : memref<128x32xf32, #tpu.memory_space<vmem>>)
      %parallel_loop3A_107 = arith.constant 0 : i32
      %parallel_loop3A_108 = arith.constant 128 : i32
      %parallel_loop3A_109 = arith.constant 1 : i32
      scf.for %parallel_loop3A_110 = %parallel_loop3A_107 to %parallel_loop3A_108 step %parallel_loop3A_109  : i32 {
        %parallel_loop3A_111 = arith.index_cast %parallel_loop3A_110 : i32 to index
        %parallel_loop3A_112 = arith.constant 0 : index
        %parallel_loop3A_113 = tpu.vector_load %arg10[%parallel_loop3A_111, %parallel_loop3A_112] {strides = array<i32>} : memref<128x16xf32, #tpu.memory_space<vmem>>, vector<1x16xf32>,
        %parallel_loop3A_114 = vector.shape_cast %parallel_loop3A_113 : vector<1x16xf32> to vector<16xf32>
        %parallel_loop3A_115 = arith.index_cast %parallel_loop3A_110 : i32 to index
        %parallel_loop3A_116 = arith.constant 0 : index
        %parallel_loop3A_117 = tpu.vector_load %arg12[%parallel_loop3A_115, %parallel_loop3A_116] {strides = array<i32>} : memref<128x32xf32, #tpu.memory_space<vmem>>, vector<1x16xf32>,
        %parallel_loop3A_118 = vector.shape_cast %parallel_loop3A_117 : vector<1x16xf32> to vector<16xf32>
        %parallel_loop3A_119 = arith.index_cast %parallel_loop3A_110 : i32 to index
        %parallel_loop3A_120 = arith.constant 16 : index
        %parallel_loop3A_121 = tpu.vector_load %arg12[%parallel_loop3A_119, %parallel_loop3A_120] {strides = array<i32>} : memref<128x32xf32, #tpu.memory_space<vmem>>, vector<1x16xf32>,
        %parallel_loop3A_122 = vector.shape_cast %parallel_loop3A_121 : vector<1x16xf32> to vector<16xf32>
        %parallel_loop3A_123 = arith.addf %parallel_loop3A_114, %parallel_loop3A_118 : vector<16xf32>
        %parallel_loop3A_124 = arith.constant 0.000000e+00 : f32
        %parallel_loop3A_125 = vector.broadcast %parallel_loop3A_124 : f32 to vector<16xf32>
        %parallel_loop3A_126 = arith.subf %parallel_loop3A_125, %parallel_loop3A_123 : vector<16xf32>
        %parallel_loop3A_127 = math.exp %parallel_loop3A_126 : vector<16xf32>
        %parallel_loop3A_128 = arith.constant 1.000000e+00 : f32
        %parallel_loop3A_129 = vector.broadcast %parallel_loop3A_128 : f32 to vector<16xf32>
        %parallel_loop3A_130 = arith.addf %parallel_loop3A_129, %parallel_loop3A_127 : vector<16xf32>
        %parallel_loop3A_131 = arith.constant 1.000000e+00 : f32
        %parallel_loop3A_132 = vector.broadcast %parallel_loop3A_131 : f32 to vector<16xf32>
        %parallel_loop3A_133 = arith.divf %parallel_loop3A_132, %parallel_loop3A_130 : vector<16xf32>
        %parallel_loop3A_134 = arith.mulf %parallel_loop3A_133, %parallel_loop3A_122 : vector<16xf32>
        %parallel_loop3A_135 = arith.index_cast %parallel_loop3A_110 : i32 to index
        %parallel_loop3A_136 = arith.constant 0 : index
        %parallel_loop3A_137 = tpu.vector_load %arg13[%parallel_loop3A_135, %parallel_loop3A_136] {strides = array<i32>} : memref<128x16xf32, #tpu.memory_space<vmem>>, vector<1x16xf32>,
        %parallel_loop3A_138 = vector.shape_cast %parallel_loop3A_137 : vector<1x16xf32> to vector<16xf32>
        %parallel_loop3A_139 = vector.shape_cast %parallel_loop3A_134 : vector<16xf32> to vector<1x16xf32>
        tpu.vector_store %arg13[%parallel_loop3A_135, %parallel_loop3A_136], %parallel_loop3A_139 {strides = array<i32>} : memref<128x16xf32, #tpu.memory_space<vmem>>, vector<1x16xf32>,
      } {sc.loop_unroll_factor = 8 : i64, sc.parallel_access}
      "tpu.region"() ({
        %run_scoped3A = tpu.sem_alloc : memref<!tpu.dma_semaphore, #tpu.memory_space<semaphore_mem>>
        %dma_start3A_110 = arith.constant 0 : i32
        %dma_start3A_111 = tpu.memref_slice %arg8[%add3A_87, %dma_start3A_110] : memref<78x128xi32, #tpu.memory_space<vmem>> -> memref<1x128xi32, #tpu.memory_space<vmem>>
        %dma_start3A_112 = tpu.memref_squeeze %dma_start3A_111 : memref<1x128xi32, #tpu.memory_space<vmem>> -> memref<128xi32, #tpu.memory_space<vmem>>
        %dma_start3A_113 = arith.constant 0 : i32
        %dma_start3A_114 = arith.constant 0 : i32
        %dma_start3A_115 = tpu.memref_slice %arg15[%dma_start3A_113, %dma_start3A_114] : memref<10240x16xf32, #tpu.memory_space<vmem_shared>> -> memref<10240x16xf32, #tpu.memory_space<vmem_shared>>
        tpu.enqueue_indirect_dma source(%arg13 : memref<128x16xf32, #tpu.memory_space<vmem>>) target(%dma_start3A_115 : memref<10240x16xf32, #tpu.memory_space<vmem_shared>>) offsets(%dma_start3A_112 : memref<128xi32, #tpu.memory_space<vmem>>) semaphore(%run_scoped3A : memref<!tpu.dma_semaphore, #tpu.memory_space<semaphore_mem>>) {add = true}
        %dma_wait3A_116 = arith.constant 0 : i32
        %dma_wait3A_117 = tpu.memref_slice %arg8[%add3A_87, %dma_wait3A_116] : memref<78x128xi32, #tpu.memory_space<vmem>> -> memref<1x128xi32, #tpu.memory_space<vmem>>
        %dma_wait3A_118 = tpu.memref_squeeze %dma_wait3A_117 : memref<1x128xi32, #tpu.memory_space<vmem>> -> memref<128xi32, #tpu.memory_space<vmem>>
        %dma_wait3A_119 = arith.constant 0 : i32
        %dma_wait3A_120 = arith.constant 0 : i32
        %dma_wait3A_121 = tpu.memref_slice %arg15[%dma_wait3A_119, %dma_wait3A_120] : memref<10240x16xf32, #tpu.memory_space<vmem_shared>> -> memref<10240x16xf32, #tpu.memory_space<vmem_shared>>
        tpu.wait_indirect_dma semaphore(%run_scoped3A : memref<!tpu.dma_semaphore, #tpu.memory_space<semaphore_mem>>) src(%arg13 : memref<128x16xf32, #tpu.memory_space<vmem>>) dst(%dma_wait3A_121 : memref<10240x16xf32, #tpu.memory_space<vmem_shared>>)
        tpu.yield
      }) : () -> ()
    }
    %scan3A_48 = arith.constant 39 : i32
    %lt3A = arith.constant 4 : i32
    %lt3A_49 = arith.cmpi slt, %add3A, %lt3A : i32
    %convert_element_type3A = arith.extui %lt3A_49 : i1 to i32
    %cond3A = arith.constant 0 : i32
    %cond3A_50 = arith.cmpi ne, %convert_element_type3A, %cond3A : i32
    scf.if %cond3A_50 {
      %add3A_59 = arith.constant 2496 : i32
      %add3A_60 = arith.addi %add3A_59, %add3A : i32
      "tpu.region"() ({
        %run_scoped3A_92 = tpu.sem_alloc : memref<!tpu.dma_semaphore, #tpu.memory_space<semaphore_mem>>
        %dma_start3A_93 = arith.constant 0 : i32
        %dma_start3A_94 = arith.constant 0 : i32
        %dma_start3A_95 = tpu.memref_slice %arg7[%dma_start3A_93, %dma_start3A_94] : memref<78x128xi32, #tpu.memory_space<vmem>> -> memref<1x128xi32, #tpu.memory_space<vmem>>
        %dma_start3A_96 = arith.constant 0 : i32
        %dma_start3A_97 = tpu.memref_slice %arg4[%add3A_60, %dma_start3A_96] : memref<2500x128xi32, #tpu.memory_space<hbm>> -> memref<1x128xi32, #tpu.memory_space<hbm>>
        %dma_start3A_98 = arith.constant 0 : i32
        %dma_start3A_99 = arith.constant 0 : i32
        %dma_start3A_100 = tpu.memref_slice %arg7[%dma_start3A_98, %dma_start3A_99] : memref<78x128xi32, #tpu.memory_space<vmem>> -> memref<1x128xi32, #tpu.memory_space<vmem>>
        %dma_start3A_101 = arith.constant 0 : i32
        %dma_start3A_102 = tpu.memref_slice %arg4[%add3A_60, %dma_start3A_101] : memref<2500x128xi32, #tpu.memory_space<hbm>> -> memref<1x128xi32, #tpu.memory_space<hbm>>
        tpu.enqueue_dma source(%dma_start3A_102 : memref<1x128xi32, #tpu.memory_space<hbm>>) target(%dma_start3A_100 : memref<1x128xi32, #tpu.memory_space<vmem>>) target_semaphore(%run_scoped3A_92 : memref<!tpu.dma_semaphore, #tpu.memory_space<semaphore_mem>>)
        %dma_wait3A_103 = arith.constant 0 : i32
        %dma_wait3A_104 = arith.constant 0 : i32
        %dma_wait3A_105 = tpu.memref_slice %arg7[%dma_wait3A_103, %dma_wait3A_104] : memref<78x128xi32, #tpu.memory_space<vmem>> -> memref<1x128xi32, #tpu.memory_space<vmem>>
        %dma_wait3A_106 = arith.constant 0 : i32
        %dma_wait3A_107 = tpu.memref_slice %arg4[%add3A_60, %dma_wait3A_106] : memref<2500x128xi32, #tpu.memory_space<hbm>> -> memref<1x128xi32, #tpu.memory_space<hbm>>
        %dma_wait3A_108 = arith.constant 0 : i32
        %dma_wait3A_109 = arith.constant 0 : i32
        %dma_wait3A_110 = tpu.memref_slice %arg7[%dma_wait3A_108, %dma_wait3A_109] : memref<78x128xi32, #tpu.memory_space<vmem>> -> memref<1x128xi32, #tpu.memory_space<vmem>>
        %dma_wait3A_111 = arith.constant 0 : i32
        %dma_wait3A_112 = tpu.memref_slice %arg4[%add3A_60, %dma_wait3A_111] : memref<2500x128xi32, #tpu.memory_space<hbm>> -> memref<1x128xi32, #tpu.memory_space<hbm>>
        tpu.wait_dma2 semaphore(%run_scoped3A_92 : memref<!tpu.dma_semaphore, #tpu.memory_space<semaphore_mem>>) src(%dma_wait3A_112 : memref<1x128xi32, #tpu.memory_space<hbm>>) dst(%dma_wait3A_110 : memref<1x128xi32, #tpu.memory_space<vmem>>)
        tpu.yield
      }) : () -> ()
      %add3A_61 = arith.constant 2496 : i32
      %add3A_62 = arith.addi %add3A_61, %add3A : i32
      "tpu.region"() ({
        %run_scoped3A_92 = tpu.sem_alloc : memref<!tpu.dma_semaphore, #tpu.memory_space<semaphore_mem>>
        %dma_start3A_93 = arith.constant 0 : i32
        %dma_start3A_94 = arith.constant 0 : i32
        %dma_start3A_95 = tpu.memref_slice %arg8[%dma_start3A_93, %dma_start3A_94] : memref<78x128xi32, #tpu.memory_space<vmem>> -> memref<1x128xi32, #tpu.memory_space<vmem>>
        %dma_start3A_96 = arith.constant 0 : i32
        %dma_start3A_97 = tpu.memref_slice %arg5[%add3A_62, %dma_start3A_96] : memref<2500x128xi32, #tpu.memory_space<hbm>> -> memref<1x128xi32, #tpu.memory_space<hbm>>
        %dma_start3A_98 = arith.constant 0 : i32
        %dma_start3A_99 = arith.constant 0 : i32
        %dma_start3A_100 = tpu.memref_slice %arg8[%dma_start3A_98, %dma_start3A_99] : memref<78x128xi32, #tpu.memory_space<vmem>> -> memref<1x128xi32, #tpu.memory_space<vmem>>
        %dma_start3A_101 = arith.constant 0 : i32
        %dma_start3A_102 = tpu.memref_slice %arg5[%add3A_62, %dma_start3A_101] : memref<2500x128xi32, #tpu.memory_space<hbm>> -> memref<1x128xi32, #tpu.memory_space<hbm>>
        tpu.enqueue_dma source(%dma_start3A_102 : memref<1x128xi32, #tpu.memory_space<hbm>>) target(%dma_start3A_100 : memref<1x128xi32, #tpu.memory_space<vmem>>) target_semaphore(%run_scoped3A_92 : memref<!tpu.dma_semaphore, #tpu.memory_space<semaphore_mem>>)
        %dma_wait3A_103 = arith.constant 0 : i32
        %dma_wait3A_104 = arith.constant 0 : i32
        %dma_wait3A_105 = tpu.memref_slice %arg8[%dma_wait3A_103, %dma_wait3A_104] : memref<78x128xi32, #tpu.memory_space<vmem>> -> memref<1x128xi32, #tpu.memory_space<vmem>>
        %dma_wait3A_106 = arith.constant 0 : i32
        %dma_wait3A_107 = tpu.memref_slice %arg5[%add3A_62, %dma_wait3A_106] : memref<2500x128xi32, #tpu.memory_space<hbm>> -> memref<1x128xi32, #tpu.memory_space<hbm>>
        %dma_wait3A_108 = arith.constant 0 : i32
        %dma_wait3A_109 = arith.constant 0 : i32
        %dma_wait3A_110 = tpu.memref_slice %arg8[%dma_wait3A_108, %dma_wait3A_109] : memref<78x128xi32, #tpu.memory_space<vmem>> -> memref<1x128xi32, #tpu.memory_space<vmem>>
        %dma_wait3A_111 = arith.constant 0 : i32
        %dma_wait3A_112 = tpu.memref_slice %arg5[%add3A_62, %dma_wait3A_111] : memref<2500x128xi32, #tpu.memory_space<hbm>> -> memref<1x128xi32, #tpu.memory_space<hbm>>
        tpu.wait_dma2 semaphore(%run_scoped3A_92 : memref<!tpu.dma_semaphore, #tpu.memory_space<semaphore_mem>>) src(%dma_wait3A_112 : memref<1x128xi32, #tpu.memory_space<hbm>>) dst(%dma_wait3A_110 : memref<1x128xi32, #tpu.memory_space<vmem>>)
        tpu.yield
      }) : () -> ()
      %dma_start3A_63 = arith.constant 0 : i32
      %dma_start3A_64 = arith.constant 0 : i32
      %dma_start3A_65 = tpu.memref_slice %arg8[%dma_start3A_63, %dma_start3A_64] : memref<78x128xi32, #tpu.memory_space<vmem>> -> memref<1x128xi32, #tpu.memory_space<vmem>>
      %dma_start3A_66 = tpu.memref_squeeze %dma_start3A_65 : memref<1x128xi32, #tpu.memory_space<vmem>> -> memref<128xi32, #tpu.memory_space<vmem>>
      %dma_start3A_67 = arith.constant 0 : i32
      %dma_start3A_68 = arith.constant 0 : i32
      %dma_start3A_69 = tpu.memref_slice %arg2[%dma_start3A_67, %dma_start3A_68] : memref<10000x16xf32, #tpu.memory_space<hbm>> -> memref<10000x16xf32, #tpu.memory_space<hbm>>
      tpu.enqueue_indirect_dma source(%dma_start3A_69 : memref<10000x16xf32, #tpu.memory_space<hbm>>) target(%arg9 : memref<128x16xf32, #tpu.memory_space<vmem>>) offsets(%dma_start3A_66 : memref<128xi32, #tpu.memory_space<vmem>>) semaphore(%arg16 : memref<!tpu.dma_semaphore, #tpu.memory_space<semaphore_mem>>)
      %dma_start3A_70 = arith.constant 0 : i32
      %dma_start3A_71 = arith.constant 0 : i32
      %dma_start3A_72 = tpu.memref_slice %arg7[%dma_start3A_70, %dma_start3A_71] : memref<78x128xi32, #tpu.memory_space<vmem>> -> memref<1x128xi32, #tpu.memory_space<vmem>>
      %dma_start3A_73 = tpu.memref_squeeze %dma_start3A_72 : memref<1x128xi32, #tpu.memory_space<vmem>> -> memref<128xi32, #tpu.memory_space<vmem>>
      %dma_start3A_74 = arith.constant 0 : i32
      %dma_start3A_75 = arith.constant 0 : i32
      %dma_start3A_76 = tpu.memref_slice %arg3[%dma_start3A_74, %dma_start3A_75] : memref<10000x32xf32, #tpu.memory_space<hbm>> -> memref<10000x32xf32, #tpu.memory_space<hbm>>
      tpu.enqueue_indirect_dma source(%dma_start3A_76 : memref<10000x32xf32, #tpu.memory_space<hbm>>) target(%arg11 : memref<128x32xf32, #tpu.memory_space<vmem>>) offsets(%dma_start3A_73 : memref<128xi32, #tpu.memory_space<vmem>>) semaphore(%arg16 : memref<!tpu.dma_semaphore, #tpu.memory_space<semaphore_mem>>)
      %dma_wait3A = arith.constant 0 : i32
      %dma_wait3A_77 = arith.constant 0 : i32
      %dma_wait3A_78 = tpu.memref_slice %arg8[%dma_wait3A, %dma_wait3A_77] : memref<78x128xi32, #tpu.memory_space<vmem>> -> memref<1x128xi32, #tpu.memory_space<vmem>>
      %dma_wait3A_79 = tpu.memref_squeeze %dma_wait3A_78 : memref<1x128xi32, #tpu.memory_space<vmem>> -> memref<128xi32, #tpu.memory_space<vmem>>
      %dma_wait3A_80 = arith.constant 0 : i32
      %dma_wait3A_81 = arith.constant 0 : i32
      %dma_wait3A_82 = tpu.memref_slice %arg2[%dma_wait3A_80, %dma_wait3A_81] : memref<10000x16xf32, #tpu.memory_space<hbm>> -> memref<10000x16xf32, #tpu.memory_space<hbm>>
      tpu.wait_indirect_dma semaphore(%arg16 : memref<!tpu.dma_semaphore, #tpu.memory_space<semaphore_mem>>) src(%dma_wait3A_82 : memref<10000x16xf32, #tpu.memory_space<hbm>>) dst(%arg9 : memref<128x16xf32, #tpu.memory_space<vmem>>)
      %dma_wait3A_83 = arith.constant 0 : i32
      %dma_wait3A_84 = arith.constant 0 : i32
      %dma_wait3A_85 = tpu.memref_slice %arg7[%dma_wait3A_83, %dma_wait3A_84] : memref<78x128xi32, #tpu.memory_space<vmem>> -> memref<1x128xi32, #tpu.memory_space<vmem>>
      %dma_wait3A_86 = tpu.memref_squeeze %dma_wait3A_85 : memref<1x128xi32, #tpu.memory_space<vmem>> -> memref<128xi32, #tpu.memory_space<vmem>>
      %dma_wait3A_87 = arith.constant 0 : i32
      %dma_wait3A_88 = arith.constant 0 : i32
      %dma_wait3A_89 = tpu.memref_slice %arg3[%dma_wait3A_87, %dma_wait3A_88] : memref<10000x32xf32, #tpu.memory_space<hbm>> -> memref<10000x32xf32, #tpu.memory_space<hbm>>
      tpu.wait_indirect_dma semaphore(%arg16 : memref<!tpu.dma_semaphore, #tpu.memory_space<semaphore_mem>>) src(%dma_wait3A_89 : memref<10000x32xf32, #tpu.memory_space<hbm>>) dst(%arg11 : memref<128x32xf32, #tpu.memory_space<vmem>>)
      %parallel_loop3A = arith.constant 0 : i32
      %parallel_loop3A_90 = arith.constant 128 : i32
      %parallel_loop3A_91 = arith.constant 1 : i32
      scf.for %parallel_loop3A_92 = %parallel_loop3A to %parallel_loop3A_90 step %parallel_loop3A_91  : i32 {
        %parallel_loop3A_93 = arith.index_cast %parallel_loop3A_92 : i32 to index
        %parallel_loop3A_94 = arith.constant 0 : index
        %parallel_loop3A_95 = tpu.vector_load %arg9[%parallel_loop3A_93, %parallel_loop3A_94] {strides = array<i32>} : memref<128x16xf32, #tpu.memory_space<vmem>>, vector<1x16xf32>,
        %parallel_loop3A_96 = vector.shape_cast %parallel_loop3A_95 : vector<1x16xf32> to vector<16xf32>
        %parallel_loop3A_97 = arith.index_cast %parallel_loop3A_92 : i32 to index
        %parallel_loop3A_98 = arith.constant 0 : index
        %parallel_loop3A_99 = tpu.vector_load %arg11[%parallel_loop3A_97, %parallel_loop3A_98] {strides = array<i32>} : memref<128x32xf32, #tpu.memory_space<vmem>>, vector<1x16xf32>,
        %parallel_loop3A_100 = vector.shape_cast %parallel_loop3A_99 : vector<1x16xf32> to vector<16xf32>
        %parallel_loop3A_101 = arith.index_cast %parallel_loop3A_92 : i32 to index
        %parallel_loop3A_102 = arith.constant 16 : index
        %parallel_loop3A_103 = tpu.vector_load %arg11[%parallel_loop3A_101, %parallel_loop3A_102] {strides = array<i32>} : memref<128x32xf32, #tpu.memory_space<vmem>>, vector<1x16xf32>,
        %parallel_loop3A_104 = vector.shape_cast %parallel_loop3A_103 : vector<1x16xf32> to vector<16xf32>
        %parallel_loop3A_105 = arith.addf %parallel_loop3A_96, %parallel_loop3A_100 : vector<16xf32>
        %parallel_loop3A_106 = arith.constant 0.000000e+00 : f32
        %parallel_loop3A_107 = vector.broadcast %parallel_loop3A_106 : f32 to vector<16xf32>
        %parallel_loop3A_108 = arith.subf %parallel_loop3A_107, %parallel_loop3A_105 : vector<16xf32>
        %parallel_loop3A_109 = math.exp %parallel_loop3A_108 : vector<16xf32>
        %parallel_loop3A_110 = arith.constant 1.000000e+00 : f32
        %parallel_loop3A_111 = vector.broadcast %parallel_loop3A_110 : f32 to vector<16xf32>
        %parallel_loop3A_112 = arith.addf %parallel_loop3A_111, %parallel_loop3A_109 : vector<16xf32>
        %parallel_loop3A_113 = arith.constant 1.000000e+00 : f32
        %parallel_loop3A_114 = vector.broadcast %parallel_loop3A_113 : f32 to vector<16xf32>
        %parallel_loop3A_115 = arith.divf %parallel_loop3A_114, %parallel_loop3A_112 : vector<16xf32>
        %parallel_loop3A_116 = arith.mulf %parallel_loop3A_115, %parallel_loop3A_104 : vector<16xf32>
        %parallel_loop3A_117 = arith.index_cast %parallel_loop3A_92 : i32 to index
        %parallel_loop3A_118 = arith.constant 0 : index
        %parallel_loop3A_119 = tpu.vector_load %arg13[%parallel_loop3A_117, %parallel_loop3A_118] {strides = array<i32>} : memref<128x16xf32, #tpu.memory_space<vmem>>, vector<1x16xf32>,
        %parallel_loop3A_120 = vector.shape_cast %parallel_loop3A_119 : vector<1x16xf32> to vector<16xf32>
        %parallel_loop3A_121 = vector.shape_cast %parallel_loop3A_116 : vector<16xf32> to vector<1x16xf32>
        tpu.vector_store %arg13[%parallel_loop3A_117, %parallel_loop3A_118], %parallel_loop3A_121 {strides = array<i32>} : memref<128x16xf32, #tpu.memory_space<vmem>>, vector<1x16xf32>,
      } {sc.loop_unroll_factor = 8 : i64, sc.parallel_access}
      %run_scoped3A = arith.constant 0 : i32
      "tpu.region"() ({
        %run_scoped3A_92 = tpu.sem_alloc : memref<!tpu.dma_semaphore, #tpu.memory_space<semaphore_mem>>
        %dma_start3A_93 = arith.constant 0 : i32
        %dma_start3A_94 = tpu.memref_slice %arg8[%run_scoped3A, %dma_start3A_93] : memref<78x128xi32, #tpu.memory_space<vmem>> -> memref<1x128xi32, #tpu.memory_space<vmem>>
        %dma_start3A_95 = tpu.memref_squeeze %dma_start3A_94 : memref<1x128xi32, #tpu.memory_space<vmem>> -> memref<128xi32, #tpu.memory_space<vmem>>
        %dma_start3A_96 = arith.constant 0 : i32
        %dma_start3A_97 = arith.constant 0 : i32
        %dma_start3A_98 = tpu.memref_slice %arg15[%dma_start3A_96, %dma_start3A_97] : memref<10240x16xf32, #tpu.memory_space<vmem_shared>> -> memref<10240x16xf32, #tpu.memory_space<vmem_shared>>
        tpu.enqueue_indirect_dma source(%arg13 : memref<128x16xf32, #tpu.memory_space<vmem>>) target(%dma_start3A_98 : memref<10240x16xf32, #tpu.memory_space<vmem_shared>>) offsets(%dma_start3A_95 : memref<128xi32, #tpu.memory_space<vmem>>) semaphore(%run_scoped3A_92 : memref<!tpu.dma_semaphore, #tpu.memory_space<semaphore_mem>>) {add = true}
        %dma_wait3A_99 = arith.constant 0 : i32
        %dma_wait3A_100 = tpu.memref_slice %arg8[%run_scoped3A, %dma_wait3A_99] : memref<78x128xi32, #tpu.memory_space<vmem>> -> memref<1x128xi32, #tpu.memory_space<vmem>>
        %dma_wait3A_101 = tpu.memref_squeeze %dma_wait3A_100 : memref<1x128xi32, #tpu.memory_space<vmem>> -> memref<128xi32, #tpu.memory_space<vmem>>
        %dma_wait3A_102 = arith.constant 0 : i32
        %dma_wait3A_103 = arith.constant 0 : i32
        %dma_wait3A_104 = tpu.memref_slice %arg15[%dma_wait3A_102, %dma_wait3A_103] : memref<10240x16xf32, #tpu.memory_space<vmem_shared>> -> memref<10240x16xf32, #tpu.memory_space<vmem_shared>>
        tpu.wait_indirect_dma semaphore(%run_scoped3A_92 : memref<!tpu.dma_semaphore, #tpu.memory_space<semaphore_mem>>) src(%arg13 : memref<128x16xf32, #tpu.memory_space<vmem>>) dst(%dma_wait3A_104 : memref<10240x16xf32, #tpu.memory_space<vmem_shared>>)
        tpu.yield
      }) : () -> ()
    } else {
    }
    %barrier3A_51 = arith.constant 0 : index
    tpu.barrier barrier_id(%barrier3A_51)
    %mul3A_52 = arith.constant 640 : i32
    %mul3A_53 = arith.muli %arg1, %mul3A_52 : i32
    %mul3A_54 = arith.constant 10240 : i32
    %mul3A_55 = arith.muli %arg0, %mul3A_54 : i32
    %mul3A_56 = arith.constant 640 : i32
    %mul3A_57 = arith.muli %arg1, %mul3A_56 : i32
    %add3A_58 = arith.addi %mul3A_55, %mul3A_57 : i32
    "tpu.region"() ({
      %run_scoped3A = tpu.sem_alloc : memref<!tpu.dma_semaphore, #tpu.memory_space<semaphore_mem>>
      %dma_start3A_59 = arith.constant 0 : i32
      %dma_start3A_60 = tpu.memref_slice %arg6[%add3A_58, %dma_start3A_59] : memref<20480x16xf32, #tpu.memory_space<hbm>> -> memref<640x16xf32, #tpu.memory_space<hbm>>
      %dma_start3A_61 = arith.constant 0 : i32
      %dma_start3A_62 = tpu.memref_slice %arg15[%mul3A_53, %dma_start3A_61] : memref<10240x16xf32, #tpu.memory_space<vmem_shared>> -> memref<640x16xf32, #tpu.memory_space<vmem_shared>>
      tpu.enqueue_dma source(%dma_start3A_62 : memref<640x16xf32, #tpu.memory_space<vmem_shared>>) target(%dma_start3A_60 : memref<640x16xf32, #tpu.memory_space<hbm>>) target_semaphore(%run_scoped3A : memref<!tpu.dma_semaphore, #tpu.memory_space<semaphore_mem>>)
      %dma_wait3A = arith.constant 0 : i32
      %dma_wait3A_63 = tpu.memref_slice %arg6[%add3A_58, %dma_wait3A] : memref<20480x16xf32, #tpu.memory_space<hbm>> -> memref<640x16xf32, #tpu.memory_space<hbm>>
      %dma_wait3A_64 = arith.constant 0 : i32
      %dma_wait3A_65 = tpu.memref_slice %arg15[%mul3A_53, %dma_wait3A_64] : memref<10240x16xf32, #tpu.memory_space<vmem_shared>> -> memref<640x16xf32, #tpu.memory_space<vmem_shared>>
      tpu.wait_dma2 semaphore(%run_scoped3A : memref<!tpu.dma_semaphore, #tpu.memory_space<semaphore_mem>>) src(%dma_wait3A_65 : memref<640x16xf32, #tpu.memory_space<vmem_shared>>) dst(%dma_wait3A_63 : memref<640x16xf32, #tpu.memory_space<hbm>>)
      tpu.yield
    }) : () -> ()
    return
  }
}

module attributes {stable_mosaic.version = 14 : i64} {
  func.func @_tc1_body(%arg0: i32, %arg1: memref<2000x128xf32, #tpu.memory_space<vmem>>, %arg2: memref<128x50xf32, #tpu.memory_space<vmem>>, %arg3: memref<50xf32, #tpu.memory_space<vmem>>, %arg4: memref<50xf32, #tpu.memory_space<vmem>>, %arg5: memref<50xf32, #tpu.memory_space<vmem>>, %arg6: memref<50x20xf32, #tpu.memory_space<vmem>>, %arg7: memref<20xf32, #tpu.memory_space<vmem>>, %arg8: memref<20xf32, #tpu.memory_space<vmem>>, %arg9: memref<20xf32, #tpu.memory_space<vmem>>, %arg10: memref<20x64xf32, #tpu.memory_space<vmem>>, %arg11: memref<64xf32, #tpu.memory_space<vmem>>, %arg12: memref<20x64xf32, #tpu.memory_space<vmem>>, %arg13: memref<64xf32, #tpu.memory_space<vmem>>, %arg14: memref<20x64xf32, #tpu.memory_space<vmem>>, %arg15: memref<64xf32, #tpu.memory_space<vmem>>, %arg16: memref<20x64xf32, #tpu.memory_space<vmem>>, %arg17: memref<64xf32, #tpu.memory_space<vmem>>, %arg18: memref<2000x20xf32, #tpu.memory_space<vmem>>, %arg19: memref<2000x64xf32, #tpu.memory_space<vmem>>, %arg20: memref<2000x128xf32, #tpu.memory_space<vmem>>, %arg21: memref<2000x64xf32, #tpu.memory_space<vmem>>) attributes {dimension_semantics = [#tpu.dimension_semantics<arbitrary>], iteration_bounds = array<i64: 5>, scalar_prefetch = 0 : i64, scratch_operands = 0 : i64, tpu.core_type = #tpu.core_type<tc>, window_params = [{transform_indices = @transform_0, window_bounds = array<i64: 2000, 128>}, {pipeline_mode = #tpu.pipeline_mode<synchronous>, transform_indices = @transform_1, window_bounds = array<i64: 128, 50>}, {pipeline_mode = #tpu.pipeline_mode<synchronous>, transform_indices = @transform_2, window_bounds = array<i64: 50>}, {pipeline_mode = #tpu.pipeline_mode<synchronous>, transform_indices = @transform_3, window_bounds = array<i64: 50>}, {pipeline_mode = #tpu.pipeline_mode<synchronous>, transform_indices = @transform_4, window_bounds = array<i64: 50>}, {pipeline_mode = #tpu.pipeline_mode<synchronous>, transform_indices = @transform_5, window_bounds = array<i64: 50, 20>}, {pipeline_mode = #tpu.pipeline_mode<synchronous>, transform_indices = @transform_6, window_bounds = array<i64: 20>}, {pipeline_mode = #tpu.pipeline_mode<synchronous>, transform_indices = @transform_7, window_bounds = array<i64: 20>}, {pipeline_mode = #tpu.pipeline_mode<synchronous>, transform_indices = @transform_8, window_bounds = array<i64: 20>}, {pipeline_mode = #tpu.pipeline_mode<synchronous>, transform_indices = @transform_9, window_bounds = array<i64: 20, 64>}, {pipeline_mode = #tpu.pipeline_mode<synchronous>, transform_indices = @transform_10, window_bounds = array<i64: 64>}, {pipeline_mode = #tpu.pipeline_mode<synchronous>, transform_indices = @transform_11, window_bounds = array<i64: 20, 64>}, {pipeline_mode = #tpu.pipeline_mode<synchronous>, transform_indices = @transform_12, window_bounds = array<i64: 64>}, {pipeline_mode = #tpu.pipeline_mode<synchronous>, transform_indices = @transform_13, window_bounds = array<i64: 20, 64>}, {pipeline_mode = #tpu.pipeline_mode<synchronous>, transform_indices = @transform_14, window_bounds = array<i64: 64>}, {pipeline_mode = #tpu.pipeline_mode<synchronous>, transform_indices = @transform_15, window_bounds = array<i64: 20, 64>}, {pipeline_mode = #tpu.pipeline_mode<synchronous>, transform_indices = @transform_16, window_bounds = array<i64: 64>}, {transform_indices = @transform_17, window_bounds = array<i64: 2000, 20>}, {transform_indices = @transform_18, window_bounds = array<i64: 2000, 64>}, {transform_indices = @transform_19, window_bounds = array<i64: 2000, 128>}, {transform_indices = @transform_20, window_bounds = array<i64: 2000, 64>}]} {
    %get3A = arith.constant 0 : index
    %get3A_0 = arith.constant 0 : index
    %get3A_1 = vector.load %arg1[%get3A, %get3A_0] : memref<2000x128xf32, #tpu.memory_space<vmem>>, vector<2000x128xf32>
    %get3A_2 = arith.constant 0 : index
    %get3A_3 = arith.constant 0 : index
    %get3A_4 = vector.load %arg2[%get3A_2, %get3A_3] : memref<128x50xf32, #tpu.memory_space<vmem>>, vector<128x50xf32>
    %dot_general3A = arith.constant dense<0.000000e+00> : vector<2000x50xf32>
    %dot_general3A_5 = tpu.matmul %get3A_1, %get3A_4, %dot_general3A {dimension_numbers = #tpu.dot_dimension_numbers<[1], [0], [0], [1], [0, 0, 1, 1], [], []>, transpose_lhs_hint = false} : vector<2000x128xf32>, vector<128x50xf32>, vector<2000x50xf32> -> vector<2000x50xf32>
    %get3A_6 = arith.constant 0 : index
    %get3A_7 = vector.load %arg3[%get3A_6] : memref<50xf32, #tpu.memory_space<vmem>>, vector<50xf32>
    %broadcast_in_dim3A = vector.shape_cast %get3A_7 : vector<50xf32> to vector<1x50xf32>
    %add3A = vector.broadcast %broadcast_in_dim3A : vector<1x50xf32> to vector<2000x50xf32>
    %add3A_8 = arith.addf %dot_general3A_5, %add3A : vector<2000x50xf32>
    %get3A_9 = arith.constant 0 : index
    %get3A_10 = vector.load %arg4[%get3A_9] : memref<50xf32, #tpu.memory_space<vmem>>, vector<50xf32>
    %get3A_11 = arith.constant 0 : index
    %get3A_12 = vector.load %arg5[%get3A_11] : memref<50xf32, #tpu.memory_space<vmem>>, vector<50xf32>
    %sqrt3A = arith.constant 1.001000e+00 : f32
    %sqrt3A_13 = math.sqrt %sqrt3A : f32
    %div3A = vector.broadcast %sqrt3A_13 : f32 to vector<2000x50xf32>
    %div3A_14 = arith.divf %add3A_8, %div3A : vector<2000x50xf32>
    %broadcast_in_dim3A_15 = vector.shape_cast %get3A_10 : vector<50xf32> to vector<1x50xf32>
    %mul3A = vector.broadcast %broadcast_in_dim3A_15 : vector<1x50xf32> to vector<2000x50xf32>
    %mul3A_16 = arith.mulf %div3A_14, %mul3A : vector<2000x50xf32>
    %broadcast_in_dim3A_17 = vector.shape_cast %get3A_12 : vector<50xf32> to vector<1x50xf32>
    %add3A_18 = vector.broadcast %broadcast_in_dim3A_17 : vector<1x50xf32> to vector<2000x50xf32>
    %add3A_19 = arith.addf %mul3A_16, %add3A_18 : vector<2000x50xf32>
    %gt3A = arith.constant 0.000000e+00 : f32
    %gt3A_20 = vector.broadcast %gt3A : f32 to vector<2000x50xf32>
    %gt3A_21 = arith.cmpf ogt, %add3A_19, %gt3A_20 : vector<2000x50xf32>
    %exp3A = math.exp %add3A_19 : vector<2000x50xf32>
    %sub3A = arith.constant 1.000000e+00 : f32
    %sub3A_22 = vector.broadcast %sub3A : f32 to vector<2000x50xf32>
    %sub3A_23 = arith.subf %exp3A, %sub3A_22 : vector<2000x50xf32>
    %select_n3A = arith.select %gt3A_21, %add3A_19, %sub3A_23 : vector<2000x50xi1>, vector<2000x50xf32>
    %get3A_24 = arith.constant 0 : index
    %get3A_25 = arith.constant 0 : index
    %get3A_26 = vector.load %arg6[%get3A_24, %get3A_25] : memref<50x20xf32, #tpu.memory_space<vmem>>, vector<50x20xf32>
    %dot_general3A_27 = arith.constant dense<0.000000e+00> : vector<2000x20xf32>
    %dot_general3A_28 = tpu.matmul %select_n3A, %get3A_26, %dot_general3A_27 {dimension_numbers = #tpu.dot_dimension_numbers<[1], [0], [0], [1], [0, 0, 1, 1], [], []>, transpose_lhs_hint = false} : vector<2000x50xf32>, vector<50x20xf32>, vector<2000x20xf32> -> vector<2000x20xf32>
    %get3A_29 = arith.constant 0 : index
    %get3A_30 = vector.load %arg7[%get3A_29] : memref<20xf32, #tpu.memory_space<vmem>>, vector<20xf32>
    %broadcast_in_dim3A_31 = vector.shape_cast %get3A_30 : vector<20xf32> to vector<1x20xf32>
    %add3A_32 = vector.broadcast %broadcast_in_dim3A_31 : vector<1x20xf32> to vector<2000x20xf32>
    %add3A_33 = arith.addf %dot_general3A_28, %add3A_32 : vector<2000x20xf32>
    %get3A_34 = arith.constant 0 : index
    %get3A_35 = vector.load %arg8[%get3A_34] : memref<20xf32, #tpu.memory_space<vmem>>, vector<20xf32>
    %get3A_36 = arith.constant 0 : index
    %get3A_37 = vector.load %arg9[%get3A_36] : memref<20xf32, #tpu.memory_space<vmem>>, vector<20xf32>
    %sqrt3A_38 = arith.constant 1.001000e+00 : f32
    %sqrt3A_39 = math.sqrt %sqrt3A_38 : f32
    %div3A_40 = vector.broadcast %sqrt3A_39 : f32 to vector<2000x20xf32>
    %div3A_41 = arith.divf %add3A_33, %div3A_40 : vector<2000x20xf32>
    %broadcast_in_dim3A_42 = vector.shape_cast %get3A_35 : vector<20xf32> to vector<1x20xf32>
    %mul3A_43 = vector.broadcast %broadcast_in_dim3A_42 : vector<1x20xf32> to vector<2000x20xf32>
    %mul3A_44 = arith.mulf %div3A_41, %mul3A_43 : vector<2000x20xf32>
    %broadcast_in_dim3A_45 = vector.shape_cast %get3A_37 : vector<20xf32> to vector<1x20xf32>
    %add3A_46 = vector.broadcast %broadcast_in_dim3A_45 : vector<1x20xf32> to vector<2000x20xf32>
    %add3A_47 = arith.addf %mul3A_44, %add3A_46 : vector<2000x20xf32>
    %gt3A_48 = arith.constant 0.000000e+00 : f32
    %gt3A_49 = vector.broadcast %gt3A_48 : f32 to vector<2000x20xf32>
    %gt3A_50 = arith.cmpf ogt, %add3A_47, %gt3A_49 : vector<2000x20xf32>
    %exp3A_51 = math.exp %add3A_47 : vector<2000x20xf32>
    %sub3A_52 = arith.constant 1.000000e+00 : f32
    %sub3A_53 = vector.broadcast %sub3A_52 : f32 to vector<2000x20xf32>
    %sub3A_54 = arith.subf %exp3A_51, %sub3A_53 : vector<2000x20xf32>
    %select_n3A_55 = arith.select %gt3A_50, %add3A_47, %sub3A_54 : vector<2000x20xi1>, vector<2000x20xf32>
    %swap3A = arith.constant 0 : index
    %swap3A_56 = arith.constant 0 : index
    %swap3A_57 = vector.load %arg18[%swap3A, %swap3A_56] : memref<2000x20xf32, #tpu.memory_space<vmem>>, vector<2000x20xf32>
    tpu.vector_store %arg18[%swap3A, %swap3A_56], %select_n3A_55 {strides = array<i32>} : memref<2000x20xf32, #tpu.memory_space<vmem>>, vector<2000x20xf32>,
    %get3A_58 = arith.constant 0 : index
    %get3A_59 = arith.constant 0 : index
    %get3A_60 = vector.load %arg10[%get3A_58, %get3A_59] : memref<20x64xf32, #tpu.memory_space<vmem>>, vector<20x64xf32>
    %dot_general3A_61 = arith.constant dense<0.000000e+00> : vector<2000x64xf32>
    %dot_general3A_62 = tpu.matmul %select_n3A_55, %get3A_60, %dot_general3A_61 {dimension_numbers = #tpu.dot_dimension_numbers<[1], [0], [0], [1], [0, 0, 1, 1], [], []>, transpose_lhs_hint = false} : vector<2000x20xf32>, vector<20x64xf32>, vector<2000x64xf32> -> vector<2000x64xf32>
    %get3A_63 = arith.constant 0 : index
    %get3A_64 = vector.load %arg11[%get3A_63] : memref<64xf32, #tpu.memory_space<vmem>>, vector<64xf32>
    %broadcast_in_dim3A_65 = vector.shape_cast %get3A_64 : vector<64xf32> to vector<1x64xf32>
    %add3A_66 = vector.broadcast %broadcast_in_dim3A_65 : vector<1x64xf32> to vector<2000x64xf32>
    %add3A_67 = arith.addf %dot_general3A_62, %add3A_66 : vector<2000x64xf32>
    %swap3A_68 = arith.constant 0 : index
    %swap3A_69 = arith.constant 0 : index
    %swap3A_70 = vector.load %arg19[%swap3A_68, %swap3A_69] : memref<2000x64xf32, #tpu.memory_space<vmem>>, vector<2000x64xf32>
    tpu.vector_store %arg19[%swap3A_68, %swap3A_69], %add3A_67 {strides = array<i32>} : memref<2000x64xf32, #tpu.memory_space<vmem>>, vector<2000x64xf32>,
    %get3A_71 = arith.constant 0 : index
    %get3A_72 = arith.constant 0 : index
    %get3A_73 = vector.load %arg12[%get3A_71, %get3A_72] : memref<20x64xf32, #tpu.memory_space<vmem>>, vector<20x64xf32>
    %dot_general3A_74 = arith.constant dense<0.000000e+00> : vector<2000x64xf32>
    %dot_general3A_75 = tpu.matmul %select_n3A_55, %get3A_73, %dot_general3A_74 {dimension_numbers = #tpu.dot_dimension_numbers<[1], [0], [0], [1], [0, 0, 1, 1], [], []>, transpose_lhs_hint = false} : vector<2000x20xf32>, vector<20x64xf32>, vector<2000x64xf32> -> vector<2000x64xf32>
    %get3A_76 = arith.constant 0 : index
    %get3A_77 = vector.load %arg13[%get3A_76] : memref<64xf32, #tpu.memory_space<vmem>>, vector<64xf32>
    %broadcast_in_dim3A_78 = vector.shape_cast %get3A_77 : vector<64xf32> to vector<1x64xf32>
    %add3A_79 = vector.broadcast %broadcast_in_dim3A_78 : vector<1x64xf32> to vector<2000x64xf32>
    %add3A_80 = arith.addf %dot_general3A_75, %add3A_79 : vector<2000x64xf32>
    %swap3A_81 = arith.constant 0 : index
    %swap3A_82 = arith.constant 0 : index
    %swap3A_83 = vector.load %arg20[%swap3A_81, %swap3A_82] : memref<2000x128xf32, #tpu.memory_space<vmem>>, vector<2000x64xf32>
    tpu.vector_store %arg20[%swap3A_81, %swap3A_82], %add3A_80 {strides = array<i32>} : memref<2000x128xf32, #tpu.memory_space<vmem>>, vector<2000x64xf32>,
    %get3A_84 = arith.constant 0 : index
    %get3A_85 = arith.constant 0 : index
    %get3A_86 = vector.load %arg14[%get3A_84, %get3A_85] : memref<20x64xf32, #tpu.memory_space<vmem>>, vector<20x64xf32>
    %dot_general3A_87 = arith.constant dense<0.000000e+00> : vector<2000x64xf32>
    %dot_general3A_88 = tpu.matmul %select_n3A_55, %get3A_86, %dot_general3A_87 {dimension_numbers = #tpu.dot_dimension_numbers<[1], [0], [0], [1], [0, 0, 1, 1], [], []>, transpose_lhs_hint = false} : vector<2000x20xf32>, vector<20x64xf32>, vector<2000x64xf32> -> vector<2000x64xf32>
    %get3A_89 = arith.constant 0 : index
    %get3A_90 = vector.load %arg15[%get3A_89] : memref<64xf32, #tpu.memory_space<vmem>>, vector<64xf32>
    %broadcast_in_dim3A_91 = vector.shape_cast %get3A_90 : vector<64xf32> to vector<1x64xf32>
    %add3A_92 = vector.broadcast %broadcast_in_dim3A_91 : vector<1x64xf32> to vector<2000x64xf32>
    %add3A_93 = arith.addf %dot_general3A_88, %add3A_92 : vector<2000x64xf32>
    %swap3A_94 = arith.constant 0 : index
    %swap3A_95 = arith.constant 64 : index
    %swap3A_96 = vector.load %arg20[%swap3A_94, %swap3A_95] : memref<2000x128xf32, #tpu.memory_space<vmem>>, vector<2000x64xf32>
    tpu.vector_store %arg20[%swap3A_94, %swap3A_95], %add3A_93 {strides = array<i32>} : memref<2000x128xf32, #tpu.memory_space<vmem>>, vector<2000x64xf32>,
    %get3A_97 = arith.constant 0 : index
    %get3A_98 = arith.constant 0 : index
    %get3A_99 = vector.load %arg16[%get3A_97, %get3A_98] : memref<20x64xf32, #tpu.memory_space<vmem>>, vector<20x64xf32>
    %dot_general3A_100 = arith.constant dense<0.000000e+00> : vector<2000x64xf32>
    %dot_general3A_101 = tpu.matmul %select_n3A_55, %get3A_99, %dot_general3A_100 {dimension_numbers = #tpu.dot_dimension_numbers<[1], [0], [0], [1], [0, 0, 1, 1], [], []>, transpose_lhs_hint = false} : vector<2000x20xf32>, vector<20x64xf32>, vector<2000x64xf32> -> vector<2000x64xf32>
    %get3A_102 = arith.constant 0 : index
    %get3A_103 = vector.load %arg17[%get3A_102] : memref<64xf32, #tpu.memory_space<vmem>>, vector<64xf32>
    %broadcast_in_dim3A_104 = vector.shape_cast %get3A_103 : vector<64xf32> to vector<1x64xf32>
    %add3A_105 = vector.broadcast %broadcast_in_dim3A_104 : vector<1x64xf32> to vector<2000x64xf32>
    %add3A_106 = arith.addf %dot_general3A_101, %add3A_105 : vector<2000x64xf32>
    %swap3A_107 = arith.constant 0 : index
    %swap3A_108 = arith.constant 0 : index
    %swap3A_109 = vector.load %arg21[%swap3A_107, %swap3A_108] : memref<2000x64xf32, #tpu.memory_space<vmem>>, vector<2000x64xf32>
    tpu.vector_store %arg21[%swap3A_107, %swap3A_108], %add3A_106 {strides = array<i32>} : memref<2000x64xf32, #tpu.memory_space<vmem>>, vector<2000x64xf32>,
    return
  }
  func.func @transform_0(%arg0: i32) -> (i32, i32) {
    %c0_i32 = arith.constant 0 : i32
    %c0_i32_0 = arith.constant 0 : i32
    return %arg0, %c0_i32 : i32, i32
  }
  func.func @transform_1(%arg0: i32) -> (i32, i32) {
    %c0_i32 = arith.constant 0 : i32
    %c0_i32_0 = arith.constant 0 : i32
    %c0_i32_1 = arith.constant 0 : i32
    return %c0_i32, %c0_i32_0 : i32, i32
  }
  func.func @transform_2(%arg0: i32) -> i32 {
    %c0_i32 = arith.constant 0 : i32
    %c0_i32_0 = arith.constant 0 : i32
    return %c0_i32 : i32
  }
  func.func @transform_3(%arg0: i32) -> i32 {
    %c0_i32 = arith.constant 0 : i32
    %c0_i32_0 = arith.constant 0 : i32
    return %c0_i32 : i32
  }
  func.func @transform_4(%arg0: i32) -> i32 {
    %c0_i32 = arith.constant 0 : i32
    %c0_i32_0 = arith.constant 0 : i32
    return %c0_i32 : i32
  }
  func.func @transform_5(%arg0: i32) -> (i32, i32) {
    %c0_i32 = arith.constant 0 : i32
    %c0_i32_0 = arith.constant 0 : i32
    %c0_i32_1 = arith.constant 0 : i32
    return %c0_i32, %c0_i32_0 : i32, i32
  }
  func.func @transform_6(%arg0: i32) -> i32 {
    %c0_i32 = arith.constant 0 : i32
    %c0_i32_0 = arith.constant 0 : i32
    return %c0_i32 : i32
  }
  func.func @transform_7(%arg0: i32) -> i32 {
    %c0_i32 = arith.constant 0 : i32
    %c0_i32_0 = arith.constant 0 : i32
    return %c0_i32 : i32
  }
  func.func @transform_8(%arg0: i32) -> i32 {
    %c0_i32 = arith.constant 0 : i32
    %c0_i32_0 = arith.constant 0 : i32
    return %c0_i32 : i32
  }
  func.func @transform_9(%arg0: i32) -> (i32, i32) {
    %c0_i32 = arith.constant 0 : i32
    %c0_i32_0 = arith.constant 0 : i32
    %c0_i32_1 = arith.constant 0 : i32
    return %c0_i32, %c0_i32_0 : i32, i32
  }
  func.func @transform_10(%arg0: i32) -> i32 {
    %c0_i32 = arith.constant 0 : i32
    %c0_i32_0 = arith.constant 0 : i32
    return %c0_i32 : i32
  }
  func.func @transform_11(%arg0: i32) -> (i32, i32) {
    %c0_i32 = arith.constant 0 : i32
    %c0_i32_0 = arith.constant 0 : i32
    %c0_i32_1 = arith.constant 0 : i32
    return %c0_i32, %c0_i32_0 : i32, i32
  }
  func.func @transform_12(%arg0: i32) -> i32 {
    %c0_i32 = arith.constant 0 : i32
    %c0_i32_0 = arith.constant 0 : i32
    return %c0_i32 : i32
  }
  func.func @transform_13(%arg0: i32) -> (i32, i32) {
    %c0_i32 = arith.constant 0 : i32
    %c0_i32_0 = arith.constant 0 : i32
    %c0_i32_1 = arith.constant 0 : i32
    return %c0_i32, %c0_i32_0 : i32, i32
  }
  func.func @transform_14(%arg0: i32) -> i32 {
    %c0_i32 = arith.constant 0 : i32
    %c0_i32_0 = arith.constant 0 : i32
    return %c0_i32 : i32
  }
  func.func @transform_15(%arg0: i32) -> (i32, i32) {
    %c0_i32 = arith.constant 0 : i32
    %c0_i32_0 = arith.constant 0 : i32
    %c0_i32_1 = arith.constant 0 : i32
    return %c0_i32, %c0_i32_0 : i32, i32
  }
  func.func @transform_16(%arg0: i32) -> i32 {
    %c0_i32 = arith.constant 0 : i32
    %c0_i32_0 = arith.constant 0 : i32
    return %c0_i32 : i32
  }
  func.func @transform_17(%arg0: i32) -> (i32, i32) {
    %c0_i32 = arith.constant 0 : i32
    %c0_i32_0 = arith.constant 0 : i32
    return %arg0, %c0_i32 : i32, i32
  }
  func.func @transform_18(%arg0: i32) -> (i32, i32) {
    %c0_i32 = arith.constant 0 : i32
    %c0_i32_0 = arith.constant 0 : i32
    return %arg0, %c0_i32 : i32, i32
  }
  func.func @transform_19(%arg0: i32) -> (i32, i32) {
    %c0_i32 = arith.constant 0 : i32
    %c0_i32_0 = arith.constant 0 : i32
    return %arg0, %c0_i32 : i32, i32
  }
  func.func @transform_20(%arg0: i32) -> (i32, i32) {
    %c0_i32 = arith.constant 0 : i32
    %c0_i32_0 = arith.constant 0 : i32
    return %arg0, %c0_i32 : i32, i32
  }
}

module attributes {stable_mosaic.version = 14 : i64} {
  func.func @_tc2_body(%arg0: i32, %arg1: memref<2000x64xf32, #tpu.memory_space<vmem>>, %arg2: memref<2000x64xf32, #tpu.memory_space<vmem>>, %arg3: memref<2000x64xf32, #tpu.memory_space<vmem>>, %arg4: memref<64xf32, #tpu.memory_space<vmem>>, %arg5: memref<64xf32, #tpu.memory_space<vmem>>, %arg6: memref<64x8xf32, #tpu.memory_space<vmem>>, %arg7: memref<8xf32, #tpu.memory_space<vmem>>, %arg8: memref<64x8xf32, #tpu.memory_space<vmem>>, %arg9: memref<8xf32, #tpu.memory_space<vmem>>, %arg10: memref<64x8xf32, #tpu.memory_space<vmem>>, %arg11: memref<8xf32, #tpu.memory_space<vmem>>, %arg12: memref<64x8xf32, #tpu.memory_space<vmem>>, %arg13: memref<8xf32, #tpu.memory_space<vmem>>, %arg14: memref<64x8xf32, #tpu.memory_space<vmem>>, %arg15: memref<8xf32, #tpu.memory_space<vmem>>, %arg16: memref<64x8xf32, #tpu.memory_space<vmem>>, %arg17: memref<8xf32, #tpu.memory_space<vmem>>, %arg18: memref<64x8xf32, #tpu.memory_space<vmem>>, %arg19: memref<8xf32, #tpu.memory_space<vmem>>, %arg20: memref<64x8xf32, #tpu.memory_space<vmem>>, %arg21: memref<8xf32, #tpu.memory_space<vmem>>, %arg22: memref<2000x16xf32, #tpu.memory_space<vmem>>, %arg23: memref<2000x32xf32, #tpu.memory_space<vmem>>, %arg24: memref<2000x16xf32, #tpu.memory_space<vmem>>) attributes {dimension_semantics = [#tpu.dimension_semantics<arbitrary>], iteration_bounds = array<i64: 5>, scalar_prefetch = 0 : i64, scratch_operands = 0 : i64, tpu.core_type = #tpu.core_type<tc>, window_params = [{transform_indices = @transform_0, window_bounds = array<i64: 2000, 64>}, {transform_indices = @transform_1, window_bounds = array<i64: 2000, 64>}, {transform_indices = @transform_2, window_bounds = array<i64: 2000, 64>}, {pipeline_mode = #tpu.pipeline_mode<synchronous>, transform_indices = @transform_3, window_bounds = array<i64: 64>}, {pipeline_mode = #tpu.pipeline_mode<synchronous>, transform_indices = @transform_4, window_bounds = array<i64: 64>}, {pipeline_mode = #tpu.pipeline_mode<synchronous>, transform_indices = @transform_5, window_bounds = array<i64: 64, 8>}, {pipeline_mode = #tpu.pipeline_mode<synchronous>, transform_indices = @transform_6, window_bounds = array<i64: 8>}, {pipeline_mode = #tpu.pipeline_mode<synchronous>, transform_indices = @transform_7, window_bounds = array<i64: 64, 8>}, {pipeline_mode = #tpu.pipeline_mode<synchronous>, transform_indices = @transform_8, window_bounds = array<i64: 8>}, {pipeline_mode = #tpu.pipeline_mode<synchronous>, transform_indices = @transform_9, window_bounds = array<i64: 64, 8>}, {pipeline_mode = #tpu.pipeline_mode<synchronous>, transform_indices = @transform_10, window_bounds = array<i64: 8>}, {pipeline_mode = #tpu.pipeline_mode<synchronous>, transform_indices = @transform_11, window_bounds = array<i64: 64, 8>}, {pipeline_mode = #tpu.pipeline_mode<synchronous>, transform_indices = @transform_12, window_bounds = array<i64: 8>}, {pipeline_mode = #tpu.pipeline_mode<synchronous>, transform_indices = @transform_13, window_bounds = array<i64: 64, 8>}, {pipeline_mode = #tpu.pipeline_mode<synchronous>, transform_indices = @transform_14, window_bounds = array<i64: 8>}, {pipeline_mode = #tpu.pipeline_mode<synchronous>, transform_indices = @transform_15, window_bounds = array<i64: 64, 8>}, {pipeline_mode = #tpu.pipeline_mode<synchronous>, transform_indices = @transform_16, window_bounds = array<i64: 8>}, {pipeline_mode = #tpu.pipeline_mode<synchronous>, transform_indices = @transform_17, window_bounds = array<i64: 64, 8>}, {pipeline_mode = #tpu.pipeline_mode<synchronous>, transform_indices = @transform_18, window_bounds = array<i64: 8>}, {pipeline_mode = #tpu.pipeline_mode<synchronous>, transform_indices = @transform_19, window_bounds = array<i64: 64, 8>}, {pipeline_mode = #tpu.pipeline_mode<synchronous>, transform_indices = @transform_20, window_bounds = array<i64: 8>}, {transform_indices = @transform_21, window_bounds = array<i64: 2000, 16>}, {transform_indices = @transform_22, window_bounds = array<i64: 2000, 32>}, {transform_indices = @transform_23, window_bounds = array<i64: 2000, 16>}]} {
    %get3A = arith.constant 0 : index
    %get3A_0 = arith.constant 0 : index
    %get3A_1 = vector.load %arg1[%get3A, %get3A_0] : memref<2000x64xf32, #tpu.memory_space<vmem>>, vector<2000x64xf32>
    %get3A_2 = arith.constant 0 : index
    %get3A_3 = arith.constant 0 : index
    %get3A_4 = vector.load %arg2[%get3A_2, %get3A_3] : memref<2000x64xf32, #tpu.memory_space<vmem>>, vector<2000x64xf32>
    %add3A = arith.addf %get3A_1, %get3A_4 : vector<2000x64xf32>
    %get3A_5 = arith.constant 0 : index
    %get3A_6 = arith.constant 0 : index
    %get3A_7 = vector.load %arg3[%get3A_5, %get3A_6] : memref<2000x64xf32, #tpu.memory_space<vmem>>, vector<2000x64xf32>
    %add3A_8 = arith.addf %add3A, %get3A_7 : vector<2000x64xf32>
    %get3A_9 = arith.constant 0 : index
    %get3A_10 = vector.load %arg4[%get3A_9] : memref<64xf32, #tpu.memory_space<vmem>>, vector<64xf32>
    %get3A_11 = arith.constant 0 : index
    %get3A_12 = vector.load %arg5[%get3A_11] : memref<64xf32, #tpu.memory_space<vmem>>, vector<64xf32>
    %sqrt3A = arith.constant 1.000010e+00 : f32
    %sqrt3A_13 = math.sqrt %sqrt3A : f32
    %div3A = vector.broadcast %sqrt3A_13 : f32 to vector<2000x64xf32>
    %div3A_14 = arith.divf %add3A_8, %div3A : vector<2000x64xf32>
    %broadcast_in_dim3A = vector.shape_cast %get3A_10 : vector<64xf32> to vector<1x64xf32>
    %mul3A = vector.broadcast %broadcast_in_dim3A : vector<1x64xf32> to vector<2000x64xf32>
    %mul3A_15 = arith.mulf %div3A_14, %mul3A : vector<2000x64xf32>
    %broadcast_in_dim3A_16 = vector.shape_cast %get3A_12 : vector<64xf32> to vector<1x64xf32>
    %add3A_17 = vector.broadcast %broadcast_in_dim3A_16 : vector<1x64xf32> to vector<2000x64xf32>
    %add3A_18 = arith.addf %mul3A_15, %add3A_17 : vector<2000x64xf32>
    %max3A = arith.constant 0.000000e+00 : f32
    %max3A_19 = vector.broadcast %max3A : f32 to vector<2000x64xf32>
    %max3A_20 = arith.maximumf %add3A_18, %max3A_19 : vector<2000x64xf32>
    %get3A_21 = arith.constant 0 : index
    %get3A_22 = arith.constant 0 : index
    %get3A_23 = vector.load %arg6[%get3A_21, %get3A_22] : memref<64x8xf32, #tpu.memory_space<vmem>>, vector<64x8xf32>
    %dot_general3A = arith.constant dense<0.000000e+00> : vector<2000x8xf32>
    %dot_general3A_24 = tpu.matmul %max3A_20, %get3A_23, %dot_general3A {dimension_numbers = #tpu.dot_dimension_numbers<[1], [0], [0], [1], [0, 0, 1, 1], [], []>, transpose_lhs_hint = false} : vector<2000x64xf32>, vector<64x8xf32>, vector<2000x8xf32> -> vector<2000x8xf32>
    %get3A_25 = arith.constant 0 : index
    %get3A_26 = vector.load %arg7[%get3A_25] : memref<8xf32, #tpu.memory_space<vmem>>, vector<8xf32>
    %broadcast_in_dim3A_27 = vector.shape_cast %get3A_26 : vector<8xf32> to vector<1x8xf32>
    %add3A_28 = vector.broadcast %broadcast_in_dim3A_27 : vector<1x8xf32> to vector<2000x8xf32>
    %add3A_29 = arith.addf %dot_general3A_24, %add3A_28 : vector<2000x8xf32>
    %swap3A = arith.constant 0 : index
    %swap3A_30 = arith.constant 0 : index
    %swap3A_31 = vector.load %arg22[%swap3A, %swap3A_30] : memref<2000x16xf32, #tpu.memory_space<vmem>>, vector<2000x8xf32>
    tpu.vector_store %arg22[%swap3A, %swap3A_30], %add3A_29 {strides = array<i32>} : memref<2000x16xf32, #tpu.memory_space<vmem>>, vector<2000x8xf32>,
    %get3A_32 = arith.constant 0 : index
    %get3A_33 = arith.constant 0 : index
    %get3A_34 = vector.load %arg8[%get3A_32, %get3A_33] : memref<64x8xf32, #tpu.memory_space<vmem>>, vector<64x8xf32>
    %dot_general3A_35 = arith.constant dense<0.000000e+00> : vector<2000x8xf32>
    %dot_general3A_36 = tpu.matmul %max3A_20, %get3A_34, %dot_general3A_35 {dimension_numbers = #tpu.dot_dimension_numbers<[1], [0], [0], [1], [0, 0, 1, 1], [], []>, transpose_lhs_hint = false} : vector<2000x64xf32>, vector<64x8xf32>, vector<2000x8xf32> -> vector<2000x8xf32>
    %get3A_37 = arith.constant 0 : index
    %get3A_38 = vector.load %arg9[%get3A_37] : memref<8xf32, #tpu.memory_space<vmem>>, vector<8xf32>
    %broadcast_in_dim3A_39 = vector.shape_cast %get3A_38 : vector<8xf32> to vector<1x8xf32>
    %add3A_40 = vector.broadcast %broadcast_in_dim3A_39 : vector<1x8xf32> to vector<2000x8xf32>
    %add3A_41 = arith.addf %dot_general3A_36, %add3A_40 : vector<2000x8xf32>
    %swap3A_42 = arith.constant 0 : index
    %swap3A_43 = arith.constant 8 : index
    %swap3A_44 = vector.load %arg22[%swap3A_42, %swap3A_43] : memref<2000x16xf32, #tpu.memory_space<vmem>>, vector<2000x8xf32>
    tpu.vector_store %arg22[%swap3A_42, %swap3A_43], %add3A_41 {strides = array<i32>} : memref<2000x16xf32, #tpu.memory_space<vmem>>, vector<2000x8xf32>,
    %get3A_45 = arith.constant 0 : index
    %get3A_46 = arith.constant 0 : index
    %get3A_47 = vector.load %arg10[%get3A_45, %get3A_46] : memref<64x8xf32, #tpu.memory_space<vmem>>, vector<64x8xf32>
    %dot_general3A_48 = arith.constant dense<0.000000e+00> : vector<2000x8xf32>
    %dot_general3A_49 = tpu.matmul %max3A_20, %get3A_47, %dot_general3A_48 {dimension_numbers = #tpu.dot_dimension_numbers<[1], [0], [0], [1], [0, 0, 1, 1], [], []>, transpose_lhs_hint = false} : vector<2000x64xf32>, vector<64x8xf32>, vector<2000x8xf32> -> vector<2000x8xf32>
    %get3A_50 = arith.constant 0 : index
    %get3A_51 = vector.load %arg11[%get3A_50] : memref<8xf32, #tpu.memory_space<vmem>>, vector<8xf32>
    %broadcast_in_dim3A_52 = vector.shape_cast %get3A_51 : vector<8xf32> to vector<1x8xf32>
    %add3A_53 = vector.broadcast %broadcast_in_dim3A_52 : vector<1x8xf32> to vector<2000x8xf32>
    %add3A_54 = arith.addf %dot_general3A_49, %add3A_53 : vector<2000x8xf32>
    %swap3A_55 = arith.constant 0 : index
    %swap3A_56 = arith.constant 0 : index
    %swap3A_57 = vector.load %arg23[%swap3A_55, %swap3A_56] : memref<2000x32xf32, #tpu.memory_space<vmem>>, vector<2000x8xf32>
    tpu.vector_store %arg23[%swap3A_55, %swap3A_56], %add3A_54 {strides = array<i32>} : memref<2000x32xf32, #tpu.memory_space<vmem>>, vector<2000x8xf32>,
    %get3A_58 = arith.constant 0 : index
    %get3A_59 = arith.constant 0 : index
    %get3A_60 = vector.load %arg12[%get3A_58, %get3A_59] : memref<64x8xf32, #tpu.memory_space<vmem>>, vector<64x8xf32>
    %dot_general3A_61 = arith.constant dense<0.000000e+00> : vector<2000x8xf32>
    %dot_general3A_62 = tpu.matmul %max3A_20, %get3A_60, %dot_general3A_61 {dimension_numbers = #tpu.dot_dimension_numbers<[1], [0], [0], [1], [0, 0, 1, 1], [], []>, transpose_lhs_hint = false} : vector<2000x64xf32>, vector<64x8xf32>, vector<2000x8xf32> -> vector<2000x8xf32>
    %get3A_63 = arith.constant 0 : index
    %get3A_64 = vector.load %arg13[%get3A_63] : memref<8xf32, #tpu.memory_space<vmem>>, vector<8xf32>
    %broadcast_in_dim3A_65 = vector.shape_cast %get3A_64 : vector<8xf32> to vector<1x8xf32>
    %add3A_66 = vector.broadcast %broadcast_in_dim3A_65 : vector<1x8xf32> to vector<2000x8xf32>
    %add3A_67 = arith.addf %dot_general3A_62, %add3A_66 : vector<2000x8xf32>
    %swap3A_68 = arith.constant 0 : index
    %swap3A_69 = arith.constant 8 : index
    %swap3A_70 = vector.load %arg23[%swap3A_68, %swap3A_69] : memref<2000x32xf32, #tpu.memory_space<vmem>>, vector<2000x8xf32>
    tpu.vector_store %arg23[%swap3A_68, %swap3A_69], %add3A_67 {strides = array<i32>} : memref<2000x32xf32, #tpu.memory_space<vmem>>, vector<2000x8xf32>,
    %get3A_71 = arith.constant 0 : index
    %get3A_72 = arith.constant 0 : index
    %get3A_73 = vector.load %arg14[%get3A_71, %get3A_72] : memref<64x8xf32, #tpu.memory_space<vmem>>, vector<64x8xf32>
    %dot_general3A_74 = arith.constant dense<0.000000e+00> : vector<2000x8xf32>
    %dot_general3A_75 = tpu.matmul %max3A_20, %get3A_73, %dot_general3A_74 {dimension_numbers = #tpu.dot_dimension_numbers<[1], [0], [0], [1], [0, 0, 1, 1], [], []>, transpose_lhs_hint = false} : vector<2000x64xf32>, vector<64x8xf32>, vector<2000x8xf32> -> vector<2000x8xf32>
    %get3A_76 = arith.constant 0 : index
    %get3A_77 = vector.load %arg15[%get3A_76] : memref<8xf32, #tpu.memory_space<vmem>>, vector<8xf32>
    %broadcast_in_dim3A_78 = vector.shape_cast %get3A_77 : vector<8xf32> to vector<1x8xf32>
    %add3A_79 = vector.broadcast %broadcast_in_dim3A_78 : vector<1x8xf32> to vector<2000x8xf32>
    %add3A_80 = arith.addf %dot_general3A_75, %add3A_79 : vector<2000x8xf32>
    %swap3A_81 = arith.constant 0 : index
    %swap3A_82 = arith.constant 16 : index
    %swap3A_83 = vector.load %arg23[%swap3A_81, %swap3A_82] : memref<2000x32xf32, #tpu.memory_space<vmem>>, vector<2000x8xf32>
    tpu.vector_store %arg23[%swap3A_81, %swap3A_82], %add3A_80 {strides = array<i32>} : memref<2000x32xf32, #tpu.memory_space<vmem>>, vector<2000x8xf32>,
    %get3A_84 = arith.constant 0 : index
    %get3A_85 = arith.constant 0 : index
    %get3A_86 = vector.load %arg16[%get3A_84, %get3A_85] : memref<64x8xf32, #tpu.memory_space<vmem>>, vector<64x8xf32>
    %dot_general3A_87 = arith.constant dense<0.000000e+00> : vector<2000x8xf32>
    %dot_general3A_88 = tpu.matmul %max3A_20, %get3A_86, %dot_general3A_87 {dimension_numbers = #tpu.dot_dimension_numbers<[1], [0], [0], [1], [0, 0, 1, 1], [], []>, transpose_lhs_hint = false} : vector<2000x64xf32>, vector<64x8xf32>, vector<2000x8xf32> -> vector<2000x8xf32>
    %get3A_89 = arith.constant 0 : index
    %get3A_90 = vector.load %arg17[%get3A_89] : memref<8xf32, #tpu.memory_space<vmem>>, vector<8xf32>
    %broadcast_in_dim3A_91 = vector.shape_cast %get3A_90 : vector<8xf32> to vector<1x8xf32>
    %add3A_92 = vector.broadcast %broadcast_in_dim3A_91 : vector<1x8xf32> to vector<2000x8xf32>
    %add3A_93 = arith.addf %dot_general3A_88, %add3A_92 : vector<2000x8xf32>
    %swap3A_94 = arith.constant 0 : index
    %swap3A_95 = arith.constant 24 : index
    %swap3A_96 = vector.load %arg23[%swap3A_94, %swap3A_95] : memref<2000x32xf32, #tpu.memory_space<vmem>>, vector<2000x8xf32>
    tpu.vector_store %arg23[%swap3A_94, %swap3A_95], %add3A_93 {strides = array<i32>} : memref<2000x32xf32, #tpu.memory_space<vmem>>, vector<2000x8xf32>,
    %get3A_97 = arith.constant 0 : index
    %get3A_98 = arith.constant 0 : index
    %get3A_99 = vector.load %arg18[%get3A_97, %get3A_98] : memref<64x8xf32, #tpu.memory_space<vmem>>, vector<64x8xf32>
    %dot_general3A_100 = arith.constant dense<0.000000e+00> : vector<2000x8xf32>
    %dot_general3A_101 = tpu.matmul %max3A_20, %get3A_99, %dot_general3A_100 {dimension_numbers = #tpu.dot_dimension_numbers<[1], [0], [0], [1], [0, 0, 1, 1], [], []>, transpose_lhs_hint = false} : vector<2000x64xf32>, vector<64x8xf32>, vector<2000x8xf32> -> vector<2000x8xf32>
    %get3A_102 = arith.constant 0 : index
    %get3A_103 = vector.load %arg19[%get3A_102] : memref<8xf32, #tpu.memory_space<vmem>>, vector<8xf32>
    %broadcast_in_dim3A_104 = vector.shape_cast %get3A_103 : vector<8xf32> to vector<1x8xf32>
    %add3A_105 = vector.broadcast %broadcast_in_dim3A_104 : vector<1x8xf32> to vector<2000x8xf32>
    %add3A_106 = arith.addf %dot_general3A_101, %add3A_105 : vector<2000x8xf32>
    %swap3A_107 = arith.constant 0 : index
    %swap3A_108 = arith.constant 0 : index
    %swap3A_109 = vector.load %arg24[%swap3A_107, %swap3A_108] : memref<2000x16xf32, #tpu.memory_space<vmem>>, vector<2000x8xf32>
    tpu.vector_store %arg24[%swap3A_107, %swap3A_108], %add3A_106 {strides = array<i32>} : memref<2000x16xf32, #tpu.memory_space<vmem>>, vector<2000x8xf32>,
    %get3A_110 = arith.constant 0 : index
    %get3A_111 = arith.constant 0 : index
    %get3A_112 = vector.load %arg20[%get3A_110, %get3A_111] : memref<64x8xf32, #tpu.memory_space<vmem>>, vector<64x8xf32>
    %dot_general3A_113 = arith.constant dense<0.000000e+00> : vector<2000x8xf32>
    %dot_general3A_114 = tpu.matmul %max3A_20, %get3A_112, %dot_general3A_113 {dimension_numbers = #tpu.dot_dimension_numbers<[1], [0], [0], [1], [0, 0, 1, 1], [], []>, transpose_lhs_hint = false} : vector<2000x64xf32>, vector<64x8xf32>, vector<2000x8xf32> -> vector<2000x8xf32>
    %get3A_115 = arith.constant 0 : index
    %get3A_116 = vector.load %arg21[%get3A_115] : memref<8xf32, #tpu.memory_space<vmem>>, vector<8xf32>
    %broadcast_in_dim3A_117 = vector.shape_cast %get3A_116 : vector<8xf32> to vector<1x8xf32>
    %add3A_118 = vector.broadcast %broadcast_in_dim3A_117 : vector<1x8xf32> to vector<2000x8xf32>
    %add3A_119 = arith.addf %dot_general3A_114, %add3A_118 : vector<2000x8xf32>
    %swap3A_120 = arith.constant 0 : index
    %swap3A_121 = arith.constant 8 : index
    %swap3A_122 = vector.load %arg24[%swap3A_120, %swap3A_121] : memref<2000x16xf32, #tpu.memory_space<vmem>>, vector<2000x8xf32>
    tpu.vector_store %arg24[%swap3A_120, %swap3A_121], %add3A_119 {strides = array<i32>} : memref<2000x16xf32, #tpu.memory_space<vmem>>, vector<2000x8xf32>,
    return
  }
  func.func @transform_0(%arg0: i32) -> (i32, i32) {
    %c0_i32 = arith.constant 0 : i32
    %c0_i32_0 = arith.constant 0 : i32
    return %arg0, %c0_i32 : i32, i32
  }
  func.func @transform_1(%arg0: i32) -> (i32, i32) {
    %c0_i32 = arith.constant 0 : i32
    %c0_i32_0 = arith.constant 0 : i32
    return %arg0, %c0_i32 : i32, i32
  }
  func.func @transform_2(%arg0: i32) -> (i32, i32) {
    %c0_i32 = arith.constant 0 : i32
    %c0_i32_0 = arith.constant 0 : i32
    return %arg0, %c0_i32 : i32, i32
  }
  func.func @transform_3(%arg0: i32) -> i32 {
    %c0_i32 = arith.constant 0 : i32
    %c0_i32_0 = arith.constant 0 : i32
    return %c0_i32 : i32
  }
  func.func @transform_4(%arg0: i32) -> i32 {
    %c0_i32 = arith.constant 0 : i32
    %c0_i32_0 = arith.constant 0 : i32
    return %c0_i32 : i32
  }
  func.func @transform_5(%arg0: i32) -> (i32, i32) {
    %c0_i32 = arith.constant 0 : i32
    %c0_i32_0 = arith.constant 0 : i32
    %c0_i32_1 = arith.constant 0 : i32
    return %c0_i32, %c0_i32_0 : i32, i32
  }
  func.func @transform_6(%arg0: i32) -> i32 {
    %c0_i32 = arith.constant 0 : i32
    %c0_i32_0 = arith.constant 0 : i32
    return %c0_i32 : i32
  }
  func.func @transform_7(%arg0: i32) -> (i32, i32) {
    %c0_i32 = arith.constant 0 : i32
    %c0_i32_0 = arith.constant 0 : i32
    %c0_i32_1 = arith.constant 0 : i32
    return %c0_i32, %c0_i32_0 : i32, i32
  }
  func.func @transform_8(%arg0: i32) -> i32 {
    %c0_i32 = arith.constant 0 : i32
    %c0_i32_0 = arith.constant 0 : i32
    return %c0_i32 : i32
  }
  func.func @transform_9(%arg0: i32) -> (i32, i32) {
    %c0_i32 = arith.constant 0 : i32
    %c0_i32_0 = arith.constant 0 : i32
    %c0_i32_1 = arith.constant 0 : i32
    return %c0_i32, %c0_i32_0 : i32, i32
  }
  func.func @transform_10(%arg0: i32) -> i32 {
    %c0_i32 = arith.constant 0 : i32
    %c0_i32_0 = arith.constant 0 : i32
    return %c0_i32 : i32
  }
  func.func @transform_11(%arg0: i32) -> (i32, i32) {
    %c0_i32 = arith.constant 0 : i32
    %c0_i32_0 = arith.constant 0 : i32
    %c0_i32_1 = arith.constant 0 : i32
    return %c0_i32, %c0_i32_0 : i32, i32
  }
  func.func @transform_12(%arg0: i32) -> i32 {
    %c0_i32 = arith.constant 0 : i32
    %c0_i32_0 = arith.constant 0 : i32
    return %c0_i32 : i32
  }
  func.func @transform_13(%arg0: i32) -> (i32, i32) {
    %c0_i32 = arith.constant 0 : i32
    %c0_i32_0 = arith.constant 0 : i32
    %c0_i32_1 = arith.constant 0 : i32
    return %c0_i32, %c0_i32_0 : i32, i32
  }
  func.func @transform_14(%arg0: i32) -> i32 {
    %c0_i32 = arith.constant 0 : i32
    %c0_i32_0 = arith.constant 0 : i32
    return %c0_i32 : i32
  }
  func.func @transform_15(%arg0: i32) -> (i32, i32) {
    %c0_i32 = arith.constant 0 : i32
    %c0_i32_0 = arith.constant 0 : i32
    %c0_i32_1 = arith.constant 0 : i32
    return %c0_i32, %c0_i32_0 : i32, i32
  }
  func.func @transform_16(%arg0: i32) -> i32 {
    %c0_i32 = arith.constant 0 : i32
    %c0_i32_0 = arith.constant 0 : i32
    return %c0_i32 : i32
  }
  func.func @transform_17(%arg0: i32) -> (i32, i32) {
    %c0_i32 = arith.constant 0 : i32
    %c0_i32_0 = arith.constant 0 : i32
    %c0_i32_1 = arith.constant 0 : i32
    return %c0_i32, %c0_i32_0 : i32, i32
  }
  func.func @transform_18(%arg0: i32) -> i32 {
    %c0_i32 = arith.constant 0 : i32
    %c0_i32_0 = arith.constant 0 : i32
    return %c0_i32 : i32
  }
  func.func @transform_19(%arg0: i32) -> (i32, i32) {
    %c0_i32 = arith.constant 0 : i32
    %c0_i32_0 = arith.constant 0 : i32
    %c0_i32_1 = arith.constant 0 : i32
    return %c0_i32, %c0_i32_0 : i32, i32
  }
  func.func @transform_20(%arg0: i32) -> i32 {
    %c0_i32 = arith.constant 0 : i32
    %c0_i32_0 = arith.constant 0 : i32
    return %c0_i32 : i32
  }
  func.func @transform_21(%arg0: i32) -> (i32, i32) {
    %c0_i32 = arith.constant 0 : i32
    %c0_i32_0 = arith.constant 0 : i32
    return %arg0, %c0_i32 : i32, i32
  }
  func.func @transform_22(%arg0: i32) -> (i32, i32) {
    %c0_i32 = arith.constant 0 : i32
    %c0_i32_0 = arith.constant 0 : i32
    return %arg0, %c0_i32 : i32, i32
  }
  func.func @transform_23(%arg0: i32) -> (i32, i32) {
    %c0_i32 = arith.constant 0 : i32
    %c0_i32_0 = arith.constant 0 : i32
    return %arg0, %c0_i32 : i32, i32
  }
}

module attributes {stable_mosaic.version = 14 : i64} {
  func.func @_tc3_body(%arg0: i32, %arg1: memref<2000x20xf32, #tpu.memory_space<vmem>>, %arg2: memref<2000x16xf32, #tpu.memory_space<vmem>>, %arg3: memref<2000x16xf32, #tpu.memory_space<vmem>>, %arg4: memref<2000x16xf32, #tpu.memory_space<vmem>>, %arg5: memref<28x50xf32, #tpu.memory_space<vmem>>, %arg6: memref<50xf32, #tpu.memory_space<vmem>>, %arg7: memref<50xf32, #tpu.memory_space<vmem>>, %arg8: memref<50xf32, #tpu.memory_space<vmem>>, %arg9: memref<50x60xf32, #tpu.memory_space<vmem>>, %arg10: memref<60xf32, #tpu.memory_space<vmem>>, %arg11: memref<60xf32, #tpu.memory_space<vmem>>, %arg12: memref<60xf32, #tpu.memory_space<vmem>>, %arg13: memref<60x128xf32, #tpu.memory_space<vmem>>, %arg14: memref<128xf32, #tpu.memory_space<vmem>>, %arg15: memref<128xf32, #tpu.memory_space<vmem>>, %arg16: memref<128xf32, #tpu.memory_space<vmem>>, %arg17: memref<15x28xf32, #tpu.memory_space<vmem>>, %arg18: memref<2000x28xf32, #tpu.memory_space<vmem>>, %arg19: memref<2000x8xf32, #tpu.memory_space<vmem>>, %arg20: memref<2000x8xf32, #tpu.memory_space<vmem>>, %arg21: memref<2000x128xf32, #tpu.memory_space<vmem>>, %arg22: memref<2000x15xf32, #tpu.memory_space<vmem>>) attributes {dimension_semantics = [#tpu.dimension_semantics<arbitrary>], iteration_bounds = array<i64: 5>, scalar_prefetch = 0 : i64, scratch_operands = 0 : i64, tpu.core_type = #tpu.core_type<tc>, window_params = [{transform_indices = @transform_0, window_bounds = array<i64: 2000, 20>}, {transform_indices = @transform_1, window_bounds = array<i64: 2000, 16>}, {transform_indices = @transform_2, window_bounds = array<i64: 2000, 16>}, {transform_indices = @transform_3, window_bounds = array<i64: 2000, 16>}, {pipeline_mode = #tpu.pipeline_mode<synchronous>, transform_indices = @transform_4, window_bounds = array<i64: 28, 50>}, {pipeline_mode = #tpu.pipeline_mode<synchronous>, transform_indices = @transform_5, window_bounds = array<i64: 50>}, {pipeline_mode = #tpu.pipeline_mode<synchronous>, transform_indices = @transform_6, window_bounds = array<i64: 50>}, {pipeline_mode = #tpu.pipeline_mode<synchronous>, transform_indices = @transform_7, window_bounds = array<i64: 50>}, {pipeline_mode = #tpu.pipeline_mode<synchronous>, transform_indices = @transform_8, window_bounds = array<i64: 50, 60>}, {pipeline_mode = #tpu.pipeline_mode<synchronous>, transform_indices = @transform_9, window_bounds = array<i64: 60>}, {pipeline_mode = #tpu.pipeline_mode<synchronous>, transform_indices = @transform_10, window_bounds = array<i64: 60>}, {pipeline_mode = #tpu.pipeline_mode<synchronous>, transform_indices = @transform_11, window_bounds = array<i64: 60>}, {pipeline_mode = #tpu.pipeline_mode<synchronous>, transform_indices = @transform_12, window_bounds = array<i64: 60, 128>}, {pipeline_mode = #tpu.pipeline_mode<synchronous>, transform_indices = @transform_13, window_bounds = array<i64: 128>}, {pipeline_mode = #tpu.pipeline_mode<synchronous>, transform_indices = @transform_14, window_bounds = array<i64: 128>}, {pipeline_mode = #tpu.pipeline_mode<synchronous>, transform_indices = @transform_15, window_bounds = array<i64: 128>}, {pipeline_mode = #tpu.pipeline_mode<synchronous>, transform_indices = @transform_16, window_bounds = array<i64: 15, 28>}, {transform_indices = @transform_17, window_bounds = array<i64: 2000, 28>}, {transform_indices = @transform_18, window_bounds = array<i64: 2000, 8>}, {transform_indices = @transform_19, window_bounds = array<i64: 2000, 8>}, {transform_indices = @transform_20, window_bounds = array<i64: 2000, 128>}, {transform_indices = @transform_21, window_bounds = array<i64: 2000, 15>}]} {
    %get3A = arith.constant 0 : index
    %get3A_0 = arith.constant 0 : index
    %get3A_1 = vector.load %arg2[%get3A, %get3A_0] : memref<2000x16xf32, #tpu.memory_space<vmem>>, vector<2000x16xf32>
    %get3A_2 = arith.constant 0 : index
    %get3A_3 = arith.constant 0 : index
    %get3A_4 = vector.load %arg3[%get3A_2, %get3A_3] : memref<2000x16xf32, #tpu.memory_space<vmem>>, vector<2000x16xf32>
    %add3A = arith.addf %get3A_1, %get3A_4 : vector<2000x16xf32>
    %get3A_5 = arith.constant 0 : index
    %get3A_6 = arith.constant 0 : index
    %get3A_7 = vector.load %arg4[%get3A_5, %get3A_6] : memref<2000x16xf32, #tpu.memory_space<vmem>>, vector<2000x16xf32>
    %add3A_8 = arith.addf %add3A, %get3A_7 : vector<2000x16xf32>
    %slice3A = vector.extract_strided_slice %add3A_8 {offsets = [0, 0], sizes = [2000, 8], strides = [1, 1]} : vector<2000x16xf32> to vector<2000x8xf32>
    %slice3A_9 = vector.extract_strided_slice %add3A_8 {offsets = [0, 8], sizes = [2000, 8], strides = [1, 1]} : vector<2000x16xf32> to vector<2000x8xf32>
    %swap3A = arith.constant 0 : index
    %swap3A_10 = arith.constant 0 : index
    %swap3A_11 = vector.load %arg19[%swap3A, %swap3A_10] : memref<2000x8xf32, #tpu.memory_space<vmem>>, vector<2000x8xf32>
    tpu.vector_store %arg19[%swap3A, %swap3A_10], %slice3A {strides = array<i32>} : memref<2000x8xf32, #tpu.memory_space<vmem>>, vector<2000x8xf32>,
    %swap3A_12 = arith.constant 0 : index
    %swap3A_13 = arith.constant 0 : index
    %swap3A_14 = vector.load %arg20[%swap3A_12, %swap3A_13] : memref<2000x8xf32, #tpu.memory_space<vmem>>, vector<2000x8xf32>
    tpu.vector_store %arg20[%swap3A_12, %swap3A_13], %slice3A_9 {strides = array<i32>} : memref<2000x8xf32, #tpu.memory_space<vmem>>, vector<2000x8xf32>,
    %get3A_15 = arith.constant 0 : index
    %get3A_16 = arith.constant 0 : index
    %get3A_17 = vector.load %arg1[%get3A_15, %get3A_16] : memref<2000x20xf32, #tpu.memory_space<vmem>>, vector<2000x20xf32>
    %concatenate3A = tpu.concatenate %get3A_17, %slice3A in 1 : vector<2000x20xf32>, vector<2000x8xf32> -> vector<2000x28xf32>
    %swap3A_18 = arith.constant 0 : index
    %swap3A_19 = arith.constant 0 : index
    %swap3A_20 = vector.load %arg18[%swap3A_18, %swap3A_19] : memref<2000x28xf32, #tpu.memory_space<vmem>>, vector<2000x28xf32>
    tpu.vector_store %arg18[%swap3A_18, %swap3A_19], %concatenate3A {strides = array<i32>} : memref<2000x28xf32, #tpu.memory_space<vmem>>, vector<2000x28xf32>,
    %get3A_21 = arith.constant 0 : index
    %get3A_22 = arith.constant 0 : index
    %get3A_23 = vector.load %arg5[%get3A_21, %get3A_22] : memref<28x50xf32, #tpu.memory_space<vmem>>, vector<28x50xf32>
    %dot_general3A = arith.constant dense<0.000000e+00> : vector<2000x50xf32>
    %dot_general3A_24 = tpu.matmul %concatenate3A, %get3A_23, %dot_general3A {dimension_numbers = #tpu.dot_dimension_numbers<[1], [0], [0], [1], [0, 0, 1, 1], [], []>, transpose_lhs_hint = false} : vector<2000x28xf32>, vector<28x50xf32>, vector<2000x50xf32> -> vector<2000x50xf32>
    %get3A_25 = arith.constant 0 : index
    %get3A_26 = vector.load %arg6[%get3A_25] : memref<50xf32, #tpu.memory_space<vmem>>, vector<50xf32>
    %broadcast_in_dim3A = vector.shape_cast %get3A_26 : vector<50xf32> to vector<1x50xf32>
    %add3A_27 = vector.broadcast %broadcast_in_dim3A : vector<1x50xf32> to vector<2000x50xf32>
    %add3A_28 = arith.addf %dot_general3A_24, %add3A_27 : vector<2000x50xf32>
    %get3A_29 = arith.constant 0 : index
    %get3A_30 = vector.load %arg7[%get3A_29] : memref<50xf32, #tpu.memory_space<vmem>>, vector<50xf32>
    %get3A_31 = arith.constant 0 : index
    %get3A_32 = vector.load %arg8[%get3A_31] : memref<50xf32, #tpu.memory_space<vmem>>, vector<50xf32>
    %sqrt3A = arith.constant 1.001000e+00 : f32
    %sqrt3A_33 = math.sqrt %sqrt3A : f32
    %div3A = vector.broadcast %sqrt3A_33 : f32 to vector<2000x50xf32>
    %div3A_34 = arith.divf %add3A_28, %div3A : vector<2000x50xf32>
    %broadcast_in_dim3A_35 = vector.shape_cast %get3A_30 : vector<50xf32> to vector<1x50xf32>
    %mul3A = vector.broadcast %broadcast_in_dim3A_35 : vector<1x50xf32> to vector<2000x50xf32>
    %mul3A_36 = arith.mulf %div3A_34, %mul3A : vector<2000x50xf32>
    %broadcast_in_dim3A_37 = vector.shape_cast %get3A_32 : vector<50xf32> to vector<1x50xf32>
    %add3A_38 = vector.broadcast %broadcast_in_dim3A_37 : vector<1x50xf32> to vector<2000x50xf32>
    %add3A_39 = arith.addf %mul3A_36, %add3A_38 : vector<2000x50xf32>
    %gt3A = arith.constant 0.000000e+00 : f32
    %gt3A_40 = vector.broadcast %gt3A : f32 to vector<2000x50xf32>
    %gt3A_41 = arith.cmpf ogt, %add3A_39, %gt3A_40 : vector<2000x50xf32>
    %exp3A = math.exp %add3A_39 : vector<2000x50xf32>
    %sub3A = arith.constant 1.000000e+00 : f32
    %sub3A_42 = vector.broadcast %sub3A : f32 to vector<2000x50xf32>
    %sub3A_43 = arith.subf %exp3A, %sub3A_42 : vector<2000x50xf32>
    %select_n3A = arith.select %gt3A_41, %add3A_39, %sub3A_43 : vector<2000x50xi1>, vector<2000x50xf32>
    %get3A_44 = arith.constant 0 : index
    %get3A_45 = arith.constant 0 : index
    %get3A_46 = vector.load %arg9[%get3A_44, %get3A_45] : memref<50x60xf32, #tpu.memory_space<vmem>>, vector<50x60xf32>
    %dot_general3A_47 = arith.constant dense<0.000000e+00> : vector<2000x60xf32>
    %dot_general3A_48 = tpu.matmul %select_n3A, %get3A_46, %dot_general3A_47 {dimension_numbers = #tpu.dot_dimension_numbers<[1], [0], [0], [1], [0, 0, 1, 1], [], []>, transpose_lhs_hint = false} : vector<2000x50xf32>, vector<50x60xf32>, vector<2000x60xf32> -> vector<2000x60xf32>
    %get3A_49 = arith.constant 0 : index
    %get3A_50 = vector.load %arg10[%get3A_49] : memref<60xf32, #tpu.memory_space<vmem>>, vector<60xf32>
    %broadcast_in_dim3A_51 = vector.shape_cast %get3A_50 : vector<60xf32> to vector<1x60xf32>
    %add3A_52 = vector.broadcast %broadcast_in_dim3A_51 : vector<1x60xf32> to vector<2000x60xf32>
    %add3A_53 = arith.addf %dot_general3A_48, %add3A_52 : vector<2000x60xf32>
    %get3A_54 = arith.constant 0 : index
    %get3A_55 = vector.load %arg11[%get3A_54] : memref<60xf32, #tpu.memory_space<vmem>>, vector<60xf32>
    %get3A_56 = arith.constant 0 : index
    %get3A_57 = vector.load %arg12[%get3A_56] : memref<60xf32, #tpu.memory_space<vmem>>, vector<60xf32>
    %sqrt3A_58 = arith.constant 1.001000e+00 : f32
    %sqrt3A_59 = math.sqrt %sqrt3A_58 : f32
    %div3A_60 = vector.broadcast %sqrt3A_59 : f32 to vector<2000x60xf32>
    %div3A_61 = arith.divf %add3A_53, %div3A_60 : vector<2000x60xf32>
    %broadcast_in_dim3A_62 = vector.shape_cast %get3A_55 : vector<60xf32> to vector<1x60xf32>
    %mul3A_63 = vector.broadcast %broadcast_in_dim3A_62 : vector<1x60xf32> to vector<2000x60xf32>
    %mul3A_64 = arith.mulf %div3A_61, %mul3A_63 : vector<2000x60xf32>
    %broadcast_in_dim3A_65 = vector.shape_cast %get3A_57 : vector<60xf32> to vector<1x60xf32>
    %add3A_66 = vector.broadcast %broadcast_in_dim3A_65 : vector<1x60xf32> to vector<2000x60xf32>
    %add3A_67 = arith.addf %mul3A_64, %add3A_66 : vector<2000x60xf32>
    %gt3A_68 = arith.constant 0.000000e+00 : f32
    %gt3A_69 = vector.broadcast %gt3A_68 : f32 to vector<2000x60xf32>
    %gt3A_70 = arith.cmpf ogt, %add3A_67, %gt3A_69 : vector<2000x60xf32>
    %exp3A_71 = math.exp %add3A_67 : vector<2000x60xf32>
    %sub3A_72 = arith.constant 1.000000e+00 : f32
    %sub3A_73 = vector.broadcast %sub3A_72 : f32 to vector<2000x60xf32>
    %sub3A_74 = arith.subf %exp3A_71, %sub3A_73 : vector<2000x60xf32>
    %select_n3A_75 = arith.select %gt3A_70, %add3A_67, %sub3A_74 : vector<2000x60xi1>, vector<2000x60xf32>
    %get3A_76 = arith.constant 0 : index
    %get3A_77 = arith.constant 0 : index
    %get3A_78 = vector.load %arg13[%get3A_76, %get3A_77] : memref<60x128xf32, #tpu.memory_space<vmem>>, vector<60x128xf32>
    %dot_general3A_79 = arith.constant dense<0.000000e+00> : vector<2000x128xf32>
    %dot_general3A_80 = tpu.matmul %select_n3A_75, %get3A_78, %dot_general3A_79 {dimension_numbers = #tpu.dot_dimension_numbers<[1], [0], [0], [1], [0, 0, 1, 1], [], []>, transpose_lhs_hint = false} : vector<2000x60xf32>, vector<60x128xf32>, vector<2000x128xf32> -> vector<2000x128xf32>
    %get3A_81 = arith.constant 0 : index
    %get3A_82 = vector.load %arg14[%get3A_81] : memref<128xf32, #tpu.memory_space<vmem>>, vector<128xf32>
    %broadcast_in_dim3A_83 = vector.shape_cast %get3A_82 : vector<128xf32> to vector<1x128xf32>
    %add3A_84 = vector.broadcast %broadcast_in_dim3A_83 : vector<1x128xf32> to vector<2000x128xf32>
    %add3A_85 = arith.addf %dot_general3A_80, %add3A_84 : vector<2000x128xf32>
    %get3A_86 = arith.constant 0 : index
    %get3A_87 = vector.load %arg15[%get3A_86] : memref<128xf32, #tpu.memory_space<vmem>>, vector<128xf32>
    %get3A_88 = arith.constant 0 : index
    %get3A_89 = vector.load %arg16[%get3A_88] : memref<128xf32, #tpu.memory_space<vmem>>, vector<128xf32>
    %sqrt3A_90 = arith.constant 1.001000e+00 : f32
    %sqrt3A_91 = math.sqrt %sqrt3A_90 : f32
    %div3A_92 = vector.broadcast %sqrt3A_91 : f32 to vector<2000x128xf32>
    %div3A_93 = arith.divf %add3A_85, %div3A_92 : vector<2000x128xf32>
    %broadcast_in_dim3A_94 = vector.shape_cast %get3A_87 : vector<128xf32> to vector<1x128xf32>
    %mul3A_95 = vector.broadcast %broadcast_in_dim3A_94 : vector<1x128xf32> to vector<2000x128xf32>
    %mul3A_96 = arith.mulf %div3A_93, %mul3A_95 : vector<2000x128xf32>
    %broadcast_in_dim3A_97 = vector.shape_cast %get3A_89 : vector<128xf32> to vector<1x128xf32>
    %add3A_98 = vector.broadcast %broadcast_in_dim3A_97 : vector<1x128xf32> to vector<2000x128xf32>
    %add3A_99 = arith.addf %mul3A_96, %add3A_98 : vector<2000x128xf32>
    %neg3A = arith.constant 0.000000e+00 : f32
    %neg3A_100 = vector.broadcast %neg3A : f32 to vector<2000x128xf32>
    %neg3A_101 = arith.subf %neg3A_100, %add3A_99 : vector<2000x128xf32>
    %exp3A_102 = math.exp %neg3A_101 : vector<2000x128xf32>
    %add3A_103 = arith.constant 1.000000e+00 : f32
    %add3A_104 = vector.broadcast %add3A_103 : f32 to vector<2000x128xf32>
    %add3A_105 = arith.addf %add3A_104, %exp3A_102 : vector<2000x128xf32>
    %div3A_106 = arith.constant 1.000000e+00 : f32
    %div3A_107 = vector.broadcast %div3A_106 : f32 to vector<2000x128xf32>
    %div3A_108 = arith.divf %div3A_107, %add3A_105 : vector<2000x128xf32>
    %swap3A_109 = arith.constant 0 : index
    %swap3A_110 = arith.constant 0 : index
    %swap3A_111 = vector.load %arg21[%swap3A_109, %swap3A_110] : memref<2000x128xf32, #tpu.memory_space<vmem>>, vector<2000x128xf32>
    tpu.vector_store %arg21[%swap3A_109, %swap3A_110], %div3A_108 {strides = array<i32>} : memref<2000x128xf32, #tpu.memory_space<vmem>>, vector<2000x128xf32>,
    %get3A_112 = arith.constant 0 : index
    %get3A_113 = arith.constant 0 : index
    %get3A_114 = vector.load %arg17[%get3A_112, %get3A_113] : memref<15x28xf32, #tpu.memory_space<vmem>>, vector<15x28xf32>
    %mul3A_115 = arith.mulf %concatenate3A, %concatenate3A : vector<2000x28xf32>
    %reduce_sum3A = arith.constant dense<0.000000e+00> : vector<2000xf32>
    %reduce_sum3A_116 = vector.multi_reduction <add>, %mul3A_115, %reduce_sum3A [1] : vector<2000x28xf32> to vector<2000xf32>
    %broadcast_in_dim3A_117 = vector.shape_cast %reduce_sum3A_116 : vector<2000xf32> to vector<2000x1xf32>
    %mul3A_118 = arith.mulf %get3A_114, %get3A_114 : vector<15x28xf32>
    %reduce_sum3A_119 = arith.constant dense<0.000000e+00> : vector<15xf32>
    %reduce_sum3A_120 = vector.multi_reduction <add>, %mul3A_118, %reduce_sum3A_119 [1] : vector<15x28xf32> to vector<15xf32>
    %broadcast_in_dim3A_121 = vector.shape_cast %reduce_sum3A_120 : vector<15xf32> to vector<1x15xf32>
    %dot_general3A_122 = arith.constant dense<0.000000e+00> : vector<2000x15xf32>
    %dot_general3A_123 = tpu.matmul %concatenate3A, %get3A_114, %dot_general3A_122 {dimension_numbers = #tpu.dot_dimension_numbers<[1], [1], [0], [0], [0, 0, 1, 0], [], []>, transpose_lhs_hint = false} : vector<2000x28xf32>, vector<15x28xf32>, vector<2000x15xf32> -> vector<2000x15xf32>
    %mul3A_124 = arith.constant 2.000000e+00 : f32
    %mul3A_125 = vector.broadcast %mul3A_124 : f32 to vector<2000x15xf32>
    %mul3A_126 = arith.mulf %mul3A_125, %dot_general3A_123 : vector<2000x15xf32>
    %sub3A_127 = vector.broadcast %broadcast_in_dim3A_117 : vector<2000x1xf32> to vector<2000x15xf32>
    %sub3A_128 = arith.subf %sub3A_127, %mul3A_126 : vector<2000x15xf32>
    %add3A_129 = vector.broadcast %broadcast_in_dim3A_121 : vector<1x15xf32> to vector<2000x15xf32>
    %add3A_130 = arith.addf %sub3A_128, %add3A_129 : vector<2000x15xf32>
    %div3A_131 = arith.constant 8.000000e-01 : f32
    %div3A_132 = vector.broadcast %div3A_131 : f32 to vector<2000x15xf32>
    %div3A_133 = arith.divf %add3A_130, %div3A_132 : vector<2000x15xf32>
    %add3A_134 = arith.constant 1.000000e+00 : f32
    %add3A_135 = vector.broadcast %add3A_134 : f32 to vector<2000x15xf32>
    %add3A_136 = arith.addf %add3A_135, %div3A_133 : vector<2000x15xf32>
    %add3A_137 = arith.constant 9.99999993E-9 : f32
    %add3A_138 = vector.broadcast %add3A_137 : f32 to vector<2000x15xf32>
    %add3A_139 = arith.addf %add3A_136, %add3A_138 : vector<2000x15xf32>
    %log3A = math.log %add3A_139 : vector<2000x15xf32>
    %mul3A_140 = arith.constant -0.899999976 : f32
    %mul3A_141 = vector.broadcast %mul3A_140 : f32 to vector<2000x15xf32>
    %mul3A_142 = arith.mulf %mul3A_141, %log3A : vector<2000x15xf32>
    %exp3A_143 = math.exp %mul3A_142 : vector<2000x15xf32>
    %reduce_sum3A_144 = arith.constant dense<0.000000e+00> : vector<2000xf32>
    %reduce_sum3A_145 = vector.multi_reduction <add>, %exp3A_143, %reduce_sum3A_144 [1] : vector<2000x15xf32> to vector<2000xf32>
    %broadcast_in_dim3A_146 = vector.shape_cast %reduce_sum3A_145 : vector<2000xf32> to vector<2000x1xf32>
    %div3A_147 = vector.broadcast %broadcast_in_dim3A_146 : vector<2000x1xf32> to vector<2000x15xf32>
    %div3A_148 = arith.divf %exp3A_143, %div3A_147 : vector<2000x15xf32>
    %swap3A_149 = arith.constant 0 : index
    %swap3A_150 = arith.constant 0 : index
    %swap3A_151 = vector.load %arg22[%swap3A_149, %swap3A_150] : memref<2000x15xf32, #tpu.memory_space<vmem>>, vector<2000x15xf32>
    tpu.vector_store %arg22[%swap3A_149, %swap3A_150], %div3A_148 {strides = array<i32>} : memref<2000x15xf32, #tpu.memory_space<vmem>>, vector<2000x15xf32>,
    return
  }
  func.func @transform_0(%arg0: i32) -> (i32, i32) {
    %c0_i32 = arith.constant 0 : i32
    %c0_i32_0 = arith.constant 0 : i32
    return %arg0, %c0_i32 : i32, i32
  }
  func.func @transform_1(%arg0: i32) -> (i32, i32) {
    %c0_i32 = arith.constant 0 : i32
    %c0_i32_0 = arith.constant 0 : i32
    return %arg0, %c0_i32 : i32, i32
  }
  func.func @transform_2(%arg0: i32) -> (i32, i32) {
    %c0_i32 = arith.constant 0 : i32
    %c0_i32_0 = arith.constant 0 : i32
    return %arg0, %c0_i32 : i32, i32
  }
  func.func @transform_3(%arg0: i32) -> (i32, i32) {
    %c0_i32 = arith.constant 0 : i32
    %c0_i32_0 = arith.constant 0 : i32
    return %arg0, %c0_i32 : i32, i32
  }
  func.func @transform_4(%arg0: i32) -> (i32, i32) {
    %c0_i32 = arith.constant 0 : i32
    %c0_i32_0 = arith.constant 0 : i32
    %c0_i32_1 = arith.constant 0 : i32
    return %c0_i32, %c0_i32_0 : i32, i32
  }
  func.func @transform_5(%arg0: i32) -> i32 {
    %c0_i32 = arith.constant 0 : i32
    %c0_i32_0 = arith.constant 0 : i32
    return %c0_i32 : i32
  }
  func.func @transform_6(%arg0: i32) -> i32 {
    %c0_i32 = arith.constant 0 : i32
    %c0_i32_0 = arith.constant 0 : i32
    return %c0_i32 : i32
  }
  func.func @transform_7(%arg0: i32) -> i32 {
    %c0_i32 = arith.constant 0 : i32
    %c0_i32_0 = arith.constant 0 : i32
    return %c0_i32 : i32
  }
  func.func @transform_8(%arg0: i32) -> (i32, i32) {
    %c0_i32 = arith.constant 0 : i32
    %c0_i32_0 = arith.constant 0 : i32
    %c0_i32_1 = arith.constant 0 : i32
    return %c0_i32, %c0_i32_0 : i32, i32
  }
  func.func @transform_9(%arg0: i32) -> i32 {
    %c0_i32 = arith.constant 0 : i32
    %c0_i32_0 = arith.constant 0 : i32
    return %c0_i32 : i32
  }
  func.func @transform_10(%arg0: i32) -> i32 {
    %c0_i32 = arith.constant 0 : i32
    %c0_i32_0 = arith.constant 0 : i32
    return %c0_i32 : i32
  }
  func.func @transform_11(%arg0: i32) -> i32 {
    %c0_i32 = arith.constant 0 : i32
    %c0_i32_0 = arith.constant 0 : i32
    return %c0_i32 : i32
  }
  func.func @transform_12(%arg0: i32) -> (i32, i32) {
    %c0_i32 = arith.constant 0 : i32
    %c0_i32_0 = arith.constant 0 : i32
    %c0_i32_1 = arith.constant 0 : i32
    return %c0_i32, %c0_i32_0 : i32, i32
  }
  func.func @transform_13(%arg0: i32) -> i32 {
    %c0_i32 = arith.constant 0 : i32
    %c0_i32_0 = arith.constant 0 : i32
    return %c0_i32 : i32
  }
  func.func @transform_14(%arg0: i32) -> i32 {
    %c0_i32 = arith.constant 0 : i32
    %c0_i32_0 = arith.constant 0 : i32
    return %c0_i32 : i32
  }
  func.func @transform_15(%arg0: i32) -> i32 {
    %c0_i32 = arith.constant 0 : i32
    %c0_i32_0 = arith.constant 0 : i32
    return %c0_i32 : i32
  }
  func.func @transform_16(%arg0: i32) -> (i32, i32) {
    %c0_i32 = arith.constant 0 : i32
    %c0_i32_0 = arith.constant 0 : i32
    %c0_i32_1 = arith.constant 0 : i32
    return %c0_i32, %c0_i32_0 : i32, i32
  }
  func.func @transform_17(%arg0: i32) -> (i32, i32) {
    %c0_i32 = arith.constant 0 : i32
    %c0_i32_0 = arith.constant 0 : i32
    return %arg0, %c0_i32 : i32, i32
  }
  func.func @transform_18(%arg0: i32) -> (i32, i32) {
    %c0_i32 = arith.constant 0 : i32
    %c0_i32_0 = arith.constant 0 : i32
    return %arg0, %c0_i32 : i32, i32
  }
  func.func @transform_19(%arg0: i32) -> (i32, i32) {
    %c0_i32 = arith.constant 0 : i32
    %c0_i32_0 = arith.constant 0 : i32
    return %arg0, %c0_i32 : i32, i32
  }
  func.func @transform_20(%arg0: i32) -> (i32, i32) {
    %c0_i32 = arith.constant 0 : i32
    %c0_i32_0 = arith.constant 0 : i32
    return %arg0, %c0_i32 : i32, i32
  }
  func.func @transform_21(%arg0: i32) -> (i32, i32) {
    %c0_i32 = arith.constant 0 : i32
    %c0_i32_0 = arith.constant 0 : i32
    return %arg0, %c0_i32 : i32, i32
  }
}

</mosaic_0001>

<sc_bundles>
// kernel: kernel.10.cloned.1.call-start
scs
__scs_entry_jumppad:
0x0: {  	(pc) =	sbr.rel $0x88, $3  }
0x1: {  	(tag) =	ssettag $0x0;
	lr =	simm.s32 $0x1  }
0x2: {  	[smem:$0x3F70] =	sst lr;
	_ =	strace $0xD0000000  }
0x3: {  	_ = 	snop  }
0x4: {  	_ = 	snop  }
0x5: {  	_ = 	snop  }
0x6: {  	_ = 	snop  }
0x7: {  	_ = 	snop  }
__scs_overlays_trampoline_lowered:
0x8: {  	[smem:$0x3F7F] =	sst s0  }
0x9: {  	[smem:$0x3F80] =	sst s1  }
0xa: {  	[smem:$0x3F81] =	sst s2  }
0xb: {  	[smem:$0x3F82] =	sst s3  }
0xc: {  	[smem:$0x3F83] =	sst s4  }
0xd: {  	[smem:$0x3F84] =	sst s5  }
0xe: {  	[smem:$0x3F85] =	sst s6  }
0xf: {  	[smem:$0x3F86] =	sst s7  }
0x10: {  	[smem:$0x3F87] =	sst s8  }
0x11: {  	[smem:$0x3F88] =	sst s9;
	s0 =	simm.s32 @!p0 $0x0  }
0x12: {  	s1 =	sld [smem:$0x3F6E];
	s0 =	simm.s32 @p0 $0x1  }
0x13: {  	[smem:$0x3F89] =	sst s0;
	s0 =	simm.s32 @!p1 $0x0  }
0x14: {  	s2 =	sld [smem:$0x3F6D];
	s0 =	simm.s32 @p1 $0x1  }
0x15: {  	[smem:$0x3F8A] =	sst s0;
	s0 =	simm.s32 @!p2 $0x0  }
0x16: {  	s3 =	sld [smem:$0x3FDB];
	s0 =	simm.s32 @p2 $0x1  }
0x17: {  	s4 =	simm.s32 $0x1BF5;
	[smem:$0x3F8C] =	sst s0  }
0x18: {  	s0 =	sld [smem:$0x3F6F];
	_ =	swait.ge [sflag:s4], $0x0  }
0x19: {  	s7 =	sld [smem:$0x3F70]  }
0x1a: {  	s8 =	sadd.s32 $0xFFFFE003, lr  }
0x1b: {  	s9 =	sadd.s32 $0xFFFFFEF7, lr;
	s5 =	simm.s32 $0xFFFFFFFF;
	p2 =	slt.u32 s8, $0xFFFFF086  }
0x1c: {  	p1 =	slt.u32 s9, $0xF7A;
	s5 =	simm.s32 @!p2 $0x0  }
0x1d: {  	s5 =	simm.s32 @p1 $0x1;
	p0 =	seq.s32 s7, s2  }
0x1e: {  	s7 =	smul.u32 @!p0 $0xF7A, s2;
	p2 =	seq.s32 @!p0 s5, $0x0  }
0x1f: {  	s9 =	smul.u32 $0xF7A, s1;
	s8 =	simm.s32 @!p0 $0x1BF5;
	p2 =	por !p2, p0  }
0x20: {  	[sflag:s8] =	ssyncset.s32 @!p0 $0xFFFFF086;
	s6 =	sadd.s32 @!p0 s3, s7;
	s7 =	simm.s32 @!p0 $0x108  }
0x21: {  	s3 =	sadd.s32 s3, s9;
	s6 =	sadd.s32 @!p0 $0x88, s6;
	s7 =	simm.s32 @p2 $0x1082  }
0x22: {  	[simem:s7], [sflag:s8] =	dma.local @!p0 [hbm:s6], $0xF7A  }
0x23: {  	s9 =	sor.u32 $0xD0000000, s2;
	s6 =	simm.s32 $0x108;
	_ =	swait.ge @!p0 [sflag:s8], $0x0  }
0x24: {  	s3 =	sadd.s32 $0x88, s3;
	s6 =	simm.s32 @!p1 $0x1082;
	[sflag:s4] =	ssyncset.s32 $0xFFFFF086  }
0x25: {  	[simem:s6], [sflag:s4] =	dma.local [hbm:s3], $0xF7A  }
0x26: {  	[smem:$0x3F70] =	sst s1;
	(tag) =	ssettag s2;
	_ =	strace s9  }
0x27: {  	s1 =	sld [smem:$0x3F80]  }
0x28: {  	s2 =	sld [smem:$0x3F81]  }
0x29: {  	s4 =	sld [smem:$0x3F83]  }
0x2a: {  	p0 =	seq.s32 s5, $0x0;
	s5 =	sld [smem:$0x3F84]  }
0x2b: {  	s6 =	sld [smem:$0x3F85]  }
0x2c: {  	s7 =	sld [smem:$0x3F86]  }
0x2d: {  	s3 =	simm.s32 $0x108;
	s8 =	sld [smem:$0x3F87]  }
0x2e: {  	s3 =	simm.s32 @!p0 $0x1082;
	s9 =	sld [smem:$0x3F88]  }
0x2f: {  	lr =	sadd.s32 s0, s3;
	s0 =	sld [smem:$0x3F7F]  }
0x30: {  	s3 =	sld [smem:$0x3F82]  }
0x31: {  	[smem:$0x3F8B] =	sst s10  }
0x32: {  	s10 =	sld [smem:$0x3F89];
	_ =	sdelay $0x3  }
0x33: {  	p0 =	seq.s32 s10, $0x1;
	s10 =	sld [smem:$0x3F8B];
	_ =	sdelay $0x3  }
0x34: {  	[smem:$0x3F8B] =	sst s10  }
0x35: {  	s10 =	sld [smem:$0x3F8A];
	_ =	sdelay $0x3  }
0x36: {  	p1 =	seq.s32 s10, $0x1;
	s10 =	sld [smem:$0x3F8B];
	_ =	sdelay $0x3  }
0x37: {  	[smem:$0x3F8B] =	sst s10  }
0x38: {  	s10 =	sld [smem:$0x3F8C]  }
0x39: {  	_ = 	snop;
	(pc) =	sbr.ind lr, $3  }
0x3a: {  	_ = 	snop  }
0x3b: {  	_ = 	snop  }
0x3c: {  	p2 =	seq.s32 s10, $0x1;
	s10 =	sld [smem:$0x3F8B]  }
0x3d: {  	_ =	shalt  }
0x3e: {  	_ =	shalt  }
0x3f: {  	_ =	shalt  }
0x40: {  	_ =	shalt  }
0x41: {  	_ =	shalt  }
0x42: {  	_ =	shalt  }
0x43: {  	_ =	shalt  }
0x44: {  	_ =	shalt  }
0x45: {  	_ =	shalt  }
0x46: {  	_ =	shalt  }
0x47: {  	_ =	shalt  }
0x48: {  	_ =	shalt  }
0x49: {  	_ =	shalt  }
0x4a: {  	_ =	shalt  }
0x4b: {  	_ =	shalt  }
0x4c: {  	_ =	shalt  }
0x4d: {  	_ =	shalt  }
0x4e: {  	_ =	shalt  }
0x4f: {  	_ =	shalt  }
0x50: {  	_ =	shalt  }
0x51: {  	_ =	shalt  }
0x52: {  	_ =	shalt  }
0x53: {  	_ =	shalt  }
0x54: {  	_ =	shalt  }
0x55: {  	_ =	shalt  }
0x56: {  	_ =	shalt  }
0x57: {  	_ =	shalt  }
0x58: {  	_ =	shalt  }
0x59: {  	_ =	shalt  }
0x5a: {  	_ =	shalt  }
0x5b: {  	_ =	shalt  }
0x5c: {  	_ =	shalt  }
0x5d: {  	_ =	shalt  }
0x5e: {  	_ =	shalt  }
0x5f: {  	_ =	shalt  }
0x60: {  	_ =	shalt  }
0x61: {  	_ =	shalt  }
0x62: {  	_ =	shalt  }
0x63: {  	_ =	shalt  }
0x64: {  	_ =	shalt  }
0x65: {  	_ =	shalt  }
0x66: {  	_ =	shalt  }
0x67: {  	_ =	shalt  }
0x68: {  	_ =	shalt  }
0x69: {  	_ =	shalt  }
0x6a: {  	_ =	shalt  }
0x6b: {  	_ =	shalt  }
0x6c: {  	_ =	shalt  }
0x6d: {  	_ =	shalt  }
0x6e: {  	_ =	shalt  }
0x6f: {  	_ =	shalt  }
0x70: {  	_ =	shalt  }
0x71: {  	_ =	shalt  }
0x72: {  	_ =	shalt  }
0x73: {  	_ =	shalt  }
0x74: {  	_ =	shalt  }
0x75: {  	_ =	shalt  }
0x76: {  	_ =	shalt  }
0x77: {  	_ =	shalt  }
0x78: {  	_ =	shalt  }
0x79: {  	_ =	shalt  }
0x7a: {  	_ =	shalt  }
0x7b: {  	_ =	shalt  }
0x7c: {  	_ =	shalt  }
0x7d: {  	_ =	shalt  }
0x7e: {  	_ =	shalt  }
0x7f: {  	_ =	shalt  }
0x80: {  	_ =	shalt  }
0x81: {  	_ =	shalt  }
0x82: {  	_ =	shalt  }
0x83: {  	_ =	shalt  }
0x84: {  	_ =	shalt  }
0x85: {  	_ =	shalt  }
0x86: {  	_ =	shalt  }
0x87: {  	_ =	shalt  }
.Lfunc_end0:
.L_simem_size_0:
called_computation.1_lowered:
.L_overlay_start_0:
0x88: {  	s2 =	sld [smem:$0x3FD9]  }
0x89: {  	s3 =	sld [smem:$0x3FFE];
	_ =	sdelay $0x1  }
0x8a: {  	s1 =	srdreg.scid  }
0x8b: {  	s0 =	sand.u32 $0x1, s1  }
0x8c: {  	s14 =	sshll.u32 s0, $0xA;
	s2 =	sadd.s32 s3, s2  }
0x8d: {  	s2 =	sadd.s32 s2, s14  }
0x8e: {  	[smem:$0x3F97] =	sst s2  }
0x8f: {  	_ = 	snop  }
0x90: {  	s2 =	sld [smem:$0x3FD0];
	_ =	sdelay $0x2  }
0x91: {  	s15 =	simm.s32 $0xA;
	s4 =	simm.s32 $0x10  }
0x92: {  	[smem:s4], [sflag:s15] =	dma.local [hbm:s2], $0x1  }
0x93: {  	_ =	swait.eq [sflag:s15], $0x1  }
0x94: {  	s16 =	sld [smem:$0x10];
	[sflag:s15] =	ssyncset.done $0x0  }
0x95: {  	s17 =	sld [smem:$0x13];
	[sflag:s15] =	ssyncadd.s32 $0xFFFFFFFF  }
0x96: {  	s18 =	sld [smem:$0x14];
	(tm) =	ssettm $0x1  }
0x97: {  	s5 =	sld [smem:$0x3FFB];
	_ =	sdelay $0x3  }
0x98: {  	_ =	strace s5  }
0x99: {  	s5 =	sld [smem:$0x3FFC];
	_ =	sdelay $0x3  }
0x9a: {  	_ =	strace s5  }
0x9b: {  	s5 =	sld [smem:$0x3FFD];
	_ =	sdelay $0x3  }
0x9c: {  	_ =	strace s5  }
0x9d: {  	_ =	strace $0x8FFFFFFF  }
0x9e: {  	s19 =	sld [smem:$0x3FDB];
	_ =	sdelay $0x1  }
0x9f: {  	s6 =	simm.s32 $_scs_section_size  }
0xa0: {  	s7 =	simm.s32 $_size__tile_overlayer_lowered;
	s8 =	simm.s32 $_tile_overlayer_lowered  }
0xa1: {  	s22 =	simm.s32 $0x1BFF;
	s21 =	sshll.u32 s8, $0x1;
	s5 =	sadd.s32 s6, s19  }
0xa2: {  	s9 =	simm.s32 $0x0;
	s20 =	sshll.u32 s7, $0x1;
	s7 =	sadd.s32 s21, s5  }
0xa3: {  	[timem:s9], [sflag:s22] =	dma.local [hbm:s7], s20  }
0xa4: {  	_ =	swait.ge [sflag:s22], s20  }
0xa5: {  	s6 =	ssub.s32 $0x0, s20;
	[sflag:s22] =	ssyncset.done $0x0  }
0xa6: {  	[sflag:s22] =	ssyncadd.s32 s6;
	_ =	sdelay $0x1  }
0xa7: {  	s23 =	simm.s32 $0x1B8B  }
0xa8: {  	_ =	swait.ge [sflag:s23], $0x1  }
0xa9: {  	[sflag:s23] =	ssyncset.done $0x0  }
0xaa: {  	s25 =	simm.s32 $0x1B8E;
	s24 =	sld [smem:$0x3FFE];
	[sflag:s23] =	ssyncadd.s32 $0xFFFFFFFF  }
0xab: {  	s26 =	simm.s32 $execute0_lowered;
	[smem:$0x3FD2] =	sst s25  }
0xac: {  	s7 =	sshll.u32 s26, $0x1;
	_ =	strace $0x80000049;
	[dreg:$0x1] =	wrdreg $0xFFFFFFFF  }
0xad: {  	s28 =	simm.s32 $_size_execute0_lowered;
	s5 =	sadd.s32 s5, s7;
	[dreg:$0x0] =	wrdreg $0x0  }
0xae: {  	s7 =	sshll.u32 s28, $0x1;
	[dreg:$0x2] =	wrdreg s5  }
0xaf: {  	[dreg:$0x3] =	wrdreg s7  }
0xb0: {  	[dreg:$0x4] =	wrdreg $0xC0  }
0xb1: {  	_ =	task [dreg:s9], $0x5FFFF  }
0xb2: {  	[dreg:$0x1] =	wrdreg $0xFFFFFFFF  }
0xb3: {  	[dreg:$0x0] =	wrdreg $0x60  }
0xb4: {  	[dreg:$0x2] =	wrdreg s18  }
0xb5: {  	[dreg:$0x3] =	wrdreg s24  }
0xb6: {  	[dreg:$0x4] =	wrdreg s16  }
0xb7: {  	[dreg:$0x5] =	wrdreg s17  }
0xb8: {  	[dreg:$0x6] =	wrdreg $0x8E000  }
0xb9: {  	[dreg:$0x7] =	wrdreg $0x9  }
0xba: {  	_ =	task.clear_ibuf [dreg:s9], $0x8FFFF;
	_ =	strace $0x90000049  }
0xbb: {  	s29 =	simm.s32 $0x9;
	_ =	strace $0x8000004B  }
0xbc: {  	_ =	swait.ge [sflag:s29], $0x1  }
0xbd: {  	[sflag:s29] =	ssyncadd.s32 $0xFFFFFFFF  }
0xbe: {  	_ =	strace $0x9000004B  }
0xbf: {  	_ =	sfence  }
0xc0: {  	s30 =	sld [smem:$0x0];
	_ =	sdelay $0x2  }
0xc1: {  	s31 =	sshll.u32 s1, $0xD;
	s1 =	sshrl.u32 s1, $0x2  }
0xc2: {  	s3 =	sand.u32 $0x4000, s31;
	s1 =	sadd.s32 s1, s30  }
0xc3: {  	s0 =	sor.u32 s3, s0;
	s1 =	sshll.u32 s1, $0x11  }
0xc4: {  	s0 =	sor.u32 s1, s0  }
0xc5: {  	s0 =	sadd.s32 $0x8F2B, s0  }
0xc6: {  	[sflag:s0] =	ssyncadd.remote.s32 $0x1  }
0xc7: {  	_ =	sfence.sel $0xFFFF  }
0xc8: {  	[dreg:$0x0] =	wrdreg $0xFFFFFFFF;
	(pc) =	sbr.abs _section_cstart, $3  }
0xc9: {  	[dreg:$0x1] =	wrdreg $0xFFFFFFFF  }
0xca: {  	_ =	task.clear_ibuf [dreg:s9], $0x2FFFF;
	_ =	strace $0x9FFFFFFF  }
0xcb: {  	(tm) =	ssettm $0x7FFFFFFF  }
tec
execute0_lowered:
.L_overlay_start_1:
0x0: {  	(tag) =	ssettag $0x1  }
0x1: {  	s1 =	rddreg [dreg:$0x0]  }
0x2: {  	s0 =	rddreg [dreg:$0x1]  }
0x3: {  	s2 =	rddreg [dreg:$0x2]  }
0x4: {  	s4 =	rddreg [dreg:$0x3]  }
0x5: {  	s3 =	rddreg [dreg:$0x4]  }
0x6: {  	s6 =	simm.s32 $0x0;
	s5 =	srdreg.scid;
	s16 =	stileid.u32  }
0x7: {  	s18 =	simm.s32 $0x3;
	s19 =	simm.s32 $0x2700;
	s20 =	simm.s32 $0x80  }
0x8: {  	s21 =	simm.s32 $0x4E00;
	s22 =	simm.s32 $0x5E00;
	s23 =	simm.s32 $0x5600  }
0x9: {  	s24 =	simm.s32 $0x6E00;
	s28 =	simm.s32 $0x2;
	s29 =	simm.s32 $0x0  }
0xa: {  	[smem:$0x7FF] =	sst s6;
	s11 =	sand.u32 $0x1, s5;
	s25 =	smul.u32 $0xA000, s16  }
0xb: {  	s5 =	sadd.s32 $0x55400, s0;
	s0 =	sadd.s32 $0x68E00, s0;
	s15 =	smul.u32 $0x500, s16  }
0xc: {  	_ =	strace $0x8000004A;
	s7 =	ssub.s32 $0x2, s11;
	s26 =	sshll.u32 s11, $0x4  }
0xd: {  	s17 =	smul.u32 $0x5000, s11;
	s8 =	sshrl.u32 s7, $0x1;
	s6 =	sshrl.u32 s25, $0x2  }
0xe: {  	s14 =	sor.u32 s16, s26;
	s16 =	sshll.u32 s16, $0x4;
	s25 =	simm.s32 $0x1  }
0xf: {  	s26 =	simm.s32 $0x7E00;
	s13 =	ssub.s32 s7, s8;
	s6 =	sadd.s32 s6, s3  }
0x10: {  	s12 =	smul.u32 $0x4E0, s14;
	s16 =	sor.u32 $0x9C00, s16;
	s31 =	sadd.s32 s15, s17  }
.Ltmp0:
0x11: {  	s17 =	simm.s32 $0x8600;
	p0 =	sgt.u32 s14, $0x3;
	(pc) =	sbr.rel .LBB2_1-.Ltmp0, $4  }
0x12: {  	s7 =	sadd.s32 $0x800, s6;
	s8 =	sadd.s32 $0x1000, s6;
	s9 =	sadd.s32 $0x1800, s6  }
0x13: {  	s10 =	sadd.s32 $0x2000, s6;
	s30 =	sadd.s32 s2, s16;
	s15 =	sadd.s32 s4, s31  }
0x14: {  	s11 =	sadd.s32 s0, s12;
	s0 =	sadd.s32 s0, s16;
	[dreg:$0x7] =	wrdreg s30  }
0x15: {  	v0 =	vimm.f32 $0.0e+00;
	s12 =	sadd.s32 s2, s12;
	s16 =	smax.u32 s13, $0x1;
	[dreg:$0x6] =	wrdreg s0  }
.LBB2_13:
0x16: {  	s0 =	stileid.u32;
	s29 =	sadd.s32 $0x1, s29  }
0x17: {  	[bflag:$0x0] =	sbarrier.arrive $0xFFFF;
	s0 =	sshll.u32 s0, $0x6;
	p1 =	sne.s32 s29, s16  }
.Ltmp1:
0x18: {  	s2 =	sshrl.u32 s6, $0x3;
	s0 =	sor.u32 $0x1C03, s0;
	(pc) =	sbr.rel @!p1 .LBB2_14-.Ltmp1, $4  }
0x19: {  	[hbm:s15], [sflag:s0] =	dma.local [spmem:s2], $0x500  }
0x1a: {  	_ =	swait.ge [sflag:s18], $0x500  }
0x1b: {  	[sflag:s18] =	ssyncset.done $0x0  }
0x1c: {  	[sflag:s18] =	ssyncadd.s32 $0xFFFFFB00  }
.LBB2_1:
0x1d: {  	s0 =	simm.s32 $0x40;
	s2 =	simm.s32 $0x0  }
.LBB2_2:
0x1e: {  	p1 =	sne.s32 s0, $0x1FC0;
	[tilespmem:s2+$0x8600] =	vst v0;
	s2 =	smov.u32 s0;
	s0 =	sadd.s32 $0x40, s0  }
.Ltmp2:
0x1f: {  	(pc) =	sbr.rel @p1 .LBB2_2-.Ltmp2, $2  }
0x20: {  	_ =	sdelay $0x2  }
0x21: {  	s2 =	sshra.s32 s2, $0x2  }
0x22: {  	[tilespmem:s2+$0x8600] =	vst v0  }
0x23: {  	[spmem:s6] =	stream.linear.scatter [tilespmem:s17], [sflag:$0x3], $0x800, $0x38;
	[tilespmem:$0xB600] =	vst v63  }
0x24: {  	_ =	swait.ge [sflag:s18], $0x800  }
0x25: {  	[sflag:s18] =	ssyncset.done $0x0  }
0x26: {  	[sflag:s18] =	ssyncadd.s32 $0xFFFFF800  }
0x27: {  	[spmem:s7] =	stream.linear.scatter [tilespmem:s17], [sflag:$0x3], $0x800, $0x38;
	[tilespmem:$0xB600] =	vst v63  }
0x28: {  	_ =	swait.ge [sflag:s18], $0x800  }
0x29: {  	[sflag:s18] =	ssyncset.done $0x0  }
0x2a: {  	[sflag:s18] =	ssyncadd.s32 $0xFFFFF800  }
0x2b: {  	[spmem:s8] =	stream.linear.scatter [tilespmem:s17], [sflag:$0x3], $0x800, $0x38;
	[tilespmem:$0xB600] =	vst v63  }
0x2c: {  	_ =	swait.ge [sflag:s18], $0x800  }
0x2d: {  	[sflag:s18] =	ssyncset.done $0x0  }
0x2e: {  	[sflag:s18] =	ssyncadd.s32 $0xFFFFF800  }
0x2f: {  	[spmem:s9] =	stream.linear.scatter [tilespmem:s17], [sflag:$0x3], $0x800, $0x38;
	[tilespmem:$0xB600] =	vst v63  }
0x30: {  	_ =	swait.ge [sflag:s18], $0x800  }
0x31: {  	[sflag:s18] =	ssyncset.done $0x0  }
0x32: {  	[sflag:s18] =	ssyncadd.s32 $0xFFFFF800  }
0x33: {  	[spmem:s10] =	stream.linear.scatter [tilespmem:s17], [sflag:$0x3], $0x800, $0x38;
	[tilespmem:$0xB600] =	vst v63  }
0x34: {  	_ =	swait.ge [sflag:s18], $0x800  }
0x35: {  	[sflag:s18] =	ssyncset.done $0x0  }
0x36: {  	[sflag:s18] =	ssyncadd.s32 $0xFFFFF800  }
0x37: {  	s30 =	simm.s32 $0x0;
	[bflag:$0x0] =	sbarrier.arrive $0xFFFF  }
0x38: {  	[tilespmem:s30], [sflag:$0x3] =	stream.linear.gather [hbm4b:s11+s30], $0x2700, $0x38;
	[tilespmem:$0xB600] =	vst v63  }
0x39: {  	_ =	swait.ge [sflag:s18], $0x2700  }
0x3a: {  	[sflag:s18] =	ssyncset.done $0x0  }
0x3b: {  	[sflag:s18] =	ssyncadd.s32 $0xFFFFD900  }
0x3c: {  	[tilespmem:s19], [sflag:$0x3] =	stream.linear.gather [hbm4b:s12+s30], $0x2700, $0x38;
	[tilespmem:$0xB600] =	vst v63  }
0x3d: {  	_ =	swait.ge [sflag:s18], $0x2700  }
0x3e: {  	[sflag:s18] =	ssyncset.done $0x0  }
0x3f: {  	[sflag:s18] =	ssyncadd.s32 $0xFFFFD900  }
0x40: {  	[tilespmem:s21], [sflag:$0x1] =	stream.indirect.gather [hbm4b:s1+s20], $0x10, s19, s20, $0xb8;
	[tilespmem:$0xB600] =	vst v63  }
0x41: {  	_ = 	snop  }
0x42: {  	[tilespmem:s22], [sflag:$0x1] =	stream.indirect.gather [hbm4b:s5+s20], $0x20, s30, s20, $0xb8;
	[tilespmem:$0xB600] =	vst v63  }
.LBB2_4:
0x43: {  	s0 =	sshllo.u32 s30, $0x1  }
0x44: {  	s31 =	sshll.u32 s0, $0x7  }
0x45: {  	s0 =	sadd.s32 $0x2700, s31  }
0x46: {  	[tilespmem:s23], [sflag:$0x2] =	stream.indirect.gather [hbm4b:s1+s20], $0x10, s0, s20, $0xb8;
	[tilespmem:$0xB600] =	vst v63  }
0x47: {  	_ = 	snop  }
0x48: {  	[tilespmem:s24], [sflag:$0x2] =	stream.indirect.gather [hbm4b:s5+s20], $0x20, s31, s20, $0xb8;
	[tilespmem:$0xB600] =	vst v63  }
0x49: {  	_ =	swait.ge [sflag:s25], $0x800  }
0x4a: {  	[sflag:s25] =	ssyncset.done $0x0  }
0x4b: {  	[sflag:s25] =	ssyncadd.s32 $0xFFFFF800  }
0x4c: {  	_ =	swait.ge [sflag:s25], $0x1000  }
0x4d: {  	[sflag:s25] =	ssyncset.done $0x0  }
0x4e: {  	s14 =	simm.s32 $0x4E40;
	[sflag:s25] =	ssyncadd.s32 $0xFFFFF000  }
0x4f: {  	s2 =	simm.s32 $0x5E80;
	v1 =	vld [tilespmem:s14+$0x30]  }
0x50: {  	v2 =	vld [tilespmem:s2+$0x60];
	_ =	sdelay $0x2  }
0x51: {  	v4 =	vld [tilespmem:s14+$0xFFFFFFD0]  }
0x52: {  	v5 =	vld [tilespmem:s2+$0xFFFFFFA0]  }
0x53: {  	v6 =	vld [tilespmem:s14+$0xFFFFFFE0];
	v1 =	vadd.f32 v2, v1  }
0x54: {  	v7 =	vld [tilespmem:s14+$0xFFFFFFF0]  }
0x55: {  	v2 =	vld [tilespmem:s2+$0xFFFFFFC0];
	v1 =	vsub.f32 $0.0e+00, v1  }
0x56: {  	v8 =	vld [tilespmem:s2+$0xFFFFFFE0]  }
0x57: {  	v1 =	vmul.f32 $1.442695020e+00, v1  }
0x58: {  	v9 =	vld [tilespmem:s14+$0x0]  }
0x59: {  	v4 =	vadd.f32 v5, v4;
	v5 =	vld [tilespmem:s2+$0x0];
	(erf) = vpow2.f32 v1  }
0x5a: {  	v10 =	vld [tilespmem:s14+$0x10];
	v2 =	vadd.f32 v2, v6  }
0x5b: {  	v7 =	vadd.f32 v8, v7;
	v1 =	vsub.f32 $0.0e+00, v4;
	v4 =	vld [tilespmem:s2+$0x20]  }
0x5c: {  	v8 =	vld [tilespmem:s2+$0x40];
	v2 =	vsub.f32 $0.0e+00, v2  }
0x5d: {  	v7 =	vsub.f32 $0.0e+00, v7;
	v6 =	vld [tilespmem:s14+$0x20];
	v1 =	vmul.f32 $1.442695020e+00, v1  }
0x5e: {  	v3 =	vld [tilespmem:s2+$0xFFFFFF80];
	v5 =	vadd.f32 v5, v9;
	v2 =	vmul.f32 $1.442695020e+00, v2  }
0x5f: {  	v11 =	vld [tilespmem:s14+$0xFFFFFFC0];
	v7 =	vmul.f32 $1.442695020e+00, v7;
	(erf) = vpow2.f32 v1  }
0x60: {  	s0 =	simm.s32 $0x5F80;
	v12 =	vld [tilespmem:s2+$0xFFFFFFF0];
	v5 =	vsub.f32 $0.0e+00, v5;
	v4 =	vadd.f32 v4, v10;
	(erf) = vpow2.f32 v2  }
0x61: {  	s4 =	simm.s32 $0x4EC0;
	v13 =	vld [tilespmem:s0+$0xFFFFFF80];
	(erf) = vpow2.f32 v7  }
0x62: {  	v15 =	vld [tilespmem:s4+$0xFFFFFFE0];
	v5 =	vmul.f32 $1.442695020e+00, v5;
	v2 =	vadd.f32 v8, v6;
	v4 =	vsub.f32 $0.0e+00, v4;
	v6 =	vpop (erf)  }
0x63: {  	v16 =	vld [tilespmem:s0+$0xFFFFFFC0];
	v6 =	vadd.f32 $1.000000000e+00, v6  }
0x64: {  	v3 =	vadd.f32 v3, v11;
	(erf) = vpow2.f32 v5;
	v5 =	vld [tilespmem:s4+$0x30];
	v4 =	vmul.f32 $1.442695020e+00, v4  }
0x65: {  	v7 =	vsub.f32 $0.0e+00, v2;
	(erf) = vrcp.f32 v6;
	v6 =	vld [tilespmem:s0+$0x60]  }
0x66: {  	v18 =	vld [tilespmem:s4+$0x0];
	v3 =	vsub.f32 $0.0e+00, v3  }
0x67: {  	v19 =	vld [tilespmem:s0+$0x0];
	v7 =	vmul.f32 $1.442695020e+00, v7;
	(erf) = vpow2.f32 v4  }
0x68: {  	v20 =	vld [tilespmem:s0+$0x20];
	v3 =	vmul.f32 $1.442695020e+00, v3;
	v4 =	vpop (erf)  }
0x69: {  	(erf) = vpow2.f32 v7;
	v4 =	vadd.f32 $1.000000000e+00, v4;
	v7 =	vld [tilespmem:s4+$0xFFFFFFD0];
	v14 =	vpop (erf)  }
0x6a: {  	(erf) = vpow2.f32 v3;
	v3 =	vld [tilespmem:s0+$0xFFFFFFA0];
	v5 =	vadd.f32 v6, v5;
	v6 =	vpop (erf)  }
0x6b: {  	(erf) = vrcp.f32 v4;
	v4 =	vadd.f32 $1.000000000e+00, v14;
	v14 =	vld [tilespmem:s2+$0x70];
	v6 =	vadd.f32 $1.000000000e+00, v6  }
0x6c: {  	v21 =	vld [tilespmem:s4+$0x20]  }
0x6d: {  	v11 =	vld [tilespmem:s2+$0x30];
	v17 =	vpop (erf)  }
0x6e: {  	v15 =	vadd.f32 v16, v15;
	v16 =	vld [tilespmem:s4+$0x10];
	(erf) = vrcp.f32 v4;
	v17 =	vadd.f32 $1.000000000e+00, v17  }
0x6f: {  	v4 =	vld [tilespmem:s4+$0xFFFFFFF0];
	v5 =	vsub.f32 $0.0e+00, v5;
	(erf) = vrcp.f32 v6;
	v6 =	vpop (erf)  }
0x70: {  	v3 =	vadd.f32 v3, v7;
	v7 =	vld [tilespmem:s0+$0xFFFFFFE0];
	v14 =	vmul.f32 v6, v14;
	v6 =	vpop (erf)  }
0x71: {  	v9 =	vld [tilespmem:s2+$0xFFFFFFB0];
	v5 =	vmul.f32 $1.442695020e+00, v5;
	v6 =	vadd.f32 $1.000000000e+00, v6  }
0x72: {  	v1 =	vld [tilespmem:s2+$0xFFFFFF90];
	v3 =	vsub.f32 $0.0e+00, v3;
	(erf) = vrcp.f32 v17;
	v17 =	vpop (erf)  }
0x73: {  	v10 =	vld [tilespmem:s2+$0xFFFFFFD0];
	(erf) = vpow2.f32 v5;
	v5 =	vadd.f32 $1.000000000e+00, v17  }
0x74: {  	v15 =	vsub.f32 $0.0e+00, v15;
	v8 =	vld [tilespmem:s2+$0x10];
	v3 =	vmul.f32 $1.442695020e+00, v3;
	v17 =	vpop (erf);
	(erf) = vrcp.f32 v6  }
0x75: {  	v18 =	vadd.f32 v19, v18;
	v2 =	vld [tilespmem:s2+$0x50];
	v4 =	vadd.f32 v7, v4;
	v6 =	vpop (erf);
	(erf) = vrcp.f32 v5  }
0x76: {  	v15 =	vmul.f32 $1.442695020e+00, v15;
	v5 =	vadd.f32 $1.000000000e+00, v17;
	v17 =	vld [tilespmem:s0+$0x40];
	(erf) = vpow2.f32 v3  }
0x77: {  	v16 =	vadd.f32 v20, v16;
	v4 =	vsub.f32 $0.0e+00, v4;
	v3 =	vmul.f32 v6, v9;
	v9 =	vld [tilespmem:s4+$0xFFFFFFC0];
	v6 =	vpop (erf)  }
0x78: {  	v7 =	vld [tilespmem:s0+$0xFFFFFF90];
	v10 =	vmul.f32 v6, v10;
	(erf) = vrcp.f32 v5  }
0x79: {  	s13 =	simm.s32 $0x7E40;
	v61 =	vmul.f32 $1.442695020e+00, v4;
	v4 =	vsub.f32 $0.0e+00, v18;
	v6 =	vld [tilespmem:s0+$0xFFFFFFB0]  }
0x7a: {  	[tilespmem:s13+$0x30] =	vst v14;
	v14 =	vsub.f32 $0.0e+00, v16;
	v62 =	vpop (erf);
	v5 =	vld [tilespmem:s0+$0xFFFFFFD0];
	(erf) = vpow2.f32 v15  }
0x7b: {  	v12 =	vmul.f32 v62, v12;
	[tilespmem:s13+$0xFFFFFFD0] =	vst v3;
	v3 =	vld [tilespmem:s0+$0xFFFFFFF0];
	v63 =	vmul.f32 $1.442695020e+00, v4;
	v16 =	vpop (erf);
	v15 =	vadd.f32 v17, v21  }
0x7c: {  	v4 =	vld [tilespmem:s0+$0x10];
	[tilespmem:s13+$0xFFFFFFE0] =	vst v10;
	(erf) = vpow2.f32 v61;
	v16 =	vmul.f32 v16, v8;
	v9 =	vadd.f32 v13, v9;
	v10 =	vpop (erf)  }
0x7d: {  	v8 =	vld [tilespmem:s0+$0x30];
	[tilespmem:s13+$0xFFFFFFF0] =	vst v12;
	v12 =	vmul.f32 $1.442695020e+00, v14;
	v15 =	vsub.f32 $0.0e+00, v15;
	v13 =	vadd.f32 $1.000000000e+00, v10;
	v10 =	vpop (erf)  }
0x7e: {  	s14 =	simm.s32 $0x5F80;
	s2 =	simm.s32 $0x8;
	s4 =	simm.s32 $0x4F40;
	(erf) = vpow2.f32 v63;
	[tilespmem:s13+$0x0] =	vst v16;
	v14 =	vsub.f32 $0.0e+00, v9;
	v9 =	vld [tilespmem:s0+$0x50];
	v11 =	vmul.f32 v10, v11;
	v10 =	vpop (erf)  }
.LBB2_5:
0x7f: {  	v16 =	vld [tilespmem:s4+$0x30];
	v15 =	vmul.f32 $1.442695020e+00, v15;
	s0 =	sadd.s32 $0x100, s0;
	v17 =	vpop (erf);
	(erf) = vrcp.f32 v13  }
0x80: {  	s2 =	sadd.s32 $0x8, s2;
	v13 =	vld [tilespmem:s0+$0x60];
	v14 =	vmul.f32 $1.442695020e+00, v14;
	v17 =	vadd.f32 $1.000000000e+00, v17;
	(erf) = vpow2.f32 v12;
	[tilespmem:s13+$0x10] =	vst v11  }
0x81: {  	p1 =	slt.u32 s2, $0x78;
	v11 =	vld [tilespmem:s0+$0xFFFFFF80];
	(erf) = vpow2.f32 v15;
	v15 =	vmul.f32 v10, v2;
	v10 =	vpop (erf)  }
0x82: {  	v12 =	vld [tilespmem:s4+$0xFFFFFFD0];
	(erf) = vpow2.f32 v14;
	v10 =	vmul.f32 v10, v1;
	v1 =	vmovc v7;
	v18 =	vmov v8  }
0x83: {  	v7 =	vld [tilespmem:s0+$0xFFFFFFA0];
	(erf) = vrcp.f32 v17;
	v8 =	vpop (erf);
	[tilespmem:s13+$0x20] =	vst v15;
	v2 =	vmov v9  }
0x84: {  	v8 =	vadd.f32 $1.000000000e+00, v8;
	v9 =	vld [tilespmem:s14+$0x70];
	[tilespmem:s13+$0xFFFFFFC0] =	vst v10;
	s14 =	smov.u32 s0  }
0x85: {  	v10 =	vld [tilespmem:s4+$0xFFFFFFE0];
	v13 =	vadd.f32 v13, v16;
	v14 =	vpop (erf)  }
0x86: {  	v15 =	vld [tilespmem:s0+$0xFFFFFFC0];
	v17 =	vadd.f32 $1.000000000e+00, v14;
	(erf) = vrcp.f32 v8  }
0x87: {  	v8 =	vld [tilespmem:s4+$0xFFFFFFF0];
	v13 =	vsub.f32 $0.0e+00, v13;
	v16 =	vpop (erf)  }
0x88: {  	v7 =	vadd.f32 v7, v12;
	v12 =	vld [tilespmem:s0+$0xFFFFFFE0];
	v20 =	vadd.f32 $1.000000000e+00, v16;
	(erf) = vrcp.f32 v17;
	v14 =	vpop (erf)  }
0x89: {  	v17 =	vld [tilespmem:s4+$0x0];
	v13 =	vmul.f32 $1.442695020e+00, v13;
	v21 =	vmul.f32 v14, v9;
	v14 =	vpop (erf)  }
0x8a: {  	s13 =	sadd.s32 $0x80, s13;
	v7 =	vsub.f32 $0.0e+00, v7;
	v19 =	vld [tilespmem:s0+$0x0];
	v14 =	vadd.f32 $1.000000000e+00, v14;
	(erf) = vrcp.f32 v20;
	v16 =	vpop (erf)  }
0x8b: {  	v10 =	vadd.f32 v15, v10;
	v15 =	vld [tilespmem:s4+$0x10];
	(erf) = vpow2.f32 v13;
	v13 =	vadd.f32 $1.000000000e+00, v16;
	[tilespmem:s13+$0x30] =	vst v21;
	v9 =	vpop (erf)  }
0x8c: {  	v7 =	vmul.f32 $1.442695020e+00, v7;
	v16 =	vld [tilespmem:s0+$0x20];
	v9 =	vadd.f32 $1.000000000e+00, v9;
	v20 =	vpop (erf);
	(erf) = vrcp.f32 v14  }
0x8d: {  	v10 =	vsub.f32 $0.0e+00, v10;
	v8 =	vadd.f32 v12, v8;
	v12 =	vld [tilespmem:s4+$0x20];
	(erf) = vrcp.f32 v13  }
0x8e: {  	v6 =	vmul.f32 v20, v6;
	v13 =	vld [tilespmem:s0+$0x40];
	(erf) = vpow2.f32 v7  }
0x8f: {  	v14 =	vld [tilespmem:s4+$0xFFFFFFC0];
	v10 =	vmul.f32 $1.442695020e+00, v10;
	v8 =	vsub.f32 $0.0e+00, v8;
	v17 =	vadd.f32 v19, v17;
	v19 =	vpop (erf)  }
0x90: {  	v7 =	vld [tilespmem:s0+$0xFFFFFF90];
	[tilespmem:s13+$0xFFFFFFD0] =	vst v6;
	v19 =	vmul.f32 v19, v5;
	(erf) = vrcp.f32 v9  }
0x91: {  	v6 =	vld [tilespmem:s0+$0xFFFFFFB0];
	v8 =	vmul.f32 $1.442695020e+00, v8;
	v9 =	vsub.f32 $0.0e+00, v17;
	v15 =	vadd.f32 v16, v15;
	v16 =	vpop (erf)  }
.Ltmp3:
0x92: {  	v5 =	vld [tilespmem:s0+$0xFFFFFFD0];
	(erf) = vpow2.f32 v10;
	[tilespmem:s13+$0xFFFFFFE0] =	vst v19;
	v10 =	vmul.f32 v16, v3;
	(pc) =	sbr.rel @p1 .LBB2_5-.Ltmp3, $4  }
0x93: {  	v3 =	vld [tilespmem:s0+$0xFFFFFFF0];
	v16 =	vmul.f32 $1.442695020e+00, v9;
	v9 =	vsub.f32 $0.0e+00, v15;
	v13 =	vadd.f32 v13, v12;
	v12 =	vpop (erf)  }
0x94: {  	v11 =	vadd.f32 v11, v14;
	(erf) = vpow2.f32 v8;
	v14 =	vpop (erf);
	[tilespmem:s13+$0xFFFFFFF0] =	vst v10;
	v19 =	vmul.f32 v12, v4;
	v4 =	vld [tilespmem:s0+$0x10]  }
0x95: {  	v8 =	vld [tilespmem:s0+$0x30];
	v12 =	vmul.f32 $1.442695020e+00, v9;
	v15 =	vsub.f32 $0.0e+00, v13;
	v13 =	vadd.f32 $1.000000000e+00, v14;
	v17 =	vpop (erf)  }
0x96: {  	s4 =	sadd.s32 $0x80, s4;
	v14 =	vsub.f32 $0.0e+00, v11;
	v9 =	vld [tilespmem:s0+$0x50];
	(erf) = vpow2.f32 v16;
	[tilespmem:s13+$0x0] =	vst v19;
	v11 =	vmul.f32 v17, v18;
	v10 =	vpop (erf)  }
0x97: {  	v15 =	vmul.f32 $1.442695020e+00, v15;
	(erf) = vrcp.f32 v13  }
0x98: {  	v13 =	vmul.f32 $1.442695020e+00, v14;
	(erf) = vpow2.f32 v12  }
0x99: {  	(erf) = vpow2.f32 v15  }
0x9a: {  	(erf) = vpow2.f32 v13  }
0x9b: {  	v12 =	vpop (erf)  }
0x9c: {  	v13 =	vpop (erf)  }
0x9d: {  	v14 =	vpop (erf)  }
0x9e: {  	v12 =	vadd.f32 $1.000000000e+00, v12;
	v15 =	vpop (erf)  }
0x9f: {  	v14 =	vadd.f32 $1.000000000e+00, v14;
	v16 =	vpop (erf)  }
0xa0: {  	(erf) = vrcp.f32 v12;
	v12 =	vadd.f32 $1.000000000e+00, v15;
	v15 =	vpop (erf)  }
0xa1: {  	(erf) = vrcp.f32 v14;
	v14 =	vadd.f32 $1.000000000e+00, v16;
	v16 =	vpop (erf)  }
0xa2: {  	(erf) = vrcp.f32 v12;
	v12 =	vadd.f32 $1.000000000e+00, v16;
	v16 =	vpop (erf)  }
0xa3: {  	(erf) = vrcp.f32 v14;
	v14 =	vadd.f32 $1.000000000e+00, v16;
	v16 =	vpop (erf)  }
0xa4: {  	v17 =	vld [tilespmem:s14+$0x70];
	v16 =	vadd.f32 $1.000000000e+00, v16;
	(erf) = vrcp.f32 v12  }
0xa5: {  	(erf) = vrcp.f32 v14  }
0xa6: {  	(erf) = vrcp.f32 v16  }
0xa7: {  	v2 =	vmul.f32 v10, v2  }
0xa8: {  	[tilespmem:s13+$0x10] =	vst v11;
	v1 =	vmul.f32 v13, v1  }
0xa9: {  	[tilespmem:s13+$0x20] =	vst v2;
	v2 =	vmul.f32 v15, v17;
	v10 =	vpop (erf)  }
0xaa: {  	s0 =	sadd.s32 $0x80, s13;
	[tilespmem:s13+$0xFFFFFFC0] =	vst v1;
	v1 =	vmul.f32 v10, v6;
	v6 =	vpop (erf)  }
0xab: {  	[tilespmem:s0+$0x30] =	vst v2;
	v2 =	vmul.f32 v6, v5;
	v5 =	vpop (erf)  }
0xac: {  	[tilespmem:s0+$0xFFFFFFD0] =	vst v1;
	v1 =	vmul.f32 v5, v3;
	v3 =	vpop (erf)  }
0xad: {  	[tilespmem:s0+$0xFFFFFFE0] =	vst v2;
	v2 =	vmul.f32 v3, v4;
	v3 =	vpop (erf)  }
0xae: {  	[tilespmem:s0+$0xFFFFFFF0] =	vst v1;
	v1 =	vmul.f32 v3, v8;
	v3 =	vpop (erf)  }
0xaf: {  	[tilespmem:s0+$0x0] =	vst v2;
	v2 =	vmul.f32 v3, v9;
	v3 =	vpop (erf)  }
0xb0: {  	s2 =	sshll.u32 s30, $0x8;
	[tilespmem:s0+$0x10] =	vst v1;
	v1 =	vmul.f32 v3, v7  }
0xb1: {  	s2 =	sand.u32 $0x3FFFFF00, s2;
	[tilespmem:s0+$0x20] =	vst v2  }
0xb2: {  	s2 =	sadd.s32 $0x2700, s2;
	[tilespmem:s0+$0xFFFFFFC0] =	vst v1  }
0xb3: {  	[spmem:s3] =	stream.indirect.scatter.add.f32 [tilespmem:s26], [sflag:$0x3], $0x10, s2, s20, $0xb8;
	[tilespmem:$0xB600] =	vst v63  }
0xb4: {  	p1 =	seq.s32 s30, $0x26;
	_ =	swait.ge [sflag:s18], $0x800  }
0xb5: {  	s4 =	simm.s32 @!p1 $0x80;
	s0 =	sshll.u32 @!p1 s30, $0x8;
	[sflag:s18] =	ssyncset.done $0x0  }
0xb6: {  	s13 =	simm.s32 @!p1 $0x4E00;
	s2 =	sadd.s32 @!p1 $0x2800, s0;
	[sflag:s18] =	ssyncadd.s32 $0xFFFFF800  }
0xb7: {  	[tilespmem:s13], [sflag:$0x1] =	stream.indirect.gather @!p1 [hbm4b:s1+s4], $0x10, s2, s4, $0xb8;
	[tilespmem:$0xB600] =	vst v63  }
0xb8: {  	s0 =	sadd.s32 @!p1 $0x100, s0;
	s2 =	simm.s32 @!p1 $0x5E00  }
0xb9: {  	[tilespmem:s2], [sflag:$0x1] =	stream.indirect.gather @!p1 [hbm4b:s5+s4], $0x20, s0, s4, $0xb8;
	[tilespmem:$0xB600] =	vst v63  }
0xba: {  	_ =	swait.ge [sflag:s28], $0x800  }
0xbb: {  	[sflag:s28] =	ssyncset.done $0x0  }
0xbc: {  	[sflag:s28] =	ssyncadd.s32 $0xFFFFF800  }
0xbd: {  	_ =	swait.ge [sflag:s28], $0x1000  }
0xbe: {  	[sflag:s28] =	ssyncset.done $0x0  }
0xbf: {  	s4 =	simm.s32 $0x5640;
	[sflag:s28] =	ssyncadd.s32 $0xFFFFF000  }
0xc0: {  	s13 =	simm.s32 $0x6E80;
	v1 =	vld [tilespmem:s4+$0x30]  }
0xc1: {  	v2 =	vld [tilespmem:s13+$0x60];
	_ =	sdelay $0x2  }
0xc2: {  	v4 =	vld [tilespmem:s4+$0xFFFFFFD0]  }
0xc3: {  	v5 =	vld [tilespmem:s13+$0xFFFFFFA0]  }
0xc4: {  	v6 =	vld [tilespmem:s4+$0xFFFFFFE0];
	v1 =	vadd.f32 v2, v1  }
0xc5: {  	v7 =	vld [tilespmem:s4+$0xFFFFFFF0]  }
0xc6: {  	v2 =	vld [tilespmem:s13+$0xFFFFFFC0];
	v1 =	vsub.f32 $0.0e+00, v1  }
0xc7: {  	v8 =	vld [tilespmem:s13+$0xFFFFFFE0]  }
0xc8: {  	v1 =	vmul.f32 $1.442695020e+00, v1  }
0xc9: {  	v9 =	vld [tilespmem:s4+$0x0]  }
0xca: {  	v4 =	vadd.f32 v5, v4;
	v5 =	vld [tilespmem:s13+$0x0];
	(erf) = vpow2.f32 v1  }
0xcb: {  	v10 =	vld [tilespmem:s4+$0x10];
	v2 =	vadd.f32 v2, v6  }
0xcc: {  	v7 =	vadd.f32 v8, v7;
	v1 =	vsub.f32 $0.0e+00, v4;
	v4 =	vld [tilespmem:s13+$0x20]  }
0xcd: {  	v8 =	vld [tilespmem:s13+$0x40];
	v2 =	vsub.f32 $0.0e+00, v2  }
0xce: {  	v7 =	vsub.f32 $0.0e+00, v7;
	v6 =	vld [tilespmem:s4+$0x20];
	v1 =	vmul.f32 $1.442695020e+00, v1  }
0xcf: {  	v3 =	vld [tilespmem:s13+$0xFFFFFF80];
	v5 =	vadd.f32 v5, v9;
	v2 =	vmul.f32 $1.442695020e+00, v2  }
0xd0: {  	v11 =	vld [tilespmem:s4+$0xFFFFFFC0];
	v7 =	vmul.f32 $1.442695020e+00, v7;
	(erf) = vpow2.f32 v1  }
0xd1: {  	s0 =	simm.s32 $0x6F80;
	v12 =	vld [tilespmem:s13+$0xFFFFFFF0];
	v5 =	vsub.f32 $0.0e+00, v5;
	v4 =	vadd.f32 v4, v10;
	(erf) = vpow2.f32 v2  }
0xd2: {  	s14 =	simm.s32 $0x56C0;
	v13 =	vld [tilespmem:s0+$0xFFFFFF80];
	(erf) = vpow2.f32 v7  }
0xd3: {  	v15 =	vld [tilespmem:s14+$0xFFFFFFE0];
	v5 =	vmul.f32 $1.442695020e+00, v5;
	v2 =	vadd.f32 v8, v6;
	v4 =	vsub.f32 $0.0e+00, v4;
	v6 =	vpop (erf)  }
0xd4: {  	v16 =	vld [tilespmem:s0+$0xFFFFFFC0];
	v6 =	vadd.f32 $1.000000000e+00, v6  }
0xd5: {  	v3 =	vadd.f32 v3, v11;
	(erf) = vpow2.f32 v5;
	v5 =	vld [tilespmem:s14+$0x30];
	v4 =	vmul.f32 $1.442695020e+00, v4  }
0xd6: {  	v7 =	vsub.f32 $0.0e+00, v2;
	(erf) = vrcp.f32 v6;
	v6 =	vld [tilespmem:s0+$0x60]  }
0xd7: {  	v18 =	vld [tilespmem:s14+$0x0];
	v3 =	vsub.f32 $0.0e+00, v3  }
0xd8: {  	v19 =	vld [tilespmem:s0+$0x0];
	v7 =	vmul.f32 $1.442695020e+00, v7;
	(erf) = vpow2.f32 v4  }
0xd9: {  	v20 =	vld [tilespmem:s0+$0x20];
	v3 =	vmul.f32 $1.442695020e+00, v3;
	v4 =	vpop (erf)  }
0xda: {  	(erf) = vpow2.f32 v7;
	v4 =	vadd.f32 $1.000000000e+00, v4;
	v7 =	vld [tilespmem:s14+$0xFFFFFFD0];
	v14 =	vpop (erf)  }
0xdb: {  	(erf) = vpow2.f32 v3;
	v3 =	vld [tilespmem:s0+$0xFFFFFFA0];
	v5 =	vadd.f32 v6, v5;
	v6 =	vpop (erf)  }
0xdc: {  	(erf) = vrcp.f32 v4;
	v4 =	vadd.f32 $1.000000000e+00, v14;
	v14 =	vld [tilespmem:s13+$0x70];
	v6 =	vadd.f32 $1.000000000e+00, v6  }
0xdd: {  	v21 =	vld [tilespmem:s14+$0x20]  }
0xde: {  	v11 =	vld [tilespmem:s13+$0x30];
	v17 =	vpop (erf)  }
0xdf: {  	v15 =	vadd.f32 v16, v15;
	v16 =	vld [tilespmem:s14+$0x10];
	(erf) = vrcp.f32 v4;
	v17 =	vadd.f32 $1.000000000e+00, v17  }
0xe0: {  	v4 =	vld [tilespmem:s14+$0xFFFFFFF0];
	v5 =	vsub.f32 $0.0e+00, v5;
	(erf) = vrcp.f32 v6;
	v6 =	vpop (erf)  }
0xe1: {  	v3 =	vadd.f32 v3, v7;
	v7 =	vld [tilespmem:s0+$0xFFFFFFE0];
	v14 =	vmul.f32 v6, v14;
	v6 =	vpop (erf)  }
0xe2: {  	v9 =	vld [tilespmem:s13+$0xFFFFFFB0];
	v5 =	vmul.f32 $1.442695020e+00, v5;
	v6 =	vadd.f32 $1.000000000e+00, v6  }
0xe3: {  	v1 =	vld [tilespmem:s13+$0xFFFFFF90];
	v3 =	vsub.f32 $0.0e+00, v3;
	(erf) = vrcp.f32 v17;
	v17 =	vpop (erf)  }
0xe4: {  	v10 =	vld [tilespmem:s13+$0xFFFFFFD0];
	(erf) = vpow2.f32 v5;
	v5 =	vadd.f32 $1.000000000e+00, v17  }
0xe5: {  	v15 =	vsub.f32 $0.0e+00, v15;
	v8 =	vld [tilespmem:s13+$0x10];
	v3 =	vmul.f32 $1.442695020e+00, v3;
	v17 =	vpop (erf);
	(erf) = vrcp.f32 v6  }
0xe6: {  	v18 =	vadd.f32 v19, v18;
	v2 =	vld [tilespmem:s13+$0x50];
	v4 =	vadd.f32 v7, v4;
	v6 =	vpop (erf);
	(erf) = vrcp.f32 v5  }
0xe7: {  	v15 =	vmul.f32 $1.442695020e+00, v15;
	v5 =	vadd.f32 $1.000000000e+00, v17;
	v17 =	vld [tilespmem:s0+$0x40];
	(erf) = vpow2.f32 v3  }
0xe8: {  	v16 =	vadd.f32 v20, v16;
	v4 =	vsub.f32 $0.0e+00, v4;
	v3 =	vmul.f32 v6, v9;
	v9 =	vld [tilespmem:s14+$0xFFFFFFC0];
	v6 =	vpop (erf)  }
0xe9: {  	v7 =	vld [tilespmem:s0+$0xFFFFFF90];
	v10 =	vmul.f32 v6, v10;
	(erf) = vrcp.f32 v5  }
0xea: {  	s13 =	simm.s32 $0x7E40;
	v61 =	vmul.f32 $1.442695020e+00, v4;
	v4 =	vsub.f32 $0.0e+00, v18;
	v6 =	vld [tilespmem:s0+$0xFFFFFFB0]  }
0xeb: {  	[tilespmem:s13+$0x30] =	vst v14;
	v14 =	vsub.f32 $0.0e+00, v16;
	v62 =	vpop (erf);
	v5 =	vld [tilespmem:s0+$0xFFFFFFD0];
	(erf) = vpow2.f32 v15  }
0xec: {  	v12 =	vmul.f32 v62, v12;
	[tilespmem:s13+$0xFFFFFFD0] =	vst v3;
	v3 =	vld [tilespmem:s0+$0xFFFFFFF0];
	v63 =	vmul.f32 $1.442695020e+00, v4;
	v16 =	vpop (erf);
	v15 =	vadd.f32 v17, v21  }
0xed: {  	v4 =	vld [tilespmem:s0+$0x10];
	[tilespmem:s13+$0xFFFFFFE0] =	vst v10;
	(erf) = vpow2.f32 v61;
	v16 =	vmul.f32 v16, v8;
	v9 =	vadd.f32 v13, v9;
	v10 =	vpop (erf)  }
0xee: {  	v8 =	vld [tilespmem:s0+$0x30];
	[tilespmem:s13+$0xFFFFFFF0] =	vst v12;
	v12 =	vmul.f32 $1.442695020e+00, v14;
	v15 =	vsub.f32 $0.0e+00, v15;
	v13 =	vadd.f32 $1.000000000e+00, v10;
	v10 =	vpop (erf)  }
0xef: {  	s2 =	simm.s32 $0x8;
	s4 =	simm.s32 $0x5740;
	s14 =	simm.s32 $0x6F80;
	(erf) = vpow2.f32 v63;
	[tilespmem:s13+$0x0] =	vst v16;
	v14 =	vsub.f32 $0.0e+00, v9;
	v9 =	vld [tilespmem:s0+$0x50];
	v11 =	vmul.f32 v10, v11;
	v10 =	vpop (erf)  }
.LBB2_7:
0xf0: {  	v16 =	vld [tilespmem:s4+$0x30];
	v15 =	vmul.f32 $1.442695020e+00, v15;
	s0 =	sadd.s32 $0x100, s0;
	v17 =	vpop (erf);
	(erf) = vrcp.f32 v13  }
0xf1: {  	s2 =	sadd.s32 $0x8, s2;
	v13 =	vld [tilespmem:s0+$0x60];
	v14 =	vmul.f32 $1.442695020e+00, v14;
	v17 =	vadd.f32 $1.000000000e+00, v17;
	(erf) = vpow2.f32 v12;
	[tilespmem:s13+$0x10] =	vst v11  }
0xf2: {  	p1 =	slt.u32 s2, $0x78;
	v11 =	vld [tilespmem:s0+$0xFFFFFF80];
	(erf) = vpow2.f32 v15;
	v15 =	vmul.f32 v10, v2;
	v10 =	vpop (erf)  }
0xf3: {  	v12 =	vld [tilespmem:s4+$0xFFFFFFD0];
	(erf) = vpow2.f32 v14;
	v10 =	vmul.f32 v10, v1;
	v1 =	vmovc v7;
	v18 =	vmov v8  }
0xf4: {  	v7 =	vld [tilespmem:s0+$0xFFFFFFA0];
	(erf) = vrcp.f32 v17;
	v8 =	vpop (erf);
	[tilespmem:s13+$0x20] =	vst v15;
	v2 =	vmov v9  }
0xf5: {  	v8 =	vadd.f32 $1.000000000e+00, v8;
	v9 =	vld [tilespmem:s14+$0x70];
	[tilespmem:s13+$0xFFFFFFC0] =	vst v10;
	s14 =	smov.u32 s0  }
0xf6: {  	v10 =	vld [tilespmem:s4+$0xFFFFFFE0];
	v13 =	vadd.f32 v13, v16;
	v14 =	vpop (erf)  }
0xf7: {  	v15 =	vld [tilespmem:s0+$0xFFFFFFC0];
	v17 =	vadd.f32 $1.000000000e+00, v14;
	(erf) = vrcp.f32 v8  }
0xf8: {  	v8 =	vld [tilespmem:s4+$0xFFFFFFF0];
	v13 =	vsub.f32 $0.0e+00, v13;
	v16 =	vpop (erf)  }
0xf9: {  	v7 =	vadd.f32 v7, v12;
	v12 =	vld [tilespmem:s0+$0xFFFFFFE0];
	v20 =	vadd.f32 $1.000000000e+00, v16;
	(erf) = vrcp.f32 v17;
	v14 =	vpop (erf)  }
0xfa: {  	v17 =	vld [tilespmem:s4+$0x0];
	v13 =	vmul.f32 $1.442695020e+00, v13;
	v21 =	vmul.f32 v14, v9;
	v14 =	vpop (erf)  }
0xfb: {  	s13 =	sadd.s32 $0x80, s13;
	v7 =	vsub.f32 $0.0e+00, v7;
	v19 =	vld [tilespmem:s0+$0x0];
	v14 =	vadd.f32 $1.000000000e+00, v14;
	(erf) = vrcp.f32 v20;
	v16 =	vpop (erf)  }
0xfc: {  	v10 =	vadd.f32 v15, v10;
	v15 =	vld [tilespmem:s4+$0x10];
	(erf) = vpow2.f32 v13;
	v13 =	vadd.f32 $1.000000000e+00, v16;
	[tilespmem:s13+$0x30] =	vst v21;
	v9 =	vpop (erf)  }
0xfd: {  	v7 =	vmul.f32 $1.442695020e+00, v7;
	v16 =	vld [tilespmem:s0+$0x20];
	v9 =	vadd.f32 $1.000000000e+00, v9;
	v20 =	vpop (erf);
	(erf) = vrcp.f32 v14  }
0xfe: {  	v10 =	vsub.f32 $0.0e+00, v10;
	v8 =	vadd.f32 v12, v8;
	v12 =	vld [tilespmem:s4+$0x20];
	(erf) = vrcp.f32 v13  }
0xff: {  	v6 =	vmul.f32 v20, v6;
	v13 =	vld [tilespmem:s0+$0x40];
	(erf) = vpow2.f32 v7  }
0x100: {  	v14 =	vld [tilespmem:s4+$0xFFFFFFC0];
	v10 =	vmul.f32 $1.442695020e+00, v10;
	v8 =	vsub.f32 $0.0e+00, v8;
	v17 =	vadd.f32 v19, v17;
	v19 =	vpop (erf)  }
0x101: {  	v7 =	vld [tilespmem:s0+$0xFFFFFF90];
	[tilespmem:s13+$0xFFFFFFD0] =	vst v6;
	v19 =	vmul.f32 v19, v5;
	(erf) = vrcp.f32 v9  }
0x102: {  	v6 =	vld [tilespmem:s0+$0xFFFFFFB0];
	v8 =	vmul.f32 $1.442695020e+00, v8;
	v9 =	vsub.f32 $0.0e+00, v17;
	v15 =	vadd.f32 v16, v15;
	v16 =	vpop (erf)  }
.Ltmp4:
0x103: {  	v5 =	vld [tilespmem:s0+$0xFFFFFFD0];
	(erf) = vpow2.f32 v10;
	[tilespmem:s13+$0xFFFFFFE0] =	vst v19;
	v10 =	vmul.f32 v16, v3;
	(pc) =	sbr.rel @p1 .LBB2_7-.Ltmp4, $4  }
0x104: {  	v3 =	vld [tilespmem:s0+$0xFFFFFFF0];
	v16 =	vmul.f32 $1.442695020e+00, v9;
	v9 =	vsub.f32 $0.0e+00, v15;
	v13 =	vadd.f32 v13, v12;
	v12 =	vpop (erf)  }
0x105: {  	v11 =	vadd.f32 v11, v14;
	(erf) = vpow2.f32 v8;
	v14 =	vpop (erf);
	[tilespmem:s13+$0xFFFFFFF0] =	vst v10;
	v19 =	vmul.f32 v12, v4;
	v4 =	vld [tilespmem:s0+$0x10]  }
0x106: {  	v8 =	vld [tilespmem:s0+$0x30];
	v12 =	vmul.f32 $1.442695020e+00, v9;
	v15 =	vsub.f32 $0.0e+00, v13;
	v13 =	vadd.f32 $1.000000000e+00, v14;
	v17 =	vpop (erf)  }
0x107: {  	s4 =	sadd.s32 $0x80, s4;
	v14 =	vsub.f32 $0.0e+00, v11;
	v9 =	vld [tilespmem:s0+$0x50];
	(erf) = vpow2.f32 v16;
	[tilespmem:s13+$0x0] =	vst v19;
	v11 =	vmul.f32 v17, v18;
	v10 =	vpop (erf)  }
0x108: {  	v15 =	vmul.f32 $1.442695020e+00, v15;
	(erf) = vrcp.f32 v13  }
0x109: {  	v47 =	vmul.f32 $1.442695020e+00, v14;
	(erf) = vpow2.f32 v12  }
0x10a: {  	(erf) = vpow2.f32 v15  }
0x10b: {  	(erf) = vpow2.f32 v47  }
0x10c: {  	v48 =	vpop (erf)  }
0x10d: {  	v49 =	vpop (erf)  }
0x10e: {  	v50 =	vpop (erf)  }
0x10f: {  	v12 =	vadd.f32 $1.000000000e+00, v48;
	v51 =	vpop (erf)  }
0x110: {  	v14 =	vadd.f32 $1.000000000e+00, v50;
	v16 =	vpop (erf)  }
0x111: {  	(erf) = vrcp.f32 v12;
	v52 =	vadd.f32 $1.000000000e+00, v51;
	v53 =	vpop (erf)  }
0x112: {  	(erf) = vrcp.f32 v14;
	v54 =	vadd.f32 $1.000000000e+00, v16;
	v55 =	vpop (erf)  }
0x113: {  	(erf) = vrcp.f32 v52;
	v56 =	vadd.f32 $1.000000000e+00, v55;
	v57 =	vpop (erf)  }
0x114: {  	(erf) = vrcp.f32 v54;
	v58 =	vadd.f32 $1.000000000e+00, v57;
	v59 =	vpop (erf)  }
0x115: {  	v60 =	vld [tilespmem:s14+$0x70];
	(erf) = vrcp.f32 v56;
	v16 =	vadd.f32 $1.000000000e+00, v59  }
0x116: {  	(erf) = vrcp.f32 v58  }
0x117: {  	(erf) = vrcp.f32 v16  }
0x118: {  	v2 =	vmul.f32 v10, v2  }
0x119: {  	[tilespmem:s13+$0x10] =	vst v11;
	v1 =	vmul.f32 v49, v1  }
0x11a: {  	[tilespmem:s13+$0x20] =	vst v2;
	v2 =	vmul.f32 v53, v60;
	v61 =	vpop (erf)  }
0x11b: {  	s0 =	sadd.s32 $0x80, s13;
	[tilespmem:s13+$0xFFFFFFC0] =	vst v1;
	v1 =	vmul.f32 v61, v6;
	v62 =	vpop (erf)  }
0x11c: {  	[tilespmem:s0+$0x30] =	vst v2;
	v2 =	vmul.f32 v62, v5;
	v63 =	vpop (erf)  }
0x11d: {  	[tilespmem:s0+$0xFFFFFFD0] =	vst v1;
	v1 =	vmul.f32 v63, v3;
	v3 =	vpop (erf)  }
0x11e: {  	[tilespmem:s0+$0xFFFFFFE0] =	vst v2;
	v2 =	vmul.f32 v3, v4;
	v3 =	vpop (erf)  }
0x11f: {  	[tilespmem:s0+$0xFFFFFFF0] =	vst v1;
	v1 =	vmul.f32 v3, v8;
	v3 =	vpop (erf)  }
0x120: {  	[tilespmem:s0+$0x0] =	vst v2;
	v2 =	vmul.f32 v3, v9;
	v3 =	vpop (erf)  }
0x121: {  	s30 =	sadd.s32 $0x1, s30;
	[tilespmem:s0+$0x10] =	vst v1;
	v1 =	vmul.f32 v3, v7  }
0x122: {  	s2 =	sand.u32 $0x3FFFFF80, s31;
	p1 =	sne.s32 s30, $0x27;
	[tilespmem:s0+$0x20] =	vst v2  }
.Ltmp5:
0x123: {  	s31 =	sadd.s32 $0x2700, s2;
	[tilespmem:s0+$0xFFFFFFC0] =	vst v1;
	(pc) =	sbr.rel @p1 .LBB2_4-.Ltmp5, $4  }
0x124: {  	[spmem:s3] =	stream.indirect.scatter.add.f32 [tilespmem:s26], [sflag:$0x3], $0x10, s31, s20, $0xb8;
	[tilespmem:$0xB600] =	vst v63  }
0x125: {  	_ =	swait.ge [sflag:s18], $0x800  }
0x126: {  	[sflag:s18] =	ssyncset.done $0x0  }
0x127: {  	[sflag:s18] =	ssyncadd.s32 $0xFFFFF800  }
.Ltmp6:
0x128: {  	(pc) =	sbr.rel @p0 .LBB2_13-.Ltmp6, $1  }
0x129: {  	_ =	sdelay $0x3  }
0x12a: {  	s0 =	simm.s32 $0x0;
	s2 =	rddreg [dreg:$0x6]  }
0x12b: {  	[tilespmem:s0], [sflag:$0x3] =	stream.linear.gather [hbm4b:s2+s0], $0x80, $0x38;
	[tilespmem:$0xB600] =	vst v63  }
0x12c: {  	_ =	swait.ge [sflag:s18], $0x80  }
0x12d: {  	[sflag:s18] =	ssyncset.done $0x0  }
0x12e: {  	s14 =	rddreg [dreg:$0x7];
	[sflag:s18] =	ssyncadd.s32 $0xFFFFFF80  }
0x12f: {  	[tilespmem:s19], [sflag:$0x3] =	stream.linear.gather [hbm4b:s14+s0], $0x80, $0x38;
	[tilespmem:$0xB600] =	vst v63  }
0x130: {  	_ =	swait.ge [sflag:s18], $0x80  }
0x131: {  	[sflag:s18] =	ssyncset.done $0x0  }
0x132: {  	[sflag:s18] =	ssyncadd.s32 $0xFFFFFF80  }
0x133: {  	[tilespmem:s21], [sflag:$0x1] =	stream.indirect.gather [hbm4b:s1+s20], $0x10, s19, s20, $0xb8;
	[tilespmem:$0xB600] =	vst v63  }
0x134: {  	_ = 	snop  }
0x135: {  	[tilespmem:s22], [sflag:$0x1] =	stream.indirect.gather [hbm4b:s5+s20], $0x20, s0, s20, $0xb8;
	[tilespmem:$0xB600] =	vst v63  }
0x136: {  	_ =	swait.ge [sflag:s25], $0x800  }
0x137: {  	[sflag:s25] =	ssyncset.done $0x0  }
0x138: {  	[sflag:s25] =	ssyncadd.s32 $0xFFFFF800  }
0x139: {  	_ =	swait.ge [sflag:s25], $0x1000  }
0x13a: {  	[sflag:s25] =	ssyncset.done $0x0  }
0x13b: {  	s30 =	simm.s32 $0x4E40;
	[sflag:s25] =	ssyncadd.s32 $0xFFFFF000  }
0x13c: {  	s31 =	simm.s32 $0x5E80;
	v1 =	vld [tilespmem:s30+$0x30]  }
0x13d: {  	v2 =	vld [tilespmem:s31+$0x60];
	_ =	sdelay $0x2  }
0x13e: {  	v4 =	vld [tilespmem:s30+$0xFFFFFFD0]  }
0x13f: {  	v5 =	vld [tilespmem:s31+$0xFFFFFFA0]  }
0x140: {  	v6 =	vld [tilespmem:s30+$0xFFFFFFE0];
	v1 =	vadd.f32 v2, v1  }
0x141: {  	v7 =	vld [tilespmem:s30+$0xFFFFFFF0]  }
0x142: {  	v2 =	vld [tilespmem:s31+$0xFFFFFFC0];
	v1 =	vsub.f32 $0.0e+00, v1  }
0x143: {  	v8 =	vld [tilespmem:s31+$0xFFFFFFE0]  }
0x144: {  	v1 =	vmul.f32 $1.442695020e+00, v1  }
0x145: {  	v9 =	vld [tilespmem:s30+$0x0]  }
0x146: {  	v4 =	vadd.f32 v5, v4;
	v5 =	vld [tilespmem:s31+$0x0];
	(erf) = vpow2.f32 v1  }
0x147: {  	v10 =	vld [tilespmem:s30+$0x10];
	v2 =	vadd.f32 v2, v6  }
0x148: {  	v7 =	vadd.f32 v8, v7;
	v1 =	vsub.f32 $0.0e+00, v4;
	v4 =	vld [tilespmem:s31+$0x20]  }
0x149: {  	v8 =	vld [tilespmem:s31+$0x40];
	v2 =	vsub.f32 $0.0e+00, v2  }
0x14a: {  	v7 =	vsub.f32 $0.0e+00, v7;
	v6 =	vld [tilespmem:s30+$0x20];
	v1 =	vmul.f32 $1.442695020e+00, v1  }
0x14b: {  	v3 =	vld [tilespmem:s31+$0xFFFFFF80];
	v5 =	vadd.f32 v5, v9;
	v2 =	vmul.f32 $1.442695020e+00, v2  }
0x14c: {  	v11 =	vld [tilespmem:s30+$0xFFFFFFC0];
	v7 =	vmul.f32 $1.442695020e+00, v7;
	(erf) = vpow2.f32 v1  }
0x14d: {  	s0 =	simm.s32 $0x5F80;
	v12 =	vld [tilespmem:s31+$0xFFFFFFF0];
	v5 =	vsub.f32 $0.0e+00, v5;
	v4 =	vadd.f32 v4, v10;
	(erf) = vpow2.f32 v2  }
0x14e: {  	s4 =	simm.s32 $0x4EC0;
	v13 =	vld [tilespmem:s0+$0xFFFFFF80];
	(erf) = vpow2.f32 v7  }
0x14f: {  	v15 =	vld [tilespmem:s4+$0xFFFFFFE0];
	v5 =	vmul.f32 $1.442695020e+00, v5;
	v2 =	vadd.f32 v8, v6;
	v4 =	vsub.f32 $0.0e+00, v4;
	v6 =	vpop (erf)  }
0x150: {  	v16 =	vld [tilespmem:s0+$0xFFFFFFC0];
	v6 =	vadd.f32 $1.000000000e+00, v6  }
0x151: {  	v3 =	vadd.f32 v3, v11;
	(erf) = vpow2.f32 v5;
	v5 =	vld [tilespmem:s4+$0x30];
	v4 =	vmul.f32 $1.442695020e+00, v4  }
0x152: {  	v7 =	vsub.f32 $0.0e+00, v2;
	(erf) = vrcp.f32 v6;
	v6 =	vld [tilespmem:s0+$0x60]  }
0x153: {  	v18 =	vld [tilespmem:s4+$0x0];
	v3 =	vsub.f32 $0.0e+00, v3  }
0x154: {  	v19 =	vld [tilespmem:s0+$0x0];
	v7 =	vmul.f32 $1.442695020e+00, v7;
	(erf) = vpow2.f32 v4  }
0x155: {  	v20 =	vld [tilespmem:s0+$0x20];
	v3 =	vmul.f32 $1.442695020e+00, v3;
	v4 =	vpop (erf)  }
0x156: {  	(erf) = vpow2.f32 v7;
	v4 =	vadd.f32 $1.000000000e+00, v4;
	v7 =	vld [tilespmem:s4+$0xFFFFFFD0];
	v14 =	vpop (erf)  }
0x157: {  	(erf) = vpow2.f32 v3;
	v3 =	vld [tilespmem:s0+$0xFFFFFFA0];
	v5 =	vadd.f32 v6, v5;
	v6 =	vpop (erf)  }
0x158: {  	(erf) = vrcp.f32 v4;
	v4 =	vadd.f32 $1.000000000e+00, v14;
	v14 =	vld [tilespmem:s31+$0x70];
	v6 =	vadd.f32 $1.000000000e+00, v6  }
0x159: {  	v21 =	vld [tilespmem:s4+$0x20]  }
0x15a: {  	v11 =	vld [tilespmem:s31+$0x30];
	v17 =	vpop (erf)  }
0x15b: {  	v15 =	vadd.f32 v16, v15;
	v16 =	vld [tilespmem:s4+$0x10];
	(erf) = vrcp.f32 v4;
	v17 =	vadd.f32 $1.000000000e+00, v17  }
0x15c: {  	v4 =	vld [tilespmem:s4+$0xFFFFFFF0];
	v5 =	vsub.f32 $0.0e+00, v5;
	(erf) = vrcp.f32 v6;
	v6 =	vpop (erf)  }
0x15d: {  	v3 =	vadd.f32 v3, v7;
	v7 =	vld [tilespmem:s0+$0xFFFFFFE0];
	v14 =	vmul.f32 v6, v14;
	v6 =	vpop (erf)  }
0x15e: {  	v9 =	vld [tilespmem:s31+$0xFFFFFFB0];
	v5 =	vmul.f32 $1.442695020e+00, v5;
	v6 =	vadd.f32 $1.000000000e+00, v6  }
0x15f: {  	v1 =	vld [tilespmem:s31+$0xFFFFFF90];
	v3 =	vsub.f32 $0.0e+00, v3;
	(erf) = vrcp.f32 v17;
	v17 =	vpop (erf)  }
0x160: {  	v10 =	vld [tilespmem:s31+$0xFFFFFFD0];
	(erf) = vpow2.f32 v5;
	v5 =	vadd.f32 $1.000000000e+00, v17  }
0x161: {  	v15 =	vsub.f32 $0.0e+00, v15;
	v8 =	vld [tilespmem:s31+$0x10];
	v3 =	vmul.f32 $1.442695020e+00, v3;
	v17 =	vpop (erf);
	(erf) = vrcp.f32 v6  }
0x162: {  	v18 =	vadd.f32 v19, v18;
	v2 =	vld [tilespmem:s31+$0x50];
	v4 =	vadd.f32 v7, v4;
	v6 =	vpop (erf);
	(erf) = vrcp.f32 v5  }
0x163: {  	v15 =	vmul.f32 $1.442695020e+00, v15;
	v5 =	vadd.f32 $1.000000000e+00, v17;
	v17 =	vld [tilespmem:s0+$0x40];
	(erf) = vpow2.f32 v3  }
0x164: {  	v16 =	vadd.f32 v20, v16;
	v4 =	vsub.f32 $0.0e+00, v4;
	v3 =	vmul.f32 v6, v9;
	v9 =	vld [tilespmem:s4+$0xFFFFFFC0];
	v6 =	vpop (erf)  }
0x165: {  	v7 =	vld [tilespmem:s0+$0xFFFFFF90];
	v10 =	vmul.f32 v6, v10;
	(erf) = vrcp.f32 v5  }
0x166: {  	s13 =	simm.s32 $0x7E40;
	v61 =	vmul.f32 $1.442695020e+00, v4;
	v4 =	vsub.f32 $0.0e+00, v18;
	v6 =	vld [tilespmem:s0+$0xFFFFFFB0]  }
0x167: {  	[tilespmem:s13+$0x30] =	vst v14;
	v14 =	vsub.f32 $0.0e+00, v16;
	v62 =	vpop (erf);
	v5 =	vld [tilespmem:s0+$0xFFFFFFD0];
	(erf) = vpow2.f32 v15  }
0x168: {  	v12 =	vmul.f32 v62, v12;
	[tilespmem:s13+$0xFFFFFFD0] =	vst v3;
	v3 =	vld [tilespmem:s0+$0xFFFFFFF0];
	v63 =	vmul.f32 $1.442695020e+00, v4;
	v16 =	vpop (erf);
	v15 =	vadd.f32 v17, v21  }
0x169: {  	v4 =	vld [tilespmem:s0+$0x10];
	[tilespmem:s13+$0xFFFFFFE0] =	vst v10;
	(erf) = vpow2.f32 v61;
	v16 =	vmul.f32 v16, v8;
	v9 =	vadd.f32 v13, v9;
	v10 =	vpop (erf)  }
0x16a: {  	v8 =	vld [tilespmem:s0+$0x30];
	[tilespmem:s13+$0xFFFFFFF0] =	vst v12;
	v12 =	vmul.f32 $1.442695020e+00, v14;
	v15 =	vsub.f32 $0.0e+00, v15;
	v13 =	vadd.f32 $1.000000000e+00, v10;
	v10 =	vpop (erf)  }
0x16b: {  	s2 =	simm.s32 $0x8;
	s14 =	simm.s32 $0x5F80;
	s4 =	simm.s32 $0x4F40;
	(erf) = vpow2.f32 v63;
	[tilespmem:s13+$0x0] =	vst v16;
	v14 =	vsub.f32 $0.0e+00, v9;
	v9 =	vld [tilespmem:s0+$0x50];
	v11 =	vmul.f32 v10, v11;
	v10 =	vpop (erf)  }
.LBB2_11:
0x16c: {  	v16 =	vld [tilespmem:s4+$0x30];
	v15 =	vmul.f32 $1.442695020e+00, v15;
	s0 =	sadd.s32 $0x100, s0;
	v17 =	vpop (erf);
	(erf) = vrcp.f32 v13  }
0x16d: {  	s2 =	sadd.s32 $0x8, s2;
	v13 =	vld [tilespmem:s0+$0x60];
	v14 =	vmul.f32 $1.442695020e+00, v14;
	v17 =	vadd.f32 $1.000000000e+00, v17;
	(erf) = vpow2.f32 v12;
	[tilespmem:s13+$0x10] =	vst v11  }
0x16e: {  	p1 =	slt.u32 s2, $0x78;
	v11 =	vld [tilespmem:s0+$0xFFFFFF80];
	(erf) = vpow2.f32 v15;
	v15 =	vmul.f32 v10, v2;
	v10 =	vpop (erf)  }
0x16f: {  	v12 =	vld [tilespmem:s4+$0xFFFFFFD0];
	(erf) = vpow2.f32 v14;
	v10 =	vmul.f32 v10, v1;
	v1 =	vmovc v7;
	v18 =	vmov v8  }
0x170: {  	v7 =	vld [tilespmem:s0+$0xFFFFFFA0];
	(erf) = vrcp.f32 v17;
	v8 =	vpop (erf);
	[tilespmem:s13+$0x20] =	vst v15;
	v2 =	vmov v9  }
0x171: {  	v8 =	vadd.f32 $1.000000000e+00, v8;
	v9 =	vld [tilespmem:s14+$0x70];
	[tilespmem:s13+$0xFFFFFFC0] =	vst v10;
	s14 =	smov.u32 s0  }
0x172: {  	v10 =	vld [tilespmem:s4+$0xFFFFFFE0];
	v13 =	vadd.f32 v13, v16;
	v14 =	vpop (erf)  }
0x173: {  	v15 =	vld [tilespmem:s0+$0xFFFFFFC0];
	v17 =	vadd.f32 $1.000000000e+00, v14;
	(erf) = vrcp.f32 v8  }
0x174: {  	v8 =	vld [tilespmem:s4+$0xFFFFFFF0];
	v13 =	vsub.f32 $0.0e+00, v13;
	v16 =	vpop (erf)  }
0x175: {  	v7 =	vadd.f32 v7, v12;
	v12 =	vld [tilespmem:s0+$0xFFFFFFE0];
	v20 =	vadd.f32 $1.000000000e+00, v16;
	(erf) = vrcp.f32 v17;
	v14 =	vpop (erf)  }
0x176: {  	v17 =	vld [tilespmem:s4+$0x0];
	v13 =	vmul.f32 $1.442695020e+00, v13;
	v21 =	vmul.f32 v14, v9;
	v14 =	vpop (erf)  }
0x177: {  	s13 =	sadd.s32 $0x80, s13;
	v7 =	vsub.f32 $0.0e+00, v7;
	v19 =	vld [tilespmem:s0+$0x0];
	v14 =	vadd.f32 $1.000000000e+00, v14;
	(erf) = vrcp.f32 v20;
	v16 =	vpop (erf)  }
0x178: {  	v10 =	vadd.f32 v15, v10;
	v15 =	vld [tilespmem:s4+$0x10];
	(erf) = vpow2.f32 v13;
	v13 =	vadd.f32 $1.000000000e+00, v16;
	[tilespmem:s13+$0x30] =	vst v21;
	v9 =	vpop (erf)  }
0x179: {  	v7 =	vmul.f32 $1.442695020e+00, v7;
	v16 =	vld [tilespmem:s0+$0x20];
	v9 =	vadd.f32 $1.000000000e+00, v9;
	v20 =	vpop (erf);
	(erf) = vrcp.f32 v14  }
0x17a: {  	v10 =	vsub.f32 $0.0e+00, v10;
	v8 =	vadd.f32 v12, v8;
	v12 =	vld [tilespmem:s4+$0x20];
	(erf) = vrcp.f32 v13  }
0x17b: {  	v6 =	vmul.f32 v20, v6;
	v13 =	vld [tilespmem:s0+$0x40];
	(erf) = vpow2.f32 v7  }
0x17c: {  	v14 =	vld [tilespmem:s4+$0xFFFFFFC0];
	v10 =	vmul.f32 $1.442695020e+00, v10;
	v8 =	vsub.f32 $0.0e+00, v8;
	v17 =	vadd.f32 v19, v17;
	v19 =	vpop (erf)  }
0x17d: {  	v7 =	vld [tilespmem:s0+$0xFFFFFF90];
	[tilespmem:s13+$0xFFFFFFD0] =	vst v6;
	v19 =	vmul.f32 v19, v5;
	(erf) = vrcp.f32 v9  }
0x17e: {  	v6 =	vld [tilespmem:s0+$0xFFFFFFB0];
	v8 =	vmul.f32 $1.442695020e+00, v8;
	v9 =	vsub.f32 $0.0e+00, v17;
	v15 =	vadd.f32 v16, v15;
	v16 =	vpop (erf)  }
.Ltmp7:
0x17f: {  	v5 =	vld [tilespmem:s0+$0xFFFFFFD0];
	(erf) = vpow2.f32 v10;
	[tilespmem:s13+$0xFFFFFFE0] =	vst v19;
	v10 =	vmul.f32 v16, v3;
	(pc) =	sbr.rel @p1 .LBB2_11-.Ltmp7, $4  }
0x180: {  	v3 =	vld [tilespmem:s0+$0xFFFFFFF0];
	v16 =	vmul.f32 $1.442695020e+00, v9;
	v9 =	vsub.f32 $0.0e+00, v15;
	v13 =	vadd.f32 v13, v12;
	v12 =	vpop (erf)  }
0x181: {  	v11 =	vadd.f32 v11, v14;
	(erf) = vpow2.f32 v8;
	v14 =	vpop (erf);
	[tilespmem:s13+$0xFFFFFFF0] =	vst v10;
	v19 =	vmul.f32 v12, v4;
	v4 =	vld [tilespmem:s0+$0x10]  }
0x182: {  	v8 =	vld [tilespmem:s0+$0x30];
	v12 =	vmul.f32 $1.442695020e+00, v9;
	v15 =	vsub.f32 $0.0e+00, v13;
	v13 =	vadd.f32 $1.000000000e+00, v14;
	v17 =	vpop (erf)  }
0x183: {  	s4 =	sadd.s32 $0x80, s4;
	v14 =	vsub.f32 $0.0e+00, v11;
	v9 =	vld [tilespmem:s0+$0x50];
	(erf) = vpow2.f32 v16;
	[tilespmem:s13+$0x0] =	vst v19;
	v11 =	vmul.f32 v17, v18;
	v10 =	vpop (erf)  }
0x184: {  	v15 =	vmul.f32 $1.442695020e+00, v15;
	(erf) = vrcp.f32 v13  }
0x185: {  	v47 =	vmul.f32 $1.442695020e+00, v14;
	(erf) = vpow2.f32 v12  }
0x186: {  	(erf) = vpow2.f32 v15  }
0x187: {  	(erf) = vpow2.f32 v47  }
0x188: {  	v48 =	vpop (erf)  }
0x189: {  	v49 =	vpop (erf)  }
0x18a: {  	v50 =	vpop (erf)  }
0x18b: {  	v12 =	vadd.f32 $1.000000000e+00, v48;
	v51 =	vpop (erf)  }
0x18c: {  	v14 =	vadd.f32 $1.000000000e+00, v50;
	v16 =	vpop (erf)  }
0x18d: {  	(erf) = vrcp.f32 v12;
	v52 =	vadd.f32 $1.000000000e+00, v51;
	v53 =	vpop (erf)  }
0x18e: {  	(erf) = vrcp.f32 v14;
	v54 =	vadd.f32 $1.000000000e+00, v16;
	v55 =	vpop (erf)  }
0x18f: {  	(erf) = vrcp.f32 v52;
	v56 =	vadd.f32 $1.000000000e+00, v55;
	v57 =	vpop (erf)  }
0x190: {  	(erf) = vrcp.f32 v54;
	v58 =	vadd.f32 $1.000000000e+00, v57;
	v59 =	vpop (erf)  }
0x191: {  	v60 =	vld [tilespmem:s14+$0x70];
	(erf) = vrcp.f32 v56;
	v16 =	vadd.f32 $1.000000000e+00, v59  }
0x192: {  	(erf) = vrcp.f32 v58  }
0x193: {  	(erf) = vrcp.f32 v16  }
0x194: {  	v2 =	vmul.f32 v10, v2  }
0x195: {  	[tilespmem:s13+$0x10] =	vst v11;
	v1 =	vmul.f32 v49, v1  }
0x196: {  	[tilespmem:s13+$0x20] =	vst v2;
	v2 =	vmul.f32 v53, v60;
	v61 =	vpop (erf)  }
0x197: {  	s0 =	sadd.s32 $0x80, s13;
	[tilespmem:s13+$0xFFFFFFC0] =	vst v1;
	v1 =	vmul.f32 v61, v6;
	v62 =	vpop (erf)  }
0x198: {  	[tilespmem:s0+$0x30] =	vst v2;
	v2 =	vmul.f32 v62, v5;
	v63 =	vpop (erf)  }
0x199: {  	[tilespmem:s0+$0xFFFFFFD0] =	vst v1;
	v1 =	vmul.f32 v63, v3;
	v3 =	vpop (erf)  }
0x19a: {  	[tilespmem:s0+$0xFFFFFFE0] =	vst v2;
	v2 =	vmul.f32 v3, v4;
	v3 =	vpop (erf)  }
0x19b: {  	[tilespmem:s0+$0xFFFFFFF0] =	vst v1;
	v1 =	vmul.f32 v3, v8;
	v3 =	vpop (erf)  }
0x19c: {  	[tilespmem:s0+$0x0] =	vst v2;
	v2 =	vmul.f32 v3, v9;
	v3 =	vpop (erf)  }
0x19d: {  	[tilespmem:s0+$0x10] =	vst v1;
	v1 =	vmul.f32 v3, v7  }
0x19e: {  	[tilespmem:s0+$0x20] =	vst v2  }
.Ltmp8:
0x19f: {  	[tilespmem:s0+$0xFFFFFFC0] =	vst v1;
	(pc) =	sbr.rel .LBB2_13-.Ltmp8, $4  }
0x1a0: {  	[spmem:s3] =	stream.indirect.scatter.add.f32 [tilespmem:s26], [sflag:$0x3], $0x10, s19, s20, $0xb8;
	[tilespmem:$0xB600] =	vst v63  }
0x1a1: {  	_ =	swait.ge [sflag:s18], $0x800  }
0x1a2: {  	[sflag:s18] =	ssyncset.done $0x0  }
0x1a3: {  	[sflag:s18] =	ssyncadd.s32 $0xFFFFF800  }
.LBB2_14:
0x1a4: {  	_ =	sfence.sel $0x180000  }
0x1a5: {  	[bflag:$0x0] =	sbarrier.arrive $0xFFFF  }
0x1a6: {  	_ =	strace $0x9000004A  }
0x1a7: {  	s0 =	stileid.u32;
	[bflag:$0x2] =	sbarrier.arrive $0xFFFF  }
0x1a8: {  	p0 =	sne.s32 s0, $0x0;
	s0 =	rddreg [dreg:$0x5]  }
0x1a9: {  	s0 =	sadd.s32 @!p0 $0x100000, s0  }
0x1aa: {  	[sflag:s0] =	ssyncadd.tile.s32 @!p0 $0x1;
	_ =	shalt  }
.Lfunc_end2:
_tile_overlayer_lowered:
.L_overlay_start_2:
0x1ab: {  	(tag) =	ssettag $0x2  }
0x1ac: {  	s0 =	rddreg [dreg:$0x0];
	s2 =	stileid.u32  }
0x1ad: {  	s1 =	rddreg [dreg:$0x1];
	p0 =	sne.s32 s2, $0x0  }
0x1ae: {  	s3 =	rddreg [dreg:$0x2];
	[bflag:$0x3] =	sbarrier.arrive $0xFFFF;
	s2 =	simm.s32 @!p0 $0x1C03  }
0x1af: {  	[timem:s3], [sflag:s2] =	dma.local @!p0 [hbm:s0], s1  }
0x1b0: {  	s0 =	simm.s32 @!p0 $0x3  }
0x1b1: {  	_ =	swait.ge @!p0 [sflag:s0], s1  }
0x1b2: {  	s1 =	ssub.s32 @!p0 $0x0, s1;
	[sflag:s0] =	ssyncset.done @!p0 $0x0  }
0x1b3: {  	[sflag:s0] =	ssyncadd.s32 @!p0 s1  }
0x1b4: {  	[bflag:$0x3] =	sbarrier.arrive $0xFFFF  }
0x1b5: {  	_ =	shalt  }

// kernel: kernel.7.cloned.1.call-start
scs
__scs_entry_jumppad:
0x0: {  	(pc) =	sbr.rel $0x88, $3  }
0x1: {  	(tag) =	ssettag $0x0;
	lr =	simm.s32 $0x1  }
0x2: {  	[smem:$0x3F70] =	sst lr;
	_ =	strace $0xD0000000  }
0x3: {  	_ = 	snop  }
0x4: {  	_ = 	snop  }
0x5: {  	_ = 	snop  }
0x6: {  	_ = 	snop  }
0x7: {  	_ = 	snop  }
__scs_overlays_trampoline_lowered:
0x8: {  	[smem:$0x3F7F] =	sst s0  }
0x9: {  	[smem:$0x3F80] =	sst s1  }
0xa: {  	[smem:$0x3F81] =	sst s2  }
0xb: {  	[smem:$0x3F82] =	sst s3  }
0xc: {  	[smem:$0x3F83] =	sst s4  }
0xd: {  	[smem:$0x3F84] =	sst s5  }
0xe: {  	[smem:$0x3F85] =	sst s6  }
0xf: {  	[smem:$0x3F86] =	sst s7  }
0x10: {  	[smem:$0x3F87] =	sst s8  }
0x11: {  	[smem:$0x3F88] =	sst s9;
	s0 =	simm.s32 @!p0 $0x0  }
0x12: {  	s1 =	sld [smem:$0x3F6E];
	s0 =	simm.s32 @p0 $0x1  }
0x13: {  	[smem:$0x3F89] =	sst s0;
	s0 =	simm.s32 @!p1 $0x0  }
0x14: {  	s2 =	sld [smem:$0x3F6D];
	s0 =	simm.s32 @p1 $0x1  }
0x15: {  	[smem:$0x3F8A] =	sst s0;
	s0 =	simm.s32 @!p2 $0x0  }
0x16: {  	s3 =	sld [smem:$0x3FDB];
	s0 =	simm.s32 @p2 $0x1  }
0x17: {  	s4 =	simm.s32 $0x1BF5;
	[smem:$0x3F8C] =	sst s0  }
0x18: {  	s0 =	sld [smem:$0x3F6F];
	_ =	swait.ge [sflag:s4], $0x0  }
0x19: {  	s7 =	sld [smem:$0x3F70]  }
0x1a: {  	s8 =	sadd.s32 $0xFFFFE003, lr  }
0x1b: {  	s9 =	sadd.s32 $0xFFFFFEF7, lr;
	s5 =	simm.s32 $0xFFFFFFFF;
	p2 =	slt.u32 s8, $0xFFFFF086  }
0x1c: {  	p1 =	slt.u32 s9, $0xF7A;
	s5 =	simm.s32 @!p2 $0x0  }
0x1d: {  	s5 =	simm.s32 @p1 $0x1;
	p0 =	seq.s32 s7, s2  }
0x1e: {  	s7 =	smul.u32 @!p0 $0xF7A, s2;
	p2 =	seq.s32 @!p0 s5, $0x0  }
0x1f: {  	s9 =	smul.u32 $0xF7A, s1;
	s8 =	simm.s32 @!p0 $0x1BF5;
	p2 =	por !p2, p0  }
0x20: {  	[sflag:s8] =	ssyncset.s32 @!p0 $0xFFFFF086;
	s6 =	sadd.s32 @!p0 s3, s7;
	s7 =	simm.s32 @!p0 $0x108  }
0x21: {  	s3 =	sadd.s32 s3, s9;
	s6 =	sadd.s32 @!p0 $0x88, s6;
	s7 =	simm.s32 @p2 $0x1082  }
0x22: {  	[simem:s7], [sflag:s8] =	dma.local @!p0 [hbm:s6], $0xF7A  }
0x23: {  	s9 =	sor.u32 $0xD0000000, s2;
	s6 =	simm.s32 $0x108;
	_ =	swait.ge @!p0 [sflag:s8], $0x0  }
0x24: {  	s3 =	sadd.s32 $0x88, s3;
	s6 =	simm.s32 @!p1 $0x1082;
	[sflag:s4] =	ssyncset.s32 $0xFFFFF086  }
0x25: {  	[simem:s6], [sflag:s4] =	dma.local [hbm:s3], $0xF7A  }
0x26: {  	[smem:$0x3F70] =	sst s1;
	(tag) =	ssettag s2;
	_ =	strace s9  }
0x27: {  	s1 =	sld [smem:$0x3F80]  }
0x28: {  	s2 =	sld [smem:$0x3F81]  }
0x29: {  	s4 =	sld [smem:$0x3F83]  }
0x2a: {  	p0 =	seq.s32 s5, $0x0;
	s5 =	sld [smem:$0x3F84]  }
0x2b: {  	s6 =	sld [smem:$0x3F85]  }
0x2c: {  	s7 =	sld [smem:$0x3F86]  }
0x2d: {  	s3 =	simm.s32 $0x108;
	s8 =	sld [smem:$0x3F87]  }
0x2e: {  	s3 =	simm.s32 @!p0 $0x1082;
	s9 =	sld [smem:$0x3F88]  }
0x2f: {  	lr =	sadd.s32 s0, s3;
	s0 =	sld [smem:$0x3F7F]  }
0x30: {  	s3 =	sld [smem:$0x3F82]  }
0x31: {  	[smem:$0x3F8B] =	sst s10  }
0x32: {  	s10 =	sld [smem:$0x3F89];
	_ =	sdelay $0x3  }
0x33: {  	p0 =	seq.s32 s10, $0x1;
	s10 =	sld [smem:$0x3F8B];
	_ =	sdelay $0x3  }
0x34: {  	[smem:$0x3F8B] =	sst s10  }
0x35: {  	s10 =	sld [smem:$0x3F8A];
	_ =	sdelay $0x3  }
0x36: {  	p1 =	seq.s32 s10, $0x1;
	s10 =	sld [smem:$0x3F8B];
	_ =	sdelay $0x3  }
0x37: {  	[smem:$0x3F8B] =	sst s10  }
0x38: {  	s10 =	sld [smem:$0x3F8C]  }
0x39: {  	_ = 	snop;
	(pc) =	sbr.ind lr, $3  }
0x3a: {  	_ = 	snop  }
0x3b: {  	_ = 	snop  }
0x3c: {  	p2 =	seq.s32 s10, $0x1;
	s10 =	sld [smem:$0x3F8B]  }
0x3d: {  	_ =	shalt  }
0x3e: {  	_ =	shalt  }
0x3f: {  	_ =	shalt  }
0x40: {  	_ =	shalt  }
0x41: {  	_ =	shalt  }
0x42: {  	_ =	shalt  }
0x43: {  	_ =	shalt  }
0x44: {  	_ =	shalt  }
0x45: {  	_ =	shalt  }
0x46: {  	_ =	shalt  }
0x47: {  	_ =	shalt  }
0x48: {  	_ =	shalt  }
0x49: {  	_ =	shalt  }
0x4a: {  	_ =	shalt  }
0x4b: {  	_ =	shalt  }
0x4c: {  	_ =	shalt  }
0x4d: {  	_ =	shalt  }
0x4e: {  	_ =	shalt  }
0x4f: {  	_ =	shalt  }
0x50: {  	_ =	shalt  }
0x51: {  	_ =	shalt  }
0x52: {  	_ =	shalt  }
0x53: {  	_ =	shalt  }
0x54: {  	_ =	shalt  }
0x55: {  	_ =	shalt  }
0x56: {  	_ =	shalt  }
0x57: {  	_ =	shalt  }
0x58: {  	_ =	shalt  }
0x59: {  	_ =	shalt  }
0x5a: {  	_ =	shalt  }
0x5b: {  	_ =	shalt  }
0x5c: {  	_ =	shalt  }
0x5d: {  	_ =	shalt  }
0x5e: {  	_ =	shalt  }
0x5f: {  	_ =	shalt  }
0x60: {  	_ =	shalt  }
0x61: {  	_ =	shalt  }
0x62: {  	_ =	shalt  }
0x63: {  	_ =	shalt  }
0x64: {  	_ =	shalt  }
0x65: {  	_ =	shalt  }
0x66: {  	_ =	shalt  }
0x67: {  	_ =	shalt  }
0x68: {  	_ =	shalt  }
0x69: {  	_ =	shalt  }
0x6a: {  	_ =	shalt  }
0x6b: {  	_ =	shalt  }
0x6c: {  	_ =	shalt  }
0x6d: {  	_ =	shalt  }
0x6e: {  	_ =	shalt  }
0x6f: {  	_ =	shalt  }
0x70: {  	_ =	shalt  }
0x71: {  	_ =	shalt  }
0x72: {  	_ =	shalt  }
0x73: {  	_ =	shalt  }
0x74: {  	_ =	shalt  }
0x75: {  	_ =	shalt  }
0x76: {  	_ =	shalt  }
0x77: {  	_ =	shalt  }
0x78: {  	_ =	shalt  }
0x79: {  	_ =	shalt  }
0x7a: {  	_ =	shalt  }
0x7b: {  	_ =	shalt  }
0x7c: {  	_ =	shalt  }
0x7d: {  	_ =	shalt  }
0x7e: {  	_ =	shalt  }
0x7f: {  	_ =	shalt  }
0x80: {  	_ =	shalt  }
0x81: {  	_ =	shalt  }
0x82: {  	_ =	shalt  }
0x83: {  	_ =	shalt  }
0x84: {  	_ =	shalt  }
0x85: {  	_ =	shalt  }
0x86: {  	_ =	shalt  }
0x87: {  	_ =	shalt  }
.Lfunc_end0:
.L_simem_size_0:
called_computation_lowered:
.L_overlay_start_0:
0x88: {  	s2 =	sld [smem:$0x3FD9]  }
0x89: {  	s3 =	sld [smem:$0x3FFE];
	_ =	sdelay $0x1  }
0x8a: {  	s1 =	srdreg.scid  }
0x8b: {  	s0 =	sand.u32 $0x1, s1  }
0x8c: {  	s14 =	sshll.u32 s0, $0xA;
	s2 =	sadd.s32 s3, s2  }
0x8d: {  	s2 =	sadd.s32 s2, s14  }
0x8e: {  	[smem:$0x3F97] =	sst s2  }
0x8f: {  	_ = 	snop  }
0x90: {  	s2 =	sld [smem:$0x3FD0];
	_ =	sdelay $0x2  }
0x91: {  	s15 =	simm.s32 $0xA;
	s4 =	simm.s32 $0x10  }
0x92: {  	[smem:s4], [sflag:s15] =	dma.local [hbm:s2], $0x1  }
0x93: {  	_ =	swait.eq [sflag:s15], $0x1  }
0x94: {  	[sflag:s15] =	ssyncset.done $0x0  }
0x95: {  	s16 =	sld [smem:$0x10];
	[sflag:s15] =	ssyncadd.s32 $0xFFFFFFFF  }
0x96: {  	s17 =	sld [smem:$0x13];
	(tm) =	ssettm $0x1  }
0x97: {  	s18 =	sld [smem:$0x3FFB];
	_ =	sdelay $0x3  }
0x98: {  	_ =	strace s18  }
0x99: {  	s4 =	sld [smem:$0x3FFC];
	_ =	sdelay $0x3  }
0x9a: {  	_ =	strace s4  }
0x9b: {  	s4 =	sld [smem:$0x3FFD];
	_ =	sdelay $0x3  }
0x9c: {  	_ =	strace s4  }
0x9d: {  	_ =	strace $0x8FFFFFFF  }
0x9e: {  	s19 =	sld [smem:$0x3FDB];
	_ =	sdelay $0x1  }
0x9f: {  	s5 =	simm.s32 $_scs_section_size  }
0xa0: {  	s6 =	simm.s32 $_size__tile_overlayer_lowered;
	s7 =	simm.s32 $_tile_overlayer_lowered  }
0xa1: {  	s22 =	simm.s32 $0x1BFF;
	s21 =	sshll.u32 s7, $0x1;
	s4 =	sadd.s32 s5, s19  }
0xa2: {  	s8 =	simm.s32 $0x0;
	s20 =	sshll.u32 s6, $0x1;
	s6 =	sadd.s32 s21, s4  }
0xa3: {  	[timem:s8], [sflag:s22] =	dma.local [hbm:s6], s20  }
0xa4: {  	_ =	swait.ge [sflag:s22], s20  }
0xa5: {  	s5 =	ssub.s32 $0x0, s20;
	[sflag:s22] =	ssyncset.done $0x0  }
0xa6: {  	[sflag:s22] =	ssyncadd.s32 s5;
	_ =	sdelay $0x1  }
0xa7: {  	s23 =	simm.s32 $0x1B8B  }
0xa8: {  	_ =	swait.ge [sflag:s23], $0x1  }
0xa9: {  	[sflag:s23] =	ssyncset.done $0x0  }
0xaa: {  	s25 =	simm.s32 $0x1B8E;
	s24 =	sld [smem:$0x3FFE];
	[sflag:s23] =	ssyncadd.s32 $0xFFFFFFFF  }
0xab: {  	s26 =	simm.s32 $execute0_lowered;
	[smem:$0x3FD2] =	sst s25  }
0xac: {  	s6 =	sshll.u32 s26, $0x1;
	_ =	strace $0x80000046;
	[dreg:$0x1] =	wrdreg $0xFFFFFFFF  }
0xad: {  	s28 =	simm.s32 $_size_execute0_lowered;
	s4 =	sadd.s32 s4, s6;
	[dreg:$0x0] =	wrdreg $0x0  }
0xae: {  	s6 =	sshll.u32 s28, $0x1;
	[dreg:$0x2] =	wrdreg s4  }
0xaf: {  	[dreg:$0x3] =	wrdreg s6  }
0xb0: {  	[dreg:$0x4] =	wrdreg $0xC0  }
0xb1: {  	_ =	task [dreg:s8], $0x5FFFF  }
0xb2: {  	[dreg:$0x1] =	wrdreg $0xFFFFFFFF  }
0xb3: {  	[dreg:$0x0] =	wrdreg $0x60  }
0xb4: {  	[dreg:$0x2] =	wrdreg s24  }
0xb5: {  	[dreg:$0x3] =	wrdreg s17  }
0xb6: {  	[dreg:$0x4] =	wrdreg s16  }
0xb7: {  	[dreg:$0x5] =	wrdreg $0x14E000  }
0xb8: {  	[dreg:$0x6] =	wrdreg $0x9  }
0xb9: {  	_ =	task.clear_ibuf [dreg:s8], $0x7FFFF;
	_ =	strace $0x90000046  }
0xba: {  	s29 =	simm.s32 $0x9;
	_ =	strace $0x80000048  }
0xbb: {  	_ =	swait.ge [sflag:s29], $0x1  }
0xbc: {  	[sflag:s29] =	ssyncadd.s32 $0xFFFFFFFF  }
0xbd: {  	_ =	strace $0x90000048  }
0xbe: {  	_ =	sfence  }
0xbf: {  	s30 =	sld [smem:$0x0];
	_ =	sdelay $0x2  }
0xc0: {  	s31 =	sshll.u32 s1, $0xD;
	s1 =	sshrl.u32 s1, $0x2  }
0xc1: {  	s3 =	sand.u32 $0x4000, s31;
	s1 =	sadd.s32 s1, s30  }
0xc2: {  	s0 =	sor.u32 s3, s0;
	s1 =	sshll.u32 s1, $0x11  }
0xc3: {  	s0 =	sor.u32 s1, s0  }
0xc4: {  	s0 =	sadd.s32 $0x8F2B, s0  }
0xc5: {  	[sflag:s0] =	ssyncadd.remote.s32 $0x1  }
0xc6: {  	_ =	sfence.sel $0xFFFF  }
0xc7: {  	[dreg:$0x0] =	wrdreg $0xFFFFFFFF;
	(pc) =	sbr.abs _section_cstart, $3  }
0xc8: {  	[dreg:$0x1] =	wrdreg $0xFFFFFFFF  }
0xc9: {  	_ =	task.clear_ibuf [dreg:s8], $0x2FFFF;
	_ =	strace $0x9FFFFFFF  }
0xca: {  	(tm) =	ssettm $0x7FFFFFFF  }
0xcb: {  	_ =	shalt  }
tec
execute0_lowered:
.L_overlay_start_1:
0x0: {  	(tag) =	ssettag $0x1  }
0x1: {  	s0 =	rddreg [dreg:$0x0]  }
0x2: {  	s1 =	rddreg [dreg:$0x1]  }
0x3: {  	s2 =	rddreg [dreg:$0x2];
	s4 =	srdreg.scid  }
0x4: {  	s10 =	stileid.u32;
	s3 =	rddreg [dreg:$0x3]  }
0x5: {  	s7 =	simm.s32 $0x0;
	s17 =	simm.s32 $0x12E00;
	s18 =	simm.s32 $0x3  }
0x6: {  	s19 =	simm.s32 $0x2700;
	s20 =	simm.s32 $0x80;
	s23 =	simm.s32 $0x6E00  }
0x7: {  	s24 =	simm.s32 $0xCE00;
	s25 =	simm.s32 $0x1;
	s28 =	simm.s32 $0x2  }
0x8: {  	s29 =	simm.s32 $0x0;
	s4 =	sand.u32 $0x1, s4;
	s5 =	smul.u32 $0x1400, s10  }
0x9: {  	[smem:$0x7FF] =	sst s7;
	s26 =	smul.u32 $0x28000, s10;
	s13 =	sadd.s32 $0x68E00, s0  }
0xa: {  	s15 =	sshll.u32 s10, $0x4;
	s6 =	smul.u32 $0x14000, s4;
	_ =	strace $0x80000047  }
0xb: {  	s8 =	ssub.s32 $0x2, s4;
	s4 =	sshll.u32 s4, $0x4;
	s15 =	sor.u32 $0x9C00, s15  }
0xc: {  	s30 =	sshrl.u32 s26, $0x2;
	s31 =	sshrl.u32 s8, $0x1;
	s4 =	sor.u32 s10, s4  }
0xd: {  	s26 =	simm.s32 $0x10E00;
	s6 =	sadd.s32 s5, s6;
	s5 =	sadd.s32 $0x55400, s0  }
0xe: {  	s14 =	ssub.s32 s8, s31;
	s12 =	smul.u32 $0x4E0, s4;
	p0 =	sgt.u32 s4, $0x3  }
.Ltmp0:
0xf: {  	s0 =	sadd.s32 s6, s0;
	s6 =	sadd.s32 s30, s3;
	(pc) =	sbr.rel .LBB2_1-.Ltmp0, $4  }
0x10: {  	s16 =	smax.u32 s14, $0x1;
	s7 =	sadd.s32 $0x2000, s6;
	s8 =	sadd.s32 $0x4000, s6  }
0x11: {  	s9 =	sadd.s32 $0x6000, s6;
	s11 =	sadd.s32 s13, s12;
	s13 =	sadd.s32 s13, s15  }
0x12: {  	s12 =	sadd.s32 s2, s12;
	s2 =	sadd.s32 s2, s15;
	[dreg:$0x5] =	wrdreg s13  }
0x13: {  	v0 =	vimm.f32 $0.0e+00;
	s10 =	sadd.s32 $0x8000, s6;
	s15 =	sadd.s32 $0x72C00, s0;
	[dreg:$0x6] =	wrdreg s2  }
.LBB2_13:
0x14: {  	s0 =	stileid.u32;
	s29 =	sadd.s32 $0x1, s29  }
0x15: {  	[bflag:$0x0] =	sbarrier.arrive $0xFFFF;
	s0 =	sshll.u32 s0, $0x6;
	p1 =	sne.s32 s29, s16  }
.Ltmp1:
0x16: {  	s2 =	sshrl.u32 s6, $0x3;
	s0 =	sor.u32 $0x1C03, s0;
	(pc) =	sbr.rel @!p1 .LBB2_14-.Ltmp1, $4  }
0x17: {  	[hbm:s15], [sflag:s0] =	dma.local [spmem:s2], $0x1400  }
0x18: {  	_ =	swait.ge [sflag:s18], $0x1400  }
0x19: {  	[sflag:s18] =	ssyncset.done $0x0  }
0x1a: {  	[sflag:s18] =	ssyncadd.s32 $0xFFFFEC00  }
.LBB2_1:
0x1b: {  	s2 =	simm.s32 $0x100;
	s0 =	simm.s32 $0x0  }
.LBB2_2:
0x1c: {  	p1 =	sne.s32 s2, $0x7F00;
	[tilespmem:s0+$0x12E30] =	vst v0;
	s4 =	smov.u32 s2;
	s2 =	sadd.s32 $0x100, s2  }
.Ltmp2:
0x1d: {  	[tilespmem:s0+$0x12E20] =	vst v0;
	(pc) =	sbr.rel @p1 .LBB2_2-.Ltmp2, $3  }
0x1e: {  	[tilespmem:s0+$0x12E00] =	vst v0  }
0x1f: {  	[tilespmem:s0+$0x12E10] =	vst v0;
	_ =	sdelay $0x1  }
0x20: {  	s0 =	sshra.s32 s4, $0x2  }
0x21: {  	[tilespmem:s0+$0x12E30] =	vst v0  }
0x22: {  	[tilespmem:s0+$0x12E20] =	vst v0  }
0x23: {  	[tilespmem:s0+$0x12E00] =	vst v0  }
0x24: {  	[tilespmem:s0+$0x12E10] =	vst v0  }
0x25: {  	[spmem:s6] =	stream.linear.scatter [tilespmem:s17], [sflag:$0x3], $0x2000, $0x38;
	[tilespmem:$0x1EE00] =	vst v63  }
0x26: {  	_ =	swait.ge [sflag:s18], $0x2000  }
0x27: {  	[sflag:s18] =	ssyncset.done $0x0  }
0x28: {  	[sflag:s18] =	ssyncadd.s32 $0xFFFFE000  }
0x29: {  	[spmem:s7] =	stream.linear.scatter [tilespmem:s17], [sflag:$0x3], $0x2000, $0x38;
	[tilespmem:$0x1EE00] =	vst v63  }
0x2a: {  	_ =	swait.ge [sflag:s18], $0x2000  }
0x2b: {  	[sflag:s18] =	ssyncset.done $0x0  }
0x2c: {  	[sflag:s18] =	ssyncadd.s32 $0xFFFFE000  }
0x2d: {  	[spmem:s8] =	stream.linear.scatter [tilespmem:s17], [sflag:$0x3], $0x2000, $0x38;
	[tilespmem:$0x1EE00] =	vst v63  }
0x2e: {  	_ =	swait.ge [sflag:s18], $0x2000  }
0x2f: {  	[sflag:s18] =	ssyncset.done $0x0  }
0x30: {  	[sflag:s18] =	ssyncadd.s32 $0xFFFFE000  }
0x31: {  	[spmem:s9] =	stream.linear.scatter [tilespmem:s17], [sflag:$0x3], $0x2000, $0x38;
	[tilespmem:$0x1EE00] =	vst v63  }
0x32: {  	_ =	swait.ge [sflag:s18], $0x2000  }
0x33: {  	[sflag:s18] =	ssyncset.done $0x0  }
0x34: {  	[sflag:s18] =	ssyncadd.s32 $0xFFFFE000  }
0x35: {  	[spmem:s10] =	stream.linear.scatter [tilespmem:s17], [sflag:$0x3], $0x2000, $0x38;
	[tilespmem:$0x1EE00] =	vst v63  }
0x36: {  	_ =	swait.ge [sflag:s18], $0x2000  }
0x37: {  	[sflag:s18] =	ssyncset.done $0x0  }
0x38: {  	[sflag:s18] =	ssyncadd.s32 $0xFFFFE000  }
0x39: {  	s30 =	simm.s32 $0x0;
	[bflag:$0x0] =	sbarrier.arrive $0xFFFF  }
0x3a: {  	[tilespmem:s30], [sflag:$0x3] =	stream.linear.gather [hbm4b:s11+s30], $0x2700, $0x38;
	[tilespmem:$0x1EE00] =	vst v63  }
0x3b: {  	_ =	swait.ge [sflag:s18], $0x2700  }
0x3c: {  	[sflag:s18] =	ssyncset.done $0x0  }
0x3d: {  	[sflag:s18] =	ssyncadd.s32 $0xFFFFD900  }
0x3e: {  	[tilespmem:s19], [sflag:$0x3] =	stream.linear.gather [hbm4b:s12+s30], $0x2700, $0x38;
	[tilespmem:$0x1EE00] =	vst v63  }
0x3f: {  	_ =	swait.ge [sflag:s18], $0x2700  }
0x40: {  	[sflag:s18] =	ssyncset.done $0x0  }
0x41: {  	s22 =	simm.s32 $0x4E00;
	[sflag:s18] =	ssyncadd.s32 $0xFFFFD900  }
0x42: {  	[tilespmem:s22], [sflag:$0x1] =	stream.indirect.gather [hbm4b:s5+s20], $0x40, s19, s20, $0xb8;
	[tilespmem:$0x1EE00] =	vst v63  }
0x43: {  	s31 =	simm.s32 $0x8E00  }
0x44: {  	[tilespmem:s31], [sflag:$0x1] =	stream.indirect.gather [hbm4b:s1+s20], $0x80, s30, s20, $0xb8;
	[tilespmem:$0x1EE00] =	vst v63  }
.LBB2_4:
0x45: {  	s0 =	sshllo.u32 s30, $0x1  }
0x46: {  	s31 =	sshll.u32 s0, $0x7  }
0x47: {  	s0 =	sadd.s32 $0x2700, s31  }
0x48: {  	[tilespmem:s23], [sflag:$0x2] =	stream.indirect.gather [hbm4b:s5+s20], $0x40, s0, s20, $0xb8;
	[tilespmem:$0x1EE00] =	vst v63  }
0x49: {  	_ = 	snop  }
0x4a: {  	[tilespmem:s24], [sflag:$0x2] =	stream.indirect.gather [hbm4b:s1+s20], $0x80, s31, s20, $0xb8;
	[tilespmem:$0x1EE00] =	vst v63  }
0x4b: {  	_ =	swait.ge [sflag:s25], $0x2000  }
0x4c: {  	[sflag:s25] =	ssyncset.done $0x0  }
0x4d: {  	[sflag:s25] =	ssyncadd.s32 $0xFFFFE000  }
0x4e: {  	_ =	swait.ge [sflag:s25], $0x4000  }
0x4f: {  	[sflag:s25] =	ssyncset.done $0x0  }
0x50: {  	s22 =	simm.s32 $0x4F00;
	[sflag:s25] =	ssyncadd.s32 $0xFFFFC000  }
0x51: {  	s21 =	simm.s32 $0x9000;
	v1 =	vld [tilespmem:s22+$0xC0]  }
0x52: {  	v2 =	vld [tilespmem:s21+$0x180];
	_ =	sdelay $0x1  }
0x53: {  	v3 =	vld [tilespmem:s22+$0xFFFFFF40]  }
0x54: {  	v4 =	vld [tilespmem:s21+$0xFFFFFE80]  }
0x55: {  	v5 =	vld [tilespmem:s21+$0xFFFFFF00]  }
0x56: {  	v6 =	vld [tilespmem:s22+$0xFFFFFFC0];
	v1 =	vadd.f32 v2, v1  }
0x57: {  	v7 =	vld [tilespmem:s21+$0xFFFFFF80]  }
0x58: {  	v2 =	vld [tilespmem:s22+$0xFFFFFF80];
	v1 =	vsub.f32 $0.0e+00, v1  }
0x59: {  	v8 =	vld [tilespmem:s22+$0x0]  }
0x5a: {  	v9 =	vld [tilespmem:s21+$0x0];
	v1 =	vmul.f32 $1.442695020e+00, v1  }
0x5b: {  	v10 =	vld [tilespmem:s22+$0xFFFFFF00]  }
0x5c: {  	v3 =	vadd.f32 v4, v3;
	v4 =	vld [tilespmem:s22+$0x40];
	(erf) = vpow2.f32 v1  }
0x5d: {  	v6 =	vadd.f32 v7, v6;
	v7 =	vld [tilespmem:s22+$0x80];
	v2 =	vadd.f32 v5, v2  }
0x5e: {  	v3 =	vsub.f32 $0.0e+00, v3;
	v5 =	vld [tilespmem:s21+$0x80]  }
0x5f: {  	v1 =	vld [tilespmem:s21+$0xFFFFFE00];
	v2 =	vsub.f32 $0.0e+00, v2  }
0x60: {  	v8 =	vadd.f32 v9, v8;
	v9 =	vld [tilespmem:s21+$0x100];
	v3 =	vmul.f32 $1.442695020e+00, v3  }
0x61: {  	v2 =	vmul.f32 $1.442695020e+00, v2  }
0x62: {  	v6 =	vsub.f32 $0.0e+00, v6;
	(erf) = vpow2.f32 v3  }
0x63: {  	v3 =	vsub.f32 $0.0e+00, v8;
	(erf) = vpow2.f32 v2;
	v2 =	vadd.f32 v5, v4  }
0x64: {  	v6 =	vmul.f32 $1.442695020e+00, v6;
	v1 =	vadd.f32 v1, v10  }
0x65: {  	v3 =	vmul.f32 $1.442695020e+00, v3;
	v5 =	vadd.f32 v9, v7;
	v2 =	vsub.f32 $0.0e+00, v2;
	v4 =	vpop (erf)  }
0x66: {  	(erf) = vpow2.f32 v6;
	v1 =	vsub.f32 $0.0e+00, v1;
	v4 =	vadd.f32 $1.000000000e+00, v4  }
0x67: {  	(erf) = vpow2.f32 v3;
	v3 =	vsub.f32 $0.0e+00, v5;
	v2 =	vmul.f32 $1.442695020e+00, v2  }
0x68: {  	v1 =	vmul.f32 $1.442695020e+00, v1;
	(erf) = vrcp.f32 v4  }
0x69: {  	v3 =	vmul.f32 $1.442695020e+00, v3  }
0x6a: {  	(erf) = vpow2.f32 v2  }
0x6b: {  	v2 =	vpop (erf);
	(erf) = vpow2.f32 v3  }
0x6c: {  	v2 =	vadd.f32 $1.000000000e+00, v2;
	(erf) = vpow2.f32 v1;
	v1 =	vpop (erf)  }
0x6d: {  	v3 =	vld [tilespmem:s21+$0x1C0];
	v1 =	vadd.f32 $1.000000000e+00, v1  }
0x6e: {  	(erf) = vrcp.f32 v2  }
0x6f: {  	v4 =	vpop (erf)  }
0x70: {  	v2 =	vpop (erf)  }
0x71: {  	v4 =	vadd.f32 $1.000000000e+00, v4;
	(erf) = vrcp.f32 v1;
	v1 =	vpop (erf)  }
0x72: {  	v1 =	vmul.f32 v1, v3  }
0x73: {  	s2 =	simm.s32 $0x10F00;
	v2 =	vadd.f32 $1.000000000e+00, v2;
	(erf) = vrcp.f32 v4;
	v3 =	vld [tilespmem:s21+$0xFFFFFEC0];
	v5 =	vpop (erf)  }
0x74: {  	v4 =	vld [tilespmem:s21+$0xFFFFFF40];
	[tilespmem:s2+$0xC0] =	vst v1;
	v1 =	vadd.f32 $1.000000000e+00, v5;
	v5 =	vpop (erf)  }
0x75: {  	(erf) = vrcp.f32 v2;
	v2 =	vld [tilespmem:s22+$0xD0];
	v5 =	vadd.f32 $1.000000000e+00, v5;
	v7 =	vpop (erf)  }
0x76: {  	v6 =	vld [tilespmem:s21+$0x190];
	(erf) = vrcp.f32 v1;
	v1 =	vadd.f32 $1.000000000e+00, v7  }
0x77: {  	v8 =	vld [tilespmem:s21+$0xFFFFFE40];
	v9 =	vpop (erf);
	(erf) = vrcp.f32 v5  }
0x78: {  	v7 =	vld [tilespmem:s21+$0xFFFFFFC0];
	v3 =	vmul.f32 v9, v3;
	(erf) = vrcp.f32 v1  }
0x79: {  	v10 =	vld [tilespmem:s21+$0x140]  }
0x7a: {  	v5 =	vld [tilespmem:s21+$0x40];
	v9 =	vpop (erf)  }
0x7b: {  	v1 =	vld [tilespmem:s21+$0xC0];
	v4 =	vmul.f32 v9, v4;
	[tilespmem:s2+$0xFFFFFF40] =	vst v3;
	v2 =	vadd.f32 v6, v2  }
0x7c: {  	v6 =	vld [tilespmem:s22+$0xFFFFFF50];
	v3 =	vpop (erf)  }
0x7d: {  	[tilespmem:s2+$0xFFFFFF80] =	vst v4;
	v4 =	vld [tilespmem:s21+$0xFFFFFE90];
	v3 =	vmul.f32 v3, v7;
	v2 =	vsub.f32 $0.0e+00, v2  }
0x7e: {  	v9 =	vld [tilespmem:s22+$0xFFFFFF90];
	v7 =	vpop (erf)  }
0x7f: {  	[tilespmem:s2+$0xFFFFFFC0] =	vst v3;
	v3 =	vmul.f32 v7, v5;
	v5 =	vld [tilespmem:s21+$0xFFFFFF10];
	v2 =	vmul.f32 $1.442695020e+00, v2;
	v7 =	vpop (erf)  }
0x80: {  	v11 =	vld [tilespmem:s22+$0xFFFFFFD0];
	v1 =	vmul.f32 v7, v1;
	v7 =	vpop (erf)  }
0x81: {  	[tilespmem:s2+$0x0] =	vst v3;
	v3 =	vld [tilespmem:s21+$0xFFFFFF90];
	(erf) = vpow2.f32 v2;
	v12 =	vpop (erf)  }
0x82: {  	v2 =	vld [tilespmem:s22+$0x10];
	[tilespmem:s2+$0x40] =	vst v1;
	v1 =	vadd.f32 v4, v6;
	v4 =	vmul.f32 v12, v8  }
0x83: {  	v6 =	vld [tilespmem:s21+$0x10]  }
0x84: {  	v7 =	vmul.f32 v7, v10;
	v8 =	vld [tilespmem:s22+$0x50];
	[tilespmem:s2+$0xFFFFFF00] =	vst v4  }
0x85: {  	v5 =	vadd.f32 v5, v9;
	v9 =	vld [tilespmem:s22+$0xFFFFFF10]  }
0x86: {  	[tilespmem:s2+$0x80] =	vst v7;
	v1 =	vsub.f32 $0.0e+00, v1;
	v7 =	vld [tilespmem:s21+$0xFFFFFE10];
	v3 =	vadd.f32 v3, v11  }
0x87: {  	v4 =	vld [tilespmem:s21+$0x90];
	v5 =	vsub.f32 $0.0e+00, v5  }
0x88: {  	v1 =	vmul.f32 $1.442695020e+00, v1  }
0x89: {  	v5 =	vmul.f32 $1.442695020e+00, v5  }
0x8a: {  	v10 =	vld [tilespmem:s22+$0x90];
	v2 =	vadd.f32 v6, v2;
	(erf) = vpow2.f32 v1;
	v1 =	vsub.f32 $0.0e+00, v3;
	v3 =	vpop (erf)  }
0x8b: {  	v11 =	vld [tilespmem:s21+$0x110];
	(erf) = vpow2.f32 v5;
	v3 =	vadd.f32 $1.000000000e+00, v3;
	v5 =	vadd.f32 v7, v9  }
0x8c: {  	v4 =	vadd.f32 v4, v8;
	v2 =	vsub.f32 $0.0e+00, v2  }
0x8d: {  	v1 =	vmul.f32 $1.442695020e+00, v1;
	(erf) = vrcp.f32 v3;
	v3 =	vsub.f32 $0.0e+00, v5  }
0x8e: {  	v4 =	vsub.f32 $0.0e+00, v4;
	v2 =	vmul.f32 $1.442695020e+00, v2  }
0x8f: {  	(erf) = vpow2.f32 v1;
	v1 =	vmul.f32 $1.442695020e+00, v3  }
0x90: {  	v5 =	vadd.f32 v11, v10;
	v4 =	vmul.f32 $1.442695020e+00, v4  }
0x91: {  	(erf) = vpow2.f32 v2  }
0x92: {  	v3 =	vsub.f32 $0.0e+00, v5;
	(erf) = vpow2.f32 v4  }
0x93: {  	(erf) = vpow2.f32 v1;
	v1 =	vpop (erf)  }
0x94: {  	v2 =	vmul.f32 $1.442695020e+00, v3;
	v3 =	vld [tilespmem:s21+$0x1D0];
	v1 =	vadd.f32 $1.000000000e+00, v1;
	_ =	sdelay $0x2  }
0x95: {  	(erf) = vpow2.f32 v2;
	v4 =	vpop (erf)  }
0x96: {  	v2 =	vadd.f32 $1.000000000e+00, v4;
	(erf) = vrcp.f32 v1;
	v1 =	vpop (erf)  }
0x97: {  	v1 =	vmul.f32 v1, v3;
	_ =	sdelay $0x2  }
0x98: {  	(erf) = vrcp.f32 v2;
	v2 =	vpop (erf)  }
0x99: {  	[tilespmem:s2+$0xD0] =	vst v1;
	v1 =	vpop (erf)  }
0x9a: {  	v5 =	vpop (erf)  }
0x9b: {  	v2 =	vadd.f32 $1.000000000e+00, v2;
	v4 =	vld [tilespmem:s22+$0xE0];
	v1 =	vadd.f32 $1.000000000e+00, v1;
	v7 =	vpop (erf)  }
0x9c: {  	v6 =	vld [tilespmem:s21+$0x1A0];
	v7 =	vadd.f32 $1.000000000e+00, v7  }
0x9d: {  	(erf) = vrcp.f32 v2;
	v2 =	vld [tilespmem:s21+$0xFFFFFF50];
	v5 =	vadd.f32 $1.000000000e+00, v5  }
0x9e: {  	(erf) = vrcp.f32 v1  }
0x9f: {  	(erf) = vrcp.f32 v5;
	v1 =	vpop (erf)  }
0xa0: {  	v3 =	vld [tilespmem:s21+$0xFFFFFED0];
	(erf) = vrcp.f32 v7;
	v7 =	vpop (erf)  }
0xa1: {  	v4 =	vadd.f32 v6, v4;
	v6 =	vpop (erf)  }
0xa2: {  	v5 =	vld [tilespmem:s21+$0xFFFFFFD0];
	v2 =	vmul.f32 v6, v2;
	_ =	sdelay $0x2  }
0xa3: {  	v8 =	vld [tilespmem:s21+$0xFFFFFE50];
	v1 =	vadd.f32 $1.000000000e+00, v1;
	v3 =	vmul.f32 v7, v3  }
0xa4: {  	v9 =	vld [tilespmem:s21+$0x50];
	[tilespmem:s2+$0xFFFFFF90] =	vst v2;
	v2 =	vpop (erf)  }
0xa5: {  	v4 =	vsub.f32 $0.0e+00, v4;
	v7 =	vld [tilespmem:s21+$0xD0];
	[tilespmem:s2+$0xFFFFFF50] =	vst v3;
	v5 =	vmul.f32 v2, v5  }
0xa6: {  	v3 =	vld [tilespmem:s22+$0xFFFFFF60]  }
0xa7: {  	v4 =	vmul.f32 $1.442695020e+00, v4;
	(erf) = vrcp.f32 v1;
	v6 =	vld [tilespmem:s21+$0xFFFFFEA0];
	v1 =	vpop (erf)  }
0xa8: {  	v11 =	vld [tilespmem:s22+$0xFFFFFFA0];
	v13 =	vpop (erf)  }
0xa9: {  	v12 =	vld [tilespmem:s21+$0xFFFFFF20];
	(erf) = vpow2.f32 v4;
	v4 =	vmul.f32 v1, v9;
	[tilespmem:s2+$0xFFFFFFD0] =	vst v5;
	v5 =	vpop (erf)  }
0xaa: {  	v5 =	vmul.f32 v5, v8  }
0xab: {  	[tilespmem:s2+$0x10] =	vst v4;
	v4 =	vld [tilespmem:s21+$0xFFFFFFA0]  }
0xac: {  	v3 =	vadd.f32 v6, v3;
	v8 =	vld [tilespmem:s22+$0xFFFFFFE0];
	[tilespmem:s2+$0xFFFFFF10] =	vst v5  }
0xad: {  	v9 =	vld [tilespmem:s22+$0xFFFFFF20]  }
0xae: {  	v6 =	vmul.f32 v13, v7;
	v7 =	vadd.f32 v12, v11;
	v3 =	vsub.f32 $0.0e+00, v3;
	v11 =	vld [tilespmem:s21+$0xFFFFFE20];
	_ =	sdelay $0x1  }
0xaf: {  	[tilespmem:s2+$0x50] =	vst v6;
	v6 =	vsub.f32 $0.0e+00, v7;
	v7 =	vld [tilespmem:s21+$0x20];
	v3 =	vmul.f32 $1.442695020e+00, v3  }
0xb0: {  	v12 =	vpop (erf);
	v13 =	vld [tilespmem:s22+$0x60]  }
0xb1: {  	v5 =	vld [tilespmem:s22+$0x20];
	v6 =	vmul.f32 $1.442695020e+00, v6;
	(erf) = vpow2.f32 v3;
	v4 =	vadd.f32 v4, v8;
	v8 =	vpop (erf)  }
0xb2: {  	v3 =	vld [tilespmem:s21+$0xA0];
	v8 =	vadd.f32 $1.000000000e+00, v8;
	v9 =	vadd.f32 v11, v9  }
0xb3: {  	s13 =	simm.s32 $0x5100;
	(erf) = vpow2.f32 v6  }
0xb4: {  	s0 =	simm.s32 $0x9400;
	v14 =	vld [tilespmem:s13+$0xC0];
	(erf) = vrcp.f32 v8;
	v8 =	vsub.f32 $0.0e+00, v9  }
0xb5: {  	v6 =	vld [tilespmem:s0+$0x180];
	v4 =	vsub.f32 $0.0e+00, v4  }
0xb6: {  	v5 =	vadd.f32 v7, v5;
	v7 =	vld [tilespmem:s13+$0xFFFFFF40];
	v8 =	vmul.f32 $1.442695020e+00, v8  }
0xb7: {  	v3 =	vadd.f32 v3, v13;
	v13 =	vld [tilespmem:s0+$0xFFFFFF00];
	v4 =	vmul.f32 $1.442695020e+00, v4  }
0xb8: {  	v9 =	vld [tilespmem:s0+$0xFFFFFE80]  }
0xb9: {  	v5 =	vsub.f32 $0.0e+00, v5;
	(erf) = vpow2.f32 v4;
	v4 =	vld [tilespmem:s13+$0xFFFFFF80]  }
0xba: {  	v15 =	vld [tilespmem:s13+$0xFFFFFFC0];
	v6 =	vadd.f32 v6, v14;
	v3 =	vsub.f32 $0.0e+00, v3;
	(erf) = vpow2.f32 v8;
	v8 =	vpop (erf)  }
0xbb: {  	v14 =	vld [tilespmem:s21+$0x1E0];
	v5 =	vmul.f32 $1.442695020e+00, v5;
	v8 =	vadd.f32 $1.000000000e+00, v8  }
0xbc: {  	v16 =	vld [tilespmem:s13+$0x0];
	v6 =	vsub.f32 $0.0e+00, v6;
	v3 =	vmul.f32 $1.442695020e+00, v3  }
0xbd: {  	(erf) = vpow2.f32 v5;
	v5 =	vadd.f32 v9, v7;
	v7 =	vld [tilespmem:s0+$0xFFFFFF80]  }
0xbe: {  	v10 =	vld [tilespmem:s21+$0x150];
	v6 =	vmul.f32 $1.442695020e+00, v6;
	(erf) = vpow2.f32 v3;
	v4 =	vadd.f32 v13, v4;
	v9 =	vpop (erf)  }
0xbf: {  	v13 =	vld [tilespmem:s13+$0x40];
	v3 =	vsub.f32 $0.0e+00, v5;
	(erf) = vrcp.f32 v8;
	v8 =	vpop (erf)  }
0xc0: {  	v5 =	vld [tilespmem:s0+$0x0];
	v4 =	vsub.f32 $0.0e+00, v4;
	(erf) = vpow2.f32 v6;
	v6 =	vmul.f32 v8, v14  }
0xc1: {  	v8 =	vadd.f32 $1.000000000e+00, v9;
	v9 =	vld [tilespmem:s0+$0x80]  }
0xc2: {  	v11 =	vld [tilespmem:s0+$0xFFFFFE00];
	v3 =	vmul.f32 $1.442695020e+00, v3;
	v7 =	vadd.f32 v7, v15;
	v4 =	vmul.f32 $1.442695020e+00, v4;
	v14 =	vpop (erf);
	[tilespmem:s2+$0xE0] =	vst v6  }
0xc3: {  	(erf) = vrcp.f32 v8;
	v6 =	vadd.f32 $1.000000000e+00, v14;
	v14 =	vpop (erf);
	v8 =	vld [tilespmem:s22+$0xF0]  }
0xc4: {  	(erf) = vpow2.f32 v3;
	v3 =	vsub.f32 $0.0e+00, v7;
	v7 =	vld [tilespmem:s21+$0x1B0];
	v14 =	vadd.f32 $1.000000000e+00, v14  }
0xc5: {  	v15 =	vld [tilespmem:s13+$0x80];
	v5 =	vadd.f32 v5, v16;
	(erf) = vrcp.f32 v6  }
0xc6: {  	v16 =	vld [tilespmem:s13+$0xFFFFFF00];
	(erf) = vpow2.f32 v4;
	v4 =	vpop (erf);
	v9 =	vadd.f32 v9, v13  }
0xc7: {  	v10 =	vmul.f32 v12, v10;
	v5 =	vsub.f32 $0.0e+00, v5;
	v6 =	vld [tilespmem:s0+$0x100];
	v17 =	vmul.f32 $1.442695020e+00, v3;
	v13 =	vpop (erf)  }
0xc8: {  	v4 =	vadd.f32 $1.000000000e+00, v4;
	(erf) = vrcp.f32 v14;
	v9 =	vsub.f32 $0.0e+00, v9;
	v14 =	vpop (erf)  }
0xc9: {  	v5 =	vmul.f32 $1.442695020e+00, v5;
	(erf) = vpow2.f32 v17;
	v18 =	vpop (erf);
	v7 =	vadd.f32 v7, v8  }
0xca: {  	(erf) = vrcp.f32 v4;
	v4 =	vmul.f32 $1.442695020e+00, v9;
	v9 =	vadd.f32 $1.000000000e+00, v18  }
0xcb: {  	v11 =	vadd.f32 v11, v16;
	(erf) = vpow2.f32 v5;
	v5 =	vsub.f32 $0.0e+00, v7  }
0xcc: {  	v6 =	vadd.f32 v6, v15;
	v7 =	vadd.f32 $1.000000000e+00, v13  }
0xcd: {  	[tilespmem:s2+$0x90] =	vst v10;
	v10 =	vsub.f32 $0.0e+00, v11;
	(erf) = vrcp.f32 v9  }
0xce: {  	v2 =	vld [tilespmem:s21+$0xFFFFFEE0];
	v6 =	vsub.f32 $0.0e+00, v6;
	v9 =	vpop (erf);
	(erf) = vpow2.f32 v4  }
0xcf: {  	v16 =	vld [tilespmem:s22+$0xA0];
	v10 =	vmul.f32 $1.442695020e+00, v10;
	v4 =	vmul.f32 $1.442695020e+00, v5;
	v5 =	vpop (erf)  }
0xd0: {  	v18 =	vld [tilespmem:s21+$0x120];
	v6 =	vmul.f32 $1.442695020e+00, v6;
	(erf) = vrcp.f32 v7;
	v7 =	vpop (erf)  }
0xd1: {  	(erf) = vpow2.f32 v4;
	v4 =	vadd.f32 $1.000000000e+00, v5;
	v5 =	vpop (erf)  }
0xd2: {  	v19 =	vld [tilespmem:s21+$0xFFFFFE60];
	(erf) = vpow2.f32 v6;
	v20 =	vpop (erf);
	v5 =	vadd.f32 $1.000000000e+00, v5  }
0xd3: {  	(erf) = vpow2.f32 v10;
	v10 =	vpop (erf)  }
0xd4: {  	v21 =	vld [tilespmem:s0+$0x1C0];
	v2 =	vmul.f32 v14, v2;
	v14 =	vpop (erf)  }
0xd5: {  	v1 =	vld [tilespmem:s21+$0xFFFFFF60];
	v16 =	vadd.f32 v18, v16;
	(erf) = vrcp.f32 v4;
	v23 =	vpop (erf)  }
0xd6: {  	v12 =	vld [tilespmem:s0+$0xFFFFFEC0];
	v10 =	vadd.f32 $1.000000000e+00, v10;
	(erf) = vrcp.f32 v5;
	v5 =	vpop (erf)  }
0xd7: {  	v3 =	vld [tilespmem:s0+$0xFFFFFE40];
	v16 =	vsub.f32 $0.0e+00, v16;
	v18 =	vmul.f32 v20, v19;
	v19 =	vadd.f32 $1.000000000e+00, v23;
	v20 =	vpop (erf)  }
0xd8: {  	v17 =	vld [tilespmem:s0+$0xFFFFFF40];
	(erf) = vrcp.f32 v10;
	v10 =	vadd.f32 $1.000000000e+00, v20  }
0xd9: {  	v4 =	vld [tilespmem:s21+$0xFFFFFFE0];
	v16 =	vmul.f32 $1.442695020e+00, v16  }
0xda: {  	v11 =	vld [tilespmem:s0+$0x140];
	v20 =	vpop (erf)  }
0xdb: {  	v8 =	vld [tilespmem:s0+$0xFFFFFFC0];
	v1 =	vmul.f32 v9, v1;
	(erf) = vrcp.f32 v19;
	v19 =	vpop (erf)  }
0xdc: {  	v15 =	vld [tilespmem:s0+$0x40];
	[tilespmem:s2+$0xFFFFFF60] =	vst v2;
	(erf) = vrcp.f32 v10;
	v10 =	vpop (erf)  }
0xdd: {  	v13 =	vld [tilespmem:s0+$0xC0];
	[tilespmem:s2+$0xFFFFFFA0] =	vst v1;
	v5 =	vmul.f32 v5, v21;
	(erf) = vpow2.f32 v16;
	v16 =	vpop (erf)  }
0xde: {  	s14 =	simm.s32 $0x11100;
	v52 =	vld [tilespmem:s22+$0xFFFFFF70];
	[tilespmem:s2+$0xFFFFFF20] =	vst v18;
	v1 =	vmul.f32 v7, v4;
	v19 =	vadd.f32 $1.000000000e+00, v19;
	v4 =	vadd.f32 $1.000000000e+00, v16  }
0xdf: {  	v18 =	vld [tilespmem:s21+$0xFFFFFEB0];
	[tilespmem:s14+$0xC0] =	vst v5;
	v10 =	vadd.f32 $1.000000000e+00, v10  }
0xe0: {  	v9 =	vld [tilespmem:s13+$0xD0];
	(erf) = vrcp.f32 v19  }
0xe1: {  	v53 =	vld [tilespmem:s0+$0x190];
	v7 =	vpop (erf);
	(erf) = vrcp.f32 v10  }
0xe2: {  	v5 =	vld [tilespmem:s22+$0xFFFFFF30];
	(erf) = vrcp.f32 v4;
	v4 =	vpop (erf)  }
0xe3: {  	v16 =	vld [tilespmem:s21+$0xFFFFFE30];
	v17 =	vmul.f32 v4, v17  }
0xe4: {  	v6 =	vld [tilespmem:s21+$0xE0];
	v7 =	vmul.f32 v7, v12  }
0xe5: {  	[tilespmem:s2+$0xFFFFFFE0] =	vst v1;
	v1 =	vld [tilespmem:s21+$0xFFFFFF30];
	v12 =	vadd.f32 v18, v52  }
0xe6: {  	v10 =	vld [tilespmem:s22+$0xFFFFFFB0];
	v9 =	vadd.f32 v53, v9;
	[tilespmem:s14+$0xFFFFFF40] =	vst v7;
	v19 =	vpop (erf)  }
0xe7: {  	v12 =	vsub.f32 $0.0e+00, v12;
	v18 =	vld [tilespmem:s13+$0xFFFFFF50];
	v8 =	vmul.f32 v19, v8;
	[tilespmem:s14+$0xFFFFFF80] =	vst v17;
	v17 =	vpop (erf)  }
0xe8: {  	v9 =	vsub.f32 $0.0e+00, v9;
	v16 =	vadd.f32 v16, v5;
	v19 =	vld [tilespmem:s0+$0xFFFFFE90];
	v55 =	vpop (erf)  }
0xe9: {  	v12 =	vmul.f32 $1.442695020e+00, v12;
	v54 =	vld [tilespmem:s13+$0xFFFFFF90];
	[tilespmem:s14+$0xFFFFFFC0] =	vst v8;
	v8 =	vmul.f32 v17, v15;
	v17 =	vpop (erf)  }
0xea: {  	v9 =	vmul.f32 $1.442695020e+00, v9;
	v15 =	vld [tilespmem:s0+$0xFFFFFF10];
	v5 =	vpop (erf)  }
0xeb: {  	(erf) = vpow2.f32 v12;
	v12 =	vld [tilespmem:s13+$0xFFFFFFD0];
	v56 =	vpop (erf)  }
0xec: {  	[tilespmem:s14+$0x0] =	vst v8;
	v8 =	vmul.f32 v55, v13;
	v13 =	vld [tilespmem:s0+$0xFFFFFF90];
	(erf) = vpow2.f32 v9;
	v9 =	vsub.f32 $0.0e+00, v16;
	v16 =	vpop (erf)  }
0xed: {  	v1 =	vadd.f32 v1, v10;
	v10 =	vld [tilespmem:s13+$0x10];
	v3 =	vmul.f32 v16, v3  }
0xee: {  	v17 =	vadd.f32 $1.000000000e+00, v17;
	[tilespmem:s14+$0x40] =	vst v8;
	v16 =	vld [tilespmem:s0+$0x10]  }
0xef: {  	v1 =	vsub.f32 $0.0e+00, v1;
	v8 =	vadd.f32 v19, v18;
	v11 =	vmul.f32 v56, v11;
	v18 =	vld [tilespmem:s13+$0x50];
	[tilespmem:s14+$0xFFFFFF00] =	vst v3  }
0xf0: {  	(erf) = vrcp.f32 v17;
	v9 =	vmul.f32 $1.442695020e+00, v9;
	v15 =	vadd.f32 v15, v54;
	v17 =	vld [tilespmem:s13+$0xFFFFFF10]  }
0xf1: {  	v1 =	vmul.f32 $1.442695020e+00, v1;
	v8 =	vsub.f32 $0.0e+00, v8;
	[tilespmem:s14+$0x80] =	vst v11;
	v11 =	vld [tilespmem:s0+$0xFFFFFE10]  }
0xf2: {  	v3 =	vld [tilespmem:s0+$0x90];
	(erf) = vpow2.f32 v9;
	v9 =	vsub.f32 $0.0e+00, v15  }
0xf3: {  	v15 =	vld [tilespmem:s0+$0x110];
	v8 =	vmul.f32 $1.442695020e+00, v8;
	(erf) = vpow2.f32 v1;
	v1 =	vadd.f32 v13, v12  }
0xf4: {  	v12 =	vld [tilespmem:s13+$0x90];
	v9 =	vmul.f32 $1.442695020e+00, v9;
	v13 =	vpop (erf)  }
0xf5: {  	v22 =	vld [tilespmem:s21+$0x60];
	(erf) = vpow2.f32 v8;
	v1 =	vsub.f32 $0.0e+00, v1;
	v8 =	vadd.f32 v16, v10;
	v16 =	vpop (erf)  }
0xf6: {  	v6 =	vmul.f32 v20, v6;
	v16 =	vadd.f32 $1.000000000e+00, v16;
	v11 =	vadd.f32 v11, v17  }
0xf7: {  	v2 =	vld [tilespmem:s21+$0x160];
	(erf) = vpow2.f32 v9;
	v3 =	vadd.f32 v3, v18;
	v8 =	vsub.f32 $0.0e+00, v8  }
0xf8: {  	v1 =	vmul.f32 $1.442695020e+00, v1;
	(erf) = vrcp.f32 v16;
	v11 =	vsub.f32 $0.0e+00, v11  }
0xf9: {  	v60 =	vld [tilespmem:s21+$0xFFFFFEF0];
	v12 =	vadd.f32 v15, v12;
	v3 =	vsub.f32 $0.0e+00, v3;
	v8 =	vmul.f32 $1.442695020e+00, v8  }
0xfa: {  	v7 =	vld [tilespmem:s22+$0xFFFFFFF0];
	v9 =	vmul.f32 v14, v22;
	v11 =	vmul.f32 $1.442695020e+00, v11  }
0xfb: {  	v4 =	vld [tilespmem:s21+$0x1F0];
	v15 =	vpop (erf);
	v12 =	vsub.f32 $0.0e+00, v12;
	v3 =	vmul.f32 $1.442695020e+00, v3;
	(erf) = vpow2.f32 v1  }
0xfc: {  	v19 =	vld [tilespmem:s0+$0xD0];
	v2 =	vmul.f32 v15, v2;
	v1 =	vpop (erf);
	(erf) = vpow2.f32 v8  }
0xfd: {  	[tilespmem:s2+$0x20] =	vst v9;
	v1 =	vadd.f32 $1.000000000e+00, v1;
	v9 =	vmul.f32 $1.442695020e+00, v12;
	v12 =	vld [tilespmem:s0+$0x1D0];
	v8 =	vpop (erf);
	(erf) = vpow2.f32 v3  }
0xfe: {  	v57 =	vld [tilespmem:s0+$0x150];
	(erf) = vpow2.f32 v11;
	v11 =	vpop (erf)  }
0xff: {  	v3 =	vld [tilespmem:s21+$0xFFFFFFB0];
	(erf) = vrcp.f32 v1;
	v11 =	vadd.f32 $1.000000000e+00, v11  }
0x100: {  	[tilespmem:s2+$0x60] =	vst v6;
	v18 =	vld [tilespmem:s0+$0xFFFFFED0];
	v1 =	vadd.f32 $1.000000000e+00, v13;
	(erf) = vpow2.f32 v9;
	v6 =	vpop (erf)  }
0x101: {  	v20 =	vld [tilespmem:s22+$0x30];
	[tilespmem:s2+$0xA0] =	vst v2;
	v6 =	vadd.f32 $1.000000000e+00, v6;
	(erf) = vrcp.f32 v11;
	v2 =	vpop (erf)  }
0x102: {  	v13 =	vld [tilespmem:s21+$0xB0];
	(erf) = vrcp.f32 v1;
	v1 =	vmul.f32 v2, v12  }
0x103: {  	v11 =	vld [tilespmem:s22+$0x70];
	(erf) = vrcp.f32 v6;
	v6 =	vadd.f32 $1.000000000e+00, v8  }
0x104: {  	v9 =	vld [tilespmem:s21+$0x30];
	v3 =	vadd.f32 v3, v7  }
0x105: {  	v2 =	vld [tilespmem:s22+$0xB0];
	v8 =	vpop (erf)  }
0x106: {  	v12 =	vld [tilespmem:s21+$0x130];
	v3 =	vsub.f32 $0.0e+00, v3;
	v7 =	vadd.f32 $1.000000000e+00, v8;
	[tilespmem:s14+$0xD0] =	vst v1;
	v1 =	vpop (erf)  }
0x107: {  	(erf) = vrcp.f32 v6;
	v15 =	vld [tilespmem:s13+$0xE0];
	v6 =	vpop (erf)  }
0x108: {  	v58 =	vld [tilespmem:s0+$0x1A0];
	(erf) = vrcp.f32 v7;
	v11 =	vadd.f32 v13, v11;
	v1 =	vadd.f32 $1.000000000e+00, v1;
	v59 =	vpop (erf)  }
0x109: {  	v10 =	vld [tilespmem:s0+$0xFFFFFE50];
	v6 =	vadd.f32 $1.000000000e+00, v6;
	v7 =	vadd.f32 $1.000000000e+00, v59;
	v24 =	vpop (erf)  }
0x10a: {  	v14 =	vld [tilespmem:s0+$0xFFFFFF50];
	(erf) = vrcp.f32 v1;
	v1 =	vadd.f32 v9, v20;
	v9 =	vmul.f32 $1.442695020e+00, v3;
	v3 =	vpop (erf)  }
0x10b: {  	v17 =	vld [tilespmem:s0+$0xFFFFFFD0];
	v11 =	vsub.f32 $0.0e+00, v11;
	(erf) = vrcp.f32 v6;
	v13 =	vadd.f32 $1.000000000e+00, v3  }
0x10c: {  	v16 =	vld [tilespmem:s0+$0x50];
	(erf) = vrcp.f32 v7;
	v3 =	vpop (erf);
	v1 =	vsub.f32 $0.0e+00, v1;
	v7 =	vadd.f32 v12, v2  }
0x10d: {  	v8 =	vld [tilespmem:s21+$0xFFFFFE70];
	v15 =	vadd.f32 v58, v15;
	v11 =	vmul.f32 $1.442695020e+00, v11;
	v12 =	vmul.f32 v3, v18;
	v18 =	vpop (erf)  }
0x10e: {  	v20 =	vld [tilespmem:s21+$0xFFFFFF70];
	v61 =	vpop (erf);
	(erf) = vrcp.f32 v13;
	v13 =	vmul.f32 $1.442695020e+00, v1;
	v7 =	vsub.f32 $0.0e+00, v7  }
0x10f: {  	v6 =	vld [tilespmem:s21+$0xFFFFFFF0];
	v15 =	vsub.f32 $0.0e+00, v15;
	[tilespmem:s14+$0xFFFFFF50] =	vst v12;
	v12 =	vmul.f32 v61, v14;
	(erf) = vpow2.f32 v9  }
0x110: {  	v2 =	vld [tilespmem:s21+$0xF0];
	v9 =	vpop (erf);
	v7 =	vmul.f32 $1.442695020e+00, v7;
	(erf) = vpow2.f32 v13  }
0x111: {  	v15 =	vmul.f32 $1.442695020e+00, v15;
	v14 =	vld [tilespmem:s13+$0xFFFFFF60];
	(erf) = vpow2.f32 v11;
	v11 =	vpop (erf)  }
0x112: {  	[tilespmem:s14+$0xFFFFFF90] =	vst v12;
	v12 =	vld [tilespmem:s0+$0xFFFFFEA0];
	v11 =	vmul.f32 v11, v17  }
0x113: {  	v3 =	vld [tilespmem:s21+$0x70]  }
0x114: {  	v1 =	vld [tilespmem:s21+$0x170];
	(erf) = vpow2.f32 v7;
	v7 =	vpop (erf)  }
0x115: {  	v13 =	vld [tilespmem:s13+$0xFFFFFFA0];
	(erf) = vpow2.f32 v15;
	v15 =	vpop (erf)  }
0x116: {  	v17 =	vld [tilespmem:s0+$0xFFFFFF20];
	[tilespmem:s14+$0xFFFFFFD0] =	vst v11;
	v11 =	vpop (erf)  }
0x117: {  	v62 =	vmul.f32 v5, v4;
	v5 =	vld [tilespmem:s0+$0xFFFFFEE0];
	v10 =	vmul.f32 v11, v10;
	v11 =	vadd.f32 v12, v14  }
0x118: {  	v4 =	vld [tilespmem:s0+$0xFFFFFF60];
	v7 =	vmul.f32 v7, v16  }
0x119: {  	v16 =	vld [tilespmem:s0+$0xFFFFFFA0];
	v14 =	vmul.f32 v18, v60;
	[tilespmem:s14+$0xFFFFFF10] =	vst v10;
	v10 =	vsub.f32 $0.0e+00, v11  }
0x11a: {  	v8 =	vmul.f32 v24, v8;
	v12 =	vld [tilespmem:s13+$0xFFFFFFE0];
	[tilespmem:s14+$0x10] =	vst v7  }
0x11b: {  	[tilespmem:s2+$0xF0] =	vst v62;
	v18 =	vpop (erf);
	v7 =	vld [tilespmem:s13+$0x20];
	v11 =	vadd.f32 v17, v13;
	v13 =	vmul.f32 v15, v19;
	v19 =	vmul.f32 $1.442695020e+00, v10  }
0x11c: {  	[tilespmem:s2+$0xFFFFFF30] =	vst v8;
	v15 =	vpop (erf);
	v8 =	vld [tilespmem:s13+$0xFFFFFF20]  }
0x11d: {  	v17 =	vmul.f32 v9, v20;
	[tilespmem:s2+$0xFFFFFF70] =	vst v14;
	v9 =	vld [tilespmem:s0+$0xFFFFFE20];
	v10 =	vsub.f32 $0.0e+00, v11;
	v14 =	vpop (erf)  }
0x11e: {  	v20 =	vadd.f32 $1.000000000e+00, v15;
	[tilespmem:s14+$0x50] =	vst v13;
	v13 =	vmul.f32 v18, v57;
	v11 =	vld [tilespmem:s0+$0x20];
	v14 =	vadd.f32 $1.000000000e+00, v14;
	v63 =	vpop (erf)  }
0x11f: {  	[tilespmem:s2+$0xFFFFFFB0] =	vst v17;
	v17 =	vadd.f32 v16, v12;
	v12 =	vld [tilespmem:s0+$0xA0];
	v15 =	vmul.f32 $1.442695020e+00, v10;
	(erf) = vpow2.f32 v19;
	v19 =	vpop (erf)  }
0x120: {  	s4 =	simm.s32 $0x5300;
	s22 =	simm.s32 $0x8;
	s21 =	simm.s32 $0x9400;
	v10 =	vld [tilespmem:s13+$0x60];
	[tilespmem:s14+$0x90] =	vst v13;
	v16 =	vadd.f32 $1.000000000e+00, v63;
	(erf) = vrcp.f32 v20;
	v18 =	vpop (erf);
	v13 =	vadd.f32 $1.000000000e+00, v19  }
.LBB2_5:
0x121: {  	v19 =	vld [tilespmem:s4+$0xC0];
	v17 =	vsub.f32 $0.0e+00, v17;
	v18 =	vadd.f32 $1.000000000e+00, v18;
	s0 =	sadd.s32 $0x400, s0;
	(erf) = vpow2.f32 v15  }
0x122: {  	v15 =	vld [tilespmem:s0+$0x180];
	v8 =	vadd.f32 v9, v8;
	(erf) = vrcp.f32 v14  }
0x123: {  	v9 =	vld [tilespmem:s0+$0xFFFFFE00];
	v14 =	vmul.f32 $1.442695020e+00, v17;
	v7 =	vadd.f32 v11, v7;
	(erf) = vrcp.f32 v18  }
0x124: {  	v11 =	vld [tilespmem:s4+$0xFFFFFF40];
	v8 =	vsub.f32 $0.0e+00, v8;
	(erf) = vrcp.f32 v16  }
0x125: {  	s22 =	sadd.s32 $0x8, s22;
	v16 =	vld [tilespmem:s0+$0xFFFFFE80];
	v7 =	vsub.f32 $0.0e+00, v7;
	v10 =	vadd.f32 v12, v10;
	(erf) = vpow2.f32 v14  }
0x126: {  	p1 =	slt.u32 s22, $0x78;
	v12 =	vld [tilespmem:s4+$0xFFFFFF80];
	v17 =	vmul.f32 $1.442695020e+00, v8;
	(erf) = vrcp.f32 v13  }
0x127: {  	v13 =	vld [tilespmem:s0+$0xFFFFFF00];
	v14 =	vadd.f32 v15, v19;
	v21 =	vmul.f32 $1.442695020e+00, v7;
	v10 =	vsub.f32 $0.0e+00, v10  }
0x128: {  	v15 =	vld [tilespmem:s21+$0x1E0];
	(erf) = vpow2.f32 v17;
	v8 =	vpop (erf)  }
0x129: {  	v17 =	vld [tilespmem:s4+$0xFFFFFFC0];
	v14 =	vsub.f32 $0.0e+00, v14;
	v19 =	vmul.f32 $1.442695020e+00, v10;
	(erf) = vpow2.f32 v21;
	v7 =	vpop (erf)  }
0x12a: {  	v20 =	vadd.f32 $1.000000000e+00, v8;
	v11 =	vadd.f32 v16, v11;
	v16 =	vld [tilespmem:s0+$0xFFFFFF80];
	v18 =	vpop (erf);
	v6 =	vmul.f32 v7, v6  }
0x12b: {  	v7 =	vld [tilespmem:s4+$0x0];
	v21 =	vmul.f32 $1.442695020e+00, v14;
	v22 =	vadd.f32 $1.000000000e+00, v18;
	(erf) = vpow2.f32 v19;
	v10 =	vpop (erf)  }
0x12c: {  	v11 =	vsub.f32 $0.0e+00, v11;
	v12 =	vadd.f32 v13, v12;
	v13 =	vld [tilespmem:s0+$0x0];
	(erf) = vrcp.f32 v20;
	v8 =	vpop (erf);
	[tilespmem:s2+$0xFFFFFFF0] =	vst v6  }
0x12d: {  	v6 =	vld [tilespmem:s4+$0x40];
	(erf) = vpow2.f32 v21;
	v19 =	vmul.f32 v8, v15;
	v14 =	vpop (erf)  }
0x12e: {  	v11 =	vmul.f32 $1.442695020e+00, v11;
	v12 =	vsub.f32 $0.0e+00, v12;
	v15 =	vld [tilespmem:s0+$0x80];
	(erf) = vrcp.f32 v22;
	v18 =	vpop (erf)  }
0x12f: {  	v3 =	vmul.f32 v10, v3;
	v20 =	vadd.f32 v16, v17;
	v17 =	vld [tilespmem:s4+$0x80];
	v18 =	vadd.f32 $1.000000000e+00, v18;
	[tilespmem:s14+$0xE0] =	vst v19;
	v8 =	vpop (erf)  }
0x130: {  	v10 =	vmul.f32 $1.442695020e+00, v12;
	(erf) = vpow2.f32 v11;
	v11 =	vld [tilespmem:s13+$0xF0]  }
0x131: {  	v12 =	vsub.f32 $0.0e+00, v20;
	v7 =	vadd.f32 v13, v7;
	v13 =	vld [tilespmem:s21+$0x1B0];
	v16 =	vpop (erf);
	(erf) = vrcp.f32 v18;
	[tilespmem:s2+$0x30] =	vst v3  }
0x132: {  	v14 =	vmul.f32 v14, v2;
	v3 =	vld [tilespmem:s0+$0x100];
	(erf) = vpow2.f32 v10;
	v19 =	vadd.f32 $1.000000000e+00, v16;
	v16 =	vpop (erf)  }
0x133: {  	v18 =	vld [tilespmem:s4+$0xFFFFFF00];
	v20 =	vmul.f32 $1.442695020e+00, v12;
	v7 =	vsub.f32 $0.0e+00, v7;
	v6 =	vadd.f32 v15, v6  }
0x134: {  	v1 =	vmul.f32 v8, v1;
	v21 =	vadd.f32 $1.000000000e+00, v16;
	v2 =	vld [tilespmem:s0+$0xFFFFFE40];
	(erf) = vrcp.f32 v19;
	v10 =	vpop (erf);
	[tilespmem:s2+$0x70] =	vst v14  }
0x135: {  	v8 =	vld [tilespmem:s0+$0xFFFFFEC0];
	v7 =	vmul.f32 $1.442695020e+00, v7;
	v6 =	vsub.f32 $0.0e+00, v6;
	(erf) = vpow2.f32 v20;
	v12 =	vpop (erf)  }
0x136: {  	v10 =	vadd.f32 $1.000000000e+00, v10;
	v14 =	vld [tilespmem:s0+$0xFFFFFF40];
	v16 =	vpop (erf);
	v11 =	vadd.f32 v13, v11;
	(erf) = vrcp.f32 v21;
	[tilespmem:s2+$0xB0] =	vst v1;
	s2 =	smov.u32 s14  }
0x137: {  	v13 =	vld [tilespmem:s0+$0xFFFFFFC0];
	v1 =	vmul.f32 $1.442695020e+00, v6;
	v3 =	vadd.f32 v3, v17;
	v6 =	vadd.f32 $1.000000000e+00, v16;
	v15 =	vpop (erf)  }
0x138: {  	v9 =	vadd.f32 v9, v18;
	v16 =	vld [tilespmem:s0+$0x40];
	(erf) = vpow2.f32 v7;
	v19 =	vsub.f32 $0.0e+00, v11  }
0x139: {  	v5 =	vmul.f32 v12, v5;
	v11 =	vld [tilespmem:s0+$0xC0];
	v20 =	vsub.f32 $0.0e+00, v3;
	v18 =	vpop (erf);
	(erf) = vrcp.f32 v6  }
0x13a: {  	v6 =	vsub.f32 $0.0e+00, v9;
	v3 =	vld [tilespmem:s0+$0x140];
	(erf) = vpow2.f32 v1;
	v1 =	vmul.f32 $1.442695020e+00, v19;
	v7 =	vpop (erf)  }
0x13b: {  	v9 =	vadd.f32 $1.000000000e+00, v18;
	v18 =	vmul.f32 $1.442695020e+00, v20;
	v17 =	vpop (erf);
	[tilespmem:s14+$0xFFFFFF60] =	vst v5;
	v5 =	vld [tilespmem:s13+$0xA0];
	(erf) = vrcp.f32 v10  }
0x13c: {  	v19 =	vmul.f32 $1.442695020e+00, v6;
	v10 =	vadd.f32 $1.000000000e+00, v17;
	v17 =	vld [tilespmem:s21+$0x120];
	(erf) = vpow2.f32 v1  }
0x13d: {  	v4 =	vmul.f32 v15, v4;
	(erf) = vpow2.f32 v18;
	v1 =	vld [tilespmem:s21+$0xFFFFFE60];
	v12 =	vpop (erf)  }
0x13e: {  	v15 =	vld [tilespmem:s0+$0x1C0];
	(erf) = vpow2.f32 v19;
	v6 =	vpop (erf)  }
0x13f: {  	v18 =	vadd.f32 $1.000000000e+00, v6;
	(erf) = vrcp.f32 v9;
	[tilespmem:s14+$0xFFFFFFA0] =	vst v4;
	v4 =	vld [tilespmem:s21+$0xFFFFFFE0];
	v9 =	vpop (erf)  }
0x140: {  	(erf) = vrcp.f32 v10;
	v10 =	vld [tilespmem:s21+$0x60]  }
0x141: {  	(erf) = vrcp.f32 v18;
	v6 =	vpop (erf);
	v18 =	vld [tilespmem:s21+$0xE0];
	v5 =	vadd.f32 v17, v5  }
0x142: {  	v6 =	vadd.f32 $1.000000000e+00, v6;
	v17 =	vpop (erf);
	v12 =	vmul.f32 v12, v1;
	v1 =	vld [tilespmem:s21+$0x160]  }
0x143: {  	v15 =	vmul.f32 v17, v15;
	v17 =	vpop (erf);
	v19 =	vld [tilespmem:s13+$0xFFFFFF70];
	v5 =	vsub.f32 $0.0e+00, v5  }
0x144: {  	s14 =	sadd.s32 $0x200, s14;
	v20 =	vadd.f32 $1.000000000e+00, v17;
	(erf) = vrcp.f32 v6;
	[tilespmem:s2+$0xFFFFFF20] =	vst v12;
	v6 =	vld [tilespmem:s21+$0xFFFFFEB0];
	v4 =	vmul.f32 v7, v4;
	v7 =	vpop (erf)  }
0x145: {  	[tilespmem:s14+$0xC0] =	vst v15;
	v12 =	vld [tilespmem:s13+$0xFFFFFF30];
	v21 =	vmul.f32 v9, v10;
	v5 =	vmul.f32 $1.442695020e+00, v5;
	v10 =	vpop (erf)  }
0x146: {  	v15 =	vld [tilespmem:s4+$0xD0];
	(erf) = vrcp.f32 v20;
	v17 =	vpop (erf);
	[tilespmem:s2+$0xFFFFFFE0] =	vst v4;
	v4 =	vmul.f32 v7, v18;
	v20 =	vadd.f32 $1.000000000e+00, v10  }
0x147: {  	v10 =	vadd.f32 $1.000000000e+00, v17;
	v17 =	vld [tilespmem:s0+$0x190];
	v18 =	vpop (erf);
	[tilespmem:s2+$0x20] =	vst v21;
	(erf) = vpow2.f32 v5  }
0x148: {  	v21 =	vadd.f32 $1.000000000e+00, v18;
	v9 =	vpop (erf);
	v18 =	vld [tilespmem:s21+$0xFFFFFE30];
	[tilespmem:s2+$0x60] =	vst v4;
	(erf) = vrcp.f32 v20  }
0x149: {  	v4 =	vmul.f32 v9, v8;
	v7 =	vpop (erf);
	(erf) = vrcp.f32 v10;
	v6 =	vadd.f32 v6, v19;
	v8 =	vld [tilespmem:s13+$0xFFFFFFB0]  }
0x14a: {  	v7 =	vmul.f32 v7, v14;
	(erf) = vrcp.f32 v21;
	v5 =	vpop (erf);
	v9 =	vld [tilespmem:s21+$0xFFFFFF30]  }
0x14b: {  	[tilespmem:s14+$0xFFFFFF40] =	vst v4;
	v13 =	vmul.f32 v5, v13;
	v6 =	vsub.f32 $0.0e+00, v6;
	v4 =	vld [tilespmem:s13+$0xFFFFFFF0]  }
0x14c: {  	v10 =	vld [tilespmem:s4+$0xFFFFFF50];
	[tilespmem:s14+$0xFFFFFF80] =	vst v7;
	v7 =	vadd.f32 v17, v15  }
0x14d: {  	[tilespmem:s14+$0xFFFFFFC0] =	vst v13;
	v5 =	vpop (erf);
	v12 =	vadd.f32 v18, v12;
	v6 =	vmul.f32 $1.442695020e+00, v6;
	v13 =	vld [tilespmem:s21+$0x1F0]  }
0x14e: {  	v14 =	vld [tilespmem:s0+$0xFFFFFE90];
	v5 =	vmul.f32 v5, v16;
	v7 =	vsub.f32 $0.0e+00, v7  }
0x14f: {  	v15 =	vld [tilespmem:s4+$0xFFFFFF90];
	v16 =	vpop (erf);
	v12 =	vsub.f32 $0.0e+00, v12;
	v8 =	vadd.f32 v9, v8;
	(erf) = vpow2.f32 v6  }
0x150: {  	v6 =	vld [tilespmem:s0+$0xFFFFFF10];
	[tilespmem:s14+$0x0] =	vst v5;
	v18 =	vmul.f32 v16, v11;
	v7 =	vmul.f32 $1.442695020e+00, v7;
	v9 =	vpop (erf)  }
0x151: {  	v11 =	vld [tilespmem:s4+$0xFFFFFFD0];
	v12 =	vmul.f32 $1.442695020e+00, v12;
	v8 =	vsub.f32 $0.0e+00, v8;
	v9 =	vadd.f32 $1.000000000e+00, v9;
	v16 =	vpop (erf)  }
0x152: {  	v17 =	vld [tilespmem:s0+$0xFFFFFF90];
	[tilespmem:s14+$0x40] =	vst v18;
	v5 =	vpop (erf);
	(erf) = vpow2.f32 v7;
	v7 =	vmul.f32 v16, v13  }
0x153: {  	v10 =	vadd.f32 v14, v10;
	v13 =	vld [tilespmem:s4+$0x10];
	v3 =	vmul.f32 v5, v3;
	v5 =	vpop (erf);
	(erf) = vrcp.f32 v9  }
0x154: {  	v8 =	vmul.f32 $1.442695020e+00, v8;
	v2 =	vmul.f32 v5, v2;
	v5 =	vld [tilespmem:s0+$0x10];
	[tilespmem:s2+$0xF0] =	vst v7  }
0x155: {  	v7 =	vsub.f32 $0.0e+00, v10;
	v6 =	vadd.f32 v6, v15;
	v9 =	vld [tilespmem:s4+$0x50];
	[tilespmem:s14+$0x80] =	vst v3;
	(erf) = vpow2.f32 v12  }
0x156: {  	[tilespmem:s14+$0xFFFFFF00] =	vst v2;
	v2 =	vld [tilespmem:s0+$0x90];
	(erf) = vpow2.f32 v8  }
0x157: {  	v3 =	vld [tilespmem:s4+$0xFFFFFF10];
	v7 =	vmul.f32 $1.442695020e+00, v7;
	v6 =	vsub.f32 $0.0e+00, v6;
	v8 =	vadd.f32 v17, v11  }
0x158: {  	v10 =	vld [tilespmem:s0+$0xFFFFFE10];
	v11 =	vpop (erf)  }
0x159: {  	v15 =	vmul.f32 $1.442695020e+00, v6;
	v8 =	vsub.f32 $0.0e+00, v8;
	v5 =	vadd.f32 v5, v13;
	v12 =	vld [tilespmem:s4+$0x90]  }
0x15a: {  	v11 =	vadd.f32 $1.000000000e+00, v11;
	v13 =	vld [tilespmem:s0+$0x110];
	(erf) = vpow2.f32 v7  }
0x15b: {  	v7 =	vld [tilespmem:s0+$0xFFFFFE50];
	v8 =	vmul.f32 $1.442695020e+00, v8;
	v5 =	vsub.f32 $0.0e+00, v5;
	v2 =	vadd.f32 v2, v9;
	v9 =	vpop (erf)  }
0x15c: {  	v14 =	vld [tilespmem:s0+$0xFFFFFED0];
	v9 =	vadd.f32 $1.000000000e+00, v9;
	(erf) = vpow2.f32 v15;
	v6 =	vpop (erf)  }
0x15d: {  	v3 =	vadd.f32 v10, v3;
	v15 =	vld [tilespmem:s0+$0xFFFFFF50];
	v16 =	vmul.f32 $1.442695020e+00, v5;
	v2 =	vsub.f32 $0.0e+00, v2  }
0x15e: {  	v1 =	vmul.f32 v6, v1;
	v5 =	vld [tilespmem:s0+$0xFFFFFFD0];
	(erf) = vrcp.f32 v9;
	v6 =	vpop (erf)  }
0x15f: {  	v3 =	vsub.f32 $0.0e+00, v3;
	v10 =	vld [tilespmem:s0+$0x50];
	v2 =	vmul.f32 $1.442695020e+00, v2;
	v12 =	vadd.f32 v13, v12;
	v13 =	vpop (erf)  }
0x160: {  	v6 =	vadd.f32 $1.000000000e+00, v6;
	v9 =	vld [tilespmem:s0+$0xD0];
	(erf) = vpow2.f32 v8;
	v13 =	vadd.f32 $1.000000000e+00, v13;
	[tilespmem:s2+$0xA0] =	vst v1  }
0x161: {  	v17 =	vmul.f32 $1.442695020e+00, v3;
	v8 =	vld [tilespmem:s0+$0x150];
	v3 =	vsub.f32 $0.0e+00, v12;
	(erf) = vpow2.f32 v16  }
0x162: {  	(erf) = vpow2.f32 v2;
	v2 =	vld [tilespmem:s21+$0xFFFFFFB0]  }
0x163: {  	v3 =	vmul.f32 $1.442695020e+00, v3;
	v12 =	vld [tilespmem:s0+$0x1D0];
	(erf) = vpow2.f32 v17;
	v1 =	vpop (erf)  }
0x164: {  	v1 =	vadd.f32 $1.000000000e+00, v1;
	v16 =	vld [tilespmem:s13+$0x30];
	(erf) = vrcp.f32 v6  }
0x165: {  	v6 =	vpop (erf);
	(erf) = vpow2.f32 v3;
	v3 =	vld [tilespmem:s21+$0x30]  }
0x166: {  	v6 =	vadd.f32 $1.000000000e+00, v6;
	(erf) = vrcp.f32 v1;
	v1 =	vld [tilespmem:s13+$0x70]  }
0x167: {  	v17 =	vpop (erf);
	v2 =	vadd.f32 v2, v4;
	v4 =	vld [tilespmem:s21+$0xB0];
	(erf) = vrcp.f32 v11  }
0x168: {  	v19 =	vmul.f32 v17, v12;
	(erf) = vrcp.f32 v6;
	v6 =	vld [tilespmem:s13+$0xB0];
	s13 =	smov.u32 s4  }
0x169: {  	v12 =	vpop (erf);
	v2 =	vsub.f32 $0.0e+00, v2;
	v17 =	vld [tilespmem:s21+$0x130];
	(erf) = vrcp.f32 v13  }
0x16a: {  	v21 =	vadd.f32 $1.000000000e+00, v12;
	[tilespmem:s14+$0xD0] =	vst v19;
	v11 =	vpop (erf);
	v13 =	vld [tilespmem:s21+$0xFFFFFE70];
	v3 =	vadd.f32 v3, v16  }
0x16b: {  	v11 =	vadd.f32 $1.000000000e+00, v11;
	v16 =	vld [tilespmem:s4+$0xE0];
	v18 =	vpop (erf);
	v19 =	vmul.f32 $1.442695020e+00, v2  }
0x16c: {  	v22 =	vadd.f32 $1.000000000e+00, v18;
	v18 =	vld [tilespmem:s0+$0x1A0];
	v20 =	vpop (erf);
	(erf) = vrcp.f32 v21;
	v1 =	vadd.f32 v4, v1  }
0x16d: {  	v3 =	vsub.f32 $0.0e+00, v3;
	v21 =	vadd.f32 $1.000000000e+00, v20;
	(erf) = vrcp.f32 v11;
	v11 =	vld [tilespmem:s21+$0xFFFFFEF0];
	v12 =	vpop (erf)  }
0x16e: {  	(erf) = vrcp.f32 v22;
	v2 =	vpop (erf);
	v20 =	vld [tilespmem:s21+$0xFFFFFF70];
	v23 =	vsub.f32 $0.0e+00, v1;
	v17 =	vadd.f32 v17, v6  }
0x16f: {  	v2 =	vadd.f32 $1.000000000e+00, v2;
	(erf) = vrcp.f32 v21;
	v4 =	vpop (erf);
	v6 =	vld [tilespmem:s21+$0xFFFFFFF0];
	v21 =	vmul.f32 $1.442695020e+00, v3  }
0x170: {  	v4 =	vmul.f32 v4, v14;
	v3 =	vld [tilespmem:s21+$0x70];
	v14 =	vmul.f32 $1.442695020e+00, v23;
	v17 =	vsub.f32 $0.0e+00, v17;
	v22 =	vpop (erf)  }
0x171: {  	v12 =	vmul.f32 v12, v13;
	v16 =	vadd.f32 v18, v16;
	v1 =	vpop (erf);
	(erf) = vrcp.f32 v2;
	v2 =	vld [tilespmem:s21+$0xF0]  }
0x172: {  	[tilespmem:s14+$0xFFFFFF50] =	vst v4;
	v4 =	vmul.f32 v1, v15;
	v1 =	vld [tilespmem:s21+$0x170];
	v13 =	vmul.f32 $1.442695020e+00, v17;
	v15 =	vpop (erf);
	s21 =	smov.u32 s0  }
0x173: {  	v11 =	vmul.f32 v22, v11;
	v17 =	vld [tilespmem:s4+$0xFFFFFF60];
	v16 =	vsub.f32 $0.0e+00, v16;
	[tilespmem:s2+$0xFFFFFF30] =	vst v12;
	(erf) = vpow2.f32 v19  }
0x174: {  	v12 =	vld [tilespmem:s0+$0xFFFFFEA0];
	[tilespmem:s14+$0xFFFFFF90] =	vst v4;
	v4 =	vmul.f32 v15, v20;
	(erf) = vpow2.f32 v21  }
0x175: {  	v15 =	vld [tilespmem:s4+$0xFFFFFFA0];
	v16 =	vmul.f32 $1.442695020e+00, v16;
	v18 =	vpop (erf);
	[tilespmem:s2+$0xFFFFFF70] =	vst v11;
	(erf) = vpow2.f32 v14  }
0x176: {  	v11 =	vld [tilespmem:s0+$0xFFFFFF20];
	v14 =	vmul.f32 v18, v5;
	v18 =	vpop (erf);
	[tilespmem:s2+$0xFFFFFFB0] =	vst v4;
	(erf) = vpow2.f32 v13  }
0x177: {  	v5 =	vld [tilespmem:s0+$0xFFFFFEE0];
	v10 =	vmul.f32 v18, v10;
	v13 =	vpop (erf);
	(erf) = vpow2.f32 v16  }
0x178: {  	v4 =	vld [tilespmem:s0+$0xFFFFFF60];
	[tilespmem:s14+$0xFFFFFFD0] =	vst v14;
	v14 =	vmul.f32 v13, v9;
	v13 =	vpop (erf)  }
0x179: {  	v7 =	vmul.f32 v13, v7;
	v12 =	vadd.f32 v12, v17;
	v13 =	vld [tilespmem:s4+$0xFFFFFFE0];
	[tilespmem:s14+$0x10] =	vst v10  }
0x17a: {  	v10 =	vld [tilespmem:s0+$0xFFFFFFA0];
	[tilespmem:s14+$0x50] =	vst v14;
	v9 =	vpop (erf)  }
0x17b: {  	[tilespmem:s14+$0xFFFFFF10] =	vst v7;
	v12 =	vsub.f32 $0.0e+00, v12;
	v11 =	vadd.f32 v11, v15;
	v7 =	vld [tilespmem:s4+$0x20];
	v17 =	vmul.f32 v9, v8  }
.Ltmp3:
0x17c: {  	v8 =	vld [tilespmem:s4+$0xFFFFFF20];
	v15 =	vpop (erf);
	(pc) =	sbr.rel @p1 .LBB2_5-.Ltmp3, $4  }
0x17d: {  	v9 =	vld [tilespmem:s0+$0xFFFFFE20];
	v12 =	vmul.f32 $1.442695020e+00, v12;
	v16 =	vsub.f32 $0.0e+00, v11;
	[tilespmem:s14+$0x90] =	vst v17;
	v19 =	vadd.f32 $1.000000000e+00, v15;
	v14 =	vpop (erf)  }
0x17e: {  	v11 =	vld [tilespmem:s0+$0x20];
	v14 =	vadd.f32 $1.000000000e+00, v14;
	v20 =	vpop (erf)  }
0x17f: {  	v15 =	vmul.f32 $1.442695020e+00, v16;
	v17 =	vadd.f32 v10, v13;
	v10 =	vld [tilespmem:s4+$0x60];
	(erf) = vpow2.f32 v12;
	v13 =	vpop (erf)  }
0x180: {  	s4 =	sadd.s32 $0x200, s4;
	v16 =	vadd.f32 $1.000000000e+00, v20;
	v12 =	vld [tilespmem:s0+$0xA0];
	v18 =	vpop (erf);
	v13 =	vadd.f32 $1.000000000e+00, v13;
	(erf) = vrcp.f32 v19  }
0x181: {  	v18 =	vadd.f32 $1.000000000e+00, v18;
	(erf) = vpow2.f32 v15  }
0x182: {  	(erf) = vrcp.f32 v14  }
0x183: {  	v15 =	vsub.f32 $0.0e+00, v17;
	(erf) = vrcp.f32 v18  }
0x184: {  	v8 =	vadd.f32 v9, v8  }
0x185: {  	v14 =	vmul.f32 $1.442695020e+00, v15;
	v7 =	vadd.f32 v11, v7  }
0x186: {  	(erf) = vrcp.f32 v16;
	v8 =	vsub.f32 $0.0e+00, v8  }
0x187: {  	(erf) = vpow2.f32 v14;
	v9 =	vadd.f32 v12, v10;
	v7 =	vsub.f32 $0.0e+00, v7  }
0x188: {  	v10 =	vld [tilespmem:s21+$0x1E0];
	(erf) = vrcp.f32 v13;
	v8 =	vmul.f32 $1.442695020e+00, v8;
	v11 =	vpop (erf)  }
0x189: {  	v9 =	vsub.f32 $0.0e+00, v9;
	v12 =	vpop (erf)  }
0x18a: {  	v13 =	vmul.f32 $1.442695020e+00, v7;
	(erf) = vpow2.f32 v8;
	v14 =	vpop (erf)  }
0x18b: {  	v8 =	vmul.f32 $1.442695020e+00, v9;
	v6 =	vmul.f32 v12, v6;
	v7 =	vpop (erf)  }
0x18c: {  	(erf) = vpow2.f32 v13;
	v9 =	vadd.f32 $1.000000000e+00, v11;
	v11 =	vpop (erf)  }
0x18d: {  	(erf) = vpow2.f32 v8;
	v8 =	vmul.f32 v11, v10  }
0x18e: {  	v12 =	vadd.f32 $1.000000000e+00, v14  }
0x18f: {  	(erf) = vrcp.f32 v9;
	[tilespmem:s2+$0xFFFFFFF0] =	vst v6;
	v6 =	vpop (erf)  }
0x190: {  	(erf) = vrcp.f32 v12;
	v9 =	vpop (erf);
	[tilespmem:s14+$0xE0] =	vst v8  }
0x191: {  	v8 =	vpop (erf)  }
0x192: {  	v10 =	vld [tilespmem:s13+$0xF0]  }
0x193: {  	v11 =	vld [tilespmem:s21+$0x1B0]  }
0x194: {  	v9 =	vadd.f32 $1.000000000e+00, v9;
	v12 =	vld [tilespmem:s13+$0xA0]  }
0x195: {  	v14 =	vld [tilespmem:s21+$0x120]  }
0x196: {  	v13 =	vpop (erf)  }
0x197: {  	v13 =	vadd.f32 $1.000000000e+00, v13  }
0x198: {  	(erf) = vrcp.f32 v9;
	v9 =	vpop (erf);
	v10 =	vadd.f32 v11, v10  }
0x199: {  	(erf) = vrcp.f32 v13;
	v9 =	vadd.f32 $1.000000000e+00, v9  }
0x19a: {  	v11 =	vpop (erf);
	v12 =	vadd.f32 v14, v12;
	v10 =	vsub.f32 $0.0e+00, v10  }
0x19b: {  	(erf) = vrcp.f32 v9;
	v13 =	vpop (erf);
	v11 =	vadd.f32 $1.000000000e+00, v11  }
0x19c: {  	v5 =	vmul.f32 v13, v5;
	v9 =	vmul.f32 $1.442695020e+00, v10;
	v10 =	vsub.f32 $0.0e+00, v12;
	_ =	sdelay $0x1  }
0x19d: {  	(erf) = vrcp.f32 v11;
	v11 =	vld [tilespmem:s21+$0xFFFFFE60];
	[tilespmem:s14+$0xFFFFFF60] =	vst v5;
	v5 =	vmul.f32 $1.442695020e+00, v10;
	_ =	sdelay $0x1  }
0x19e: {  	(erf) = vpow2.f32 v9;
	v9 =	vpop (erf)  }
0x19f: {  	v13 =	vld [tilespmem:s21+$0xFFFFFEB0];
	v12 =	vpop (erf)  }
0x1a0: {  	v10 =	vld [tilespmem:s13+$0xFFFFFF70];
	(erf) = vpow2.f32 v5;
	v5 =	vpop (erf)  }
0x1a1: {  	v5 =	vmul.f32 v5, v11  }
0x1a2: {  	v4 =	vmul.f32 v9, v4  }
0x1a3: {  	[tilespmem:s14+$0xFFFFFF20] =	vst v5  }
0x1a4: {  	v9 =	vld [tilespmem:s13+$0xFFFFFF30]  }
0x1a5: {  	v10 =	vadd.f32 v13, v10;
	v11 =	vld [tilespmem:s21+$0xFFFFFE30];
	v5 =	vpop (erf)  }
0x1a6: {  	[tilespmem:s14+$0xFFFFFFA0] =	vst v4;
	v4 =	vpop (erf)  }
0x1a7: {  	v14 =	vld [tilespmem:s13+$0xFFFFFFB0];
	v10 =	vsub.f32 $0.0e+00, v10;
	v13 =	vpop (erf)  }
0x1a8: {  	v15 =	vld [tilespmem:s21+$0xFFFFFF30];
	v13 =	vadd.f32 $1.000000000e+00, v13  }
0x1a9: {  	v10 =	vmul.f32 $1.442695020e+00, v10;
	v16 =	vpop (erf)  }
0x1aa: {  	v9 =	vadd.f32 v11, v9;
	(erf) = vrcp.f32 v13;
	v13 =	vadd.f32 $1.000000000e+00, v16;
	v16 =	vld [tilespmem:s21+$0xFFFFFFE0]  }
0x1ab: {  	(erf) = vpow2.f32 v10;
	v10 =	vld [tilespmem:s21+$0x60]  }
0x1ac: {  	v9 =	vsub.f32 $0.0e+00, v9;
	(erf) = vrcp.f32 v13  }
0x1ad: {  	v11 =	vadd.f32 v15, v14  }
0x1ae: {  	v9 =	vmul.f32 $1.442695020e+00, v9  }
0x1af: {  	v11 =	vsub.f32 $0.0e+00, v11;
	v13 =	vld [tilespmem:s21+$0xE0];
	v12 =	vmul.f32 v12, v16  }
0x1b0: {  	(erf) = vpow2.f32 v9;
	v5 =	vmul.f32 v5, v10  }
0x1b1: {  	v14 =	vld [tilespmem:s21+$0x160];
	v11 =	vmul.f32 $1.442695020e+00, v11  }
0x1b2: {  	[tilespmem:s14+$0xFFFFFFE0] =	vst v12  }
0x1b3: {  	(erf) = vpow2.f32 v11;
	v9 =	vld [tilespmem:s13+$0xFFFFFFF0];
	v10 =	vpop (erf)  }
0x1b4: {  	v4 =	vmul.f32 v4, v13;
	[tilespmem:s14+$0x20] =	vst v5;
	v11 =	vld [tilespmem:s21+$0xFFFFFFB0];
	v5 =	vpop (erf)  }
0x1b5: {  	v13 =	vld [tilespmem:s13+$0x30];
	v12 =	vpop (erf)  }
0x1b6: {  	[tilespmem:s14+$0x60] =	vst v4;
	v4 =	vmul.f32 v12, v14;
	v12 =	vld [tilespmem:s21+$0x30]  }
0x1b7: {  	v14 =	vld [tilespmem:s13+$0x70]  }
0x1b8: {  	[tilespmem:s14+$0xA0] =	vst v4;
	v4 =	vld [tilespmem:s21+$0xB0]  }
0x1b9: {  	v17 =	vpop (erf);
	v15 =	vld [tilespmem:s13+$0xB0]  }
0x1ba: {  	v9 =	vadd.f32 v11, v9;
	v16 =	vld [tilespmem:s21+$0x130];
	v17 =	vadd.f32 $1.000000000e+00, v17  }
0x1bb: {  	v5 =	vadd.f32 $1.000000000e+00, v5  }
0x1bc: {  	v18 =	vpop (erf);
	v9 =	vsub.f32 $0.0e+00, v9;
	v12 =	vadd.f32 v12, v13;
	(erf) = vrcp.f32 v17  }
0x1bd: {  	v11 =	vadd.f32 $1.000000000e+00, v18;
	(erf) = vrcp.f32 v5  }
0x1be: {  	v5 =	vmul.f32 $1.442695020e+00, v9;
	v4 =	vadd.f32 v4, v14;
	v12 =	vsub.f32 $0.0e+00, v12  }
0x1bf: {  	(erf) = vrcp.f32 v11;
	v13 =	vadd.f32 v16, v15  }
0x1c0: {  	(erf) = vpow2.f32 v5;
	v4 =	vsub.f32 $0.0e+00, v4;
	v9 =	vmul.f32 $1.442695020e+00, v12  }
0x1c1: {  	v11 =	vsub.f32 $0.0e+00, v13  }
0x1c2: {  	v4 =	vmul.f32 $1.442695020e+00, v4;
	(erf) = vpow2.f32 v9  }
0x1c3: {  	v5 =	vmul.f32 $1.442695020e+00, v11  }
0x1c4: {  	(erf) = vpow2.f32 v4  }
0x1c5: {  	(erf) = vpow2.f32 v5  }
0x1c6: {  	v4 =	vpop (erf)  }
0x1c7: {  	v5 =	vpop (erf)  }
0x1c8: {  	v9 =	vpop (erf)  }
0x1c9: {  	v11 =	vpop (erf)  }
0x1ca: {  	v11 =	vadd.f32 $1.000000000e+00, v11  }
0x1cb: {  	v12 =	vpop (erf)  }
0x1cc: {  	v12 =	vadd.f32 $1.000000000e+00, v12;
	(erf) = vrcp.f32 v11  }
0x1cd: {  	v3 =	vmul.f32 v7, v3;
	v7 =	vld [tilespmem:s21+$0xFFFFFEF0];
	v13 =	vpop (erf)  }
0x1ce: {  	v14 =	vpop (erf);
	v13 =	vadd.f32 $1.000000000e+00, v13;
	(erf) = vrcp.f32 v12;
	v12 =	vld [tilespmem:s21+$0xFFFFFE70]  }
0x1cf: {  	v11 =	vld [tilespmem:s21+$0x1F0];
	v14 =	vadd.f32 $1.000000000e+00, v14  }
0x1d0: {  	v2 =	vmul.f32 v6, v2;
	v6 =	vld [tilespmem:s21+$0xFFFFFF70];
	(erf) = vrcp.f32 v13  }
0x1d1: {  	[tilespmem:s2+$0x30] =	vst v3;
	v1 =	vmul.f32 v8, v1;
	v3 =	vld [tilespmem:s21+$0xFFFFFFF0];
	(erf) = vrcp.f32 v14;
	_ =	sdelay $0x1  }
0x1d2: {  	[tilespmem:s2+$0xB0] =	vst v1;
	v1 =	vmul.f32 v4, v12  }
0x1d3: {  	[tilespmem:s2+$0x70] =	vst v2;
	v8 =	vld [tilespmem:s21+$0x70];
	v5 =	vmul.f32 v5, v7;
	v2 =	vmul.f32 v10, v11  }
0x1d4: {  	v4 =	vld [tilespmem:s21+$0xF0];
	[tilespmem:s14+$0xFFFFFF30] =	vst v1;
	v1 =	vmul.f32 v9, v6;
	v6 =	vpop (erf)  }
0x1d5: {  	[tilespmem:s14+$0xF0] =	vst v2;
	v2 =	vld [tilespmem:s21+$0x170];
	v3 =	vmul.f32 v6, v3;
	_ =	sdelay $0x1  }
0x1d6: {  	[tilespmem:s14+$0xFFFFFF70] =	vst v5;
	v5 =	vpop (erf)  }
0x1d7: {  	[tilespmem:s14+$0xFFFFFFB0] =	vst v1;
	v5 =	vmul.f32 v5, v8;
	v1 =	vpop (erf)  }
0x1d8: {  	[tilespmem:s14+$0xFFFFFFF0] =	vst v3;
	v3 =	vpop (erf);
	v1 =	vmul.f32 v1, v4  }
0x1d9: {  	s0 =	sshll.u32 s30, $0x8;
	[tilespmem:s14+$0x30] =	vst v5;
	v2 =	vmul.f32 v3, v2  }
0x1da: {  	s0 =	sand.u32 $0x3FFFFF00, s0;
	[tilespmem:s14+$0x70] =	vst v1  }
0x1db: {  	s0 =	sadd.s32 $0x2700, s0;
	[tilespmem:s14+$0xB0] =	vst v2  }
0x1dc: {  	[spmem:s3] =	stream.indirect.scatter.add.f32 [tilespmem:s26], [sflag:$0x3], $0x40, s0, s20, $0xb8;
	[tilespmem:$0x1EE00] =	vst v63  }
0x1dd: {  	p1 =	seq.s32 s30, $0x26;
	_ =	swait.ge [sflag:s18], $0x2000  }
0x1de: {  	s4 =	simm.s32 @!p1 $0x80;
	s0 =	sshll.u32 @!p1 s30, $0x8;
	[sflag:s18] =	ssyncset.done $0x0  }
0x1df: {  	s13 =	simm.s32 @!p1 $0x4E00;
	s2 =	sadd.s32 @!p1 $0x2800, s0;
	[sflag:s18] =	ssyncadd.s32 $0xFFFFE000  }
0x1e0: {  	[tilespmem:s13], [sflag:$0x1] =	stream.indirect.gather @!p1 [hbm4b:s5+s4], $0x40, s2, s4, $0xb8;
	[tilespmem:$0x1EE00] =	vst v63  }
0x1e1: {  	s0 =	sadd.s32 @!p1 $0x100, s0;
	s2 =	simm.s32 @!p1 $0x8E00  }
0x1e2: {  	[tilespmem:s2], [sflag:$0x1] =	stream.indirect.gather @!p1 [hbm4b:s1+s4], $0x80, s0, s4, $0xb8;
	[tilespmem:$0x1EE00] =	vst v63  }
0x1e3: {  	_ =	swait.ge [sflag:s28], $0x2000  }
0x1e4: {  	[sflag:s28] =	ssyncset.done $0x0  }
0x1e5: {  	[sflag:s28] =	ssyncadd.s32 $0xFFFFE000  }
0x1e6: {  	_ =	swait.ge [sflag:s28], $0x4000  }
0x1e7: {  	[sflag:s28] =	ssyncset.done $0x0  }
0x1e8: {  	s22 =	simm.s32 $0x6F00;
	[sflag:s28] =	ssyncadd.s32 $0xFFFFC000  }
0x1e9: {  	s4 =	simm.s32 $0xD000;
	v1 =	vld [tilespmem:s22+$0xC0]  }
0x1ea: {  	v2 =	vld [tilespmem:s4+$0x180];
	_ =	sdelay $0x1  }
0x1eb: {  	v3 =	vld [tilespmem:s22+$0xFFFFFF40]  }
0x1ec: {  	v4 =	vld [tilespmem:s4+$0xFFFFFE80]  }
0x1ed: {  	v5 =	vld [tilespmem:s4+$0xFFFFFF00]  }
0x1ee: {  	v6 =	vld [tilespmem:s22+$0xFFFFFFC0];
	v1 =	vadd.f32 v2, v1  }
0x1ef: {  	v7 =	vld [tilespmem:s4+$0xFFFFFF80]  }
0x1f0: {  	v2 =	vld [tilespmem:s22+$0xFFFFFF80];
	v1 =	vsub.f32 $0.0e+00, v1  }
0x1f1: {  	v8 =	vld [tilespmem:s22+$0x0]  }
0x1f2: {  	v9 =	vld [tilespmem:s4+$0x0];
	v1 =	vmul.f32 $1.442695020e+00, v1  }
0x1f3: {  	v10 =	vld [tilespmem:s22+$0xFFFFFF00]  }
0x1f4: {  	v3 =	vadd.f32 v4, v3;
	v4 =	vld [tilespmem:s22+$0x40];
	(erf) = vpow2.f32 v1  }
0x1f5: {  	v6 =	vadd.f32 v7, v6;
	v7 =	vld [tilespmem:s22+$0x80];
	v2 =	vadd.f32 v5, v2  }
0x1f6: {  	v3 =	vsub.f32 $0.0e+00, v3;
	v5 =	vld [tilespmem:s4+$0x80]  }
0x1f7: {  	v1 =	vld [tilespmem:s4+$0xFFFFFE00];
	v2 =	vsub.f32 $0.0e+00, v2  }
0x1f8: {  	v8 =	vadd.f32 v9, v8;
	v9 =	vld [tilespmem:s4+$0x100];
	v3 =	vmul.f32 $1.442695020e+00, v3  }
0x1f9: {  	v2 =	vmul.f32 $1.442695020e+00, v2  }
0x1fa: {  	v6 =	vsub.f32 $0.0e+00, v6;
	(erf) = vpow2.f32 v3  }
0x1fb: {  	v3 =	vsub.f32 $0.0e+00, v8;
	(erf) = vpow2.f32 v2;
	v2 =	vadd.f32 v5, v4  }
0x1fc: {  	v6 =	vmul.f32 $1.442695020e+00, v6;
	v1 =	vadd.f32 v1, v10  }
0x1fd: {  	v3 =	vmul.f32 $1.442695020e+00, v3;
	v5 =	vadd.f32 v9, v7;
	v2 =	vsub.f32 $0.0e+00, v2;
	v4 =	vpop (erf)  }
0x1fe: {  	(erf) = vpow2.f32 v6;
	v1 =	vsub.f32 $0.0e+00, v1;
	v4 =	vadd.f32 $1.000000000e+00, v4  }
0x1ff: {  	(erf) = vpow2.f32 v3;
	v3 =	vsub.f32 $0.0e+00, v5;
	v2 =	vmul.f32 $1.442695020e+00, v2  }
0x200: {  	v1 =	vmul.f32 $1.442695020e+00, v1;
	(erf) = vrcp.f32 v4  }
0x201: {  	v3 =	vmul.f32 $1.442695020e+00, v3  }
0x202: {  	(erf) = vpow2.f32 v2  }
0x203: {  	v2 =	vpop (erf);
	(erf) = vpow2.f32 v3  }
0x204: {  	v2 =	vadd.f32 $1.000000000e+00, v2;
	(erf) = vpow2.f32 v1;
	v1 =	vpop (erf)  }
0x205: {  	v3 =	vld [tilespmem:s4+$0x1C0];
	v1 =	vadd.f32 $1.000000000e+00, v1  }
0x206: {  	(erf) = vrcp.f32 v2  }
0x207: {  	v4 =	vpop (erf)  }
0x208: {  	v2 =	vpop (erf)  }
0x209: {  	v4 =	vadd.f32 $1.000000000e+00, v4;
	(erf) = vrcp.f32 v1;
	v1 =	vpop (erf)  }
0x20a: {  	v1 =	vmul.f32 v1, v3  }
0x20b: {  	s2 =	simm.s32 $0x10F00;
	(erf) = vrcp.f32 v4;
	v2 =	vadd.f32 $1.000000000e+00, v2;
	v3 =	vld [tilespmem:s4+$0xFFFFFEC0];
	v5 =	vpop (erf)  }
0x20c: {  	v4 =	vld [tilespmem:s4+$0xFFFFFF40];
	[tilespmem:s2+$0xC0] =	vst v1;
	v1 =	vadd.f32 $1.000000000e+00, v5;
	v5 =	vpop (erf)  }
0x20d: {  	(erf) = vrcp.f32 v2;
	v2 =	vld [tilespmem:s22+$0xD0];
	v5 =	vadd.f32 $1.000000000e+00, v5;
	v7 =	vpop (erf)  }
0x20e: {  	v6 =	vld [tilespmem:s4+$0x190];
	(erf) = vrcp.f32 v1;
	v1 =	vadd.f32 $1.000000000e+00, v7  }
0x20f: {  	v8 =	vld [tilespmem:s4+$0xFFFFFE40];
	v9 =	vpop (erf);
	(erf) = vrcp.f32 v5  }
0x210: {  	v7 =	vld [tilespmem:s4+$0xFFFFFFC0];
	v3 =	vmul.f32 v9, v3;
	(erf) = vrcp.f32 v1  }
0x211: {  	v10 =	vld [tilespmem:s4+$0x140]  }
0x212: {  	v5 =	vld [tilespmem:s4+$0x40];
	v9 =	vpop (erf)  }
0x213: {  	v1 =	vld [tilespmem:s4+$0xC0];
	v4 =	vmul.f32 v9, v4;
	[tilespmem:s2+$0xFFFFFF40] =	vst v3;
	v2 =	vadd.f32 v6, v2  }
0x214: {  	v6 =	vld [tilespmem:s22+$0xFFFFFF50];
	v3 =	vpop (erf)  }
0x215: {  	[tilespmem:s2+$0xFFFFFF80] =	vst v4;
	v4 =	vld [tilespmem:s4+$0xFFFFFE90];
	v3 =	vmul.f32 v3, v7;
	v2 =	vsub.f32 $0.0e+00, v2  }
0x216: {  	v9 =	vld [tilespmem:s22+$0xFFFFFF90];
	v7 =	vpop (erf)  }
0x217: {  	[tilespmem:s2+$0xFFFFFFC0] =	vst v3;
	v3 =	vmul.f32 v7, v5;
	v5 =	vld [tilespmem:s4+$0xFFFFFF10];
	v2 =	vmul.f32 $1.442695020e+00, v2;
	v7 =	vpop (erf)  }
0x218: {  	v11 =	vld [tilespmem:s22+$0xFFFFFFD0];
	v1 =	vmul.f32 v7, v1;
	v7 =	vpop (erf)  }
0x219: {  	[tilespmem:s2+$0x0] =	vst v3;
	v3 =	vld [tilespmem:s4+$0xFFFFFF90];
	(erf) = vpow2.f32 v2;
	v12 =	vpop (erf)  }
0x21a: {  	v2 =	vld [tilespmem:s22+$0x10];
	[tilespmem:s2+$0x40] =	vst v1;
	v1 =	vadd.f32 v4, v6;
	v4 =	vmul.f32 v12, v8  }
0x21b: {  	v6 =	vld [tilespmem:s4+$0x10]  }
0x21c: {  	v7 =	vmul.f32 v7, v10;
	v8 =	vld [tilespmem:s22+$0x50];
	[tilespmem:s2+$0xFFFFFF00] =	vst v4  }
0x21d: {  	v5 =	vadd.f32 v5, v9;
	v9 =	vld [tilespmem:s22+$0xFFFFFF10]  }
0x21e: {  	[tilespmem:s2+$0x80] =	vst v7;
	v1 =	vsub.f32 $0.0e+00, v1;
	v7 =	vld [tilespmem:s4+$0xFFFFFE10];
	v3 =	vadd.f32 v3, v11  }
0x21f: {  	v4 =	vld [tilespmem:s4+$0x90];
	v5 =	vsub.f32 $0.0e+00, v5  }
0x220: {  	v1 =	vmul.f32 $1.442695020e+00, v1  }
0x221: {  	v5 =	vmul.f32 $1.442695020e+00, v5  }
0x222: {  	v10 =	vld [tilespmem:s22+$0x90];
	v2 =	vadd.f32 v6, v2;
	(erf) = vpow2.f32 v1;
	v1 =	vsub.f32 $0.0e+00, v3;
	v3 =	vpop (erf)  }
0x223: {  	v11 =	vld [tilespmem:s4+$0x110];
	(erf) = vpow2.f32 v5;
	v3 =	vadd.f32 $1.000000000e+00, v3;
	v5 =	vadd.f32 v7, v9  }
0x224: {  	v4 =	vadd.f32 v4, v8;
	v2 =	vsub.f32 $0.0e+00, v2  }
0x225: {  	v1 =	vmul.f32 $1.442695020e+00, v1;
	(erf) = vrcp.f32 v3;
	v3 =	vsub.f32 $0.0e+00, v5  }
0x226: {  	v4 =	vsub.f32 $0.0e+00, v4;
	v2 =	vmul.f32 $1.442695020e+00, v2  }
0x227: {  	(erf) = vpow2.f32 v1;
	v1 =	vmul.f32 $1.442695020e+00, v3  }
0x228: {  	v5 =	vadd.f32 v11, v10;
	v4 =	vmul.f32 $1.442695020e+00, v4  }
0x229: {  	(erf) = vpow2.f32 v2  }
0x22a: {  	v3 =	vsub.f32 $0.0e+00, v5;
	(erf) = vpow2.f32 v4  }
0x22b: {  	(erf) = vpow2.f32 v1;
	v1 =	vpop (erf)  }
0x22c: {  	v2 =	vmul.f32 $1.442695020e+00, v3;
	v3 =	vld [tilespmem:s4+$0x1D0];
	v1 =	vadd.f32 $1.000000000e+00, v1;
	_ =	sdelay $0x2  }
0x22d: {  	(erf) = vpow2.f32 v2;
	v4 =	vpop (erf)  }
0x22e: {  	v2 =	vadd.f32 $1.000000000e+00, v4;
	(erf) = vrcp.f32 v1;
	v1 =	vpop (erf)  }
0x22f: {  	v1 =	vmul.f32 v1, v3;
	_ =	sdelay $0x2  }
0x230: {  	(erf) = vrcp.f32 v2;
	v2 =	vpop (erf)  }
0x231: {  	[tilespmem:s2+$0xD0] =	vst v1;
	v1 =	vpop (erf)  }
0x232: {  	v5 =	vpop (erf)  }
0x233: {  	v2 =	vadd.f32 $1.000000000e+00, v2;
	v4 =	vld [tilespmem:s22+$0xE0];
	v1 =	vadd.f32 $1.000000000e+00, v1;
	v7 =	vpop (erf)  }
0x234: {  	v6 =	vld [tilespmem:s4+$0x1A0];
	v7 =	vadd.f32 $1.000000000e+00, v7  }
0x235: {  	(erf) = vrcp.f32 v2;
	v2 =	vld [tilespmem:s4+$0xFFFFFF50];
	v5 =	vadd.f32 $1.000000000e+00, v5  }
0x236: {  	(erf) = vrcp.f32 v1  }
0x237: {  	(erf) = vrcp.f32 v5;
	v1 =	vpop (erf)  }
0x238: {  	v3 =	vld [tilespmem:s4+$0xFFFFFED0];
	(erf) = vrcp.f32 v7;
	v7 =	vpop (erf)  }
0x239: {  	v4 =	vadd.f32 v6, v4;
	v6 =	vpop (erf)  }
0x23a: {  	v5 =	vld [tilespmem:s4+$0xFFFFFFD0];
	v2 =	vmul.f32 v6, v2;
	_ =	sdelay $0x2  }
0x23b: {  	v8 =	vld [tilespmem:s4+$0xFFFFFE50];
	v1 =	vadd.f32 $1.000000000e+00, v1;
	v3 =	vmul.f32 v7, v3  }
0x23c: {  	v9 =	vld [tilespmem:s4+$0x50];
	[tilespmem:s2+$0xFFFFFF90] =	vst v2;
	v2 =	vpop (erf)  }
0x23d: {  	v4 =	vsub.f32 $0.0e+00, v4;
	v7 =	vld [tilespmem:s4+$0xD0];
	[tilespmem:s2+$0xFFFFFF50] =	vst v3;
	v5 =	vmul.f32 v2, v5  }
0x23e: {  	v3 =	vld [tilespmem:s22+$0xFFFFFF60]  }
0x23f: {  	v4 =	vmul.f32 $1.442695020e+00, v4;
	(erf) = vrcp.f32 v1;
	v6 =	vld [tilespmem:s4+$0xFFFFFEA0];
	v1 =	vpop (erf)  }
0x240: {  	v11 =	vld [tilespmem:s22+$0xFFFFFFA0];
	v13 =	vpop (erf)  }
0x241: {  	v12 =	vld [tilespmem:s4+$0xFFFFFF20];
	(erf) = vpow2.f32 v4;
	v4 =	vmul.f32 v1, v9;
	[tilespmem:s2+$0xFFFFFFD0] =	vst v5;
	v5 =	vpop (erf)  }
0x242: {  	v5 =	vmul.f32 v5, v8  }
0x243: {  	[tilespmem:s2+$0x10] =	vst v4;
	v4 =	vld [tilespmem:s4+$0xFFFFFFA0]  }
0x244: {  	v3 =	vadd.f32 v6, v3;
	v8 =	vld [tilespmem:s22+$0xFFFFFFE0];
	[tilespmem:s2+$0xFFFFFF10] =	vst v5  }
0x245: {  	v9 =	vld [tilespmem:s22+$0xFFFFFF20]  }
0x246: {  	v6 =	vmul.f32 v13, v7;
	v7 =	vadd.f32 v12, v11;
	v3 =	vsub.f32 $0.0e+00, v3;
	v11 =	vld [tilespmem:s4+$0xFFFFFE20];
	_ =	sdelay $0x1  }
0x247: {  	[tilespmem:s2+$0x50] =	vst v6;
	v6 =	vsub.f32 $0.0e+00, v7;
	v7 =	vld [tilespmem:s4+$0x20];
	v3 =	vmul.f32 $1.442695020e+00, v3  }
0x248: {  	v12 =	vpop (erf);
	v13 =	vld [tilespmem:s22+$0x60]  }
0x249: {  	v5 =	vld [tilespmem:s22+$0x20];
	v6 =	vmul.f32 $1.442695020e+00, v6;
	(erf) = vpow2.f32 v3;
	v4 =	vadd.f32 v4, v8;
	v8 =	vpop (erf)  }
0x24a: {  	v3 =	vld [tilespmem:s4+$0xA0];
	v8 =	vadd.f32 $1.000000000e+00, v8;
	v9 =	vadd.f32 v11, v9  }
0x24b: {  	s13 =	simm.s32 $0x7100;
	(erf) = vpow2.f32 v6  }
0x24c: {  	s0 =	simm.s32 $0xD400;
	v14 =	vld [tilespmem:s13+$0xC0];
	(erf) = vrcp.f32 v8;
	v8 =	vsub.f32 $0.0e+00, v9  }
0x24d: {  	v6 =	vld [tilespmem:s0+$0x180];
	v4 =	vsub.f32 $0.0e+00, v4  }
0x24e: {  	v5 =	vadd.f32 v7, v5;
	v7 =	vld [tilespmem:s13+$0xFFFFFF40];
	v8 =	vmul.f32 $1.442695020e+00, v8  }
0x24f: {  	v3 =	vadd.f32 v3, v13;
	v13 =	vld [tilespmem:s0+$0xFFFFFF00];
	v4 =	vmul.f32 $1.442695020e+00, v4  }
0x250: {  	v9 =	vld [tilespmem:s0+$0xFFFFFE80]  }
0x251: {  	v5 =	vsub.f32 $0.0e+00, v5;
	(erf) = vpow2.f32 v4;
	v4 =	vld [tilespmem:s13+$0xFFFFFF80]  }
0x252: {  	v15 =	vld [tilespmem:s13+$0xFFFFFFC0];
	v6 =	vadd.f32 v6, v14;
	v3 =	vsub.f32 $0.0e+00, v3;
	(erf) = vpow2.f32 v8;
	v8 =	vpop (erf)  }
0x253: {  	v14 =	vld [tilespmem:s4+$0x1E0];
	v5 =	vmul.f32 $1.442695020e+00, v5;
	v8 =	vadd.f32 $1.000000000e+00, v8  }
0x254: {  	v16 =	vld [tilespmem:s13+$0x0];
	v6 =	vsub.f32 $0.0e+00, v6;
	v3 =	vmul.f32 $1.442695020e+00, v3  }
0x255: {  	(erf) = vpow2.f32 v5;
	v5 =	vadd.f32 v9, v7;
	v7 =	vld [tilespmem:s0+$0xFFFFFF80]  }
0x256: {  	v10 =	vld [tilespmem:s4+$0x150];
	v6 =	vmul.f32 $1.442695020e+00, v6;
	(erf) = vpow2.f32 v3;
	v4 =	vadd.f32 v13, v4;
	v9 =	vpop (erf)  }
0x257: {  	v13 =	vld [tilespmem:s13+$0x40];
	v3 =	vsub.f32 $0.0e+00, v5;
	(erf) = vrcp.f32 v8;
	v8 =	vpop (erf)  }
0x258: {  	v5 =	vld [tilespmem:s0+$0x0];
	v4 =	vsub.f32 $0.0e+00, v4;
	(erf) = vpow2.f32 v6;
	v6 =	vmul.f32 v8, v14  }
0x259: {  	v8 =	vadd.f32 $1.000000000e+00, v9;
	v9 =	vld [tilespmem:s0+$0x80]  }
0x25a: {  	v11 =	vld [tilespmem:s0+$0xFFFFFE00];
	v3 =	vmul.f32 $1.442695020e+00, v3;
	v7 =	vadd.f32 v7, v15;
	v4 =	vmul.f32 $1.442695020e+00, v4;
	v14 =	vpop (erf);
	[tilespmem:s2+$0xE0] =	vst v6  }
0x25b: {  	(erf) = vrcp.f32 v8;
	v6 =	vadd.f32 $1.000000000e+00, v14;
	v14 =	vpop (erf);
	v8 =	vld [tilespmem:s22+$0xF0]  }
0x25c: {  	(erf) = vpow2.f32 v3;
	v3 =	vsub.f32 $0.0e+00, v7;
	v7 =	vld [tilespmem:s4+$0x1B0];
	v14 =	vadd.f32 $1.000000000e+00, v14  }
0x25d: {  	v15 =	vld [tilespmem:s13+$0x80];
	v5 =	vadd.f32 v5, v16;
	(erf) = vrcp.f32 v6  }
0x25e: {  	v16 =	vld [tilespmem:s13+$0xFFFFFF00];
	(erf) = vpow2.f32 v4;
	v4 =	vpop (erf);
	v9 =	vadd.f32 v9, v13  }
0x25f: {  	v10 =	vmul.f32 v12, v10;
	v5 =	vsub.f32 $0.0e+00, v5;
	v6 =	vld [tilespmem:s0+$0x100];
	v17 =	vmul.f32 $1.442695020e+00, v3;
	v13 =	vpop (erf)  }
0x260: {  	v4 =	vadd.f32 $1.000000000e+00, v4;
	(erf) = vrcp.f32 v14;
	v9 =	vsub.f32 $0.0e+00, v9;
	v14 =	vpop (erf)  }
0x261: {  	v5 =	vmul.f32 $1.442695020e+00, v5;
	(erf) = vpow2.f32 v17;
	v18 =	vpop (erf);
	v7 =	vadd.f32 v7, v8  }
0x262: {  	(erf) = vrcp.f32 v4;
	v4 =	vmul.f32 $1.442695020e+00, v9;
	v9 =	vadd.f32 $1.000000000e+00, v18  }
0x263: {  	v11 =	vadd.f32 v11, v16;
	(erf) = vpow2.f32 v5;
	v5 =	vsub.f32 $0.0e+00, v7  }
0x264: {  	v6 =	vadd.f32 v6, v15;
	v7 =	vadd.f32 $1.000000000e+00, v13  }
0x265: {  	[tilespmem:s2+$0x90] =	vst v10;
	v10 =	vsub.f32 $0.0e+00, v11;
	(erf) = vrcp.f32 v9  }
0x266: {  	v2 =	vld [tilespmem:s4+$0xFFFFFEE0];
	v6 =	vsub.f32 $0.0e+00, v6;
	v9 =	vpop (erf);
	(erf) = vpow2.f32 v4  }
0x267: {  	v16 =	vld [tilespmem:s22+$0xA0];
	v10 =	vmul.f32 $1.442695020e+00, v10;
	v4 =	vmul.f32 $1.442695020e+00, v5;
	v5 =	vpop (erf)  }
0x268: {  	v18 =	vld [tilespmem:s4+$0x120];
	v6 =	vmul.f32 $1.442695020e+00, v6;
	(erf) = vrcp.f32 v7;
	v7 =	vpop (erf)  }
0x269: {  	v20 =	vld [tilespmem:s0+$0x1C0];
	(erf) = vpow2.f32 v4;
	v4 =	vadd.f32 $1.000000000e+00, v5;
	v5 =	vpop (erf)  }
0x26a: {  	(erf) = vpow2.f32 v6;
	v6 =	vld [tilespmem:s4+$0xFFFFFE60];
	v19 =	vpop (erf);
	v5 =	vadd.f32 $1.000000000e+00, v5  }
0x26b: {  	(erf) = vpow2.f32 v10;
	v10 =	vpop (erf)  }
0x26c: {  	v2 =	vmul.f32 v14, v2;
	v14 =	vpop (erf)  }
0x26d: {  	v1 =	vld [tilespmem:s4+$0xFFFFFF60];
	v16 =	vadd.f32 v18, v16;
	(erf) = vrcp.f32 v4;
	v23 =	vpop (erf)  }
0x26e: {  	v21 =	vld [tilespmem:s4+$0xFFFFFFE0];
	v10 =	vadd.f32 $1.000000000e+00, v10;
	(erf) = vrcp.f32 v5;
	v5 =	vpop (erf)  }
0x26f: {  	v12 =	vld [tilespmem:s0+$0xFFFFFEC0];
	v16 =	vsub.f32 $0.0e+00, v16;
	v6 =	vmul.f32 v19, v6;
	v5 =	vmul.f32 v5, v20;
	v19 =	vpop (erf)  }
0x270: {  	s14 =	simm.s32 $0x11100;
	v3 =	vld [tilespmem:s0+$0xFFFFFE40];
	(erf) = vrcp.f32 v10;
	v10 =	vadd.f32 $1.000000000e+00, v19  }
0x271: {  	v17 =	vld [tilespmem:s0+$0xFFFFFF40];
	v18 =	vadd.f32 $1.000000000e+00, v23;
	[tilespmem:s14+$0xC0] =	vst v5;
	v5 =	vmul.f32 $1.442695020e+00, v16  }
0x272: {  	v11 =	vld [tilespmem:s0+$0x140];
	v19 =	vpop (erf)  }
0x273: {  	v8 =	vld [tilespmem:s0+$0xFFFFFFC0];
	[tilespmem:s2+$0xFFFFFF60] =	vst v2;
	(erf) = vrcp.f32 v18;
	v16 =	vpop (erf)  }
0x274: {  	v20 =	vld [tilespmem:s22+$0xFFFFFF70];
	(erf) = vrcp.f32 v10;
	v10 =	vpop (erf)  }
0x275: {  	[tilespmem:s2+$0xFFFFFF20] =	vst v6;
	v6 =	vld [tilespmem:s4+$0xFFFFFEB0];
	(erf) = vpow2.f32 v5;
	v5 =	vpop (erf)  }
0x276: {  	v15 =	vld [tilespmem:s0+$0x40];
	v16 =	vadd.f32 $1.000000000e+00, v16;
	v5 =	vadd.f32 $1.000000000e+00, v5  }
0x277: {  	v13 =	vld [tilespmem:s0+$0xC0];
	v1 =	vmul.f32 v9, v1;
	v10 =	vadd.f32 $1.000000000e+00, v10  }
0x278: {  	v9 =	vld [tilespmem:s13+$0xD0];
	(erf) = vrcp.f32 v16  }
0x279: {  	[tilespmem:s2+$0xFFFFFFA0] =	vst v1;
	v1 =	vmul.f32 v7, v21;
	v52 =	vld [tilespmem:s0+$0x190];
	v7 =	vpop (erf);
	(erf) = vrcp.f32 v10  }
0x27a: {  	v18 =	vld [tilespmem:s22+$0xFFFFFF30];
	v6 =	vadd.f32 v6, v20;
	(erf) = vrcp.f32 v5;
	v5 =	vpop (erf)  }
0x27b: {  	v53 =	vld [tilespmem:s4+$0xFFFFFE30];
	v7 =	vmul.f32 v7, v12;
	v12 =	vmul.f32 v5, v17  }
0x27c: {  	v4 =	vld [tilespmem:s4+$0xE0];
	v6 =	vsub.f32 $0.0e+00, v6  }
0x27d: {  	[tilespmem:s2+$0xFFFFFFE0] =	vst v1;
	v1 =	vld [tilespmem:s4+$0xFFFFFF30]  }
0x27e: {  	v10 =	vld [tilespmem:s22+$0xFFFFFFB0];
	v9 =	vadd.f32 v52, v9;
	[tilespmem:s14+$0xFFFFFF40] =	vst v7;
	v6 =	vmul.f32 $1.442695020e+00, v6;
	v17 =	vpop (erf)  }
0x27f: {  	v16 =	vld [tilespmem:s13+$0xFFFFFF50];
	v8 =	vmul.f32 v17, v8;
	[tilespmem:s14+$0xFFFFFF80] =	vst v12;
	v12 =	vpop (erf)  }
0x280: {  	v18 =	vadd.f32 v53, v18;
	v9 =	vsub.f32 $0.0e+00, v9;
	v17 =	vld [tilespmem:s0+$0xFFFFFE90];
	v54 =	vpop (erf)  }
0x281: {  	v20 =	vld [tilespmem:s13+$0xFFFFFF90];
	[tilespmem:s14+$0xFFFFFFC0] =	vst v8;
	v8 =	vmul.f32 v12, v15;
	v15 =	vpop (erf)  }
0x282: {  	v9 =	vmul.f32 $1.442695020e+00, v9;
	v55 =	vld [tilespmem:s13+$0xFFFFFFD0];
	(erf) = vpow2.f32 v6;
	v6 =	vpop (erf)  }
0x283: {  	v12 =	vld [tilespmem:s0+$0xFFFFFF10];
	v56 =	vpop (erf)  }
0x284: {  	[tilespmem:s14+$0x0] =	vst v8;
	v8 =	vmul.f32 v54, v13;
	v13 =	vld [tilespmem:s0+$0xFFFFFF90];
	(erf) = vpow2.f32 v9;
	v9 =	vsub.f32 $0.0e+00, v18;
	v18 =	vpop (erf)  }
0x285: {  	v1 =	vadd.f32 v1, v10;
	v10 =	vld [tilespmem:s13+$0x10];
	v3 =	vmul.f32 v18, v3  }
0x286: {  	v15 =	vadd.f32 $1.000000000e+00, v15;
	[tilespmem:s14+$0x40] =	vst v8;
	v8 =	vadd.f32 v17, v16;
	v16 =	vld [tilespmem:s0+$0x10]  }
0x287: {  	v1 =	vsub.f32 $0.0e+00, v1;
	v11 =	vmul.f32 v56, v11;
	v17 =	vld [tilespmem:s13+$0x50];
	[tilespmem:s14+$0xFFFFFF00] =	vst v3  }
0x288: {  	(erf) = vrcp.f32 v15;
	v9 =	vmul.f32 $1.442695020e+00, v9;
	v12 =	vadd.f32 v12, v20;
	v15 =	vld [tilespmem:s13+$0xFFFFFF10]  }
0x289: {  	v1 =	vmul.f32 $1.442695020e+00, v1;
	v8 =	vsub.f32 $0.0e+00, v8;
	[tilespmem:s14+$0x80] =	vst v11;
	v11 =	vld [tilespmem:s0+$0xFFFFFE10]  }
0x28a: {  	v3 =	vld [tilespmem:s0+$0x90];
	(erf) = vpow2.f32 v9;
	v9 =	vsub.f32 $0.0e+00, v12  }
0x28b: {  	v12 =	vld [tilespmem:s13+$0x90];
	v8 =	vmul.f32 $1.442695020e+00, v8;
	(erf) = vpow2.f32 v1;
	v1 =	vadd.f32 v13, v55  }
0x28c: {  	v18 =	vld [tilespmem:s0+$0x110];
	v9 =	vmul.f32 $1.442695020e+00, v9;
	v13 =	vpop (erf)  }
0x28d: {  	v22 =	vld [tilespmem:s4+$0x60];
	(erf) = vpow2.f32 v8;
	v1 =	vsub.f32 $0.0e+00, v1;
	v8 =	vadd.f32 v16, v10;
	v16 =	vpop (erf)  }
0x28e: {  	v4 =	vmul.f32 v19, v4;
	v16 =	vadd.f32 $1.000000000e+00, v16;
	v11 =	vadd.f32 v11, v15  }
0x28f: {  	v2 =	vld [tilespmem:s4+$0x160];
	(erf) = vpow2.f32 v9;
	v3 =	vadd.f32 v3, v17;
	v8 =	vsub.f32 $0.0e+00, v8  }
0x290: {  	v60 =	vld [tilespmem:s4+$0xFFFFFEF0];
	v1 =	vmul.f32 $1.442695020e+00, v1;
	(erf) = vrcp.f32 v16;
	v11 =	vsub.f32 $0.0e+00, v11  }
0x291: {  	v7 =	vld [tilespmem:s22+$0xFFFFFFF0];
	v12 =	vadd.f32 v18, v12;
	v3 =	vsub.f32 $0.0e+00, v3;
	v8 =	vmul.f32 $1.442695020e+00, v8  }
0x292: {  	v5 =	vld [tilespmem:s4+$0x1F0];
	v9 =	vmul.f32 v14, v22;
	v11 =	vmul.f32 $1.442695020e+00, v11  }
0x293: {  	v20 =	vld [tilespmem:s0+$0xD0];
	v18 =	vpop (erf);
	v12 =	vsub.f32 $0.0e+00, v12;
	v3 =	vmul.f32 $1.442695020e+00, v3;
	(erf) = vpow2.f32 v1  }
0x294: {  	v57 =	vld [tilespmem:s0+$0x150];
	v2 =	vmul.f32 v18, v2;
	v1 =	vpop (erf);
	(erf) = vpow2.f32 v8  }
0x295: {  	[tilespmem:s2+$0x20] =	vst v9;
	v9 =	vmul.f32 $1.442695020e+00, v12;
	v12 =	vld [tilespmem:s0+$0x1D0];
	v1 =	vadd.f32 $1.000000000e+00, v1;
	v8 =	vpop (erf);
	(erf) = vpow2.f32 v3  }
0x296: {  	v10 =	vld [tilespmem:s0+$0xFFFFFE50];
	(erf) = vpow2.f32 v11;
	v11 =	vpop (erf)  }
0x297: {  	v3 =	vld [tilespmem:s4+$0xFFFFFFB0];
	(erf) = vrcp.f32 v1;
	v11 =	vadd.f32 $1.000000000e+00, v11  }
0x298: {  	[tilespmem:s2+$0x60] =	vst v4;
	v17 =	vld [tilespmem:s0+$0xFFFFFED0];
	v1 =	vadd.f32 $1.000000000e+00, v13;
	(erf) = vpow2.f32 v9;
	v4 =	vpop (erf)  }
0x299: {  	v19 =	vld [tilespmem:s22+$0x30];
	[tilespmem:s2+$0xA0] =	vst v2;
	v4 =	vadd.f32 $1.000000000e+00, v4;
	(erf) = vrcp.f32 v11;
	v2 =	vpop (erf)  }
0x29a: {  	v13 =	vld [tilespmem:s4+$0xB0];
	(erf) = vrcp.f32 v1;
	v1 =	vmul.f32 v2, v12  }
0x29b: {  	v11 =	vld [tilespmem:s22+$0x70];
	(erf) = vrcp.f32 v4;
	v4 =	vadd.f32 $1.000000000e+00, v8  }
0x29c: {  	v9 =	vld [tilespmem:s4+$0x30];
	v3 =	vadd.f32 v3, v7  }
0x29d: {  	v2 =	vld [tilespmem:s22+$0xB0];
	v8 =	vpop (erf)  }
0x29e: {  	v12 =	vld [tilespmem:s4+$0x130];
	v3 =	vsub.f32 $0.0e+00, v3;
	v7 =	vadd.f32 $1.000000000e+00, v8;
	[tilespmem:s14+$0xD0] =	vst v1;
	v1 =	vpop (erf)  }
0x29f: {  	(erf) = vrcp.f32 v4;
	v18 =	vld [tilespmem:s13+$0xE0];
	v4 =	vpop (erf)  }
0x2a0: {  	v58 =	vld [tilespmem:s0+$0x1A0];
	(erf) = vrcp.f32 v7;
	v11 =	vadd.f32 v13, v11;
	v1 =	vadd.f32 $1.000000000e+00, v1;
	v59 =	vpop (erf)  }
0x2a1: {  	v14 =	vld [tilespmem:s0+$0xFFFFFF50];
	v4 =	vadd.f32 $1.000000000e+00, v4;
	v7 =	vadd.f32 $1.000000000e+00, v59;
	v24 =	vpop (erf)  }
0x2a2: {  	v15 =	vld [tilespmem:s0+$0xFFFFFFD0];
	(erf) = vrcp.f32 v1;
	v1 =	vadd.f32 v9, v19;
	v9 =	vmul.f32 $1.442695020e+00, v3;
	v3 =	vpop (erf)  }
0x2a3: {  	v16 =	vld [tilespmem:s0+$0x50];
	v11 =	vsub.f32 $0.0e+00, v11;
	(erf) = vrcp.f32 v4;
	v13 =	vadd.f32 $1.000000000e+00, v3  }
0x2a4: {  	v8 =	vld [tilespmem:s4+$0xFFFFFE70];
	(erf) = vrcp.f32 v7;
	v3 =	vpop (erf);
	v1 =	vsub.f32 $0.0e+00, v1;
	v7 =	vadd.f32 v12, v2  }
0x2a5: {  	v19 =	vld [tilespmem:s4+$0xFFFFFF70];
	v18 =	vadd.f32 v58, v18;
	v11 =	vmul.f32 $1.442695020e+00, v11;
	v12 =	vmul.f32 v3, v17;
	v17 =	vpop (erf)  }
0x2a6: {  	v4 =	vld [tilespmem:s4+$0xFFFFFFF0];
	v61 =	vpop (erf);
	(erf) = vrcp.f32 v13;
	v13 =	vmul.f32 $1.442695020e+00, v1;
	v7 =	vsub.f32 $0.0e+00, v7  }
0x2a7: {  	v2 =	vld [tilespmem:s4+$0xF0];
	v18 =	vsub.f32 $0.0e+00, v18;
	[tilespmem:s14+$0xFFFFFF50] =	vst v12;
	v12 =	vmul.f32 v61, v14;
	(erf) = vpow2.f32 v9  }
0x2a8: {  	v3 =	vld [tilespmem:s4+$0x70];
	v9 =	vpop (erf);
	v7 =	vmul.f32 $1.442695020e+00, v7;
	(erf) = vpow2.f32 v13  }
0x2a9: {  	v18 =	vmul.f32 $1.442695020e+00, v18;
	v14 =	vld [tilespmem:s13+$0xFFFFFF60];
	(erf) = vpow2.f32 v11;
	v11 =	vpop (erf)  }
0x2aa: {  	[tilespmem:s14+$0xFFFFFF90] =	vst v12;
	v12 =	vld [tilespmem:s0+$0xFFFFFEA0];
	v11 =	vmul.f32 v11, v15  }
0x2ab: {  	v1 =	vld [tilespmem:s4+$0x170]  }
0x2ac: {  	v13 =	vld [tilespmem:s13+$0xFFFFFFA0];
	(erf) = vpow2.f32 v7;
	v7 =	vpop (erf)  }
0x2ad: {  	v15 =	vld [tilespmem:s0+$0xFFFFFF20];
	(erf) = vpow2.f32 v18;
	v18 =	vpop (erf)  }
0x2ae: {  	v62 =	vmul.f32 v6, v5;
	v6 =	vld [tilespmem:s0+$0xFFFFFEE0];
	[tilespmem:s14+$0xFFFFFFD0] =	vst v11;
	v7 =	vmul.f32 v7, v16;
	v11 =	vpop (erf)  }
0x2af: {  	v5 =	vld [tilespmem:s0+$0xFFFFFF60];
	v10 =	vmul.f32 v11, v10;
	v11 =	vadd.f32 v12, v14  }
0x2b0: {  	v63 =	vld [tilespmem:s0+$0xFFFFFFA0];
	[tilespmem:s14+$0x10] =	vst v7;
	v14 =	vmul.f32 v17, v60  }
0x2b1: {  	v8 =	vmul.f32 v24, v8;
	v12 =	vld [tilespmem:s13+$0xFFFFFFE0];
	[tilespmem:s14+$0xFFFFFF10] =	vst v10;
	v10 =	vsub.f32 $0.0e+00, v11  }
0x2b2: {  	[tilespmem:s2+$0xF0] =	vst v62;
	v16 =	vpop (erf);
	v7 =	vld [tilespmem:s13+$0x20];
	v11 =	vadd.f32 v15, v13  }
0x2b3: {  	[tilespmem:s2+$0xFFFFFF30] =	vst v8;
	v13 =	vmul.f32 v18, v20;
	v15 =	vpop (erf);
	v8 =	vld [tilespmem:s13+$0xFFFFFF20];
	v18 =	vmul.f32 $1.442695020e+00, v10  }
0x2b4: {  	v17 =	vmul.f32 v9, v19;
	[tilespmem:s2+$0xFFFFFF70] =	vst v14;
	v9 =	vld [tilespmem:s0+$0xFFFFFE20];
	v11 =	vsub.f32 $0.0e+00, v11;
	v14 =	vpop (erf)  }
0x2b5: {  	v19 =	vadd.f32 $1.000000000e+00, v15;
	[tilespmem:s14+$0x50] =	vst v13;
	v13 =	vmul.f32 v16, v57;
	v10 =	vld [tilespmem:s0+$0x20];
	v14 =	vadd.f32 $1.000000000e+00, v14;
	v15 =	vpop (erf)  }
0x2b6: {  	[tilespmem:s2+$0xFFFFFFB0] =	vst v17;
	v17 =	vadd.f32 v63, v12;
	v16 =	vmul.f32 $1.442695020e+00, v11;
	v11 =	vld [tilespmem:s13+$0x60];
	(erf) = vpow2.f32 v18;
	v12 =	vpop (erf)  }
0x2b7: {  	s21 =	simm.s32 $0xD400;
	s22 =	simm.s32 $0x8;
	s4 =	simm.s32 $0x7300;
	[tilespmem:s14+$0x90] =	vst v13;
	v13 =	vld [tilespmem:s0+$0xA0];
	v15 =	vadd.f32 $1.000000000e+00, v15;
	v12 =	vadd.f32 $1.000000000e+00, v12;
	(erf) = vrcp.f32 v19;
	v18 =	vpop (erf)  }
.LBB2_7:
0x2b8: {  	v19 =	vld [tilespmem:s4+$0xC0];
	v17 =	vsub.f32 $0.0e+00, v17;
	v18 =	vadd.f32 $1.000000000e+00, v18;
	s0 =	sadd.s32 $0x400, s0;
	(erf) = vpow2.f32 v16  }
0x2b9: {  	v16 =	vld [tilespmem:s0+$0x180];
	v8 =	vadd.f32 v9, v8;
	(erf) = vrcp.f32 v14  }
0x2ba: {  	v9 =	vld [tilespmem:s0+$0xFFFFFE00];
	v14 =	vmul.f32 $1.442695020e+00, v17;
	v7 =	vadd.f32 v10, v7;
	(erf) = vrcp.f32 v18  }
0x2bb: {  	v10 =	vld [tilespmem:s4+$0xFFFFFF40];
	v8 =	vsub.f32 $0.0e+00, v8;
	(erf) = vrcp.f32 v15  }
0x2bc: {  	s22 =	sadd.s32 $0x8, s22;
	v15 =	vld [tilespmem:s0+$0xFFFFFE80];
	v7 =	vsub.f32 $0.0e+00, v7;
	v11 =	vadd.f32 v13, v11;
	(erf) = vpow2.f32 v14  }
0x2bd: {  	p1 =	slt.u32 s22, $0x78;
	v13 =	vld [tilespmem:s4+$0xFFFFFF80];
	v17 =	vmul.f32 $1.442695020e+00, v8;
	(erf) = vrcp.f32 v12  }
0x2be: {  	v12 =	vld [tilespmem:s0+$0xFFFFFF00];
	v14 =	vadd.f32 v16, v19;
	v21 =	vmul.f32 $1.442695020e+00, v7;
	v11 =	vsub.f32 $0.0e+00, v11  }
0x2bf: {  	v16 =	vld [tilespmem:s21+$0x1E0];
	(erf) = vpow2.f32 v17;
	v8 =	vpop (erf)  }
0x2c0: {  	v17 =	vld [tilespmem:s4+$0xFFFFFFC0];
	v14 =	vsub.f32 $0.0e+00, v14;
	v19 =	vmul.f32 $1.442695020e+00, v11;
	(erf) = vpow2.f32 v21;
	v7 =	vpop (erf)  }
0x2c1: {  	v20 =	vadd.f32 $1.000000000e+00, v8;
	v10 =	vadd.f32 v15, v10;
	v15 =	vld [tilespmem:s0+$0xFFFFFF80];
	v18 =	vpop (erf);
	v4 =	vmul.f32 v7, v4  }
0x2c2: {  	v7 =	vld [tilespmem:s4+$0x0];
	v21 =	vmul.f32 $1.442695020e+00, v14;
	v22 =	vadd.f32 $1.000000000e+00, v18;
	(erf) = vpow2.f32 v19;
	v11 =	vpop (erf)  }
0x2c3: {  	v10 =	vsub.f32 $0.0e+00, v10;
	v12 =	vadd.f32 v12, v13;
	v13 =	vld [tilespmem:s0+$0x0];
	(erf) = vrcp.f32 v20;
	v8 =	vpop (erf);
	[tilespmem:s2+$0xFFFFFFF0] =	vst v4  }
0x2c4: {  	v4 =	vld [tilespmem:s4+$0x40];
	(erf) = vpow2.f32 v21;
	v19 =	vmul.f32 v8, v16;
	v14 =	vpop (erf)  }
0x2c5: {  	v10 =	vmul.f32 $1.442695020e+00, v10;
	v12 =	vsub.f32 $0.0e+00, v12;
	v16 =	vld [tilespmem:s0+$0x80];
	(erf) = vrcp.f32 v22;
	v18 =	vpop (erf)  }
0x2c6: {  	v3 =	vmul.f32 v11, v3;
	v20 =	vadd.f32 v15, v17;
	v17 =	vld [tilespmem:s4+$0x80];
	v18 =	vadd.f32 $1.000000000e+00, v18;
	[tilespmem:s14+$0xE0] =	vst v19;
	v8 =	vpop (erf)  }
0x2c7: {  	v11 =	vmul.f32 $1.442695020e+00, v12;
	(erf) = vpow2.f32 v10;
	v10 =	vld [tilespmem:s13+$0xF0]  }
0x2c8: {  	v12 =	vsub.f32 $0.0e+00, v20;
	v7 =	vadd.f32 v13, v7;
	v13 =	vld [tilespmem:s21+$0x1B0];
	v15 =	vpop (erf);
	(erf) = vrcp.f32 v18;
	[tilespmem:s2+$0x30] =	vst v3  }
0x2c9: {  	v14 =	vmul.f32 v14, v2;
	v3 =	vld [tilespmem:s0+$0x100];
	(erf) = vpow2.f32 v11;
	v19 =	vadd.f32 $1.000000000e+00, v15;
	v15 =	vpop (erf)  }
0x2ca: {  	v18 =	vld [tilespmem:s4+$0xFFFFFF00];
	v20 =	vmul.f32 $1.442695020e+00, v12;
	v7 =	vsub.f32 $0.0e+00, v7;
	v4 =	vadd.f32 v16, v4  }
0x2cb: {  	v1 =	vmul.f32 v8, v1;
	v21 =	vadd.f32 $1.000000000e+00, v15;
	v2 =	vld [tilespmem:s0+$0xFFFFFE40];
	(erf) = vrcp.f32 v19;
	v11 =	vpop (erf);
	[tilespmem:s2+$0x70] =	vst v14  }
0x2cc: {  	v8 =	vld [tilespmem:s0+$0xFFFFFEC0];
	v7 =	vmul.f32 $1.442695020e+00, v7;
	v4 =	vsub.f32 $0.0e+00, v4;
	(erf) = vpow2.f32 v20;
	v12 =	vpop (erf)  }
0x2cd: {  	v11 =	vadd.f32 $1.000000000e+00, v11;
	v14 =	vld [tilespmem:s0+$0xFFFFFF40];
	v16 =	vpop (erf);
	v10 =	vadd.f32 v13, v10;
	(erf) = vrcp.f32 v21;
	[tilespmem:s2+$0xB0] =	vst v1;
	s2 =	smov.u32 s14  }
0x2ce: {  	v13 =	vld [tilespmem:s0+$0xFFFFFFC0];
	v1 =	vmul.f32 $1.442695020e+00, v4;
	v3 =	vadd.f32 v3, v17;
	v4 =	vadd.f32 $1.000000000e+00, v16;
	v15 =	vpop (erf)  }
0x2cf: {  	v9 =	vadd.f32 v9, v18;
	v16 =	vld [tilespmem:s0+$0x40];
	(erf) = vpow2.f32 v7;
	v19 =	vsub.f32 $0.0e+00, v10  }
0x2d0: {  	v10 =	vld [tilespmem:s0+$0xC0];
	v20 =	vsub.f32 $0.0e+00, v3;
	v18 =	vpop (erf);
	(erf) = vrcp.f32 v4;
	v4 =	vmul.f32 v12, v6  }
0x2d1: {  	v6 =	vsub.f32 $0.0e+00, v9;
	v3 =	vld [tilespmem:s0+$0x140];
	(erf) = vpow2.f32 v1;
	v1 =	vmul.f32 $1.442695020e+00, v19;
	v7 =	vpop (erf)  }
0x2d2: {  	v9 =	vadd.f32 $1.000000000e+00, v18;
	v18 =	vmul.f32 $1.442695020e+00, v20;
	v17 =	vpop (erf);
	[tilespmem:s14+$0xFFFFFF60] =	vst v4;
	v4 =	vld [tilespmem:s13+$0xA0];
	(erf) = vrcp.f32 v11  }
0x2d3: {  	v19 =	vmul.f32 $1.442695020e+00, v6;
	v11 =	vadd.f32 $1.000000000e+00, v17;
	v17 =	vld [tilespmem:s21+$0x120];
	(erf) = vpow2.f32 v1  }
0x2d4: {  	v5 =	vmul.f32 v15, v5;
	(erf) = vpow2.f32 v18;
	v1 =	vld [tilespmem:s21+$0xFFFFFE60];
	v12 =	vpop (erf)  }
0x2d5: {  	v15 =	vld [tilespmem:s0+$0x1C0];
	(erf) = vpow2.f32 v19;
	v6 =	vpop (erf)  }
0x2d6: {  	v18 =	vadd.f32 $1.000000000e+00, v6;
	(erf) = vrcp.f32 v9;
	[tilespmem:s14+$0xFFFFFFA0] =	vst v5;
	v5 =	vld [tilespmem:s21+$0xFFFFFFE0];
	v9 =	vpop (erf)  }
0x2d7: {  	(erf) = vrcp.f32 v11;
	v11 =	vld [tilespmem:s21+$0x60]  }
0x2d8: {  	(erf) = vrcp.f32 v18;
	v6 =	vpop (erf);
	v18 =	vld [tilespmem:s21+$0xE0];
	v4 =	vadd.f32 v17, v4  }
0x2d9: {  	v6 =	vadd.f32 $1.000000000e+00, v6;
	v17 =	vpop (erf);
	v12 =	vmul.f32 v12, v1;
	v1 =	vld [tilespmem:s21+$0x160]  }
0x2da: {  	v15 =	vmul.f32 v17, v15;
	v17 =	vpop (erf);
	v19 =	vld [tilespmem:s13+$0xFFFFFF70];
	v4 =	vsub.f32 $0.0e+00, v4  }
0x2db: {  	s14 =	sadd.s32 $0x200, s14;
	v20 =	vadd.f32 $1.000000000e+00, v17;
	(erf) = vrcp.f32 v6;
	[tilespmem:s2+$0xFFFFFF20] =	vst v12;
	v6 =	vld [tilespmem:s21+$0xFFFFFEB0];
	v5 =	vmul.f32 v7, v5;
	v7 =	vpop (erf)  }
0x2dc: {  	[tilespmem:s14+$0xC0] =	vst v15;
	v12 =	vld [tilespmem:s13+$0xFFFFFF30];
	v21 =	vmul.f32 v9, v11;
	v4 =	vmul.f32 $1.442695020e+00, v4;
	v11 =	vpop (erf)  }
0x2dd: {  	v15 =	vld [tilespmem:s4+$0xD0];
	(erf) = vrcp.f32 v20;
	v17 =	vpop (erf);
	[tilespmem:s2+$0xFFFFFFE0] =	vst v5;
	v5 =	vmul.f32 v7, v18;
	v20 =	vadd.f32 $1.000000000e+00, v11  }
0x2de: {  	v11 =	vadd.f32 $1.000000000e+00, v17;
	v17 =	vld [tilespmem:s0+$0x190];
	v18 =	vpop (erf);
	[tilespmem:s2+$0x20] =	vst v21;
	(erf) = vpow2.f32 v4  }
0x2df: {  	v21 =	vadd.f32 $1.000000000e+00, v18;
	v9 =	vpop (erf);
	v18 =	vld [tilespmem:s21+$0xFFFFFE30];
	[tilespmem:s2+$0x60] =	vst v5;
	(erf) = vrcp.f32 v20  }
0x2e0: {  	v5 =	vmul.f32 v9, v8;
	v7 =	vpop (erf);
	(erf) = vrcp.f32 v11;
	v6 =	vadd.f32 v6, v19;
	v8 =	vld [tilespmem:s13+$0xFFFFFFB0]  }
0x2e1: {  	v7 =	vmul.f32 v7, v14;
	(erf) = vrcp.f32 v21;
	v4 =	vpop (erf);
	v9 =	vld [tilespmem:s21+$0xFFFFFF30]  }
0x2e2: {  	[tilespmem:s14+$0xFFFFFF40] =	vst v5;
	v13 =	vmul.f32 v4, v13;
	v6 =	vsub.f32 $0.0e+00, v6;
	v4 =	vld [tilespmem:s13+$0xFFFFFFF0]  }
0x2e3: {  	v11 =	vld [tilespmem:s4+$0xFFFFFF50];
	[tilespmem:s14+$0xFFFFFF80] =	vst v7;
	v7 =	vadd.f32 v17, v15  }
0x2e4: {  	[tilespmem:s14+$0xFFFFFFC0] =	vst v13;
	v5 =	vpop (erf);
	v12 =	vadd.f32 v18, v12;
	v6 =	vmul.f32 $1.442695020e+00, v6;
	v13 =	vld [tilespmem:s21+$0x1F0]  }
0x2e5: {  	v14 =	vld [tilespmem:s0+$0xFFFFFE90];
	v5 =	vmul.f32 v5, v16;
	v7 =	vsub.f32 $0.0e+00, v7  }
0x2e6: {  	v15 =	vld [tilespmem:s4+$0xFFFFFF90];
	v16 =	vpop (erf);
	v12 =	vsub.f32 $0.0e+00, v12;
	v8 =	vadd.f32 v9, v8;
	(erf) = vpow2.f32 v6  }
0x2e7: {  	v6 =	vld [tilespmem:s0+$0xFFFFFF10];
	[tilespmem:s14+$0x0] =	vst v5;
	v18 =	vmul.f32 v16, v10;
	v7 =	vmul.f32 $1.442695020e+00, v7;
	v9 =	vpop (erf)  }
0x2e8: {  	v10 =	vld [tilespmem:s4+$0xFFFFFFD0];
	v12 =	vmul.f32 $1.442695020e+00, v12;
	v8 =	vsub.f32 $0.0e+00, v8;
	v9 =	vadd.f32 $1.000000000e+00, v9;
	v16 =	vpop (erf)  }
0x2e9: {  	v17 =	vld [tilespmem:s0+$0xFFFFFF90];
	[tilespmem:s14+$0x40] =	vst v18;
	v5 =	vpop (erf);
	(erf) = vpow2.f32 v7;
	v7 =	vmul.f32 v16, v13  }
0x2ea: {  	v11 =	vadd.f32 v14, v11;
	v13 =	vld [tilespmem:s4+$0x10];
	v3 =	vmul.f32 v5, v3;
	v5 =	vpop (erf);
	(erf) = vrcp.f32 v9  }
0x2eb: {  	v8 =	vmul.f32 $1.442695020e+00, v8;
	v2 =	vmul.f32 v5, v2;
	v5 =	vld [tilespmem:s0+$0x10];
	[tilespmem:s2+$0xF0] =	vst v7  }
0x2ec: {  	v7 =	vsub.f32 $0.0e+00, v11;
	v6 =	vadd.f32 v6, v15;
	v9 =	vld [tilespmem:s4+$0x50];
	[tilespmem:s14+$0x80] =	vst v3;
	(erf) = vpow2.f32 v12  }
0x2ed: {  	[tilespmem:s14+$0xFFFFFF00] =	vst v2;
	v2 =	vld [tilespmem:s0+$0x90];
	(erf) = vpow2.f32 v8  }
0x2ee: {  	v3 =	vld [tilespmem:s4+$0xFFFFFF10];
	v7 =	vmul.f32 $1.442695020e+00, v7;
	v6 =	vsub.f32 $0.0e+00, v6;
	v8 =	vadd.f32 v17, v10  }
0x2ef: {  	v10 =	vld [tilespmem:s0+$0xFFFFFE10];
	v11 =	vpop (erf)  }
0x2f0: {  	v15 =	vmul.f32 $1.442695020e+00, v6;
	v8 =	vsub.f32 $0.0e+00, v8;
	v5 =	vadd.f32 v5, v13;
	v12 =	vld [tilespmem:s4+$0x90]  }
0x2f1: {  	v11 =	vadd.f32 $1.000000000e+00, v11;
	v13 =	vld [tilespmem:s0+$0x110];
	(erf) = vpow2.f32 v7  }
0x2f2: {  	v7 =	vld [tilespmem:s0+$0xFFFFFE50];
	v8 =	vmul.f32 $1.442695020e+00, v8;
	v5 =	vsub.f32 $0.0e+00, v5;
	v2 =	vadd.f32 v2, v9;
	v9 =	vpop (erf)  }
0x2f3: {  	v14 =	vld [tilespmem:s0+$0xFFFFFED0];
	v9 =	vadd.f32 $1.000000000e+00, v9;
	(erf) = vpow2.f32 v15;
	v6 =	vpop (erf)  }
0x2f4: {  	v3 =	vadd.f32 v10, v3;
	v15 =	vld [tilespmem:s0+$0xFFFFFF50];
	v16 =	vmul.f32 $1.442695020e+00, v5;
	v2 =	vsub.f32 $0.0e+00, v2  }
0x2f5: {  	v1 =	vmul.f32 v6, v1;
	v5 =	vld [tilespmem:s0+$0xFFFFFFD0];
	(erf) = vrcp.f32 v9;
	v6 =	vpop (erf)  }
0x2f6: {  	v3 =	vsub.f32 $0.0e+00, v3;
	v10 =	vld [tilespmem:s0+$0x50];
	v2 =	vmul.f32 $1.442695020e+00, v2;
	v12 =	vadd.f32 v13, v12;
	v13 =	vpop (erf)  }
0x2f7: {  	v6 =	vadd.f32 $1.000000000e+00, v6;
	v9 =	vld [tilespmem:s0+$0xD0];
	(erf) = vpow2.f32 v8;
	v13 =	vadd.f32 $1.000000000e+00, v13;
	[tilespmem:s2+$0xA0] =	vst v1  }
0x2f8: {  	v17 =	vmul.f32 $1.442695020e+00, v3;
	v8 =	vld [tilespmem:s0+$0x150];
	v3 =	vsub.f32 $0.0e+00, v12;
	(erf) = vpow2.f32 v16  }
0x2f9: {  	(erf) = vpow2.f32 v2;
	v2 =	vld [tilespmem:s21+$0xFFFFFFB0]  }
0x2fa: {  	v3 =	vmul.f32 $1.442695020e+00, v3;
	v12 =	vld [tilespmem:s0+$0x1D0];
	(erf) = vpow2.f32 v17;
	v1 =	vpop (erf)  }
0x2fb: {  	v1 =	vadd.f32 $1.000000000e+00, v1;
	v16 =	vld [tilespmem:s13+$0x30];
	(erf) = vrcp.f32 v6  }
0x2fc: {  	v6 =	vpop (erf);
	(erf) = vpow2.f32 v3;
	v3 =	vld [tilespmem:s21+$0x30]  }
0x2fd: {  	v6 =	vadd.f32 $1.000000000e+00, v6;
	(erf) = vrcp.f32 v1;
	v1 =	vld [tilespmem:s13+$0x70]  }
0x2fe: {  	v17 =	vpop (erf);
	v2 =	vadd.f32 v2, v4;
	v4 =	vld [tilespmem:s21+$0xB0];
	(erf) = vrcp.f32 v11  }
0x2ff: {  	v19 =	vmul.f32 v17, v12;
	(erf) = vrcp.f32 v6;
	v6 =	vld [tilespmem:s13+$0xB0];
	s13 =	smov.u32 s4  }
0x300: {  	v12 =	vpop (erf);
	v2 =	vsub.f32 $0.0e+00, v2;
	v17 =	vld [tilespmem:s21+$0x130];
	(erf) = vrcp.f32 v13  }
0x301: {  	v21 =	vadd.f32 $1.000000000e+00, v12;
	[tilespmem:s14+$0xD0] =	vst v19;
	v11 =	vpop (erf);
	v13 =	vld [tilespmem:s21+$0xFFFFFE70];
	v3 =	vadd.f32 v3, v16  }
0x302: {  	v11 =	vadd.f32 $1.000000000e+00, v11;
	v16 =	vld [tilespmem:s4+$0xE0];
	v18 =	vpop (erf);
	v19 =	vmul.f32 $1.442695020e+00, v2  }
0x303: {  	v22 =	vadd.f32 $1.000000000e+00, v18;
	v18 =	vld [tilespmem:s0+$0x1A0];
	v20 =	vpop (erf);
	(erf) = vrcp.f32 v21;
	v1 =	vadd.f32 v4, v1  }
0x304: {  	v3 =	vsub.f32 $0.0e+00, v3;
	v4 =	vadd.f32 $1.000000000e+00, v20;
	(erf) = vrcp.f32 v11;
	v11 =	vld [tilespmem:s21+$0xFFFFFEF0];
	v12 =	vpop (erf)  }
0x305: {  	(erf) = vrcp.f32 v22;
	v2 =	vpop (erf);
	v20 =	vld [tilespmem:s21+$0xFFFFFF70];
	v23 =	vsub.f32 $0.0e+00, v1;
	v6 =	vadd.f32 v17, v6  }
0x306: {  	v21 =	vmul.f32 $1.442695020e+00, v3;
	v2 =	vadd.f32 $1.000000000e+00, v2;
	(erf) = vrcp.f32 v4;
	v17 =	vpop (erf);
	v4 =	vld [tilespmem:s21+$0xFFFFFFF0]  }
0x307: {  	v24 =	vmul.f32 v17, v14;
	v3 =	vld [tilespmem:s21+$0x70];
	v17 =	vmul.f32 $1.442695020e+00, v23;
	v6 =	vsub.f32 $0.0e+00, v6;
	v22 =	vpop (erf)  }
0x308: {  	v12 =	vmul.f32 v12, v13;
	v16 =	vadd.f32 v18, v16;
	v1 =	vpop (erf);
	(erf) = vrcp.f32 v2;
	v2 =	vld [tilespmem:s21+$0xF0]  }
0x309: {  	[tilespmem:s14+$0xFFFFFF50] =	vst v24;
	v13 =	vmul.f32 v1, v15;
	v1 =	vld [tilespmem:s21+$0x170];
	v6 =	vmul.f32 $1.442695020e+00, v6;
	v14 =	vpop (erf);
	s21 =	smov.u32 s0  }
0x30a: {  	v11 =	vmul.f32 v22, v11;
	v15 =	vld [tilespmem:s4+$0xFFFFFF60];
	v16 =	vsub.f32 $0.0e+00, v16;
	[tilespmem:s2+$0xFFFFFF30] =	vst v12;
	(erf) = vpow2.f32 v19  }
0x30b: {  	v19 =	vmul.f32 v14, v20;
	v12 =	vld [tilespmem:s0+$0xFFFFFEA0];
	[tilespmem:s14+$0xFFFFFF90] =	vst v13;
	(erf) = vpow2.f32 v21  }
0x30c: {  	v14 =	vld [tilespmem:s4+$0xFFFFFFA0];
	v16 =	vmul.f32 $1.442695020e+00, v16;
	v18 =	vpop (erf);
	[tilespmem:s2+$0xFFFFFF70] =	vst v11;
	(erf) = vpow2.f32 v17  }
0x30d: {  	v11 =	vld [tilespmem:s0+$0xFFFFFF20];
	v17 =	vmul.f32 v18, v5;
	v5 =	vpop (erf);
	[tilespmem:s2+$0xFFFFFFB0] =	vst v19;
	(erf) = vpow2.f32 v6  }
0x30e: {  	v6 =	vld [tilespmem:s0+$0xFFFFFEE0];
	v10 =	vmul.f32 v5, v10;
	v13 =	vpop (erf);
	(erf) = vpow2.f32 v16  }
0x30f: {  	v5 =	vld [tilespmem:s0+$0xFFFFFF60];
	[tilespmem:s14+$0xFFFFFFD0] =	vst v17;
	v16 =	vmul.f32 v13, v9;
	v13 =	vpop (erf)  }
0x310: {  	v7 =	vmul.f32 v13, v7;
	v12 =	vadd.f32 v12, v15;
	v13 =	vld [tilespmem:s4+$0xFFFFFFE0];
	[tilespmem:s14+$0x10] =	vst v10  }
0x311: {  	v15 =	vld [tilespmem:s0+$0xFFFFFFA0];
	[tilespmem:s14+$0x50] =	vst v16;
	v9 =	vpop (erf)  }
0x312: {  	[tilespmem:s14+$0xFFFFFF10] =	vst v7;
	v10 =	vsub.f32 $0.0e+00, v12;
	v11 =	vadd.f32 v11, v14;
	v7 =	vld [tilespmem:s4+$0x20];
	v16 =	vmul.f32 v9, v8  }
.Ltmp4:
0x313: {  	v8 =	vld [tilespmem:s4+$0xFFFFFF20];
	v14 =	vpop (erf);
	(pc) =	sbr.rel @p1 .LBB2_7-.Ltmp4, $4  }
0x314: {  	v9 =	vld [tilespmem:s0+$0xFFFFFE20];
	v21 =	vmul.f32 $1.442695020e+00, v10;
	v11 =	vsub.f32 $0.0e+00, v11;
	[tilespmem:s14+$0x90] =	vst v16;
	v19 =	vadd.f32 $1.000000000e+00, v14;
	v12 =	vpop (erf)  }
0x315: {  	v10 =	vld [tilespmem:s0+$0x20];
	v14 =	vadd.f32 $1.000000000e+00, v12;
	v12 =	vpop (erf)  }
0x316: {  	v16 =	vmul.f32 $1.442695020e+00, v11;
	v17 =	vadd.f32 v15, v13;
	v11 =	vld [tilespmem:s4+$0x60];
	(erf) = vpow2.f32 v21;
	v20 =	vpop (erf)  }
0x317: {  	s4 =	sadd.s32 $0x200, s4;
	v15 =	vadd.f32 $1.000000000e+00, v12;
	v13 =	vld [tilespmem:s0+$0xA0];
	v18 =	vpop (erf);
	v12 =	vadd.f32 $1.000000000e+00, v20;
	(erf) = vrcp.f32 v19  }
0x318: {  	v18 =	vadd.f32 $1.000000000e+00, v18;
	(erf) = vpow2.f32 v16  }
0x319: {  	(erf) = vrcp.f32 v14  }
0x31a: {  	v8 =	vadd.f32 v9, v8;
	(erf) = vrcp.f32 v18  }
0x31b: {  	v30 =	vsub.f32 $0.0e+00, v17  }
0x31c: {  	v7 =	vadd.f32 v10, v7;
	v8 =	vsub.f32 $0.0e+00, v8;
	_ =	sdelay $0x1  }
0x31d: {  	v31 =	vmul.f32 $1.442695020e+00, v30;
	v8 =	vmul.f32 $1.442695020e+00, v8  }
0x31e: {  	v33 =	vld [tilespmem:s21+$0x1E0];
	(erf) = vrcp.f32 v15;
	v34 =	vpop (erf)  }
0x31f: {  	(erf) = vpow2.f32 v31;
	v35 =	vsub.f32 $0.0e+00, v7;
	v7 =	vpop (erf)  }
0x320: {  	v32 =	vadd.f32 v13, v11;
	(erf) = vrcp.f32 v12;
	v36 =	vpop (erf)  }
0x321: {  	(erf) = vpow2.f32 v8;
	v8 =	vpop (erf)  }
0x322: {  	v10 =	vsub.f32 $0.0e+00, v32;
	v13 =	vmul.f32 $1.442695020e+00, v35;
	v37 =	vpop (erf)  }
0x323: {  	v9 =	vmul.f32 v37, v33  }
0x324: {  	v10 =	vmul.f32 $1.442695020e+00, v10;
	(erf) = vpow2.f32 v13  }
0x325: {  	v11 =	vadd.f32 $1.000000000e+00, v34  }
0x326: {  	(erf) = vpow2.f32 v10;
	[tilespmem:s14+$0xE0] =	vst v9  }
0x327: {  	(erf) = vrcp.f32 v11;
	v38 =	vld [tilespmem:s13+$0xF0];
	v9 =	vpop (erf)  }
0x328: {  	v40 =	vld [tilespmem:s21+$0x1B0];
	v39 =	vpop (erf)  }
0x329: {  	v41 =	vld [tilespmem:s13+$0xA0];
	v12 =	vadd.f32 $1.000000000e+00, v36;
	v10 =	vpop (erf)  }
0x32a: {  	v43 =	vld [tilespmem:s21+$0x120];
	v13 =	vadd.f32 $1.000000000e+00, v39;
	v42 =	vpop (erf)  }
0x32b: {  	(erf) = vrcp.f32 v12;
	v44 =	vadd.f32 $1.000000000e+00, v42  }
0x32c: {  	(erf) = vrcp.f32 v13  }
0x32d: {  	v45 =	vpop (erf);
	v11 =	vadd.f32 v40, v38;
	(erf) = vrcp.f32 v44  }
0x32e: {  	v46 =	vadd.f32 $1.000000000e+00, v45  }
0x32f: {  	v48 =	vadd.f32 v43, v41;
	v47 =	vpop (erf);
	v11 =	vsub.f32 $0.0e+00, v11  }
0x330: {  	v49 =	vpop (erf);
	v13 =	vadd.f32 $1.000000000e+00, v47;
	(erf) = vrcp.f32 v46  }
0x331: {  	v50 =	vsub.f32 $0.0e+00, v48;
	v6 =	vmul.f32 v49, v6;
	v11 =	vmul.f32 $1.442695020e+00, v11  }
0x332: {  	v51 =	vld [tilespmem:s21+$0xFFFFFE60];
	(erf) = vrcp.f32 v13  }
0x333: {  	v52 =	vmul.f32 $1.442695020e+00, v50;
	[tilespmem:s14+$0xFFFFFF60] =	vst v6;
	(erf) = vpow2.f32 v11  }
0x334: {  	v54 =	vld [tilespmem:s13+$0xFFFFFF70];
	v53 =	vpop (erf)  }
0x335: {  	v56 =	vld [tilespmem:s21+$0xFFFFFEB0];
	v55 =	vpop (erf);
	(erf) = vpow2.f32 v52  }
0x336: {  	v57 =	vpop (erf)  }
0x337: {  	v6 =	vmul.f32 v57, v51;
	_ =	sdelay $0x1  }
0x338: {  	v5 =	vmul.f32 v53, v5;
	[tilespmem:s14+$0xFFFFFF20] =	vst v6  }
0x339: {  	v12 =	vadd.f32 v56, v54;
	v58 =	vpop (erf);
	v59 =	vld [tilespmem:s13+$0xFFFFFF30]  }
0x33a: {  	[tilespmem:s14+$0xFFFFFFA0] =	vst v5;
	v60 =	vpop (erf);
	v61 =	vld [tilespmem:s21+$0xFFFFFE30]  }
0x33b: {  	v63 =	vld [tilespmem:s13+$0xFFFFFFB0];
	v12 =	vsub.f32 $0.0e+00, v12;
	v62 =	vpop (erf)  }
0x33c: {  	v21 =	vld [tilespmem:s21+$0xFFFFFF30];
	v15 =	vadd.f32 $1.000000000e+00, v62  }
0x33d: {  	v12 =	vmul.f32 $1.442695020e+00, v12;
	v22 =	vpop (erf)  }
0x33e: {  	(erf) = vrcp.f32 v15;
	v23 =	vadd.f32 $1.000000000e+00, v22  }
0x33f: {  	v24 =	vld [tilespmem:s21+$0xFFFFFFE0];
	(erf) = vpow2.f32 v12;
	v11 =	vadd.f32 v61, v59  }
0x340: {  	(erf) = vrcp.f32 v23  }
0x341: {  	v25 =	vld [tilespmem:s21+$0x60];
	v26 =	vadd.f32 v21, v63;
	v11 =	vsub.f32 $0.0e+00, v11;
	_ =	sdelay $0x1  }
0x342: {  	v27 =	vld [tilespmem:s21+$0xE0];
	v13 =	vsub.f32 $0.0e+00, v26;
	v11 =	vmul.f32 $1.442695020e+00, v11  }
0x343: {  	v14 =	vmul.f32 v55, v24  }
0x344: {  	v28 =	vld [tilespmem:s21+$0x160];
	v13 =	vmul.f32 $1.442695020e+00, v13;
	(erf) = vpow2.f32 v11  }
0x345: {  	[tilespmem:s14+$0xFFFFFFE0] =	vst v14;
	v6 =	vmul.f32 v58, v25  }
0x346: {  	v29 =	vld [tilespmem:s13+$0xFFFFFFF0];
	v30 =	vpop (erf);
	(erf) = vpow2.f32 v13  }
0x347: {  	v32 =	vld [tilespmem:s21+$0xFFFFFFB0];
	v5 =	vmul.f32 v60, v27;
	[tilespmem:s14+$0x20] =	vst v6;
	v31 =	vpop (erf)  }
0x348: {  	v34 =	vld [tilespmem:s13+$0x30];
	v33 =	vpop (erf)  }
0x349: {  	[tilespmem:s14+$0x60] =	vst v5;
	v36 =	vld [tilespmem:s21+$0x30];
	v35 =	vmul.f32 v33, v28  }
0x34a: {  	v37 =	vld [tilespmem:s13+$0x70]  }
0x34b: {  	v38 =	vld [tilespmem:s21+$0xB0];
	[tilespmem:s14+$0xA0] =	vst v35  }
0x34c: {  	v39 =	vld [tilespmem:s13+$0xB0]  }
0x34d: {  	v11 =	vadd.f32 v32, v29;
	v40 =	vld [tilespmem:s21+$0x130];
	v41 =	vpop (erf)  }
0x34e: {  	v13 =	vadd.f32 $1.000000000e+00, v41  }
0x34f: {  	v11 =	vsub.f32 $0.0e+00, v11;
	v6 =	vadd.f32 $1.000000000e+00, v31;
	v42 =	vpop (erf)  }
0x350: {  	v14 =	vadd.f32 v36, v34;
	v15 =	vadd.f32 $1.000000000e+00, v42;
	(erf) = vrcp.f32 v13  }
0x351: {  	v5 =	vadd.f32 v38, v37;
	v45 =	vmul.f32 $1.442695020e+00, v11;
	(erf) = vrcp.f32 v6  }
0x352: {  	v43 =	vsub.f32 $0.0e+00, v14;
	v44 =	vadd.f32 v40, v39;
	(erf) = vrcp.f32 v15  }
0x353: {  	v5 =	vsub.f32 $0.0e+00, v5;
	(erf) = vpow2.f32 v45  }
0x354: {  	v46 =	vmul.f32 $1.442695020e+00, v43;
	v47 =	vsub.f32 $0.0e+00, v44  }
0x355: {  	v5 =	vmul.f32 $1.442695020e+00, v5  }
0x356: {  	(erf) = vpow2.f32 v46;
	v48 =	vmul.f32 $1.442695020e+00, v47  }
0x357: {  	(erf) = vpow2.f32 v5  }
0x358: {  	(erf) = vpow2.f32 v48  }
0x359: {  	v49 =	vpop (erf)  }
0x35a: {  	v50 =	vpop (erf)  }
0x35b: {  	v51 =	vpop (erf)  }
0x35c: {  	v52 =	vpop (erf)  }
0x35d: {  	v13 =	vadd.f32 $1.000000000e+00, v52;
	_ =	sdelay $0x1  }
0x35e: {  	v53 =	vpop (erf);
	(erf) = vrcp.f32 v13  }
0x35f: {  	v3 =	vmul.f32 v8, v3;
	v56 =	vld [tilespmem:s21+$0x1F0];
	v14 =	vadd.f32 $1.000000000e+00, v53;
	v54 =	vpop (erf)  }
0x360: {  	v57 =	vld [tilespmem:s21+$0xFFFFFE70];
	v15 =	vadd.f32 $1.000000000e+00, v54;
	v55 =	vpop (erf)  }
0x361: {  	[tilespmem:s2+$0x30] =	vst v3;
	v3 =	vld [tilespmem:s21+$0xFFFFFFF0];
	(erf) = vrcp.f32 v14;
	v16 =	vadd.f32 $1.000000000e+00, v55  }
0x362: {  	v59 =	vld [tilespmem:s21+$0xFFFFFF70];
	(erf) = vrcp.f32 v15  }
0x363: {  	v1 =	vmul.f32 v10, v1;
	v58 =	vld [tilespmem:s21+$0xFFFFFEF0];
	(erf) = vrcp.f32 v16  }
0x364: {  	v2 =	vmul.f32 v9, v2  }
0x365: {  	[tilespmem:s2+$0xB0] =	vst v1;
	v1 =	vmul.f32 v49, v57  }
0x366: {  	[tilespmem:s2+$0x70] =	vst v2;
	v60 =	vld [tilespmem:s21+$0x70];
	v2 =	vmul.f32 v30, v56  }
0x367: {  	v4 =	vmul.f32 v7, v4;
	v61 =	vld [tilespmem:s21+$0xF0];
	[tilespmem:s14+$0xFFFFFF30] =	vst v1;
	v1 =	vmul.f32 v51, v59;
	v62 =	vpop (erf)  }
0x368: {  	[tilespmem:s14+$0xF0] =	vst v2;
	v2 =	vld [tilespmem:s21+$0x170];
	v6 =	vmul.f32 v50, v58;
	v3 =	vmul.f32 v62, v3  }
0x369: {  	[tilespmem:s2+$0xFFFFFFF0] =	vst v4  }
0x36a: {  	[tilespmem:s14+$0xFFFFFF70] =	vst v6;
	v63 =	vpop (erf)  }
0x36b: {  	[tilespmem:s14+$0xFFFFFFB0] =	vst v1;
	v1 =	vpop (erf);
	v4 =	vmul.f32 v63, v60  }
0x36c: {  	[tilespmem:s14+$0xFFFFFFF0] =	vst v3;
	v1 =	vmul.f32 v1, v61;
	v3 =	vpop (erf)  }
0x36d: {  	s30 =	sadd.s32 $0x1, s30;
	[tilespmem:s14+$0x30] =	vst v4;
	v2 =	vmul.f32 v3, v2  }
0x36e: {  	s0 =	sand.u32 $0x3FFFFF80, s31;
	p1 =	sne.s32 s30, $0x27;
	[tilespmem:s14+$0x70] =	vst v1  }
.Ltmp5:
0x36f: {  	s0 =	sadd.s32 $0x2700, s0;
	[tilespmem:s14+$0xB0] =	vst v2;
	(pc) =	sbr.rel @p1 .LBB2_4-.Ltmp5, $4  }
0x370: {  	[spmem:s3] =	stream.indirect.scatter.add.f32 [tilespmem:s26], [sflag:$0x3], $0x40, s0, s20, $0xb8;
	[tilespmem:$0x1EE00] =	vst v63  }
0x371: {  	_ =	swait.ge [sflag:s18], $0x2000  }
0x372: {  	[sflag:s18] =	ssyncset.done $0x0  }
0x373: {  	[sflag:s18] =	ssyncadd.s32 $0xFFFFE000  }
.Ltmp6:
0x374: {  	(pc) =	sbr.rel @p0 .LBB2_13-.Ltmp6, $1  }
0x375: {  	_ =	sdelay $0x3  }
0x376: {  	s0 =	simm.s32 $0x0;
	s2 =	rddreg [dreg:$0x5]  }
0x377: {  	[tilespmem:s0], [sflag:$0x3] =	stream.linear.gather [hbm4b:s2+s0], $0x80, $0x38;
	[tilespmem:$0x1EE00] =	vst v63  }
0x378: {  	_ =	swait.ge [sflag:s18], $0x80  }
0x379: {  	[sflag:s18] =	ssyncset.done $0x0  }
0x37a: {  	s22 =	rddreg [dreg:$0x6];
	[sflag:s18] =	ssyncadd.s32 $0xFFFFFF80  }
0x37b: {  	[tilespmem:s19], [sflag:$0x3] =	stream.linear.gather [hbm4b:s22+s0], $0x80, $0x38;
	[tilespmem:$0x1EE00] =	vst v63  }
0x37c: {  	_ =	swait.ge [sflag:s18], $0x80  }
0x37d: {  	[sflag:s18] =	ssyncset.done $0x0  }
0x37e: {  	s30 =	simm.s32 $0x4E00;
	[sflag:s18] =	ssyncadd.s32 $0xFFFFFF80  }
0x37f: {  	[tilespmem:s30], [sflag:$0x1] =	stream.indirect.gather [hbm4b:s5+s20], $0x40, s19, s20, $0xb8;
	[tilespmem:$0x1EE00] =	vst v63  }
0x380: {  	s31 =	simm.s32 $0x8E00  }
0x381: {  	[tilespmem:s31], [sflag:$0x1] =	stream.indirect.gather [hbm4b:s1+s20], $0x80, s0, s20, $0xb8;
	[tilespmem:$0x1EE00] =	vst v63  }
0x382: {  	_ =	swait.ge [sflag:s25], $0x2000  }
0x383: {  	[sflag:s25] =	ssyncset.done $0x0  }
0x384: {  	[sflag:s25] =	ssyncadd.s32 $0xFFFFE000  }
0x385: {  	_ =	swait.ge [sflag:s25], $0x4000  }
0x386: {  	[sflag:s25] =	ssyncset.done $0x0  }
0x387: {  	s22 =	simm.s32 $0x4F00;
	[sflag:s25] =	ssyncadd.s32 $0xFFFFC000  }
0x388: {  	s21 =	simm.s32 $0x9000;
	v1 =	vld [tilespmem:s22+$0xC0]  }
0x389: {  	v2 =	vld [tilespmem:s21+$0x180];
	_ =	sdelay $0x1  }
0x38a: {  	v3 =	vld [tilespmem:s22+$0xFFFFFF40]  }
0x38b: {  	v4 =	vld [tilespmem:s21+$0xFFFFFE80]  }
0x38c: {  	v5 =	vld [tilespmem:s21+$0xFFFFFF00]  }
0x38d: {  	v6 =	vld [tilespmem:s22+$0xFFFFFFC0];
	v1 =	vadd.f32 v2, v1  }
0x38e: {  	v7 =	vld [tilespmem:s21+$0xFFFFFF80]  }
0x38f: {  	v2 =	vld [tilespmem:s22+$0xFFFFFF80];
	v1 =	vsub.f32 $0.0e+00, v1  }
0x390: {  	v8 =	vld [tilespmem:s22+$0x0]  }
0x391: {  	v9 =	vld [tilespmem:s21+$0x0];
	v1 =	vmul.f32 $1.442695020e+00, v1  }
0x392: {  	v10 =	vld [tilespmem:s22+$0xFFFFFF00]  }
0x393: {  	v3 =	vadd.f32 v4, v3;
	v4 =	vld [tilespmem:s22+$0x40];
	(erf) = vpow2.f32 v1  }
0x394: {  	v6 =	vadd.f32 v7, v6;
	v7 =	vld [tilespmem:s22+$0x80];
	v2 =	vadd.f32 v5, v2  }
0x395: {  	v3 =	vsub.f32 $0.0e+00, v3;
	v5 =	vld [tilespmem:s21+$0x80]  }
0x396: {  	v1 =	vld [tilespmem:s21+$0xFFFFFE00];
	v2 =	vsub.f32 $0.0e+00, v2  }
0x397: {  	v8 =	vadd.f32 v9, v8;
	v9 =	vld [tilespmem:s21+$0x100];
	v3 =	vmul.f32 $1.442695020e+00, v3  }
0x398: {  	v2 =	vmul.f32 $1.442695020e+00, v2  }
0x399: {  	v6 =	vsub.f32 $0.0e+00, v6;
	(erf) = vpow2.f32 v3  }
0x39a: {  	v3 =	vsub.f32 $0.0e+00, v8;
	(erf) = vpow2.f32 v2;
	v2 =	vadd.f32 v5, v4  }
0x39b: {  	v6 =	vmul.f32 $1.442695020e+00, v6;
	v1 =	vadd.f32 v1, v10  }
0x39c: {  	v3 =	vmul.f32 $1.442695020e+00, v3;
	v5 =	vadd.f32 v9, v7;
	v2 =	vsub.f32 $0.0e+00, v2;
	v4 =	vpop (erf)  }
0x39d: {  	(erf) = vpow2.f32 v6;
	v1 =	vsub.f32 $0.0e+00, v1;
	v4 =	vadd.f32 $1.000000000e+00, v4  }
0x39e: {  	(erf) = vpow2.f32 v3;
	v3 =	vsub.f32 $0.0e+00, v5;
	v2 =	vmul.f32 $1.442695020e+00, v2  }
0x39f: {  	v1 =	vmul.f32 $1.442695020e+00, v1;
	(erf) = vrcp.f32 v4  }
0x3a0: {  	v3 =	vmul.f32 $1.442695020e+00, v3  }
0x3a1: {  	(erf) = vpow2.f32 v2  }
0x3a2: {  	v2 =	vpop (erf);
	(erf) = vpow2.f32 v3  }
0x3a3: {  	v2 =	vadd.f32 $1.000000000e+00, v2;
	(erf) = vpow2.f32 v1;
	v1 =	vpop (erf)  }
0x3a4: {  	v3 =	vld [tilespmem:s21+$0x1C0];
	v1 =	vadd.f32 $1.000000000e+00, v1  }
0x3a5: {  	(erf) = vrcp.f32 v2  }
0x3a6: {  	v4 =	vpop (erf)  }
0x3a7: {  	v2 =	vpop (erf)  }
0x3a8: {  	v4 =	vadd.f32 $1.000000000e+00, v4;
	(erf) = vrcp.f32 v1;
	v1 =	vpop (erf)  }
0x3a9: {  	v1 =	vmul.f32 v1, v3  }
0x3aa: {  	s2 =	simm.s32 $0x10F00;
	v2 =	vadd.f32 $1.000000000e+00, v2;
	(erf) = vrcp.f32 v4;
	v3 =	vld [tilespmem:s21+$0xFFFFFEC0];
	v5 =	vpop (erf)  }
0x3ab: {  	v4 =	vld [tilespmem:s21+$0xFFFFFF40];
	[tilespmem:s2+$0xC0] =	vst v1;
	v1 =	vadd.f32 $1.000000000e+00, v5;
	v5 =	vpop (erf)  }
0x3ac: {  	(erf) = vrcp.f32 v2;
	v2 =	vld [tilespmem:s22+$0xD0];
	v5 =	vadd.f32 $1.000000000e+00, v5;
	v7 =	vpop (erf)  }
0x3ad: {  	v6 =	vld [tilespmem:s21+$0x190];
	(erf) = vrcp.f32 v1;
	v1 =	vadd.f32 $1.000000000e+00, v7  }
0x3ae: {  	v8 =	vld [tilespmem:s21+$0xFFFFFE40];
	v9 =	vpop (erf);
	(erf) = vrcp.f32 v5  }
0x3af: {  	v7 =	vld [tilespmem:s21+$0xFFFFFFC0];
	v3 =	vmul.f32 v9, v3;
	(erf) = vrcp.f32 v1  }
0x3b0: {  	v10 =	vld [tilespmem:s21+$0x140]  }
0x3b1: {  	v5 =	vld [tilespmem:s21+$0x40];
	v9 =	vpop (erf)  }
0x3b2: {  	v1 =	vld [tilespmem:s21+$0xC0];
	v4 =	vmul.f32 v9, v4;
	[tilespmem:s2+$0xFFFFFF40] =	vst v3;
	v2 =	vadd.f32 v6, v2  }
0x3b3: {  	v6 =	vld [tilespmem:s22+$0xFFFFFF50];
	v3 =	vpop (erf)  }
0x3b4: {  	[tilespmem:s2+$0xFFFFFF80] =	vst v4;
	v4 =	vld [tilespmem:s21+$0xFFFFFE90];
	v3 =	vmul.f32 v3, v7;
	v2 =	vsub.f32 $0.0e+00, v2  }
0x3b5: {  	v9 =	vld [tilespmem:s22+$0xFFFFFF90];
	v7 =	vpop (erf)  }
0x3b6: {  	[tilespmem:s2+$0xFFFFFFC0] =	vst v3;
	v3 =	vmul.f32 v7, v5;
	v5 =	vld [tilespmem:s21+$0xFFFFFF10];
	v2 =	vmul.f32 $1.442695020e+00, v2;
	v7 =	vpop (erf)  }
0x3b7: {  	v11 =	vld [tilespmem:s22+$0xFFFFFFD0];
	v1 =	vmul.f32 v7, v1;
	v7 =	vpop (erf)  }
0x3b8: {  	[tilespmem:s2+$0x0] =	vst v3;
	v3 =	vld [tilespmem:s21+$0xFFFFFF90];
	(erf) = vpow2.f32 v2;
	v12 =	vpop (erf)  }
0x3b9: {  	v2 =	vld [tilespmem:s22+$0x10];
	[tilespmem:s2+$0x40] =	vst v1;
	v1 =	vadd.f32 v4, v6;
	v4 =	vmul.f32 v12, v8  }
0x3ba: {  	v6 =	vld [tilespmem:s21+$0x10]  }
0x3bb: {  	v7 =	vmul.f32 v7, v10;
	v8 =	vld [tilespmem:s22+$0x50];
	[tilespmem:s2+$0xFFFFFF00] =	vst v4  }
0x3bc: {  	v5 =	vadd.f32 v5, v9;
	v9 =	vld [tilespmem:s22+$0xFFFFFF10]  }
0x3bd: {  	[tilespmem:s2+$0x80] =	vst v7;
	v1 =	vsub.f32 $0.0e+00, v1;
	v7 =	vld [tilespmem:s21+$0xFFFFFE10];
	v3 =	vadd.f32 v3, v11  }
0x3be: {  	v4 =	vld [tilespmem:s21+$0x90];
	v5 =	vsub.f32 $0.0e+00, v5  }
0x3bf: {  	v1 =	vmul.f32 $1.442695020e+00, v1  }
0x3c0: {  	v5 =	vmul.f32 $1.442695020e+00, v5  }
0x3c1: {  	v10 =	vld [tilespmem:s22+$0x90];
	v2 =	vadd.f32 v6, v2;
	(erf) = vpow2.f32 v1;
	v1 =	vsub.f32 $0.0e+00, v3;
	v3 =	vpop (erf)  }
0x3c2: {  	v11 =	vld [tilespmem:s21+$0x110];
	(erf) = vpow2.f32 v5;
	v3 =	vadd.f32 $1.000000000e+00, v3;
	v5 =	vadd.f32 v7, v9  }
0x3c3: {  	v4 =	vadd.f32 v4, v8;
	v2 =	vsub.f32 $0.0e+00, v2  }
0x3c4: {  	v1 =	vmul.f32 $1.442695020e+00, v1;
	(erf) = vrcp.f32 v3;
	v3 =	vsub.f32 $0.0e+00, v5  }
0x3c5: {  	v4 =	vsub.f32 $0.0e+00, v4;
	v2 =	vmul.f32 $1.442695020e+00, v2  }
0x3c6: {  	(erf) = vpow2.f32 v1;
	v1 =	vmul.f32 $1.442695020e+00, v3  }
0x3c7: {  	v5 =	vadd.f32 v11, v10;
	v4 =	vmul.f32 $1.442695020e+00, v4  }
0x3c8: {  	(erf) = vpow2.f32 v2  }
0x3c9: {  	v3 =	vsub.f32 $0.0e+00, v5;
	(erf) = vpow2.f32 v4  }
0x3ca: {  	(erf) = vpow2.f32 v1;
	v1 =	vpop (erf)  }
0x3cb: {  	v2 =	vmul.f32 $1.442695020e+00, v3;
	v3 =	vld [tilespmem:s21+$0x1D0];
	v1 =	vadd.f32 $1.000000000e+00, v1;
	_ =	sdelay $0x2  }
0x3cc: {  	(erf) = vpow2.f32 v2;
	v4 =	vpop (erf)  }
0x3cd: {  	v2 =	vadd.f32 $1.000000000e+00, v4;
	(erf) = vrcp.f32 v1;
	v1 =	vpop (erf)  }
0x3ce: {  	v1 =	vmul.f32 v1, v3;
	_ =	sdelay $0x2  }
0x3cf: {  	(erf) = vrcp.f32 v2;
	v2 =	vpop (erf)  }
0x3d0: {  	[tilespmem:s2+$0xD0] =	vst v1;
	v1 =	vpop (erf)  }
0x3d1: {  	v5 =	vpop (erf)  }
0x3d2: {  	v2 =	vadd.f32 $1.000000000e+00, v2;
	v4 =	vld [tilespmem:s22+$0xE0];
	v1 =	vadd.f32 $1.000000000e+00, v1;
	v7 =	vpop (erf)  }
0x3d3: {  	v6 =	vld [tilespmem:s21+$0x1A0];
	v7 =	vadd.f32 $1.000000000e+00, v7  }
0x3d4: {  	(erf) = vrcp.f32 v2;
	v2 =	vld [tilespmem:s21+$0xFFFFFF50];
	v5 =	vadd.f32 $1.000000000e+00, v5  }
0x3d5: {  	(erf) = vrcp.f32 v1  }
0x3d6: {  	(erf) = vrcp.f32 v5;
	v1 =	vpop (erf)  }
0x3d7: {  	v3 =	vld [tilespmem:s21+$0xFFFFFED0];
	(erf) = vrcp.f32 v7;
	v7 =	vpop (erf)  }
0x3d8: {  	v4 =	vadd.f32 v6, v4;
	v6 =	vpop (erf)  }
0x3d9: {  	v5 =	vld [tilespmem:s21+$0xFFFFFFD0];
	v2 =	vmul.f32 v6, v2;
	_ =	sdelay $0x2  }
0x3da: {  	v8 =	vld [tilespmem:s21+$0xFFFFFE50];
	v1 =	vadd.f32 $1.000000000e+00, v1;
	v3 =	vmul.f32 v7, v3  }
0x3db: {  	v9 =	vld [tilespmem:s21+$0x50];
	[tilespmem:s2+$0xFFFFFF90] =	vst v2;
	v2 =	vpop (erf)  }
0x3dc: {  	v4 =	vsub.f32 $0.0e+00, v4;
	v7 =	vld [tilespmem:s21+$0xD0];
	[tilespmem:s2+$0xFFFFFF50] =	vst v3;
	v5 =	vmul.f32 v2, v5  }
0x3dd: {  	v3 =	vld [tilespmem:s22+$0xFFFFFF60]  }
0x3de: {  	v4 =	vmul.f32 $1.442695020e+00, v4;
	(erf) = vrcp.f32 v1;
	v6 =	vld [tilespmem:s21+$0xFFFFFEA0];
	v1 =	vpop (erf)  }
0x3df: {  	v11 =	vld [tilespmem:s22+$0xFFFFFFA0];
	v13 =	vpop (erf)  }
0x3e0: {  	v12 =	vld [tilespmem:s21+$0xFFFFFF20];
	(erf) = vpow2.f32 v4;
	v4 =	vmul.f32 v1, v9;
	[tilespmem:s2+$0xFFFFFFD0] =	vst v5;
	v5 =	vpop (erf)  }
0x3e1: {  	v5 =	vmul.f32 v5, v8  }
0x3e2: {  	[tilespmem:s2+$0x10] =	vst v4;
	v4 =	vld [tilespmem:s21+$0xFFFFFFA0]  }
0x3e3: {  	v3 =	vadd.f32 v6, v3;
	v8 =	vld [tilespmem:s22+$0xFFFFFFE0];
	[tilespmem:s2+$0xFFFFFF10] =	vst v5  }
0x3e4: {  	v9 =	vld [tilespmem:s22+$0xFFFFFF20]  }
0x3e5: {  	v6 =	vmul.f32 v13, v7;
	v7 =	vadd.f32 v12, v11;
	v3 =	vsub.f32 $0.0e+00, v3;
	v11 =	vld [tilespmem:s21+$0xFFFFFE20];
	_ =	sdelay $0x1  }
0x3e6: {  	[tilespmem:s2+$0x50] =	vst v6;
	v6 =	vsub.f32 $0.0e+00, v7;
	v7 =	vld [tilespmem:s21+$0x20];
	v3 =	vmul.f32 $1.442695020e+00, v3  }
0x3e7: {  	v12 =	vpop (erf);
	v13 =	vld [tilespmem:s22+$0x60]  }
0x3e8: {  	v5 =	vld [tilespmem:s22+$0x20];
	v6 =	vmul.f32 $1.442695020e+00, v6;
	(erf) = vpow2.f32 v3;
	v4 =	vadd.f32 v4, v8;
	v8 =	vpop (erf)  }
0x3e9: {  	v3 =	vld [tilespmem:s21+$0xA0];
	v8 =	vadd.f32 $1.000000000e+00, v8;
	v9 =	vadd.f32 v11, v9  }
0x3ea: {  	s13 =	simm.s32 $0x5100;
	(erf) = vpow2.f32 v6  }
0x3eb: {  	s0 =	simm.s32 $0x9400;
	v14 =	vld [tilespmem:s13+$0xC0];
	(erf) = vrcp.f32 v8;
	v8 =	vsub.f32 $0.0e+00, v9  }
0x3ec: {  	v6 =	vld [tilespmem:s0+$0x180];
	v4 =	vsub.f32 $0.0e+00, v4  }
0x3ed: {  	v5 =	vadd.f32 v7, v5;
	v7 =	vld [tilespmem:s13+$0xFFFFFF40];
	v8 =	vmul.f32 $1.442695020e+00, v8  }
0x3ee: {  	v3 =	vadd.f32 v3, v13;
	v13 =	vld [tilespmem:s0+$0xFFFFFF00];
	v4 =	vmul.f32 $1.442695020e+00, v4  }
0x3ef: {  	v9 =	vld [tilespmem:s0+$0xFFFFFE80]  }
0x3f0: {  	v5 =	vsub.f32 $0.0e+00, v5;
	(erf) = vpow2.f32 v4;
	v4 =	vld [tilespmem:s13+$0xFFFFFF80]  }
0x3f1: {  	v15 =	vld [tilespmem:s13+$0xFFFFFFC0];
	v6 =	vadd.f32 v6, v14;
	v3 =	vsub.f32 $0.0e+00, v3;
	(erf) = vpow2.f32 v8;
	v8 =	vpop (erf)  }
0x3f2: {  	v14 =	vld [tilespmem:s21+$0x1E0];
	v5 =	vmul.f32 $1.442695020e+00, v5;
	v8 =	vadd.f32 $1.000000000e+00, v8  }
0x3f3: {  	v16 =	vld [tilespmem:s13+$0x0];
	v6 =	vsub.f32 $0.0e+00, v6;
	v3 =	vmul.f32 $1.442695020e+00, v3  }
0x3f4: {  	(erf) = vpow2.f32 v5;
	v5 =	vadd.f32 v9, v7;
	v7 =	vld [tilespmem:s0+$0xFFFFFF80]  }
0x3f5: {  	v10 =	vld [tilespmem:s21+$0x150];
	v6 =	vmul.f32 $1.442695020e+00, v6;
	(erf) = vpow2.f32 v3;
	v4 =	vadd.f32 v13, v4;
	v9 =	vpop (erf)  }
0x3f6: {  	v13 =	vld [tilespmem:s13+$0x40];
	v3 =	vsub.f32 $0.0e+00, v5;
	(erf) = vrcp.f32 v8;
	v8 =	vpop (erf)  }
0x3f7: {  	v5 =	vld [tilespmem:s0+$0x0];
	v4 =	vsub.f32 $0.0e+00, v4;
	(erf) = vpow2.f32 v6;
	v6 =	vmul.f32 v8, v14  }
0x3f8: {  	v8 =	vadd.f32 $1.000000000e+00, v9;
	v9 =	vld [tilespmem:s0+$0x80]  }
0x3f9: {  	v11 =	vld [tilespmem:s0+$0xFFFFFE00];
	v3 =	vmul.f32 $1.442695020e+00, v3;
	v7 =	vadd.f32 v7, v15;
	v4 =	vmul.f32 $1.442695020e+00, v4;
	v14 =	vpop (erf);
	[tilespmem:s2+$0xE0] =	vst v6  }
0x3fa: {  	(erf) = vrcp.f32 v8;
	v6 =	vadd.f32 $1.000000000e+00, v14;
	v14 =	vpop (erf);
	v8 =	vld [tilespmem:s22+$0xF0]  }
0x3fb: {  	(erf) = vpow2.f32 v3;
	v3 =	vsub.f32 $0.0e+00, v7;
	v7 =	vld [tilespmem:s21+$0x1B0];
	v14 =	vadd.f32 $1.000000000e+00, v14  }
0x3fc: {  	v15 =	vld [tilespmem:s13+$0x80];
	v5 =	vadd.f32 v5, v16;
	(erf) = vrcp.f32 v6  }
0x3fd: {  	v16 =	vld [tilespmem:s13+$0xFFFFFF00];
	(erf) = vpow2.f32 v4;
	v4 =	vpop (erf);
	v9 =	vadd.f32 v9, v13  }
0x3fe: {  	v10 =	vmul.f32 v12, v10;
	v5 =	vsub.f32 $0.0e+00, v5;
	v6 =	vld [tilespmem:s0+$0x100];
	v17 =	vmul.f32 $1.442695020e+00, v3;
	v13 =	vpop (erf)  }
0x3ff: {  	v4 =	vadd.f32 $1.000000000e+00, v4;
	(erf) = vrcp.f32 v14;
	v9 =	vsub.f32 $0.0e+00, v9;
	v14 =	vpop (erf)  }
0x400: {  	v5 =	vmul.f32 $1.442695020e+00, v5;
	(erf) = vpow2.f32 v17;
	v18 =	vpop (erf);
	v7 =	vadd.f32 v7, v8  }
0x401: {  	(erf) = vrcp.f32 v4;
	v4 =	vmul.f32 $1.442695020e+00, v9;
	v9 =	vadd.f32 $1.000000000e+00, v18  }
0x402: {  	v11 =	vadd.f32 v11, v16;
	(erf) = vpow2.f32 v5;
	v5 =	vsub.f32 $0.0e+00, v7  }
0x403: {  	v6 =	vadd.f32 v6, v15;
	v7 =	vadd.f32 $1.000000000e+00, v13  }
0x404: {  	[tilespmem:s2+$0x90] =	vst v10;
	v10 =	vsub.f32 $0.0e+00, v11;
	(erf) = vrcp.f32 v9  }
0x405: {  	v2 =	vld [tilespmem:s21+$0xFFFFFEE0];
	v6 =	vsub.f32 $0.0e+00, v6;
	v9 =	vpop (erf);
	(erf) = vpow2.f32 v4  }
0x406: {  	v16 =	vld [tilespmem:s22+$0xA0];
	v10 =	vmul.f32 $1.442695020e+00, v10;
	v4 =	vmul.f32 $1.442695020e+00, v5;
	v5 =	vpop (erf)  }
0x407: {  	v18 =	vld [tilespmem:s21+$0x120];
	v6 =	vmul.f32 $1.442695020e+00, v6;
	(erf) = vrcp.f32 v7;
	v7 =	vpop (erf)  }
0x408: {  	v20 =	vld [tilespmem:s0+$0x1C0];
	(erf) = vpow2.f32 v4;
	v4 =	vadd.f32 $1.000000000e+00, v5;
	v5 =	vpop (erf)  }
0x409: {  	(erf) = vpow2.f32 v6;
	v6 =	vld [tilespmem:s21+$0xFFFFFE60];
	v19 =	vpop (erf);
	v5 =	vadd.f32 $1.000000000e+00, v5  }
0x40a: {  	(erf) = vpow2.f32 v10;
	v10 =	vpop (erf)  }
0x40b: {  	v2 =	vmul.f32 v14, v2;
	v14 =	vpop (erf)  }
0x40c: {  	v1 =	vld [tilespmem:s21+$0xFFFFFF60];
	v16 =	vadd.f32 v18, v16;
	(erf) = vrcp.f32 v4;
	v23 =	vpop (erf)  }
0x40d: {  	v21 =	vld [tilespmem:s21+$0xFFFFFFE0];
	v10 =	vadd.f32 $1.000000000e+00, v10;
	(erf) = vrcp.f32 v5;
	v5 =	vpop (erf)  }
0x40e: {  	v12 =	vld [tilespmem:s0+$0xFFFFFEC0];
	v16 =	vsub.f32 $0.0e+00, v16;
	v6 =	vmul.f32 v19, v6;
	v5 =	vmul.f32 v5, v20;
	v19 =	vpop (erf)  }
0x40f: {  	s14 =	simm.s32 $0x11100;
	v3 =	vld [tilespmem:s0+$0xFFFFFE40];
	(erf) = vrcp.f32 v10;
	v10 =	vadd.f32 $1.000000000e+00, v19  }
0x410: {  	v17 =	vld [tilespmem:s0+$0xFFFFFF40];
	v18 =	vadd.f32 $1.000000000e+00, v23;
	[tilespmem:s14+$0xC0] =	vst v5;
	v5 =	vmul.f32 $1.442695020e+00, v16  }
0x411: {  	v11 =	vld [tilespmem:s0+$0x140];
	v19 =	vpop (erf)  }
0x412: {  	v8 =	vld [tilespmem:s0+$0xFFFFFFC0];
	[tilespmem:s2+$0xFFFFFF60] =	vst v2;
	(erf) = vrcp.f32 v18;
	v16 =	vpop (erf)  }
0x413: {  	v20 =	vld [tilespmem:s22+$0xFFFFFF70];
	(erf) = vrcp.f32 v10;
	v10 =	vpop (erf)  }
0x414: {  	[tilespmem:s2+$0xFFFFFF20] =	vst v6;
	v6 =	vld [tilespmem:s21+$0xFFFFFEB0];
	(erf) = vpow2.f32 v5;
	v5 =	vpop (erf)  }
0x415: {  	v15 =	vld [tilespmem:s0+$0x40];
	v16 =	vadd.f32 $1.000000000e+00, v16;
	v5 =	vadd.f32 $1.000000000e+00, v5  }
0x416: {  	v13 =	vld [tilespmem:s0+$0xC0];
	v1 =	vmul.f32 v9, v1;
	v10 =	vadd.f32 $1.000000000e+00, v10  }
0x417: {  	v9 =	vld [tilespmem:s13+$0xD0];
	(erf) = vrcp.f32 v16  }
0x418: {  	[tilespmem:s2+$0xFFFFFFA0] =	vst v1;
	v1 =	vmul.f32 v7, v21;
	v52 =	vld [tilespmem:s0+$0x190];
	v7 =	vpop (erf);
	(erf) = vrcp.f32 v10  }
0x419: {  	v18 =	vld [tilespmem:s22+$0xFFFFFF30];
	v6 =	vadd.f32 v6, v20;
	(erf) = vrcp.f32 v5;
	v5 =	vpop (erf)  }
0x41a: {  	v53 =	vld [tilespmem:s21+$0xFFFFFE30];
	v7 =	vmul.f32 v7, v12;
	v12 =	vmul.f32 v5, v17  }
0x41b: {  	v4 =	vld [tilespmem:s21+$0xE0];
	v6 =	vsub.f32 $0.0e+00, v6  }
0x41c: {  	[tilespmem:s2+$0xFFFFFFE0] =	vst v1;
	v1 =	vld [tilespmem:s21+$0xFFFFFF30]  }
0x41d: {  	v10 =	vld [tilespmem:s22+$0xFFFFFFB0];
	v9 =	vadd.f32 v52, v9;
	[tilespmem:s14+$0xFFFFFF40] =	vst v7;
	v6 =	vmul.f32 $1.442695020e+00, v6;
	v17 =	vpop (erf)  }
0x41e: {  	v16 =	vld [tilespmem:s13+$0xFFFFFF50];
	v8 =	vmul.f32 v17, v8;
	[tilespmem:s14+$0xFFFFFF80] =	vst v12;
	v12 =	vpop (erf)  }
0x41f: {  	v18 =	vadd.f32 v53, v18;
	v9 =	vsub.f32 $0.0e+00, v9;
	v17 =	vld [tilespmem:s0+$0xFFFFFE90];
	v54 =	vpop (erf)  }
0x420: {  	v20 =	vld [tilespmem:s13+$0xFFFFFF90];
	[tilespmem:s14+$0xFFFFFFC0] =	vst v8;
	v8 =	vmul.f32 v12, v15;
	v15 =	vpop (erf)  }
0x421: {  	v9 =	vmul.f32 $1.442695020e+00, v9;
	v55 =	vld [tilespmem:s13+$0xFFFFFFD0];
	(erf) = vpow2.f32 v6;
	v6 =	vpop (erf)  }
0x422: {  	v12 =	vld [tilespmem:s0+$0xFFFFFF10];
	v56 =	vpop (erf)  }
0x423: {  	[tilespmem:s14+$0x0] =	vst v8;
	v8 =	vmul.f32 v54, v13;
	v13 =	vld [tilespmem:s0+$0xFFFFFF90];
	(erf) = vpow2.f32 v9;
	v9 =	vsub.f32 $0.0e+00, v18;
	v18 =	vpop (erf)  }
0x424: {  	v1 =	vadd.f32 v1, v10;
	v10 =	vld [tilespmem:s13+$0x10];
	v3 =	vmul.f32 v18, v3  }
0x425: {  	v15 =	vadd.f32 $1.000000000e+00, v15;
	[tilespmem:s14+$0x40] =	vst v8;
	v8 =	vadd.f32 v17, v16;
	v16 =	vld [tilespmem:s0+$0x10]  }
0x426: {  	v1 =	vsub.f32 $0.0e+00, v1;
	v11 =	vmul.f32 v56, v11;
	v17 =	vld [tilespmem:s13+$0x50];
	[tilespmem:s14+$0xFFFFFF00] =	vst v3  }
0x427: {  	(erf) = vrcp.f32 v15;
	v9 =	vmul.f32 $1.442695020e+00, v9;
	v12 =	vadd.f32 v12, v20;
	v15 =	vld [tilespmem:s13+$0xFFFFFF10]  }
0x428: {  	v1 =	vmul.f32 $1.442695020e+00, v1;
	v8 =	vsub.f32 $0.0e+00, v8;
	[tilespmem:s14+$0x80] =	vst v11;
	v11 =	vld [tilespmem:s0+$0xFFFFFE10]  }
0x429: {  	v3 =	vld [tilespmem:s0+$0x90];
	(erf) = vpow2.f32 v9;
	v9 =	vsub.f32 $0.0e+00, v12  }
0x42a: {  	v12 =	vld [tilespmem:s13+$0x90];
	v8 =	vmul.f32 $1.442695020e+00, v8;
	(erf) = vpow2.f32 v1;
	v1 =	vadd.f32 v13, v55  }
0x42b: {  	v18 =	vld [tilespmem:s0+$0x110];
	v9 =	vmul.f32 $1.442695020e+00, v9;
	v13 =	vpop (erf)  }
0x42c: {  	v22 =	vld [tilespmem:s21+$0x60];
	(erf) = vpow2.f32 v8;
	v1 =	vsub.f32 $0.0e+00, v1;
	v8 =	vadd.f32 v16, v10;
	v16 =	vpop (erf)  }
0x42d: {  	v4 =	vmul.f32 v19, v4;
	v16 =	vadd.f32 $1.000000000e+00, v16;
	v11 =	vadd.f32 v11, v15  }
0x42e: {  	v2 =	vld [tilespmem:s21+$0x160];
	(erf) = vpow2.f32 v9;
	v3 =	vadd.f32 v3, v17;
	v8 =	vsub.f32 $0.0e+00, v8  }
0x42f: {  	v60 =	vld [tilespmem:s21+$0xFFFFFEF0];
	v1 =	vmul.f32 $1.442695020e+00, v1;
	(erf) = vrcp.f32 v16;
	v11 =	vsub.f32 $0.0e+00, v11  }
0x430: {  	v7 =	vld [tilespmem:s22+$0xFFFFFFF0];
	v12 =	vadd.f32 v18, v12;
	v3 =	vsub.f32 $0.0e+00, v3;
	v8 =	vmul.f32 $1.442695020e+00, v8  }
0x431: {  	v5 =	vld [tilespmem:s21+$0x1F0];
	v9 =	vmul.f32 v14, v22;
	v11 =	vmul.f32 $1.442695020e+00, v11  }
0x432: {  	v20 =	vld [tilespmem:s0+$0xD0];
	v18 =	vpop (erf);
	v12 =	vsub.f32 $0.0e+00, v12;
	v3 =	vmul.f32 $1.442695020e+00, v3;
	(erf) = vpow2.f32 v1  }
0x433: {  	v57 =	vld [tilespmem:s0+$0x150];
	v2 =	vmul.f32 v18, v2;
	v1 =	vpop (erf);
	(erf) = vpow2.f32 v8  }
0x434: {  	[tilespmem:s2+$0x20] =	vst v9;
	v9 =	vmul.f32 $1.442695020e+00, v12;
	v12 =	vld [tilespmem:s0+$0x1D0];
	v1 =	vadd.f32 $1.000000000e+00, v1;
	v8 =	vpop (erf);
	(erf) = vpow2.f32 v3  }
0x435: {  	v10 =	vld [tilespmem:s0+$0xFFFFFE50];
	(erf) = vpow2.f32 v11;
	v11 =	vpop (erf)  }
0x436: {  	v3 =	vld [tilespmem:s21+$0xFFFFFFB0];
	(erf) = vrcp.f32 v1;
	v11 =	vadd.f32 $1.000000000e+00, v11  }
0x437: {  	[tilespmem:s2+$0x60] =	vst v4;
	v17 =	vld [tilespmem:s0+$0xFFFFFED0];
	v1 =	vadd.f32 $1.000000000e+00, v13;
	(erf) = vpow2.f32 v9;
	v4 =	vpop (erf)  }
0x438: {  	v19 =	vld [tilespmem:s22+$0x30];
	[tilespmem:s2+$0xA0] =	vst v2;
	v4 =	vadd.f32 $1.000000000e+00, v4;
	(erf) = vrcp.f32 v11;
	v2 =	vpop (erf)  }
0x439: {  	v13 =	vld [tilespmem:s21+$0xB0];
	(erf) = vrcp.f32 v1;
	v1 =	vmul.f32 v2, v12  }
0x43a: {  	v11 =	vld [tilespmem:s22+$0x70];
	(erf) = vrcp.f32 v4;
	v4 =	vadd.f32 $1.000000000e+00, v8  }
0x43b: {  	v9 =	vld [tilespmem:s21+$0x30];
	v3 =	vadd.f32 v3, v7  }
0x43c: {  	v2 =	vld [tilespmem:s22+$0xB0];
	v8 =	vpop (erf)  }
0x43d: {  	v12 =	vld [tilespmem:s21+$0x130];
	v3 =	vsub.f32 $0.0e+00, v3;
	v7 =	vadd.f32 $1.000000000e+00, v8;
	[tilespmem:s14+$0xD0] =	vst v1;
	v1 =	vpop (erf)  }
0x43e: {  	(erf) = vrcp.f32 v4;
	v18 =	vld [tilespmem:s13+$0xE0];
	v4 =	vpop (erf)  }
0x43f: {  	v58 =	vld [tilespmem:s0+$0x1A0];
	(erf) = vrcp.f32 v7;
	v11 =	vadd.f32 v13, v11;
	v1 =	vadd.f32 $1.000000000e+00, v1;
	v59 =	vpop (erf)  }
0x440: {  	v14 =	vld [tilespmem:s0+$0xFFFFFF50];
	v4 =	vadd.f32 $1.000000000e+00, v4;
	v7 =	vadd.f32 $1.000000000e+00, v59;
	v24 =	vpop (erf)  }
0x441: {  	v15 =	vld [tilespmem:s0+$0xFFFFFFD0];
	(erf) = vrcp.f32 v1;
	v1 =	vadd.f32 v9, v19;
	v9 =	vmul.f32 $1.442695020e+00, v3;
	v3 =	vpop (erf)  }
0x442: {  	v16 =	vld [tilespmem:s0+$0x50];
	v11 =	vsub.f32 $0.0e+00, v11;
	(erf) = vrcp.f32 v4;
	v13 =	vadd.f32 $1.000000000e+00, v3  }
0x443: {  	v8 =	vld [tilespmem:s21+$0xFFFFFE70];
	(erf) = vrcp.f32 v7;
	v3 =	vpop (erf);
	v1 =	vsub.f32 $0.0e+00, v1;
	v7 =	vadd.f32 v12, v2  }
0x444: {  	v19 =	vld [tilespmem:s21+$0xFFFFFF70];
	v18 =	vadd.f32 v58, v18;
	v11 =	vmul.f32 $1.442695020e+00, v11;
	v12 =	vmul.f32 v3, v17;
	v17 =	vpop (erf)  }
0x445: {  	v4 =	vld [tilespmem:s21+$0xFFFFFFF0];
	v61 =	vpop (erf);
	(erf) = vrcp.f32 v13;
	v13 =	vmul.f32 $1.442695020e+00, v1;
	v7 =	vsub.f32 $0.0e+00, v7  }
0x446: {  	v2 =	vld [tilespmem:s21+$0xF0];
	v18 =	vsub.f32 $0.0e+00, v18;
	[tilespmem:s14+$0xFFFFFF50] =	vst v12;
	v12 =	vmul.f32 v61, v14;
	(erf) = vpow2.f32 v9  }
0x447: {  	v3 =	vld [tilespmem:s21+$0x70];
	v9 =	vpop (erf);
	v7 =	vmul.f32 $1.442695020e+00, v7;
	(erf) = vpow2.f32 v13  }
0x448: {  	v18 =	vmul.f32 $1.442695020e+00, v18;
	v14 =	vld [tilespmem:s13+$0xFFFFFF60];
	(erf) = vpow2.f32 v11;
	v11 =	vpop (erf)  }
0x449: {  	[tilespmem:s14+$0xFFFFFF90] =	vst v12;
	v12 =	vld [tilespmem:s0+$0xFFFFFEA0];
	v11 =	vmul.f32 v11, v15  }
0x44a: {  	v1 =	vld [tilespmem:s21+$0x170]  }
0x44b: {  	v13 =	vld [tilespmem:s13+$0xFFFFFFA0];
	(erf) = vpow2.f32 v7;
	v7 =	vpop (erf)  }
0x44c: {  	v15 =	vld [tilespmem:s0+$0xFFFFFF20];
	(erf) = vpow2.f32 v18;
	v18 =	vpop (erf)  }
0x44d: {  	v62 =	vmul.f32 v6, v5;
	v6 =	vld [tilespmem:s0+$0xFFFFFEE0];
	[tilespmem:s14+$0xFFFFFFD0] =	vst v11;
	v7 =	vmul.f32 v7, v16;
	v11 =	vpop (erf)  }
0x44e: {  	v5 =	vld [tilespmem:s0+$0xFFFFFF60];
	v10 =	vmul.f32 v11, v10;
	v11 =	vadd.f32 v12, v14  }
0x44f: {  	v63 =	vld [tilespmem:s0+$0xFFFFFFA0];
	[tilespmem:s14+$0x10] =	vst v7;
	v14 =	vmul.f32 v17, v60  }
0x450: {  	v8 =	vmul.f32 v24, v8;
	v12 =	vld [tilespmem:s13+$0xFFFFFFE0];
	[tilespmem:s14+$0xFFFFFF10] =	vst v10;
	v10 =	vsub.f32 $0.0e+00, v11  }
0x451: {  	[tilespmem:s2+$0xF0] =	vst v62;
	v16 =	vpop (erf);
	v7 =	vld [tilespmem:s13+$0x20];
	v11 =	vadd.f32 v15, v13  }
0x452: {  	[tilespmem:s2+$0xFFFFFF30] =	vst v8;
	v13 =	vmul.f32 v18, v20;
	v15 =	vpop (erf);
	v8 =	vld [tilespmem:s13+$0xFFFFFF20];
	v18 =	vmul.f32 $1.442695020e+00, v10  }
0x453: {  	v17 =	vmul.f32 v9, v19;
	[tilespmem:s2+$0xFFFFFF70] =	vst v14;
	v9 =	vld [tilespmem:s0+$0xFFFFFE20];
	v11 =	vsub.f32 $0.0e+00, v11;
	v14 =	vpop (erf)  }
0x454: {  	v19 =	vadd.f32 $1.000000000e+00, v15;
	[tilespmem:s14+$0x50] =	vst v13;
	v13 =	vmul.f32 v16, v57;
	v10 =	vld [tilespmem:s0+$0x20];
	v14 =	vadd.f32 $1.000000000e+00, v14;
	v15 =	vpop (erf)  }
0x455: {  	[tilespmem:s2+$0xFFFFFFB0] =	vst v17;
	v17 =	vadd.f32 v63, v12;
	v16 =	vmul.f32 $1.442695020e+00, v11;
	v11 =	vld [tilespmem:s13+$0x60];
	(erf) = vpow2.f32 v18;
	v12 =	vpop (erf)  }
0x456: {  	s4 =	simm.s32 $0x5300;
	s22 =	simm.s32 $0x8;
	s21 =	simm.s32 $0x9400;
	[tilespmem:s14+$0x90] =	vst v13;
	v13 =	vld [tilespmem:s0+$0xA0];
	v15 =	vadd.f32 $1.000000000e+00, v15;
	v12 =	vadd.f32 $1.000000000e+00, v12;
	(erf) = vrcp.f32 v19;
	v18 =	vpop (erf)  }
.LBB2_11:
0x457: {  	v19 =	vld [tilespmem:s4+$0xC0];
	v17 =	vsub.f32 $0.0e+00, v17;
	v18 =	vadd.f32 $1.000000000e+00, v18;
	s0 =	sadd.s32 $0x400, s0;
	(erf) = vpow2.f32 v16  }
0x458: {  	v16 =	vld [tilespmem:s0+$0x180];
	v8 =	vadd.f32 v9, v8;
	(erf) = vrcp.f32 v14  }
0x459: {  	v9 =	vld [tilespmem:s0+$0xFFFFFE00];
	v14 =	vmul.f32 $1.442695020e+00, v17;
	v7 =	vadd.f32 v10, v7;
	(erf) = vrcp.f32 v18  }
0x45a: {  	v10 =	vld [tilespmem:s4+$0xFFFFFF40];
	v8 =	vsub.f32 $0.0e+00, v8;
	(erf) = vrcp.f32 v15  }
0x45b: {  	s22 =	sadd.s32 $0x8, s22;
	v15 =	vld [tilespmem:s0+$0xFFFFFE80];
	v7 =	vsub.f32 $0.0e+00, v7;
	v11 =	vadd.f32 v13, v11;
	(erf) = vpow2.f32 v14  }
0x45c: {  	p1 =	slt.u32 s22, $0x78;
	v13 =	vld [tilespmem:s4+$0xFFFFFF80];
	v17 =	vmul.f32 $1.442695020e+00, v8;
	(erf) = vrcp.f32 v12  }
0x45d: {  	v12 =	vld [tilespmem:s0+$0xFFFFFF00];
	v14 =	vadd.f32 v16, v19;
	v21 =	vmul.f32 $1.442695020e+00, v7;
	v11 =	vsub.f32 $0.0e+00, v11  }
0x45e: {  	v16 =	vld [tilespmem:s21+$0x1E0];
	(erf) = vpow2.f32 v17;
	v8 =	vpop (erf)  }
0x45f: {  	v17 =	vld [tilespmem:s4+$0xFFFFFFC0];
	v14 =	vsub.f32 $0.0e+00, v14;
	v19 =	vmul.f32 $1.442695020e+00, v11;
	(erf) = vpow2.f32 v21;
	v7 =	vpop (erf)  }
0x460: {  	v20 =	vadd.f32 $1.000000000e+00, v8;
	v10 =	vadd.f32 v15, v10;
	v15 =	vld [tilespmem:s0+$0xFFFFFF80];
	v18 =	vpop (erf);
	v4 =	vmul.f32 v7, v4  }
0x461: {  	v7 =	vld [tilespmem:s4+$0x0];
	v21 =	vmul.f32 $1.442695020e+00, v14;
	v22 =	vadd.f32 $1.000000000e+00, v18;
	(erf) = vpow2.f32 v19;
	v11 =	vpop (erf)  }
0x462: {  	v10 =	vsub.f32 $0.0e+00, v10;
	v12 =	vadd.f32 v12, v13;
	v13 =	vld [tilespmem:s0+$0x0];
	(erf) = vrcp.f32 v20;
	v8 =	vpop (erf);
	[tilespmem:s2+$0xFFFFFFF0] =	vst v4  }
0x463: {  	v4 =	vld [tilespmem:s4+$0x40];
	(erf) = vpow2.f32 v21;
	v19 =	vmul.f32 v8, v16;
	v14 =	vpop (erf)  }
0x464: {  	v10 =	vmul.f32 $1.442695020e+00, v10;
	v12 =	vsub.f32 $0.0e+00, v12;
	v16 =	vld [tilespmem:s0+$0x80];
	(erf) = vrcp.f32 v22;
	v18 =	vpop (erf)  }
0x465: {  	v3 =	vmul.f32 v11, v3;
	v20 =	vadd.f32 v15, v17;
	v17 =	vld [tilespmem:s4+$0x80];
	v18 =	vadd.f32 $1.000000000e+00, v18;
	[tilespmem:s14+$0xE0] =	vst v19;
	v8 =	vpop (erf)  }
0x466: {  	v11 =	vmul.f32 $1.442695020e+00, v12;
	(erf) = vpow2.f32 v10;
	v10 =	vld [tilespmem:s13+$0xF0]  }
0x467: {  	v12 =	vsub.f32 $0.0e+00, v20;
	v7 =	vadd.f32 v13, v7;
	v13 =	vld [tilespmem:s21+$0x1B0];
	v15 =	vpop (erf);
	(erf) = vrcp.f32 v18;
	[tilespmem:s2+$0x30] =	vst v3  }
0x468: {  	v14 =	vmul.f32 v14, v2;
	v3 =	vld [tilespmem:s0+$0x100];
	(erf) = vpow2.f32 v11;
	v19 =	vadd.f32 $1.000000000e+00, v15;
	v15 =	vpop (erf)  }
0x469: {  	v18 =	vld [tilespmem:s4+$0xFFFFFF00];
	v20 =	vmul.f32 $1.442695020e+00, v12;
	v7 =	vsub.f32 $0.0e+00, v7;
	v4 =	vadd.f32 v16, v4  }
0x46a: {  	v1 =	vmul.f32 v8, v1;
	v21 =	vadd.f32 $1.000000000e+00, v15;
	v2 =	vld [tilespmem:s0+$0xFFFFFE40];
	(erf) = vrcp.f32 v19;
	v11 =	vpop (erf);
	[tilespmem:s2+$0x70] =	vst v14  }
0x46b: {  	v8 =	vld [tilespmem:s0+$0xFFFFFEC0];
	v7 =	vmul.f32 $1.442695020e+00, v7;
	v4 =	vsub.f32 $0.0e+00, v4;
	(erf) = vpow2.f32 v20;
	v12 =	vpop (erf)  }
0x46c: {  	v11 =	vadd.f32 $1.000000000e+00, v11;
	v14 =	vld [tilespmem:s0+$0xFFFFFF40];
	v16 =	vpop (erf);
	v10 =	vadd.f32 v13, v10;
	(erf) = vrcp.f32 v21;
	[tilespmem:s2+$0xB0] =	vst v1;
	s2 =	smov.u32 s14  }
0x46d: {  	v13 =	vld [tilespmem:s0+$0xFFFFFFC0];
	v1 =	vmul.f32 $1.442695020e+00, v4;
	v3 =	vadd.f32 v3, v17;
	v4 =	vadd.f32 $1.000000000e+00, v16;
	v15 =	vpop (erf)  }
0x46e: {  	v9 =	vadd.f32 v9, v18;
	v16 =	vld [tilespmem:s0+$0x40];
	(erf) = vpow2.f32 v7;
	v19 =	vsub.f32 $0.0e+00, v10  }
0x46f: {  	v10 =	vld [tilespmem:s0+$0xC0];
	v20 =	vsub.f32 $0.0e+00, v3;
	v18 =	vpop (erf);
	(erf) = vrcp.f32 v4;
	v4 =	vmul.f32 v12, v6  }
0x470: {  	v6 =	vsub.f32 $0.0e+00, v9;
	v3 =	vld [tilespmem:s0+$0x140];
	(erf) = vpow2.f32 v1;
	v1 =	vmul.f32 $1.442695020e+00, v19;
	v7 =	vpop (erf)  }
0x471: {  	v9 =	vadd.f32 $1.000000000e+00, v18;
	v18 =	vmul.f32 $1.442695020e+00, v20;
	v17 =	vpop (erf);
	[tilespmem:s14+$0xFFFFFF60] =	vst v4;
	v4 =	vld [tilespmem:s13+$0xA0];
	(erf) = vrcp.f32 v11  }
0x472: {  	v19 =	vmul.f32 $1.442695020e+00, v6;
	v11 =	vadd.f32 $1.000000000e+00, v17;
	v17 =	vld [tilespmem:s21+$0x120];
	(erf) = vpow2.f32 v1  }
0x473: {  	v5 =	vmul.f32 v15, v5;
	(erf) = vpow2.f32 v18;
	v1 =	vld [tilespmem:s21+$0xFFFFFE60];
	v12 =	vpop (erf)  }
0x474: {  	v15 =	vld [tilespmem:s0+$0x1C0];
	(erf) = vpow2.f32 v19;
	v6 =	vpop (erf)  }
0x475: {  	v18 =	vadd.f32 $1.000000000e+00, v6;
	(erf) = vrcp.f32 v9;
	[tilespmem:s14+$0xFFFFFFA0] =	vst v5;
	v5 =	vld [tilespmem:s21+$0xFFFFFFE0];
	v9 =	vpop (erf)  }
0x476: {  	(erf) = vrcp.f32 v11;
	v11 =	vld [tilespmem:s21+$0x60]  }
0x477: {  	(erf) = vrcp.f32 v18;
	v6 =	vpop (erf);
	v18 =	vld [tilespmem:s21+$0xE0];
	v4 =	vadd.f32 v17, v4  }
0x478: {  	v6 =	vadd.f32 $1.000000000e+00, v6;
	v17 =	vpop (erf);
	v12 =	vmul.f32 v12, v1;
	v1 =	vld [tilespmem:s21+$0x160]  }
0x479: {  	v15 =	vmul.f32 v17, v15;
	v17 =	vpop (erf);
	v19 =	vld [tilespmem:s13+$0xFFFFFF70];
	v4 =	vsub.f32 $0.0e+00, v4  }
0x47a: {  	s14 =	sadd.s32 $0x200, s14;
	v20 =	vadd.f32 $1.000000000e+00, v17;
	(erf) = vrcp.f32 v6;
	[tilespmem:s2+$0xFFFFFF20] =	vst v12;
	v6 =	vld [tilespmem:s21+$0xFFFFFEB0];
	v5 =	vmul.f32 v7, v5;
	v7 =	vpop (erf)  }
0x47b: {  	[tilespmem:s14+$0xC0] =	vst v15;
	v12 =	vld [tilespmem:s13+$0xFFFFFF30];
	v21 =	vmul.f32 v9, v11;
	v4 =	vmul.f32 $1.442695020e+00, v4;
	v11 =	vpop (erf)  }
0x47c: {  	v15 =	vld [tilespmem:s4+$0xD0];
	(erf) = vrcp.f32 v20;
	v17 =	vpop (erf);
	[tilespmem:s2+$0xFFFFFFE0] =	vst v5;
	v5 =	vmul.f32 v7, v18;
	v20 =	vadd.f32 $1.000000000e+00, v11  }
0x47d: {  	v11 =	vadd.f32 $1.000000000e+00, v17;
	v17 =	vld [tilespmem:s0+$0x190];
	v18 =	vpop (erf);
	[tilespmem:s2+$0x20] =	vst v21;
	(erf) = vpow2.f32 v4  }
0x47e: {  	v21 =	vadd.f32 $1.000000000e+00, v18;
	v9 =	vpop (erf);
	v18 =	vld [tilespmem:s21+$0xFFFFFE30];
	[tilespmem:s2+$0x60] =	vst v5;
	(erf) = vrcp.f32 v20  }
0x47f: {  	v5 =	vmul.f32 v9, v8;
	v7 =	vpop (erf);
	(erf) = vrcp.f32 v11;
	v6 =	vadd.f32 v6, v19;
	v8 =	vld [tilespmem:s13+$0xFFFFFFB0]  }
0x480: {  	v7 =	vmul.f32 v7, v14;
	(erf) = vrcp.f32 v21;
	v4 =	vpop (erf);
	v9 =	vld [tilespmem:s21+$0xFFFFFF30]  }
0x481: {  	[tilespmem:s14+$0xFFFFFF40] =	vst v5;
	v13 =	vmul.f32 v4, v13;
	v6 =	vsub.f32 $0.0e+00, v6;
	v4 =	vld [tilespmem:s13+$0xFFFFFFF0]  }
0x482: {  	v11 =	vld [tilespmem:s4+$0xFFFFFF50];
	[tilespmem:s14+$0xFFFFFF80] =	vst v7;
	v7 =	vadd.f32 v17, v15  }
0x483: {  	[tilespmem:s14+$0xFFFFFFC0] =	vst v13;
	v5 =	vpop (erf);
	v12 =	vadd.f32 v18, v12;
	v6 =	vmul.f32 $1.442695020e+00, v6;
	v13 =	vld [tilespmem:s21+$0x1F0]  }
0x484: {  	v14 =	vld [tilespmem:s0+$0xFFFFFE90];
	v5 =	vmul.f32 v5, v16;
	v7 =	vsub.f32 $0.0e+00, v7  }
0x485: {  	v15 =	vld [tilespmem:s4+$0xFFFFFF90];
	v16 =	vpop (erf);
	v12 =	vsub.f32 $0.0e+00, v12;
	v8 =	vadd.f32 v9, v8;
	(erf) = vpow2.f32 v6  }
0x486: {  	v6 =	vld [tilespmem:s0+$0xFFFFFF10];
	[tilespmem:s14+$0x0] =	vst v5;
	v18 =	vmul.f32 v16, v10;
	v7 =	vmul.f32 $1.442695020e+00, v7;
	v9 =	vpop (erf)  }
0x487: {  	v10 =	vld [tilespmem:s4+$0xFFFFFFD0];
	v12 =	vmul.f32 $1.442695020e+00, v12;
	v8 =	vsub.f32 $0.0e+00, v8;
	v9 =	vadd.f32 $1.000000000e+00, v9;
	v16 =	vpop (erf)  }
0x488: {  	v17 =	vld [tilespmem:s0+$0xFFFFFF90];
	[tilespmem:s14+$0x40] =	vst v18;
	v5 =	vpop (erf);
	(erf) = vpow2.f32 v7;
	v7 =	vmul.f32 v16, v13  }
0x489: {  	v11 =	vadd.f32 v14, v11;
	v13 =	vld [tilespmem:s4+$0x10];
	v3 =	vmul.f32 v5, v3;
	v5 =	vpop (erf);
	(erf) = vrcp.f32 v9  }
0x48a: {  	v8 =	vmul.f32 $1.442695020e+00, v8;
	v2 =	vmul.f32 v5, v2;
	v5 =	vld [tilespmem:s0+$0x10];
	[tilespmem:s2+$0xF0] =	vst v7  }
0x48b: {  	v7 =	vsub.f32 $0.0e+00, v11;
	v6 =	vadd.f32 v6, v15;
	v9 =	vld [tilespmem:s4+$0x50];
	[tilespmem:s14+$0x80] =	vst v3;
	(erf) = vpow2.f32 v12  }
0x48c: {  	[tilespmem:s14+$0xFFFFFF00] =	vst v2;
	v2 =	vld [tilespmem:s0+$0x90];
	(erf) = vpow2.f32 v8  }
0x48d: {  	v3 =	vld [tilespmem:s4+$0xFFFFFF10];
	v7 =	vmul.f32 $1.442695020e+00, v7;
	v6 =	vsub.f32 $0.0e+00, v6;
	v8 =	vadd.f32 v17, v10  }
0x48e: {  	v10 =	vld [tilespmem:s0+$0xFFFFFE10];
	v11 =	vpop (erf)  }
0x48f: {  	v15 =	vmul.f32 $1.442695020e+00, v6;
	v8 =	vsub.f32 $0.0e+00, v8;
	v5 =	vadd.f32 v5, v13;
	v12 =	vld [tilespmem:s4+$0x90]  }
0x490: {  	v11 =	vadd.f32 $1.000000000e+00, v11;
	v13 =	vld [tilespmem:s0+$0x110];
	(erf) = vpow2.f32 v7  }
0x491: {  	v7 =	vld [tilespmem:s0+$0xFFFFFE50];
	v8 =	vmul.f32 $1.442695020e+00, v8;
	v5 =	vsub.f32 $0.0e+00, v5;
	v2 =	vadd.f32 v2, v9;
	v9 =	vpop (erf)  }
0x492: {  	v14 =	vld [tilespmem:s0+$0xFFFFFED0];
	v9 =	vadd.f32 $1.000000000e+00, v9;
	(erf) = vpow2.f32 v15;
	v6 =	vpop (erf)  }
0x493: {  	v3 =	vadd.f32 v10, v3;
	v15 =	vld [tilespmem:s0+$0xFFFFFF50];
	v16 =	vmul.f32 $1.442695020e+00, v5;
	v2 =	vsub.f32 $0.0e+00, v2  }
0x494: {  	v1 =	vmul.f32 v6, v1;
	v5 =	vld [tilespmem:s0+$0xFFFFFFD0];
	(erf) = vrcp.f32 v9;
	v6 =	vpop (erf)  }
0x495: {  	v3 =	vsub.f32 $0.0e+00, v3;
	v10 =	vld [tilespmem:s0+$0x50];
	v2 =	vmul.f32 $1.442695020e+00, v2;
	v12 =	vadd.f32 v13, v12;
	v13 =	vpop (erf)  }
0x496: {  	v6 =	vadd.f32 $1.000000000e+00, v6;
	v9 =	vld [tilespmem:s0+$0xD0];
	(erf) = vpow2.f32 v8;
	v13 =	vadd.f32 $1.000000000e+00, v13;
	[tilespmem:s2+$0xA0] =	vst v1  }
0x497: {  	v17 =	vmul.f32 $1.442695020e+00, v3;
	v8 =	vld [tilespmem:s0+$0x150];
	v3 =	vsub.f32 $0.0e+00, v12;
	(erf) = vpow2.f32 v16  }
0x498: {  	(erf) = vpow2.f32 v2;
	v2 =	vld [tilespmem:s21+$0xFFFFFFB0]  }
0x499: {  	v3 =	vmul.f32 $1.442695020e+00, v3;
	v12 =	vld [tilespmem:s0+$0x1D0];
	(erf) = vpow2.f32 v17;
	v1 =	vpop (erf)  }
0x49a: {  	v1 =	vadd.f32 $1.000000000e+00, v1;
	v16 =	vld [tilespmem:s13+$0x30];
	(erf) = vrcp.f32 v6  }
0x49b: {  	v6 =	vpop (erf);
	(erf) = vpow2.f32 v3;
	v3 =	vld [tilespmem:s21+$0x30]  }
0x49c: {  	v6 =	vadd.f32 $1.000000000e+00, v6;
	(erf) = vrcp.f32 v1;
	v1 =	vld [tilespmem:s13+$0x70]  }
0x49d: {  	v17 =	vpop (erf);
	v2 =	vadd.f32 v2, v4;
	v4 =	vld [tilespmem:s21+$0xB0];
	(erf) = vrcp.f32 v11  }
0x49e: {  	v19 =	vmul.f32 v17, v12;
	(erf) = vrcp.f32 v6;
	v6 =	vld [tilespmem:s13+$0xB0];
	s13 =	smov.u32 s4  }
0x49f: {  	v12 =	vpop (erf);
	v2 =	vsub.f32 $0.0e+00, v2;
	v17 =	vld [tilespmem:s21+$0x130];
	(erf) = vrcp.f32 v13  }
0x4a0: {  	v21 =	vadd.f32 $1.000000000e+00, v12;
	[tilespmem:s14+$0xD0] =	vst v19;
	v11 =	vpop (erf);
	v13 =	vld [tilespmem:s21+$0xFFFFFE70];
	v3 =	vadd.f32 v3, v16  }
0x4a1: {  	v11 =	vadd.f32 $1.000000000e+00, v11;
	v16 =	vld [tilespmem:s4+$0xE0];
	v18 =	vpop (erf);
	v19 =	vmul.f32 $1.442695020e+00, v2  }
0x4a2: {  	v22 =	vadd.f32 $1.000000000e+00, v18;
	v18 =	vld [tilespmem:s0+$0x1A0];
	v20 =	vpop (erf);
	(erf) = vrcp.f32 v21;
	v1 =	vadd.f32 v4, v1  }
0x4a3: {  	v3 =	vsub.f32 $0.0e+00, v3;
	v4 =	vadd.f32 $1.000000000e+00, v20;
	(erf) = vrcp.f32 v11;
	v11 =	vld [tilespmem:s21+$0xFFFFFEF0];
	v12 =	vpop (erf)  }
0x4a4: {  	(erf) = vrcp.f32 v22;
	v2 =	vpop (erf);
	v20 =	vld [tilespmem:s21+$0xFFFFFF70];
	v23 =	vsub.f32 $0.0e+00, v1;
	v6 =	vadd.f32 v17, v6  }
0x4a5: {  	v21 =	vmul.f32 $1.442695020e+00, v3;
	v2 =	vadd.f32 $1.000000000e+00, v2;
	(erf) = vrcp.f32 v4;
	v17 =	vpop (erf);
	v4 =	vld [tilespmem:s21+$0xFFFFFFF0]  }
0x4a6: {  	v24 =	vmul.f32 v17, v14;
	v3 =	vld [tilespmem:s21+$0x70];
	v17 =	vmul.f32 $1.442695020e+00, v23;
	v6 =	vsub.f32 $0.0e+00, v6;
	v22 =	vpop (erf)  }
0x4a7: {  	v12 =	vmul.f32 v12, v13;
	v16 =	vadd.f32 v18, v16;
	v1 =	vpop (erf);
	(erf) = vrcp.f32 v2;
	v2 =	vld [tilespmem:s21+$0xF0]  }
0x4a8: {  	[tilespmem:s14+$0xFFFFFF50] =	vst v24;
	v13 =	vmul.f32 v1, v15;
	v1 =	vld [tilespmem:s21+$0x170];
	v6 =	vmul.f32 $1.442695020e+00, v6;
	v14 =	vpop (erf);
	s21 =	smov.u32 s0  }
0x4a9: {  	v11 =	vmul.f32 v22, v11;
	v15 =	vld [tilespmem:s4+$0xFFFFFF60];
	v16 =	vsub.f32 $0.0e+00, v16;
	[tilespmem:s2+$0xFFFFFF30] =	vst v12;
	(erf) = vpow2.f32 v19  }
0x4aa: {  	v19 =	vmul.f32 v14, v20;
	v12 =	vld [tilespmem:s0+$0xFFFFFEA0];
	[tilespmem:s14+$0xFFFFFF90] =	vst v13;
	(erf) = vpow2.f32 v21  }
0x4ab: {  	v14 =	vld [tilespmem:s4+$0xFFFFFFA0];
	v16 =	vmul.f32 $1.442695020e+00, v16;
	v18 =	vpop (erf);
	[tilespmem:s2+$0xFFFFFF70] =	vst v11;
	(erf) = vpow2.f32 v17  }
0x4ac: {  	v11 =	vld [tilespmem:s0+$0xFFFFFF20];
	v17 =	vmul.f32 v18, v5;
	v5 =	vpop (erf);
	[tilespmem:s2+$0xFFFFFFB0] =	vst v19;
	(erf) = vpow2.f32 v6  }
0x4ad: {  	v6 =	vld [tilespmem:s0+$0xFFFFFEE0];
	v10 =	vmul.f32 v5, v10;
	v13 =	vpop (erf);
	(erf) = vpow2.f32 v16  }
0x4ae: {  	v5 =	vld [tilespmem:s0+$0xFFFFFF60];
	[tilespmem:s14+$0xFFFFFFD0] =	vst v17;
	v16 =	vmul.f32 v13, v9;
	v13 =	vpop (erf)  }
0x4af: {  	v7 =	vmul.f32 v13, v7;
	v12 =	vadd.f32 v12, v15;
	v13 =	vld [tilespmem:s4+$0xFFFFFFE0];
	[tilespmem:s14+$0x10] =	vst v10  }
0x4b0: {  	v15 =	vld [tilespmem:s0+$0xFFFFFFA0];
	[tilespmem:s14+$0x50] =	vst v16;
	v9 =	vpop (erf)  }
0x4b1: {  	[tilespmem:s14+$0xFFFFFF10] =	vst v7;
	v10 =	vsub.f32 $0.0e+00, v12;
	v11 =	vadd.f32 v11, v14;
	v7 =	vld [tilespmem:s4+$0x20];
	v16 =	vmul.f32 v9, v8  }
.Ltmp7:
0x4b2: {  	v8 =	vld [tilespmem:s4+$0xFFFFFF20];
	v14 =	vpop (erf);
	(pc) =	sbr.rel @p1 .LBB2_11-.Ltmp7, $4  }
0x4b3: {  	v9 =	vld [tilespmem:s0+$0xFFFFFE20];
	v21 =	vmul.f32 $1.442695020e+00, v10;
	v11 =	vsub.f32 $0.0e+00, v11;
	[tilespmem:s14+$0x90] =	vst v16;
	v19 =	vadd.f32 $1.000000000e+00, v14;
	v12 =	vpop (erf)  }
0x4b4: {  	v10 =	vld [tilespmem:s0+$0x20];
	v14 =	vadd.f32 $1.000000000e+00, v12;
	v12 =	vpop (erf)  }
0x4b5: {  	v16 =	vmul.f32 $1.442695020e+00, v11;
	v17 =	vadd.f32 v15, v13;
	v11 =	vld [tilespmem:s4+$0x60];
	(erf) = vpow2.f32 v21;
	v20 =	vpop (erf)  }
0x4b6: {  	s4 =	sadd.s32 $0x200, s4;
	v15 =	vadd.f32 $1.000000000e+00, v12;
	v13 =	vld [tilespmem:s0+$0xA0];
	v18 =	vpop (erf);
	v12 =	vadd.f32 $1.000000000e+00, v20;
	(erf) = vrcp.f32 v19  }
0x4b7: {  	v18 =	vadd.f32 $1.000000000e+00, v18;
	(erf) = vpow2.f32 v16  }
0x4b8: {  	(erf) = vrcp.f32 v14  }
0x4b9: {  	v8 =	vadd.f32 v9, v8;
	(erf) = vrcp.f32 v18  }
0x4ba: {  	v30 =	vsub.f32 $0.0e+00, v17  }
0x4bb: {  	v7 =	vadd.f32 v10, v7;
	v8 =	vsub.f32 $0.0e+00, v8;
	_ =	sdelay $0x1  }
0x4bc: {  	v31 =	vmul.f32 $1.442695020e+00, v30;
	v8 =	vmul.f32 $1.442695020e+00, v8  }
0x4bd: {  	v33 =	vld [tilespmem:s21+$0x1E0];
	(erf) = vrcp.f32 v15;
	v34 =	vpop (erf)  }
0x4be: {  	(erf) = vpow2.f32 v31;
	v35 =	vsub.f32 $0.0e+00, v7;
	v7 =	vpop (erf)  }
0x4bf: {  	v32 =	vadd.f32 v13, v11;
	(erf) = vrcp.f32 v12;
	v36 =	vpop (erf)  }
0x4c0: {  	(erf) = vpow2.f32 v8;
	v8 =	vpop (erf)  }
0x4c1: {  	v10 =	vsub.f32 $0.0e+00, v32;
	v13 =	vmul.f32 $1.442695020e+00, v35;
	v37 =	vpop (erf)  }
0x4c2: {  	v9 =	vmul.f32 v37, v33  }
0x4c3: {  	v10 =	vmul.f32 $1.442695020e+00, v10;
	(erf) = vpow2.f32 v13  }
0x4c4: {  	v11 =	vadd.f32 $1.000000000e+00, v34  }
0x4c5: {  	(erf) = vpow2.f32 v10;
	[tilespmem:s14+$0xE0] =	vst v9  }
0x4c6: {  	(erf) = vrcp.f32 v11;
	v38 =	vld [tilespmem:s13+$0xF0];
	v9 =	vpop (erf)  }
0x4c7: {  	v40 =	vld [tilespmem:s21+$0x1B0];
	v39 =	vpop (erf)  }
0x4c8: {  	v41 =	vld [tilespmem:s13+$0xA0];
	v12 =	vadd.f32 $1.000000000e+00, v36;
	v10 =	vpop (erf)  }
0x4c9: {  	v43 =	vld [tilespmem:s21+$0x120];
	v13 =	vadd.f32 $1.000000000e+00, v39;
	v42 =	vpop (erf)  }
0x4ca: {  	(erf) = vrcp.f32 v12;
	v44 =	vadd.f32 $1.000000000e+00, v42  }
0x4cb: {  	(erf) = vrcp.f32 v13  }
0x4cc: {  	v45 =	vpop (erf);
	v11 =	vadd.f32 v40, v38;
	(erf) = vrcp.f32 v44  }
0x4cd: {  	v46 =	vadd.f32 $1.000000000e+00, v45  }
0x4ce: {  	v48 =	vadd.f32 v43, v41;
	v47 =	vpop (erf);
	v11 =	vsub.f32 $0.0e+00, v11  }
0x4cf: {  	v49 =	vpop (erf);
	v13 =	vadd.f32 $1.000000000e+00, v47;
	(erf) = vrcp.f32 v46  }
0x4d0: {  	v50 =	vsub.f32 $0.0e+00, v48;
	v6 =	vmul.f32 v49, v6;
	v11 =	vmul.f32 $1.442695020e+00, v11  }
0x4d1: {  	v51 =	vld [tilespmem:s21+$0xFFFFFE60];
	(erf) = vrcp.f32 v13  }
0x4d2: {  	v52 =	vmul.f32 $1.442695020e+00, v50;
	[tilespmem:s14+$0xFFFFFF60] =	vst v6;
	(erf) = vpow2.f32 v11  }
0x4d3: {  	v54 =	vld [tilespmem:s13+$0xFFFFFF70];
	v53 =	vpop (erf)  }
0x4d4: {  	v56 =	vld [tilespmem:s21+$0xFFFFFEB0];
	v55 =	vpop (erf);
	(erf) = vpow2.f32 v52  }
0x4d5: {  	v57 =	vpop (erf)  }
0x4d6: {  	v6 =	vmul.f32 v57, v51;
	_ =	sdelay $0x1  }
0x4d7: {  	v5 =	vmul.f32 v53, v5;
	[tilespmem:s14+$0xFFFFFF20] =	vst v6  }
0x4d8: {  	v12 =	vadd.f32 v56, v54;
	v58 =	vpop (erf);
	v59 =	vld [tilespmem:s13+$0xFFFFFF30]  }
0x4d9: {  	[tilespmem:s14+$0xFFFFFFA0] =	vst v5;
	v60 =	vpop (erf);
	v61 =	vld [tilespmem:s21+$0xFFFFFE30]  }
0x4da: {  	v63 =	vld [tilespmem:s13+$0xFFFFFFB0];
	v12 =	vsub.f32 $0.0e+00, v12;
	v62 =	vpop (erf)  }
0x4db: {  	v21 =	vld [tilespmem:s21+$0xFFFFFF30];
	v15 =	vadd.f32 $1.000000000e+00, v62  }
0x4dc: {  	v12 =	vmul.f32 $1.442695020e+00, v12;
	v22 =	vpop (erf)  }
0x4dd: {  	(erf) = vrcp.f32 v15;
	v23 =	vadd.f32 $1.000000000e+00, v22  }
0x4de: {  	v24 =	vld [tilespmem:s21+$0xFFFFFFE0];
	(erf) = vpow2.f32 v12;
	v11 =	vadd.f32 v61, v59  }
0x4df: {  	(erf) = vrcp.f32 v23  }
0x4e0: {  	v25 =	vld [tilespmem:s21+$0x60];
	v26 =	vadd.f32 v21, v63;
	v11 =	vsub.f32 $0.0e+00, v11;
	_ =	sdelay $0x1  }
0x4e1: {  	v27 =	vld [tilespmem:s21+$0xE0];
	v13 =	vsub.f32 $0.0e+00, v26;
	v11 =	vmul.f32 $1.442695020e+00, v11  }
0x4e2: {  	v14 =	vmul.f32 v55, v24  }
0x4e3: {  	v28 =	vld [tilespmem:s21+$0x160];
	v13 =	vmul.f32 $1.442695020e+00, v13;
	(erf) = vpow2.f32 v11  }
0x4e4: {  	[tilespmem:s14+$0xFFFFFFE0] =	vst v14;
	v6 =	vmul.f32 v58, v25  }
0x4e5: {  	v29 =	vld [tilespmem:s13+$0xFFFFFFF0];
	v30 =	vpop (erf);
	(erf) = vpow2.f32 v13  }
0x4e6: {  	v32 =	vld [tilespmem:s21+$0xFFFFFFB0];
	v5 =	vmul.f32 v60, v27;
	[tilespmem:s14+$0x20] =	vst v6;
	v31 =	vpop (erf)  }
0x4e7: {  	v34 =	vld [tilespmem:s13+$0x30];
	v33 =	vpop (erf)  }
0x4e8: {  	[tilespmem:s14+$0x60] =	vst v5;
	v36 =	vld [tilespmem:s21+$0x30];
	v35 =	vmul.f32 v33, v28  }
0x4e9: {  	v37 =	vld [tilespmem:s13+$0x70]  }
0x4ea: {  	v38 =	vld [tilespmem:s21+$0xB0];
	[tilespmem:s14+$0xA0] =	vst v35  }
0x4eb: {  	v39 =	vld [tilespmem:s13+$0xB0]  }
0x4ec: {  	v11 =	vadd.f32 v32, v29;
	v40 =	vld [tilespmem:s21+$0x130];
	v41 =	vpop (erf)  }
0x4ed: {  	v13 =	vadd.f32 $1.000000000e+00, v41  }
0x4ee: {  	v11 =	vsub.f32 $0.0e+00, v11;
	v6 =	vadd.f32 $1.000000000e+00, v31;
	v42 =	vpop (erf)  }
0x4ef: {  	v14 =	vadd.f32 v36, v34;
	v15 =	vadd.f32 $1.000000000e+00, v42;
	(erf) = vrcp.f32 v13  }
0x4f0: {  	v5 =	vadd.f32 v38, v37;
	v45 =	vmul.f32 $1.442695020e+00, v11;
	(erf) = vrcp.f32 v6  }
0x4f1: {  	v43 =	vsub.f32 $0.0e+00, v14;
	v44 =	vadd.f32 v40, v39;
	(erf) = vrcp.f32 v15  }
0x4f2: {  	v5 =	vsub.f32 $0.0e+00, v5;
	(erf) = vpow2.f32 v45  }
0x4f3: {  	v46 =	vmul.f32 $1.442695020e+00, v43;
	v47 =	vsub.f32 $0.0e+00, v44  }
0x4f4: {  	v5 =	vmul.f32 $1.442695020e+00, v5  }
0x4f5: {  	(erf) = vpow2.f32 v46;
	v48 =	vmul.f32 $1.442695020e+00, v47  }
0x4f6: {  	(erf) = vpow2.f32 v5  }
0x4f7: {  	(erf) = vpow2.f32 v48  }
0x4f8: {  	v49 =	vpop (erf)  }
0x4f9: {  	v50 =	vpop (erf)  }
0x4fa: {  	v51 =	vpop (erf)  }
0x4fb: {  	v52 =	vpop (erf)  }
0x4fc: {  	v13 =	vadd.f32 $1.000000000e+00, v52;
	_ =	sdelay $0x1  }
0x4fd: {  	v53 =	vpop (erf);
	(erf) = vrcp.f32 v13  }
0x4fe: {  	v3 =	vmul.f32 v8, v3;
	v56 =	vld [tilespmem:s21+$0x1F0];
	v14 =	vadd.f32 $1.000000000e+00, v53;
	v54 =	vpop (erf)  }
0x4ff: {  	v57 =	vld [tilespmem:s21+$0xFFFFFE70];
	v15 =	vadd.f32 $1.000000000e+00, v54;
	v55 =	vpop (erf)  }
0x500: {  	[tilespmem:s2+$0x30] =	vst v3;
	v3 =	vld [tilespmem:s21+$0xFFFFFFF0];
	(erf) = vrcp.f32 v14;
	v16 =	vadd.f32 $1.000000000e+00, v55  }
0x501: {  	v59 =	vld [tilespmem:s21+$0xFFFFFF70];
	(erf) = vrcp.f32 v15  }
0x502: {  	v1 =	vmul.f32 v10, v1;
	v58 =	vld [tilespmem:s21+$0xFFFFFEF0];
	(erf) = vrcp.f32 v16  }
0x503: {  	v2 =	vmul.f32 v9, v2  }
0x504: {  	[tilespmem:s2+$0xB0] =	vst v1;
	v1 =	vmul.f32 v49, v57  }
0x505: {  	[tilespmem:s2+$0x70] =	vst v2;
	v60 =	vld [tilespmem:s21+$0x70];
	v2 =	vmul.f32 v30, v56  }
0x506: {  	v4 =	vmul.f32 v7, v4;
	v61 =	vld [tilespmem:s21+$0xF0];
	[tilespmem:s14+$0xFFFFFF30] =	vst v1;
	v1 =	vmul.f32 v51, v59;
	v62 =	vpop (erf)  }
0x507: {  	[tilespmem:s14+$0xF0] =	vst v2;
	v2 =	vld [tilespmem:s21+$0x170];
	v6 =	vmul.f32 v50, v58;
	v3 =	vmul.f32 v62, v3  }
0x508: {  	[tilespmem:s2+$0xFFFFFFF0] =	vst v4  }
0x509: {  	[tilespmem:s14+$0xFFFFFF70] =	vst v6;
	v63 =	vpop (erf)  }
0x50a: {  	[tilespmem:s14+$0xFFFFFFB0] =	vst v1;
	v1 =	vpop (erf);
	v4 =	vmul.f32 v63, v60  }
0x50b: {  	[tilespmem:s14+$0xFFFFFFF0] =	vst v3;
	v1 =	vmul.f32 v1, v61;
	v3 =	vpop (erf)  }
0x50c: {  	[tilespmem:s14+$0x30] =	vst v4;
	v2 =	vmul.f32 v3, v2  }
0x50d: {  	[tilespmem:s14+$0x70] =	vst v1  }
.Ltmp8:
0x50e: {  	[tilespmem:s14+$0xB0] =	vst v2;
	(pc) =	sbr.rel .LBB2_13-.Ltmp8, $4  }
0x50f: {  	[spmem:s3] =	stream.indirect.scatter.add.f32 [tilespmem:s26], [sflag:$0x3], $0x40, s19, s20, $0xb8;
	[tilespmem:$0x1EE00] =	vst v63  }
0x510: {  	_ =	swait.ge [sflag:s18], $0x2000  }
0x511: {  	[sflag:s18] =	ssyncset.done $0x0  }
0x512: {  	[sflag:s18] =	ssyncadd.s32 $0xFFFFE000  }
.LBB2_14:
0x513: {  	_ =	sfence.sel $0x180000  }
0x514: {  	[bflag:$0x0] =	sbarrier.arrive $0xFFFF  }
0x515: {  	_ =	strace $0x90000047  }
0x516: {  	s0 =	stileid.u32;
	[bflag:$0x2] =	sbarrier.arrive $0xFFFF  }
0x517: {  	p0 =	sne.s32 s0, $0x0;
	s0 =	rddreg [dreg:$0x4]  }
0x518: {  	s0 =	sadd.s32 @!p0 $0x100000, s0  }
0x519: {  	[sflag:s0] =	ssyncadd.tile.s32 @!p0 $0x1;
	_ =	shalt  }
.Lfunc_end2:
_tile_overlayer_lowered:
.L_overlay_start_2:
0x51a: {  	(tag) =	ssettag $0x2  }
0x51b: {  	s0 =	rddreg [dreg:$0x0];
	s2 =	stileid.u32  }
0x51c: {  	s1 =	rddreg [dreg:$0x1];
	p0 =	sne.s32 s2, $0x0  }
0x51d: {  	s3 =	rddreg [dreg:$0x2];
	[bflag:$0x3] =	sbarrier.arrive $0xFFFF;
	s2 =	simm.s32 @!p0 $0x1C03  }
0x51e: {  	[timem:s3], [sflag:s2] =	dma.local @!p0 [hbm:s0], s1  }
0x51f: {  	s0 =	simm.s32 @!p0 $0x3  }
0x520: {  	_ =	swait.ge @!p0 [sflag:s0], s1  }
0x521: {  	s1 =	ssub.s32 @!p0 $0x0, s1;
	[sflag:s0] =	ssyncset.done @!p0 $0x0  }
0x522: {  	[sflag:s0] =	ssyncadd.s32 @!p0 s1  }
0x523: {  	[bflag:$0x3] =	sbarrier.arrive $0xFFFF  }
0x524: {  	_ =	shalt  }

</sc_bundles>
